<compile_context>
chip_gen: v7x
topology: tpu7x:2x2x1
jax: 0.10.2.dev20260603
libtpu: 0.0.44.dev20260713+nightly
codegen_flags: <defaults>
</compile_context>

<pallas_src>
import functools

import jax
import jax.numpy as jnp
from jax import lax
from jax.experimental import pallas as pl
from jax.experimental.pallas import tpu as pltpu
from jax.experimental.pallas import tpu_sc as plsc

N = 10000
D = 128
E = 320000
NC = 2
NS = 16
NW = NC * NS
G = 128
CH = 80
CH0 = 128
CH1 = 32
CHB = 16
EROWS = NW * CH
E_PAD = EROWS * G
NR = 10240
RPT = NR // NS
BR = 1000


def _worker_id():
    return lax.axis_index("s") * NC + lax.axis_index("c")


@functools.lru_cache(maxsize=None)
def _sc_degree():
    mesh = plsc.VectorSubcoreMesh(
        core_axis_name="c", subcore_axis_name="s", num_cores=NC, num_subcores=NS
    )

    def body(dst_hbm, zeros_hbm, ones_hbm, out_hbm, dst_v, ones_v, acc_sh, sem):
        c = lax.axis_index("c")
        s = lax.axis_index("s")
        wid = _worker_id()
        pltpu.sync_copy(ones_hbm, ones_v)
        pltpu.sync_copy(zeros_hbm, acc_sh.at[pl.ds(s * RPT, RPT)])
        plsc.subcore_barrier()

        pltpu.sync_copy(dst_hbm.at[pl.ds(wid * CH, CH)], dst_v)

        def addgrp(g, carry):
            pltpu.sync_copy(ones_v, acc_sh.at[dst_v.at[g]], add=True)
            return carry

        lax.fori_loop(0, CH, addgrp, 0)
        plsc.subcore_barrier()
        pltpu.sync_copy(
            acc_sh.at[pl.ds(s * RPT, RPT)], out_hbm.at[c, pl.ds(s * RPT, RPT)]
        )

    return pl.kernel(
        body,
        out_type=jax.ShapeDtypeStruct((NC, NR, D), jnp.float32),
        mesh=mesh,
        scratch_types=[
            pltpu.VMEM((CH, G), jnp.int32),
            pltpu.VMEM((G, D), jnp.float32),
            pltpu.VMEM_SHARED((NR, D), jnp.float32),
            pltpu.SemaphoreType.DMA,
        ],
    )


@functools.lru_cache(maxsize=None)
def _sc_agg():
    mesh = plsc.VectorSubcoreMesh(
        core_axis_name="c", subcore_axis_name="s", num_cores=NC, num_subcores=NS
    )

    def body(h_hbm, src_hbm, dst_hbm, zeros_hbm, out_hbm, src_v, dst_v, rows_a,
             rows_b, acc_sh, sem_ga, sem_gb):
        c = lax.axis_index("c")
        s = lax.axis_index("s")
        pltpu.sync_copy(zeros_hbm, acc_sh.at[pl.ds(s * RPT, RPT)])
        plsc.subcore_barrier()

        bufs = (rows_a, rows_b)
        gsems = (sem_ga, sem_gb)

        def run_blocks(gbase, nblk):
            def blk(t, carry):
                pltpu.sync_copy(src_hbm.at[pl.ds(gbase + t * CHB, CHB)], src_v)
                pltpu.sync_copy(dst_hbm.at[pl.ds(gbase + t * CHB, CHB)], dst_v)
                gh = [None, None]
                for g in range(CHB):
                    b = g % 2
                    gh[b] = pltpu.async_copy(
                        h_hbm.at[src_v.at[g]], bufs[b], gsems[b]
                    )
                    if g >= 1:
                        b1 = (g - 1) % 2
                        gh[b1].wait()
                        pltpu.sync_copy(
                            bufs[b1], acc_sh.at[dst_v.at[g - 1]], add=True
                        )
                blast = (CHB - 1) % 2
                gh[blast].wait()
                pltpu.sync_copy(bufs[blast], acc_sh.at[dst_v.at[CHB - 1]], add=True)
                return carry

            lax.fori_loop(0, nblk, blk, 0)

        @pl.when(c == 0)
        def _():
            run_blocks(s * CH0, CH0 // CHB)

        @pl.when(c == 1)
        def _():
            run_blocks(NS * CH0 + s * CH1, CH1 // CHB)

        plsc.subcore_barrier()
        pltpu.sync_copy(
            acc_sh.at[pl.ds(s * RPT, RPT)], out_hbm.at[c, pl.ds(s * RPT, RPT)]
        )

    return pl.kernel(
        body,
        out_type=jax.ShapeDtypeStruct((NC, NR, D), jnp.float32),
        mesh=mesh,
        scratch_types=[
            pltpu.VMEM((CHB, G), jnp.int32),
            pltpu.VMEM((CHB, G), jnp.int32),
            pltpu.VMEM((G, D), jnp.float32),
            pltpu.VMEM((G, D), jnp.float32),
            pltpu.VMEM_SHARED((NR, D), jnp.float32),
            pltpu.SemaphoreType.DMA,
            pltpu.SemaphoreType.DMA,
        ],
    )


def _dinv(d0_ref, d1_ref):
    deg = d0_ref[:, 0:1] + d1_ref[:, 0:1] + jnp.float32(1.0)
    return lax.rsqrt(deg)


def _tc_in_body(x_ref, w_ref, d0_ref, d1_ref, o_ref):
    h = jnp.dot(x_ref[...], w_ref[...], preferred_element_type=jnp.float32)
    o_ref[...] = h * _dinv(d0_ref, d1_ref)


def _tc_mid_body(h_ref, p0_ref, p1_ref, d0_ref, d1_ref, w_ref, b_ref, o_ref):
    dinv = _dinv(d0_ref, d1_ref)
    a = (h_ref[...] + p0_ref[...] + p1_ref[...]) * dinv + b_ref[...]
    r = jnp.maximum(a, jnp.float32(0.0))
    o_ref[...] = jnp.dot(r, w_ref[...], preferred_element_type=jnp.float32) * dinv


def _tc_out_body(h_ref, p0_ref, p1_ref, d0_ref, d1_ref, b_ref, o_ref):
    dinv = _dinv(d0_ref, d1_ref)
    o_ref[...] = (h_ref[...] + p0_ref[...] + p1_ref[...]) * dinv + b_ref[...]


_ROWS = pl.BlockSpec((BR, D), lambda i: (i, 0))
_DEGB = pl.BlockSpec((BR, D), lambda i: (i, 0))
_WFULL = pl.BlockSpec((D, D), lambda i: (0, 0))
_BFULL = pl.BlockSpec((1, D), lambda i: (0, 0))
_OUT = jax.ShapeDtypeStruct((N, D), jnp.float32)


def _tc_in(x, w1, d0, d1):
    return pl.pallas_call(
        _tc_in_body,
        grid=(N // BR,),
        in_specs=[_ROWS, _WFULL, _DEGB, _DEGB],
        out_specs=_ROWS,
        out_shape=_OUT,
    )(x, w1, d0, d1)


def _tc_mid(h, p0, p1, d0, d1, w2, b1):
    return pl.pallas_call(
        _tc_mid_body,
        grid=(N // BR,),
        in_specs=[_ROWS, _ROWS, _ROWS, _DEGB, _DEGB, _WFULL, _BFULL],
        out_specs=_ROWS,
        out_shape=_OUT,
    )(h, p0, p1, d0, d1, w2, b1)


def _tc_out(h, p0, p1, d0, d1, b2):
    return pl.pallas_call(
        _tc_out_body,
        grid=(N // BR,),
        in_specs=[_ROWS, _ROWS, _ROWS, _DEGB, _DEGB, _BFULL],
        out_specs=_ROWS,
        out_shape=_OUT,
    )(h, p0, p1, d0, d1, b2)


def kernel(x, edge_index, W1, b1, W2, b2):
    src = edge_index[0].astype(jnp.int32)
    dst = edge_index[1].astype(jnp.int32)
    pad = E_PAD - E
    src_p = jnp.concatenate([src, jnp.zeros((pad,), jnp.int32)]).reshape(EROWS, G)
    dst_p = jnp.concatenate([dst, jnp.full((pad,), N, jnp.int32)]).reshape(EROWS, G)
    onesw = jnp.zeros((G, D), jnp.float32).at[:, 0].set(1.0)
    zrows = jnp.zeros((RPT, D), jnp.float32)

    deg = _sc_degree()(dst_p, zrows, onesw)
    d0 = deg[0, :N]
    d1 = deg[1, :N]

    h1 = _tc_in(x, W1, d0, d1)
    a1 = _sc_agg()(h1, src_p, dst_p, zrows)
    h2 = _tc_mid(h1, a1[0, :N], a1[1, :N], d0, d1, W2, b1.reshape(1, D))
    a2 = _sc_agg()(h2, src_p, dst_p, zrows)
    return _tc_out(h2, a2[0, :N], a2[1, :N], d0, d1, b2.reshape(1, D))

# --- scband reference (transcript-rebuilt; emitter-appended) ---
"""Pipeline reference for scband-graph-encoder-14388140442144 (READ-ONLY COPY).

The authoritative reference and input builder live on the scoring server;
editing this copy changes nothing except your own understanding.
"""

import jax, jax.numpy as jnp
import numpy as np

N_NODES = 10000
IN_DIM = 128
HID_DIM = 128
N_EDGES = 320000


def _gcn_conv(x, src, dst, W, b, num_nodes):
    # PyG GCNConv with add_self_loops=True, normalize=True, bias=True
    loop = jnp.arange(num_nodes, dtype=src.dtype)
    src = jnp.concatenate([src, loop])
    dst = jnp.concatenate([dst, loop])
    x = x @ W
    ones = jnp.ones(src.shape[0], dtype=x.dtype)
    deg = jnp.zeros(num_nodes, dtype=x.dtype).at[dst].add(ones)
    deg_inv_sqrt = jnp.where(deg > 0, deg ** -0.5, 0.0)
    norm = deg_inv_sqrt[src] * deg_inv_sqrt[dst]
    msg = x[src] * norm[:, None]
    out = jnp.zeros((num_nodes, W.shape[1]), dtype=x.dtype).at[dst].add(msg)
    return out + b


def setup_inputs(seed: int = 0) -> dict:
    key = jax.random.key(seed)
    k_x, k_e, k_w1, k_w2 = jax.random.split(key, 4)
    x = jax.random.normal(k_x, (N_NODES, IN_DIM), dtype=jnp.float32)
    edge_index = jax.random.randint(k_e, (2, N_EDGES), 0, N_NODES, dtype=jnp.int64 if jax.config.jax_enable_x64 else jnp.int32)
    s1 = (6.0 / (IN_DIM + HID_DIM)) ** 0.5
    s2 = (6.0 / (HID_DIM + HID_DIM)) ** 0.5
    W1 = jax.random.uniform(k_w1, (IN_DIM, HID_DIM), minval=-s1, maxval=s1, dtype=jnp.float32)
    b1 = jnp.zeros((HID_DIM,), dtype=jnp.float32)
    W2 = jax.random.uniform(k_w2, (HID_DIM, HID_DIM), minval=-s2, maxval=s2, dtype=jnp.float32)
    b2 = jnp.zeros((HID_DIM,), dtype=jnp.float32)
    return {"x": x, "edge_index": edge_index, "W1": W1, "b1": b1, "W2": W2, "b2": b2}


def reference(x, edge_index, W1, b1, W2, b2):
    num_nodes = x.shape[0]
    src, dst = edge_index[0], edge_index[1]
    h = _gcn_conv(x, src, dst, W1, b1, num_nodes)
    h = jax.nn.relu(h)
    h = _gcn_conv(h, src, dst, W2, b2, num_nodes)
    return h

if __name__ == "__main__":
    import jax
    _d = setup_inputs()
    print(jax.jit(kernel)(*tuple(_d.values())))

</pallas_src>

<mosaic_0001>
#map = affine_map<(d0, d1) -> (0, 0)>
#map1 = affine_map<(d0, d1) -> (0, 0, 0)>
module attributes {stable_mosaic.version = 14 : i64} {
  func.func @body(%arg0: i32, %arg1: i32, %arg2: memref<10000x128xf32, #tpu.memory_space<hbm>>, %arg3: memref<2560x128xi32, #tpu.memory_space<hbm>>, %arg4: memref<2560x128xi32, #tpu.memory_space<hbm>>, %arg5: memref<640x128xf32, #tpu.memory_space<hbm>>, %arg6: memref<2x10240x128xf32, #tpu.memory_space<hbm>>, %arg7: memref<16x128xi32, #tpu.memory_space<vmem>>, %arg8: memref<16x128xi32, #tpu.memory_space<vmem>>, %arg9: memref<128x128xf32, #tpu.memory_space<vmem>>, %arg10: memref<128x128xf32, #tpu.memory_space<vmem>>, %arg11: memref<10240x128xf32, #tpu.memory_space<vmem_shared>>, %arg12: memref<!tpu.dma_semaphore, #tpu.memory_space<semaphore_mem>>, %arg13: memref<!tpu.dma_semaphore, #tpu.memory_space<semaphore_mem>>) attributes {dimension_semantics = [#tpu.dimension_semantics<core_parallel>, #tpu.dimension_semantics<subcore_parallel>], iteration_bounds = array<i64: 2, 16>, scalar_prefetch = 0 : i64, scratch_operands = 7 : i64, tpu.core_type = #tpu.core_type<sc_vector_subcore>, window_params = [{transform_indices = #map}, {transform_indices = #map}, {transform_indices = #map}, {transform_indices = #map}, {transform_indices = #map1}]} {
    %mul3A = arith.constant 640 : i32
    %mul3A_0 = arith.muli %arg1, %mul3A : i32
    "tpu.region"() ({
      %run_scoped3A = tpu.sem_alloc : memref<!tpu.dma_semaphore, #tpu.memory_space<semaphore_mem>>
      %dma_start3A = arith.constant 0 : i32
      %dma_start3A_13 = tpu.memref_slice %arg11[%mul3A_0, %dma_start3A] : memref<10240x128xf32, #tpu.memory_space<vmem_shared>> -> memref<640x128xf32, #tpu.memory_space<vmem_shared>>
      tpu.enqueue_dma source(%arg5 : memref<640x128xf32, #tpu.memory_space<hbm>>) target(%dma_start3A_13 : memref<640x128xf32, #tpu.memory_space<vmem_shared>>) target_semaphore(%run_scoped3A : memref<!tpu.dma_semaphore, #tpu.memory_space<semaphore_mem>>)
      %dma_wait3A = arith.constant 0 : i32
      %dma_wait3A_14 = tpu.memref_slice %arg11[%mul3A_0, %dma_wait3A] : memref<10240x128xf32, #tpu.memory_space<vmem_shared>> -> memref<640x128xf32, #tpu.memory_space<vmem_shared>>
      tpu.wait_dma2 semaphore(%run_scoped3A : memref<!tpu.dma_semaphore, #tpu.memory_space<semaphore_mem>>) src(%arg5 : memref<640x128xf32, #tpu.memory_space<hbm>>) dst(%dma_wait3A_14 : memref<640x128xf32, #tpu.memory_space<vmem_shared>>)
      tpu.yield
    }) : () -> ()
    %barrier3A = arith.constant 0 : index
    tpu.barrier barrier_id(%barrier3A)
    %eq3A = arith.constant 0 : i32
    %eq3A_1 = arith.cmpi eq, %arg0, %eq3A : i32
    %convert_element_type3A = arith.extui %eq3A_1 : i1 to i32
    %cond3A = arith.constant 0 : i32
    %cond3A_2 = arith.cmpi ne, %convert_element_type3A, %cond3A : i32
    scf.if %cond3A_2 {
      %mul3A_13 = arith.constant 128 : i32
      %mul3A_14 = arith.muli %arg1, %mul3A_13 : i32
      %scan3A = arith.constant 0 : i32
      %scan3A_15 = arith.constant 0 : i32
      %scan3A_16 = arith.constant 8 : i32
      %scan3A_17 = arith.addi %scan3A_15, %scan3A_16 : i32
      %scan3A_18 = arith.constant 1 : i32
      scf.for %scan3A_20 = %scan3A_15 to %scan3A_17 step %scan3A_18  : i32 {
        %mul3A_21 = arith.constant 16 : i32
        %mul3A_22 = arith.muli %scan3A_20, %mul3A_21 : i32
        %add3A = arith.addi %mul3A_14, %mul3A_22 : i32
        "tpu.region"() ({
          %run_scoped3A_263 = tpu.sem_alloc : memref<!tpu.dma_semaphore, #tpu.memory_space<semaphore_mem>>
          %dma_start3A_264 = arith.constant 0 : i32
          %dma_start3A_265 = tpu.memref_slice %arg3[%add3A, %dma_start3A_264] : memref<2560x128xi32, #tpu.memory_space<hbm>> -> memref<16x128xi32, #tpu.memory_space<hbm>>
          %dma_start3A_266 = arith.constant 0 : i32
          %dma_start3A_267 = tpu.memref_slice %arg3[%add3A, %dma_start3A_266] : memref<2560x128xi32, #tpu.memory_space<hbm>> -> memref<16x128xi32, #tpu.memory_space<hbm>>
          tpu.enqueue_dma source(%dma_start3A_267 : memref<16x128xi32, #tpu.memory_space<hbm>>) target(%arg7 : memref<16x128xi32, #tpu.memory_space<vmem>>) target_semaphore(%run_scoped3A_263 : memref<!tpu.dma_semaphore, #tpu.memory_space<semaphore_mem>>)
          %dma_wait3A_268 = arith.constant 0 : i32
          %dma_wait3A_269 = tpu.memref_slice %arg3[%add3A, %dma_wait3A_268] : memref<2560x128xi32, #tpu.memory_space<hbm>> -> memref<16x128xi32, #tpu.memory_space<hbm>>
          %dma_wait3A_270 = arith.constant 0 : i32
          %dma_wait3A_271 = tpu.memref_slice %arg3[%add3A, %dma_wait3A_270] : memref<2560x128xi32, #tpu.memory_space<hbm>> -> memref<16x128xi32, #tpu.memory_space<hbm>>
          tpu.wait_dma2 semaphore(%run_scoped3A_263 : memref<!tpu.dma_semaphore, #tpu.memory_space<semaphore_mem>>) src(%dma_wait3A_271 : memref<16x128xi32, #tpu.memory_space<hbm>>) dst(%arg7 : memref<16x128xi32, #tpu.memory_space<vmem>>)
          tpu.yield
        }) : () -> ()
        %mul3A_23 = arith.constant 16 : i32
        %mul3A_24 = arith.muli %scan3A_20, %mul3A_23 : i32
        %add3A_25 = arith.addi %mul3A_14, %mul3A_24 : i32
        "tpu.region"() ({
          %run_scoped3A_263 = tpu.sem_alloc : memref<!tpu.dma_semaphore, #tpu.memory_space<semaphore_mem>>
          %dma_start3A_264 = arith.constant 0 : i32
          %dma_start3A_265 = tpu.memref_slice %arg4[%add3A_25, %dma_start3A_264] : memref<2560x128xi32, #tpu.memory_space<hbm>> -> memref<16x128xi32, #tpu.memory_space<hbm>>
          %dma_start3A_266 = arith.constant 0 : i32
          %dma_start3A_267 = tpu.memref_slice %arg4[%add3A_25, %dma_start3A_266] : memref<2560x128xi32, #tpu.memory_space<hbm>> -> memref<16x128xi32, #tpu.memory_space<hbm>>
          tpu.enqueue_dma source(%dma_start3A_267 : memref<16x128xi32, #tpu.memory_space<hbm>>) target(%arg8 : memref<16x128xi32, #tpu.memory_space<vmem>>) target_semaphore(%run_scoped3A_263 : memref<!tpu.dma_semaphore, #tpu.memory_space<semaphore_mem>>)
          %dma_wait3A_268 = arith.constant 0 : i32
          %dma_wait3A_269 = tpu.memref_slice %arg4[%add3A_25, %dma_wait3A_268] : memref<2560x128xi32, #tpu.memory_space<hbm>> -> memref<16x128xi32, #tpu.memory_space<hbm>>
          %dma_wait3A_270 = arith.constant 0 : i32
          %dma_wait3A_271 = tpu.memref_slice %arg4[%add3A_25, %dma_wait3A_270] : memref<2560x128xi32, #tpu.memory_space<hbm>> -> memref<16x128xi32, #tpu.memory_space<hbm>>
          tpu.wait_dma2 semaphore(%run_scoped3A_263 : memref<!tpu.dma_semaphore, #tpu.memory_space<semaphore_mem>>) src(%dma_wait3A_271 : memref<16x128xi32, #tpu.memory_space<hbm>>) dst(%arg8 : memref<16x128xi32, #tpu.memory_space<vmem>>)
          tpu.yield
        }) : () -> ()
        %dma_start3A = arith.constant 0 : i32
        %dma_start3A_26 = arith.constant 0 : i32
        %dma_start3A_27 = tpu.memref_slice %arg7[%dma_start3A, %dma_start3A_26] : memref<16x128xi32, #tpu.memory_space<vmem>> -> memref<1x128xi32, #tpu.memory_space<vmem>>
        %dma_start3A_28 = tpu.memref_squeeze %dma_start3A_27 : memref<1x128xi32, #tpu.memory_space<vmem>> -> memref<128xi32, #tpu.memory_space<vmem>>
        %dma_start3A_29 = arith.constant 0 : i32
        %dma_start3A_30 = arith.constant 0 : i32
        %dma_start3A_31 = tpu.memref_slice %arg2[%dma_start3A_29, %dma_start3A_30] : memref<10000x128xf32, #tpu.memory_space<hbm>> -> memref<10000x128xf32, #tpu.memory_space<hbm>>
        tpu.enqueue_indirect_dma source(%dma_start3A_31 : memref<10000x128xf32, #tpu.memory_space<hbm>>) target(%arg9 : memref<128x128xf32, #tpu.memory_space<vmem>>) offsets(%dma_start3A_28 : memref<128xi32, #tpu.memory_space<vmem>>) semaphore(%arg12 : memref<!tpu.dma_semaphore, #tpu.memory_space<semaphore_mem>>)
        %dma_start3A_32 = arith.constant 1 : i32
        %dma_start3A_33 = arith.constant 0 : i32
        %dma_start3A_34 = tpu.memref_slice %arg7[%dma_start3A_32, %dma_start3A_33] : memref<16x128xi32, #tpu.memory_space<vmem>> -> memref<1x128xi32, #tpu.memory_space<vmem>>
        %dma_start3A_35 = tpu.memref_squeeze %dma_start3A_34 : memref<1x128xi32, #tpu.memory_space<vmem>> -> memref<128xi32, #tpu.memory_space<vmem>>
        %dma_start3A_36 = arith.constant 0 : i32
        %dma_start3A_37 = arith.constant 0 : i32
        %dma_start3A_38 = tpu.memref_slice %arg2[%dma_start3A_36, %dma_start3A_37] : memref<10000x128xf32, #tpu.memory_space<hbm>> -> memref<10000x128xf32, #tpu.memory_space<hbm>>
        tpu.enqueue_indirect_dma source(%dma_start3A_38 : memref<10000x128xf32, #tpu.memory_space<hbm>>) target(%arg10 : memref<128x128xf32, #tpu.memory_space<vmem>>) offsets(%dma_start3A_35 : memref<128xi32, #tpu.memory_space<vmem>>) semaphore(%arg13 : memref<!tpu.dma_semaphore, #tpu.memory_space<semaphore_mem>>)
        %dma_wait3A = arith.constant 0 : i32
        %dma_wait3A_39 = arith.constant 0 : i32
        %dma_wait3A_40 = tpu.memref_slice %arg7[%dma_wait3A, %dma_wait3A_39] : memref<16x128xi32, #tpu.memory_space<vmem>> -> memref<1x128xi32, #tpu.memory_space<vmem>>
        %dma_wait3A_41 = tpu.memref_squeeze %dma_wait3A_40 : memref<1x128xi32, #tpu.memory_space<vmem>> -> memref<128xi32, #tpu.memory_space<vmem>>
        %dma_wait3A_42 = arith.constant 0 : i32
        %dma_wait3A_43 = arith.constant 0 : i32
        %dma_wait3A_44 = tpu.memref_slice %arg2[%dma_wait3A_42, %dma_wait3A_43] : memref<10000x128xf32, #tpu.memory_space<hbm>> -> memref<10000x128xf32, #tpu.memory_space<hbm>>
        tpu.wait_indirect_dma semaphore(%arg12 : memref<!tpu.dma_semaphore, #tpu.memory_space<semaphore_mem>>) src(%dma_wait3A_44 : memref<10000x128xf32, #tpu.memory_space<hbm>>) dst(%arg9 : memref<128x128xf32, #tpu.memory_space<vmem>>)
        %run_scoped3A = arith.constant 0 : i32
        "tpu.region"() ({
          %run_scoped3A_263 = tpu.sem_alloc : memref<!tpu.dma_semaphore, #tpu.memory_space<semaphore_mem>>
          %dma_start3A_264 = arith.constant 0 : i32
          %dma_start3A_265 = tpu.memref_slice %arg8[%run_scoped3A, %dma_start3A_264] : memref<16x128xi32, #tpu.memory_space<vmem>> -> memref<1x128xi32, #tpu.memory_space<vmem>>
          %dma_start3A_266 = tpu.memref_squeeze %dma_start3A_265 : memref<1x128xi32, #tpu.memory_space<vmem>> -> memref<128xi32, #tpu.memory_space<vmem>>
          %dma_start3A_267 = arith.constant 0 : i32
          %dma_start3A_268 = arith.constant 0 : i32
          %dma_start3A_269 = tpu.memref_slice %arg11[%dma_start3A_267, %dma_start3A_268] : memref<10240x128xf32, #tpu.memory_space<vmem_shared>> -> memref<10240x128xf32, #tpu.memory_space<vmem_shared>>
          tpu.enqueue_indirect_dma source(%arg9 : memref<128x128xf32, #tpu.memory_space<vmem>>) target(%dma_start3A_269 : memref<10240x128xf32, #tpu.memory_space<vmem_shared>>) offsets(%dma_start3A_266 : memref<128xi32, #tpu.memory_space<vmem>>) semaphore(%run_scoped3A_263 : memref<!tpu.dma_semaphore, #tpu.memory_space<semaphore_mem>>) {add = true}
          %dma_wait3A_270 = arith.constant 0 : i32
          %dma_wait3A_271 = tpu.memref_slice %arg8[%run_scoped3A, %dma_wait3A_270] : memref<16x128xi32, #tpu.memory_space<vmem>> -> memref<1x128xi32, #tpu.memory_space<vmem>>
          %dma_wait3A_272 = tpu.memref_squeeze %dma_wait3A_271 : memref<1x128xi32, #tpu.memory_space<vmem>> -> memref<128xi32, #tpu.memory_space<vmem>>
          %dma_wait3A_273 = arith.constant 0 : i32
          %dma_wait3A_274 = arith.constant 0 : i32
          %dma_wait3A_275 = tpu.memref_slice %arg11[%dma_wait3A_273, %dma_wait3A_274] : memref<10240x128xf32, #tpu.memory_space<vmem_shared>> -> memref<10240x128xf32, #tpu.memory_space<vmem_shared>>
          tpu.wait_indirect_dma semaphore(%run_scoped3A_263 : memref<!tpu.dma_semaphore, #tpu.memory_space<semaphore_mem>>) src(%arg9 : memref<128x128xf32, #tpu.memory_space<vmem>>) dst(%dma_wait3A_275 : memref<10240x128xf32, #tpu.memory_space<vmem_shared>>)
          tpu.yield
        }) : () -> ()
        %dma_start3A_45 = arith.constant 2 : i32
        %dma_start3A_46 = arith.constant 0 : i32
        %dma_start3A_47 = tpu.memref_slice %arg7[%dma_start3A_45, %dma_start3A_46] : memref<16x128xi32, #tpu.memory_space<vmem>> -> memref<1x128xi32, #tpu.memory_space<vmem>>
        %dma_start3A_48 = tpu.memref_squeeze %dma_start3A_47 : memref<1x128xi32, #tpu.memory_space<vmem>> -> memref<128xi32, #tpu.memory_space<vmem>>
        %dma_start3A_49 = arith.constant 0 : i32
        %dma_start3A_50 = arith.constant 0 : i32
        %dma_start3A_51 = tpu.memref_slice %arg2[%dma_start3A_49, %dma_start3A_50] : memref<10000x128xf32, #tpu.memory_space<hbm>> -> memref<10000x128xf32, #tpu.memory_space<hbm>>
        tpu.enqueue_indirect_dma source(%dma_start3A_51 : memref<10000x128xf32, #tpu.memory_space<hbm>>) target(%arg9 : memref<128x128xf32, #tpu.memory_space<vmem>>) offsets(%dma_start3A_48 : memref<128xi32, #tpu.memory_space<vmem>>) semaphore(%arg12 : memref<!tpu.dma_semaphore, #tpu.memory_space<semaphore_mem>>)
        %dma_wait3A_52 = arith.constant 1 : i32
        %dma_wait3A_53 = arith.constant 0 : i32
        %dma_wait3A_54 = tpu.memref_slice %arg7[%dma_wait3A_52, %dma_wait3A_53] : memref<16x128xi32, #tpu.memory_space<vmem>> -> memref<1x128xi32, #tpu.memory_space<vmem>>
        %dma_wait3A_55 = tpu.memref_squeeze %dma_wait3A_54 : memref<1x128xi32, #tpu.memory_space<vmem>> -> memref<128xi32, #tpu.memory_space<vmem>>
        %dma_wait3A_56 = arith.constant 0 : i32
        %dma_wait3A_57 = arith.constant 0 : i32
        %dma_wait3A_58 = tpu.memref_slice %arg2[%dma_wait3A_56, %dma_wait3A_57] : memref<10000x128xf32, #tpu.memory_space<hbm>> -> memref<10000x128xf32, #tpu.memory_space<hbm>>
        tpu.wait_indirect_dma semaphore(%arg13 : memref<!tpu.dma_semaphore, #tpu.memory_space<semaphore_mem>>) src(%dma_wait3A_58 : memref<10000x128xf32, #tpu.memory_space<hbm>>) dst(%arg10 : memref<128x128xf32, #tpu.memory_space<vmem>>)
        %run_scoped3A_59 = arith.constant 1 : i32
        "tpu.region"() ({
          %run_scoped3A_263 = tpu.sem_alloc : memref<!tpu.dma_semaphore, #tpu.memory_space<semaphore_mem>>
          %dma_start3A_264 = arith.constant 0 : i32
          %dma_start3A_265 = tpu.memref_slice %arg8[%run_scoped3A_59, %dma_start3A_264] : memref<16x128xi32, #tpu.memory_space<vmem>> -> memref<1x128xi32, #tpu.memory_space<vmem>>
          %dma_start3A_266 = tpu.memref_squeeze %dma_start3A_265 : memref<1x128xi32, #tpu.memory_space<vmem>> -> memref<128xi32, #tpu.memory_space<vmem>>
          %dma_start3A_267 = arith.constant 0 : i32
          %dma_start3A_268 = arith.constant 0 : i32
          %dma_start3A_269 = tpu.memref_slice %arg11[%dma_start3A_267, %dma_start3A_268] : memref<10240x128xf32, #tpu.memory_space<vmem_shared>> -> memref<10240x128xf32, #tpu.memory_space<vmem_shared>>
          tpu.enqueue_indirect_dma source(%arg10 : memref<128x128xf32, #tpu.memory_space<vmem>>) target(%dma_start3A_269 : memref<10240x128xf32, #tpu.memory_space<vmem_shared>>) offsets(%dma_start3A_266 : memref<128xi32, #tpu.memory_space<vmem>>) semaphore(%run_scoped3A_263 : memref<!tpu.dma_semaphore, #tpu.memory_space<semaphore_mem>>) {add = true}
          %dma_wait3A_270 = arith.constant 0 : i32
          %dma_wait3A_271 = tpu.memref_slice %arg8[%run_scoped3A_59, %dma_wait3A_270] : memref<16x128xi32, #tpu.memory_space<vmem>> -> memref<1x128xi32, #tpu.memory_space<vmem>>
          %dma_wait3A_272 = tpu.memref_squeeze %dma_wait3A_271 : memref<1x128xi32, #tpu.memory_space<vmem>> -> memref<128xi32, #tpu.memory_space<vmem>>
          %dma_wait3A_273 = arith.constant 0 : i32
          %dma_wait3A_274 = arith.constant 0 : i32
          %dma_wait3A_275 = tpu.memref_slice %arg11[%dma_wait3A_273, %dma_wait3A_274] : memref<10240x128xf32, #tpu.memory_space<vmem_shared>> -> memref<10240x128xf32, #tpu.memory_space<vmem_shared>>
          tpu.wait_indirect_dma semaphore(%run_scoped3A_263 : memref<!tpu.dma_semaphore, #tpu.memory_space<semaphore_mem>>) src(%arg10 : memref<128x128xf32, #tpu.memory_space<vmem>>) dst(%dma_wait3A_275 : memref<10240x128xf32, #tpu.memory_space<vmem_shared>>)
          tpu.yield
        }) : () -> ()
        %dma_start3A_60 = arith.constant 3 : i32
        %dma_start3A_61 = arith.constant 0 : i32
        %dma_start3A_62 = tpu.memref_slice %arg7[%dma_start3A_60, %dma_start3A_61] : memref<16x128xi32, #tpu.memory_space<vmem>> -> memref<1x128xi32, #tpu.memory_space<vmem>>
        %dma_start3A_63 = tpu.memref_squeeze %dma_start3A_62 : memref<1x128xi32, #tpu.memory_space<vmem>> -> memref<128xi32, #tpu.memory_space<vmem>>
        %dma_start3A_64 = arith.constant 0 : i32
        %dma_start3A_65 = arith.constant 0 : i32
        %dma_start3A_66 = tpu.memref_slice %arg2[%dma_start3A_64, %dma_start3A_65] : memref<10000x128xf32, #tpu.memory_space<hbm>> -> memref<10000x128xf32, #tpu.memory_space<hbm>>
        tpu.enqueue_indirect_dma source(%dma_start3A_66 : memref<10000x128xf32, #tpu.memory_space<hbm>>) target(%arg10 : memref<128x128xf32, #tpu.memory_space<vmem>>) offsets(%dma_start3A_63 : memref<128xi32, #tpu.memory_space<vmem>>) semaphore(%arg13 : memref<!tpu.dma_semaphore, #tpu.memory_space<semaphore_mem>>)
        %dma_wait3A_67 = arith.constant 2 : i32
        %dma_wait3A_68 = arith.constant 0 : i32
        %dma_wait3A_69 = tpu.memref_slice %arg7[%dma_wait3A_67, %dma_wait3A_68] : memref<16x128xi32, #tpu.memory_space<vmem>> -> memref<1x128xi32, #tpu.memory_space<vmem>>
        %dma_wait3A_70 = tpu.memref_squeeze %dma_wait3A_69 : memref<1x128xi32, #tpu.memory_space<vmem>> -> memref<128xi32, #tpu.memory_space<vmem>>
        %dma_wait3A_71 = arith.constant 0 : i32
        %dma_wait3A_72 = arith.constant 0 : i32
        %dma_wait3A_73 = tpu.memref_slice %arg2[%dma_wait3A_71, %dma_wait3A_72] : memref<10000x128xf32, #tpu.memory_space<hbm>> -> memref<10000x128xf32, #tpu.memory_space<hbm>>
        tpu.wait_indirect_dma semaphore(%arg12 : memref<!tpu.dma_semaphore, #tpu.memory_space<semaphore_mem>>) src(%dma_wait3A_73 : memref<10000x128xf32, #tpu.memory_space<hbm>>) dst(%arg9 : memref<128x128xf32, #tpu.memory_space<vmem>>)
        %run_scoped3A_74 = arith.constant 2 : i32
        "tpu.region"() ({
          %run_scoped3A_263 = tpu.sem_alloc : memref<!tpu.dma_semaphore, #tpu.memory_space<semaphore_mem>>
          %dma_start3A_264 = arith.constant 0 : i32
          %dma_start3A_265 = tpu.memref_slice %arg8[%run_scoped3A_74, %dma_start3A_264] : memref<16x128xi32, #tpu.memory_space<vmem>> -> memref<1x128xi32, #tpu.memory_space<vmem>>
          %dma_start3A_266 = tpu.memref_squeeze %dma_start3A_265 : memref<1x128xi32, #tpu.memory_space<vmem>> -> memref<128xi32, #tpu.memory_space<vmem>>
          %dma_start3A_267 = arith.constant 0 : i32
          %dma_start3A_268 = arith.constant 0 : i32
          %dma_start3A_269 = tpu.memref_slice %arg11[%dma_start3A_267, %dma_start3A_268] : memref<10240x128xf32, #tpu.memory_space<vmem_shared>> -> memref<10240x128xf32, #tpu.memory_space<vmem_shared>>
          tpu.enqueue_indirect_dma source(%arg9 : memref<128x128xf32, #tpu.memory_space<vmem>>) target(%dma_start3A_269 : memref<10240x128xf32, #tpu.memory_space<vmem_shared>>) offsets(%dma_start3A_266 : memref<128xi32, #tpu.memory_space<vmem>>) semaphore(%run_scoped3A_263 : memref<!tpu.dma_semaphore, #tpu.memory_space<semaphore_mem>>) {add = true}
          %dma_wait3A_270 = arith.constant 0 : i32
          %dma_wait3A_271 = tpu.memref_slice %arg8[%run_scoped3A_74, %dma_wait3A_270] : memref<16x128xi32, #tpu.memory_space<vmem>> -> memref<1x128xi32, #tpu.memory_space<vmem>>
          %dma_wait3A_272 = tpu.memref_squeeze %dma_wait3A_271 : memref<1x128xi32, #tpu.memory_space<vmem>> -> memref<128xi32, #tpu.memory_space<vmem>>
          %dma_wait3A_273 = arith.constant 0 : i32
          %dma_wait3A_274 = arith.constant 0 : i32
          %dma_wait3A_275 = tpu.memref_slice %arg11[%dma_wait3A_273, %dma_wait3A_274] : memref<10240x128xf32, #tpu.memory_space<vmem_shared>> -> memref<10240x128xf32, #tpu.memory_space<vmem_shared>>
          tpu.wait_indirect_dma semaphore(%run_scoped3A_263 : memref<!tpu.dma_semaphore, #tpu.memory_space<semaphore_mem>>) src(%arg9 : memref<128x128xf32, #tpu.memory_space<vmem>>) dst(%dma_wait3A_275 : memref<10240x128xf32, #tpu.memory_space<vmem_shared>>)
          tpu.yield
        }) : () -> ()
        %dma_start3A_75 = arith.constant 4 : i32
        %dma_start3A_76 = arith.constant 0 : i32
        %dma_start3A_77 = tpu.memref_slice %arg7[%dma_start3A_75, %dma_start3A_76] : memref<16x128xi32, #tpu.memory_space<vmem>> -> memref<1x128xi32, #tpu.memory_space<vmem>>
        %dma_start3A_78 = tpu.memref_squeeze %dma_start3A_77 : memref<1x128xi32, #tpu.memory_space<vmem>> -> memref<128xi32, #tpu.memory_space<vmem>>
        %dma_start3A_79 = arith.constant 0 : i32
        %dma_start3A_80 = arith.constant 0 : i32
        %dma_start3A_81 = tpu.memref_slice %arg2[%dma_start3A_79, %dma_start3A_80] : memref<10000x128xf32, #tpu.memory_space<hbm>> -> memref<10000x128xf32, #tpu.memory_space<hbm>>
        tpu.enqueue_indirect_dma source(%dma_start3A_81 : memref<10000x128xf32, #tpu.memory_space<hbm>>) target(%arg9 : memref<128x128xf32, #tpu.memory_space<vmem>>) offsets(%dma_start3A_78 : memref<128xi32, #tpu.memory_space<vmem>>) semaphore(%arg12 : memref<!tpu.dma_semaphore, #tpu.memory_space<semaphore_mem>>)
        %dma_wait3A_82 = arith.constant 3 : i32
        %dma_wait3A_83 = arith.constant 0 : i32
        %dma_wait3A_84 = tpu.memref_slice %arg7[%dma_wait3A_82, %dma_wait3A_83] : memref<16x128xi32, #tpu.memory_space<vmem>> -> memref<1x128xi32, #tpu.memory_space<vmem>>
        %dma_wait3A_85 = tpu.memref_squeeze %dma_wait3A_84 : memref<1x128xi32, #tpu.memory_space<vmem>> -> memref<128xi32, #tpu.memory_space<vmem>>
        %dma_wait3A_86 = arith.constant 0 : i32
        %dma_wait3A_87 = arith.constant 0 : i32
        %dma_wait3A_88 = tpu.memref_slice %arg2[%dma_wait3A_86, %dma_wait3A_87] : memref<10000x128xf32, #tpu.memory_space<hbm>> -> memref<10000x128xf32, #tpu.memory_space<hbm>>
        tpu.wait_indirect_dma semaphore(%arg13 : memref<!tpu.dma_semaphore, #tpu.memory_space<semaphore_mem>>) src(%dma_wait3A_88 : memref<10000x128xf32, #tpu.memory_space<hbm>>) dst(%arg10 : memref<128x128xf32, #tpu.memory_space<vmem>>)
        %run_scoped3A_89 = arith.constant 3 : i32
        "tpu.region"() ({
          %run_scoped3A_263 = tpu.sem_alloc : memref<!tpu.dma_semaphore, #tpu.memory_space<semaphore_mem>>
          %dma_start3A_264 = arith.constant 0 : i32
          %dma_start3A_265 = tpu.memref_slice %arg8[%run_scoped3A_89, %dma_start3A_264] : memref<16x128xi32, #tpu.memory_space<vmem>> -> memref<1x128xi32, #tpu.memory_space<vmem>>
          %dma_start3A_266 = tpu.memref_squeeze %dma_start3A_265 : memref<1x128xi32, #tpu.memory_space<vmem>> -> memref<128xi32, #tpu.memory_space<vmem>>
          %dma_start3A_267 = arith.constant 0 : i32
          %dma_start3A_268 = arith.constant 0 : i32
          %dma_start3A_269 = tpu.memref_slice %arg11[%dma_start3A_267, %dma_start3A_268] : memref<10240x128xf32, #tpu.memory_space<vmem_shared>> -> memref<10240x128xf32, #tpu.memory_space<vmem_shared>>
          tpu.enqueue_indirect_dma source(%arg10 : memref<128x128xf32, #tpu.memory_space<vmem>>) target(%dma_start3A_269 : memref<10240x128xf32, #tpu.memory_space<vmem_shared>>) offsets(%dma_start3A_266 : memref<128xi32, #tpu.memory_space<vmem>>) semaphore(%run_scoped3A_263 : memref<!tpu.dma_semaphore, #tpu.memory_space<semaphore_mem>>) {add = true}
          %dma_wait3A_270 = arith.constant 0 : i32
          %dma_wait3A_271 = tpu.memref_slice %arg8[%run_scoped3A_89, %dma_wait3A_270] : memref<16x128xi32, #tpu.memory_space<vmem>> -> memref<1x128xi32, #tpu.memory_space<vmem>>
          %dma_wait3A_272 = tpu.memref_squeeze %dma_wait3A_271 : memref<1x128xi32, #tpu.memory_space<vmem>> -> memref<128xi32, #tpu.memory_space<vmem>>
          %dma_wait3A_273 = arith.constant 0 : i32
          %dma_wait3A_274 = arith.constant 0 : i32
          %dma_wait3A_275 = tpu.memref_slice %arg11[%dma_wait3A_273, %dma_wait3A_274] : memref<10240x128xf32, #tpu.memory_space<vmem_shared>> -> memref<10240x128xf32, #tpu.memory_space<vmem_shared>>
          tpu.wait_indirect_dma semaphore(%run_scoped3A_263 : memref<!tpu.dma_semaphore, #tpu.memory_space<semaphore_mem>>) src(%arg10 : memref<128x128xf32, #tpu.memory_space<vmem>>) dst(%dma_wait3A_275 : memref<10240x128xf32, #tpu.memory_space<vmem_shared>>)
          tpu.yield
        }) : () -> ()
        %dma_start3A_90 = arith.constant 5 : i32
        %dma_start3A_91 = arith.constant 0 : i32
        %dma_start3A_92 = tpu.memref_slice %arg7[%dma_start3A_90, %dma_start3A_91] : memref<16x128xi32, #tpu.memory_space<vmem>> -> memref<1x128xi32, #tpu.memory_space<vmem>>
        %dma_start3A_93 = tpu.memref_squeeze %dma_start3A_92 : memref<1x128xi32, #tpu.memory_space<vmem>> -> memref<128xi32, #tpu.memory_space<vmem>>
        %dma_start3A_94 = arith.constant 0 : i32
        %dma_start3A_95 = arith.constant 0 : i32
        %dma_start3A_96 = tpu.memref_slice %arg2[%dma_start3A_94, %dma_start3A_95] : memref<10000x128xf32, #tpu.memory_space<hbm>> -> memref<10000x128xf32, #tpu.memory_space<hbm>>
        tpu.enqueue_indirect_dma source(%dma_start3A_96 : memref<10000x128xf32, #tpu.memory_space<hbm>>) target(%arg10 : memref<128x128xf32, #tpu.memory_space<vmem>>) offsets(%dma_start3A_93 : memref<128xi32, #tpu.memory_space<vmem>>) semaphore(%arg13 : memref<!tpu.dma_semaphore, #tpu.memory_space<semaphore_mem>>)
        %dma_wait3A_97 = arith.constant 4 : i32
        %dma_wait3A_98 = arith.constant 0 : i32
        %dma_wait3A_99 = tpu.memref_slice %arg7[%dma_wait3A_97, %dma_wait3A_98] : memref<16x128xi32, #tpu.memory_space<vmem>> -> memref<1x128xi32, #tpu.memory_space<vmem>>
        %dma_wait3A_100 = tpu.memref_squeeze %dma_wait3A_99 : memref<1x128xi32, #tpu.memory_space<vmem>> -> memref<128xi32, #tpu.memory_space<vmem>>
        %dma_wait3A_101 = arith.constant 0 : i32
        %dma_wait3A_102 = arith.constant 0 : i32
        %dma_wait3A_103 = tpu.memref_slice %arg2[%dma_wait3A_101, %dma_wait3A_102] : memref<10000x128xf32, #tpu.memory_space<hbm>> -> memref<10000x128xf32, #tpu.memory_space<hbm>>
        tpu.wait_indirect_dma semaphore(%arg12 : memref<!tpu.dma_semaphore, #tpu.memory_space<semaphore_mem>>) src(%dma_wait3A_103 : memref<10000x128xf32, #tpu.memory_space<hbm>>) dst(%arg9 : memref<128x128xf32, #tpu.memory_space<vmem>>)
        %run_scoped3A_104 = arith.constant 4 : i32
        "tpu.region"() ({
          %run_scoped3A_263 = tpu.sem_alloc : memref<!tpu.dma_semaphore, #tpu.memory_space<semaphore_mem>>
          %dma_start3A_264 = arith.constant 0 : i32
          %dma_start3A_265 = tpu.memref_slice %arg8[%run_scoped3A_104, %dma_start3A_264] : memref<16x128xi32, #tpu.memory_space<vmem>> -> memref<1x128xi32, #tpu.memory_space<vmem>>
          %dma_start3A_266 = tpu.memref_squeeze %dma_start3A_265 : memref<1x128xi32, #tpu.memory_space<vmem>> -> memref<128xi32, #tpu.memory_space<vmem>>
          %dma_start3A_267 = arith.constant 0 : i32
          %dma_start3A_268 = arith.constant 0 : i32
          %dma_start3A_269 = tpu.memref_slice %arg11[%dma_start3A_267, %dma_start3A_268] : memref<10240x128xf32, #tpu.memory_space<vmem_shared>> -> memref<10240x128xf32, #tpu.memory_space<vmem_shared>>
          tpu.enqueue_indirect_dma source(%arg9 : memref<128x128xf32, #tpu.memory_space<vmem>>) target(%dma_start3A_269 : memref<10240x128xf32, #tpu.memory_space<vmem_shared>>) offsets(%dma_start3A_266 : memref<128xi32, #tpu.memory_space<vmem>>) semaphore(%run_scoped3A_263 : memref<!tpu.dma_semaphore, #tpu.memory_space<semaphore_mem>>) {add = true}
          %dma_wait3A_270 = arith.constant 0 : i32
          %dma_wait3A_271 = tpu.memref_slice %arg8[%run_scoped3A_104, %dma_wait3A_270] : memref<16x128xi32, #tpu.memory_space<vmem>> -> memref<1x128xi32, #tpu.memory_space<vmem>>
          %dma_wait3A_272 = tpu.memref_squeeze %dma_wait3A_271 : memref<1x128xi32, #tpu.memory_space<vmem>> -> memref<128xi32, #tpu.memory_space<vmem>>
          %dma_wait3A_273 = arith.constant 0 : i32
          %dma_wait3A_274 = arith.constant 0 : i32
          %dma_wait3A_275 = tpu.memref_slice %arg11[%dma_wait3A_273, %dma_wait3A_274] : memref<10240x128xf32, #tpu.memory_space<vmem_shared>> -> memref<10240x128xf32, #tpu.memory_space<vmem_shared>>
          tpu.wait_indirect_dma semaphore(%run_scoped3A_263 : memref<!tpu.dma_semaphore, #tpu.memory_space<semaphore_mem>>) src(%arg9 : memref<128x128xf32, #tpu.memory_space<vmem>>) dst(%dma_wait3A_275 : memref<10240x128xf32, #tpu.memory_space<vmem_shared>>)
          tpu.yield
        }) : () -> ()
        %dma_start3A_105 = arith.constant 6 : i32
        %dma_start3A_106 = arith.constant 0 : i32
        %dma_start3A_107 = tpu.memref_slice %arg7[%dma_start3A_105, %dma_start3A_106] : memref<16x128xi32, #tpu.memory_space<vmem>> -> memref<1x128xi32, #tpu.memory_space<vmem>>
        %dma_start3A_108 = tpu.memref_squeeze %dma_start3A_107 : memref<1x128xi32, #tpu.memory_space<vmem>> -> memref<128xi32, #tpu.memory_space<vmem>>
        %dma_start3A_109 = arith.constant 0 : i32
        %dma_start3A_110 = arith.constant 0 : i32
        %dma_start3A_111 = tpu.memref_slice %arg2[%dma_start3A_109, %dma_start3A_110] : memref<10000x128xf32, #tpu.memory_space<hbm>> -> memref<10000x128xf32, #tpu.memory_space<hbm>>
        tpu.enqueue_indirect_dma source(%dma_start3A_111 : memref<10000x128xf32, #tpu.memory_space<hbm>>) target(%arg9 : memref<128x128xf32, #tpu.memory_space<vmem>>) offsets(%dma_start3A_108 : memref<128xi32, #tpu.memory_space<vmem>>) semaphore(%arg12 : memref<!tpu.dma_semaphore, #tpu.memory_space<semaphore_mem>>)
        %dma_wait3A_112 = arith.constant 5 : i32
        %dma_wait3A_113 = arith.constant 0 : i32
        %dma_wait3A_114 = tpu.memref_slice %arg7[%dma_wait3A_112, %dma_wait3A_113] : memref<16x128xi32, #tpu.memory_space<vmem>> -> memref<1x128xi32, #tpu.memory_space<vmem>>
        %dma_wait3A_115 = tpu.memref_squeeze %dma_wait3A_114 : memref<1x128xi32, #tpu.memory_space<vmem>> -> memref<128xi32, #tpu.memory_space<vmem>>
        %dma_wait3A_116 = arith.constant 0 : i32
        %dma_wait3A_117 = arith.constant 0 : i32
        %dma_wait3A_118 = tpu.memref_slice %arg2[%dma_wait3A_116, %dma_wait3A_117] : memref<10000x128xf32, #tpu.memory_space<hbm>> -> memref<10000x128xf32, #tpu.memory_space<hbm>>
        tpu.wait_indirect_dma semaphore(%arg13 : memref<!tpu.dma_semaphore, #tpu.memory_space<semaphore_mem>>) src(%dma_wait3A_118 : memref<10000x128xf32, #tpu.memory_space<hbm>>) dst(%arg10 : memref<128x128xf32, #tpu.memory_space<vmem>>)
        %run_scoped3A_119 = arith.constant 5 : i32
        "tpu.region"() ({
          %run_scoped3A_263 = tpu.sem_alloc : memref<!tpu.dma_semaphore, #tpu.memory_space<semaphore_mem>>
          %dma_start3A_264 = arith.constant 0 : i32
          %dma_start3A_265 = tpu.memref_slice %arg8[%run_scoped3A_119, %dma_start3A_264] : memref<16x128xi32, #tpu.memory_space<vmem>> -> memref<1x128xi32, #tpu.memory_space<vmem>>
          %dma_start3A_266 = tpu.memref_squeeze %dma_start3A_265 : memref<1x128xi32, #tpu.memory_space<vmem>> -> memref<128xi32, #tpu.memory_space<vmem>>
          %dma_start3A_267 = arith.constant 0 : i32
          %dma_start3A_268 = arith.constant 0 : i32
          %dma_start3A_269 = tpu.memref_slice %arg11[%dma_start3A_267, %dma_start3A_268] : memref<10240x128xf32, #tpu.memory_space<vmem_shared>> -> memref<10240x128xf32, #tpu.memory_space<vmem_shared>>
          tpu.enqueue_indirect_dma source(%arg10 : memref<128x128xf32, #tpu.memory_space<vmem>>) target(%dma_start3A_269 : memref<10240x128xf32, #tpu.memory_space<vmem_shared>>) offsets(%dma_start3A_266 : memref<128xi32, #tpu.memory_space<vmem>>) semaphore(%run_scoped3A_263 : memref<!tpu.dma_semaphore, #tpu.memory_space<semaphore_mem>>) {add = true}
          %dma_wait3A_270 = arith.constant 0 : i32
          %dma_wait3A_271 = tpu.memref_slice %arg8[%run_scoped3A_119, %dma_wait3A_270] : memref<16x128xi32, #tpu.memory_space<vmem>> -> memref<1x128xi32, #tpu.memory_space<vmem>>
          %dma_wait3A_272 = tpu.memref_squeeze %dma_wait3A_271 : memref<1x128xi32, #tpu.memory_space<vmem>> -> memref<128xi32, #tpu.memory_space<vmem>>
          %dma_wait3A_273 = arith.constant 0 : i32
          %dma_wait3A_274 = arith.constant 0 : i32
          %dma_wait3A_275 = tpu.memref_slice %arg11[%dma_wait3A_273, %dma_wait3A_274] : memref<10240x128xf32, #tpu.memory_space<vmem_shared>> -> memref<10240x128xf32, #tpu.memory_space<vmem_shared>>
          tpu.wait_indirect_dma semaphore(%run_scoped3A_263 : memref<!tpu.dma_semaphore, #tpu.memory_space<semaphore_mem>>) src(%arg10 : memref<128x128xf32, #tpu.memory_space<vmem>>) dst(%dma_wait3A_275 : memref<10240x128xf32, #tpu.memory_space<vmem_shared>>)
          tpu.yield
        }) : () -> ()
        %dma_start3A_120 = arith.constant 7 : i32
        %dma_start3A_121 = arith.constant 0 : i32
        %dma_start3A_122 = tpu.memref_slice %arg7[%dma_start3A_120, %dma_start3A_121] : memref<16x128xi32, #tpu.memory_space<vmem>> -> memref<1x128xi32, #tpu.memory_space<vmem>>
        %dma_start3A_123 = tpu.memref_squeeze %dma_start3A_122 : memref<1x128xi32, #tpu.memory_space<vmem>> -> memref<128xi32, #tpu.memory_space<vmem>>
        %dma_start3A_124 = arith.constant 0 : i32
        %dma_start3A_125 = arith.constant 0 : i32
        %dma_start3A_126 = tpu.memref_slice %arg2[%dma_start3A_124, %dma_start3A_125] : memref<10000x128xf32, #tpu.memory_space<hbm>> -> memref<10000x128xf32, #tpu.memory_space<hbm>>
        tpu.enqueue_indirect_dma source(%dma_start3A_126 : memref<10000x128xf32, #tpu.memory_space<hbm>>) target(%arg10 : memref<128x128xf32, #tpu.memory_space<vmem>>) offsets(%dma_start3A_123 : memref<128xi32, #tpu.memory_space<vmem>>) semaphore(%arg13 : memref<!tpu.dma_semaphore, #tpu.memory_space<semaphore_mem>>)
        %dma_wait3A_127 = arith.constant 6 : i32
        %dma_wait3A_128 = arith.constant 0 : i32
        %dma_wait3A_129 = tpu.memref_slice %arg7[%dma_wait3A_127, %dma_wait3A_128] : memref<16x128xi32, #tpu.memory_space<vmem>> -> memref<1x128xi32, #tpu.memory_space<vmem>>
        %dma_wait3A_130 = tpu.memref_squeeze %dma_wait3A_129 : memref<1x128xi32, #tpu.memory_space<vmem>> -> memref<128xi32, #tpu.memory_space<vmem>>
        %dma_wait3A_131 = arith.constant 0 : i32
        %dma_wait3A_132 = arith.constant 0 : i32
        %dma_wait3A_133 = tpu.memref_slice %arg2[%dma_wait3A_131, %dma_wait3A_132] : memref<10000x128xf32, #tpu.memory_space<hbm>> -> memref<10000x128xf32, #tpu.memory_space<hbm>>
        tpu.wait_indirect_dma semaphore(%arg12 : memref<!tpu.dma_semaphore, #tpu.memory_space<semaphore_mem>>) src(%dma_wait3A_133 : memref<10000x128xf32, #tpu.memory_space<hbm>>) dst(%arg9 : memref<128x128xf32, #tpu.memory_space<vmem>>)
        %run_scoped3A_134 = arith.constant 6 : i32
        "tpu.region"() ({
          %run_scoped3A_263 = tpu.sem_alloc : memref<!tpu.dma_semaphore, #tpu.memory_space<semaphore_mem>>
          %dma_start3A_264 = arith.constant 0 : i32
          %dma_start3A_265 = tpu.memref_slice %arg8[%run_scoped3A_134, %dma_start3A_264] : memref<16x128xi32, #tpu.memory_space<vmem>> -> memref<1x128xi32, #tpu.memory_space<vmem>>
          %dma_start3A_266 = tpu.memref_squeeze %dma_start3A_265 : memref<1x128xi32, #tpu.memory_space<vmem>> -> memref<128xi32, #tpu.memory_space<vmem>>
          %dma_start3A_267 = arith.constant 0 : i32
          %dma_start3A_268 = arith.constant 0 : i32
          %dma_start3A_269 = tpu.memref_slice %arg11[%dma_start3A_267, %dma_start3A_268] : memref<10240x128xf32, #tpu.memory_space<vmem_shared>> -> memref<10240x128xf32, #tpu.memory_space<vmem_shared>>
          tpu.enqueue_indirect_dma source(%arg9 : memref<128x128xf32, #tpu.memory_space<vmem>>) target(%dma_start3A_269 : memref<10240x128xf32, #tpu.memory_space<vmem_shared>>) offsets(%dma_start3A_266 : memref<128xi32, #tpu.memory_space<vmem>>) semaphore(%run_scoped3A_263 : memref<!tpu.dma_semaphore, #tpu.memory_space<semaphore_mem>>) {add = true}
          %dma_wait3A_270 = arith.constant 0 : i32
          %dma_wait3A_271 = tpu.memref_slice %arg8[%run_scoped3A_134, %dma_wait3A_270] : memref<16x128xi32, #tpu.memory_space<vmem>> -> memref<1x128xi32, #tpu.memory_space<vmem>>
          %dma_wait3A_272 = tpu.memref_squeeze %dma_wait3A_271 : memref<1x128xi32, #tpu.memory_space<vmem>> -> memref<128xi32, #tpu.memory_space<vmem>>
          %dma_wait3A_273 = arith.constant 0 : i32
          %dma_wait3A_274 = arith.constant 0 : i32
          %dma_wait3A_275 = tpu.memref_slice %arg11[%dma_wait3A_273, %dma_wait3A_274] : memref<10240x128xf32, #tpu.memory_space<vmem_shared>> -> memref<10240x128xf32, #tpu.memory_space<vmem_shared>>
          tpu.wait_indirect_dma semaphore(%run_scoped3A_263 : memref<!tpu.dma_semaphore, #tpu.memory_space<semaphore_mem>>) src(%arg9 : memref<128x128xf32, #tpu.memory_space<vmem>>) dst(%dma_wait3A_275 : memref<10240x128xf32, #tpu.memory_space<vmem_shared>>)
          tpu.yield
        }) : () -> ()
        %dma_start3A_135 = arith.constant 8 : i32
        %dma_start3A_136 = arith.constant 0 : i32
        %dma_start3A_137 = tpu.memref_slice %arg7[%dma_start3A_135, %dma_start3A_136] : memref<16x128xi32, #tpu.memory_space<vmem>> -> memref<1x128xi32, #tpu.memory_space<vmem>>
        %dma_start3A_138 = tpu.memref_squeeze %dma_start3A_137 : memref<1x128xi32, #tpu.memory_space<vmem>> -> memref<128xi32, #tpu.memory_space<vmem>>
        %dma_start3A_139 = arith.constant 0 : i32
        %dma_start3A_140 = arith.constant 0 : i32
        %dma_start3A_141 = tpu.memref_slice %arg2[%dma_start3A_139, %dma_start3A_140] : memref<10000x128xf32, #tpu.memory_space<hbm>> -> memref<10000x128xf32, #tpu.memory_space<hbm>>
        tpu.enqueue_indirect_dma source(%dma_start3A_141 : memref<10000x128xf32, #tpu.memory_space<hbm>>) target(%arg9 : memref<128x128xf32, #tpu.memory_space<vmem>>) offsets(%dma_start3A_138 : memref<128xi32, #tpu.memory_space<vmem>>) semaphore(%arg12 : memref<!tpu.dma_semaphore, #tpu.memory_space<semaphore_mem>>)
        %dma_wait3A_142 = arith.constant 7 : i32
        %dma_wait3A_143 = arith.constant 0 : i32
        %dma_wait3A_144 = tpu.memref_slice %arg7[%dma_wait3A_142, %dma_wait3A_143] : memref<16x128xi32, #tpu.memory_space<vmem>> -> memref<1x128xi32, #tpu.memory_space<vmem>>
        %dma_wait3A_145 = tpu.memref_squeeze %dma_wait3A_144 : memref<1x128xi32, #tpu.memory_space<vmem>> -> memref<128xi32, #tpu.memory_space<vmem>>
        %dma_wait3A_146 = arith.constant 0 : i32
        %dma_wait3A_147 = arith.constant 0 : i32
        %dma_wait3A_148 = tpu.memref_slice %arg2[%dma_wait3A_146, %dma_wait3A_147] : memref<10000x128xf32, #tpu.memory_space<hbm>> -> memref<10000x128xf32, #tpu.memory_space<hbm>>
        tpu.wait_indirect_dma semaphore(%arg13 : memref<!tpu.dma_semaphore, #tpu.memory_space<semaphore_mem>>) src(%dma_wait3A_148 : memref<10000x128xf32, #tpu.memory_space<hbm>>) dst(%arg10 : memref<128x128xf32, #tpu.memory_space<vmem>>)
        %run_scoped3A_149 = arith.constant 7 : i32
        "tpu.region"() ({
          %run_scoped3A_263 = tpu.sem_alloc : memref<!tpu.dma_semaphore, #tpu.memory_space<semaphore_mem>>
          %dma_start3A_264 = arith.constant 0 : i32
          %dma_start3A_265 = tpu.memref_slice %arg8[%run_scoped3A_149, %dma_start3A_264] : memref<16x128xi32, #tpu.memory_space<vmem>> -> memref<1x128xi32, #tpu.memory_space<vmem>>
          %dma_start3A_266 = tpu.memref_squeeze %dma_start3A_265 : memref<1x128xi32, #tpu.memory_space<vmem>> -> memref<128xi32, #tpu.memory_space<vmem>>
          %dma_start3A_267 = arith.constant 0 : i32
          %dma_start3A_268 = arith.constant 0 : i32
          %dma_start3A_269 = tpu.memref_slice %arg11[%dma_start3A_267, %dma_start3A_268] : memref<10240x128xf32, #tpu.memory_space<vmem_shared>> -> memref<10240x128xf32, #tpu.memory_space<vmem_shared>>
          tpu.enqueue_indirect_dma source(%arg10 : memref<128x128xf32, #tpu.memory_space<vmem>>) target(%dma_start3A_269 : memref<10240x128xf32, #tpu.memory_space<vmem_shared>>) offsets(%dma_start3A_266 : memref<128xi32, #tpu.memory_space<vmem>>) semaphore(%run_scoped3A_263 : memref<!tpu.dma_semaphore, #tpu.memory_space<semaphore_mem>>) {add = true}
          %dma_wait3A_270 = arith.constant 0 : i32
          %dma_wait3A_271 = tpu.memref_slice %arg8[%run_scoped3A_149, %dma_wait3A_270] : memref<16x128xi32, #tpu.memory_space<vmem>> -> memref<1x128xi32, #tpu.memory_space<vmem>>
          %dma_wait3A_272 = tpu.memref_squeeze %dma_wait3A_271 : memref<1x128xi32, #tpu.memory_space<vmem>> -> memref<128xi32, #tpu.memory_space<vmem>>
          %dma_wait3A_273 = arith.constant 0 : i32
          %dma_wait3A_274 = arith.constant 0 : i32
          %dma_wait3A_275 = tpu.memref_slice %arg11[%dma_wait3A_273, %dma_wait3A_274] : memref<10240x128xf32, #tpu.memory_space<vmem_shared>> -> memref<10240x128xf32, #tpu.memory_space<vmem_shared>>
          tpu.wait_indirect_dma semaphore(%run_scoped3A_263 : memref<!tpu.dma_semaphore, #tpu.memory_space<semaphore_mem>>) src(%arg10 : memref<128x128xf32, #tpu.memory_space<vmem>>) dst(%dma_wait3A_275 : memref<10240x128xf32, #tpu.memory_space<vmem_shared>>)
          tpu.yield
        }) : () -> ()
        %dma_start3A_150 = arith.constant 9 : i32
        %dma_start3A_151 = arith.constant 0 : i32
        %dma_start3A_152 = tpu.memref_slice %arg7[%dma_start3A_150, %dma_start3A_151] : memref<16x128xi32, #tpu.memory_space<vmem>> -> memref<1x128xi32, #tpu.memory_space<vmem>>
        %dma_start3A_153 = tpu.memref_squeeze %dma_start3A_152 : memref<1x128xi32, #tpu.memory_space<vmem>> -> memref<128xi32, #tpu.memory_space<vmem>>
        %dma_start3A_154 = arith.constant 0 : i32
        %dma_start3A_155 = arith.constant 0 : i32
        %dma_start3A_156 = tpu.memref_slice %arg2[%dma_start3A_154, %dma_start3A_155] : memref<10000x128xf32, #tpu.memory_space<hbm>> -> memref<10000x128xf32, #tpu.memory_space<hbm>>
        tpu.enqueue_indirect_dma source(%dma_start3A_156 : memref<10000x128xf32, #tpu.memory_space<hbm>>) target(%arg10 : memref<128x128xf32, #tpu.memory_space<vmem>>) offsets(%dma_start3A_153 : memref<128xi32, #tpu.memory_space<vmem>>) semaphore(%arg13 : memref<!tpu.dma_semaphore, #tpu.memory_space<semaphore_mem>>)
        %dma_wait3A_157 = arith.constant 8 : i32
        %dma_wait3A_158 = arith.constant 0 : i32
        %dma_wait3A_159 = tpu.memref_slice %arg7[%dma_wait3A_157, %dma_wait3A_158] : memref<16x128xi32, #tpu.memory_space<vmem>> -> memref<1x128xi32, #tpu.memory_space<vmem>>
        %dma_wait3A_160 = tpu.memref_squeeze %dma_wait3A_159 : memref<1x128xi32, #tpu.memory_space<vmem>> -> memref<128xi32, #tpu.memory_space<vmem>>
        %dma_wait3A_161 = arith.constant 0 : i32
        %dma_wait3A_162 = arith.constant 0 : i32
        %dma_wait3A_163 = tpu.memref_slice %arg2[%dma_wait3A_161, %dma_wait3A_162] : memref<10000x128xf32, #tpu.memory_space<hbm>> -> memref<10000x128xf32, #tpu.memory_space<hbm>>
        tpu.wait_indirect_dma semaphore(%arg12 : memref<!tpu.dma_semaphore, #tpu.memory_space<semaphore_mem>>) src(%dma_wait3A_163 : memref<10000x128xf32, #tpu.memory_space<hbm>>) dst(%arg9 : memref<128x128xf32, #tpu.memory_space<vmem>>)
        %run_scoped3A_164 = arith.constant 8 : i32
        "tpu.region"() ({
          %run_scoped3A_263 = tpu.sem_alloc : memref<!tpu.dma_semaphore, #tpu.memory_space<semaphore_mem>>
          %dma_start3A_264 = arith.constant 0 : i32
          %dma_start3A_265 = tpu.memref_slice %arg8[%run_scoped3A_164, %dma_start3A_264] : memref<16x128xi32, #tpu.memory_space<vmem>> -> memref<1x128xi32, #tpu.memory_space<vmem>>
          %dma_start3A_266 = tpu.memref_squeeze %dma_start3A_265 : memref<1x128xi32, #tpu.memory_space<vmem>> -> memref<128xi32, #tpu.memory_space<vmem>>
          %dma_start3A_267 = arith.constant 0 : i32
          %dma_start3A_268 = arith.constant 0 : i32
          %dma_start3A_269 = tpu.memref_slice %arg11[%dma_start3A_267, %dma_start3A_268] : memref<10240x128xf32, #tpu.memory_space<vmem_shared>> -> memref<10240x128xf32, #tpu.memory_space<vmem_shared>>
          tpu.enqueue_indirect_dma source(%arg9 : memref<128x128xf32, #tpu.memory_space<vmem>>) target(%dma_start3A_269 : memref<10240x128xf32, #tpu.memory_space<vmem_shared>>) offsets(%dma_start3A_266 : memref<128xi32, #tpu.memory_space<vmem>>) semaphore(%run_scoped3A_263 : memref<!tpu.dma_semaphore, #tpu.memory_space<semaphore_mem>>) {add = true}
          %dma_wait3A_270 = arith.constant 0 : i32
          %dma_wait3A_271 = tpu.memref_slice %arg8[%run_scoped3A_164, %dma_wait3A_270] : memref<16x128xi32, #tpu.memory_space<vmem>> -> memref<1x128xi32, #tpu.memory_space<vmem>>
          %dma_wait3A_272 = tpu.memref_squeeze %dma_wait3A_271 : memref<1x128xi32, #tpu.memory_space<vmem>> -> memref<128xi32, #tpu.memory_space<vmem>>
          %dma_wait3A_273 = arith.constant 0 : i32
          %dma_wait3A_274 = arith.constant 0 : i32
          %dma_wait3A_275 = tpu.memref_slice %arg11[%dma_wait3A_273, %dma_wait3A_274] : memref<10240x128xf32, #tpu.memory_space<vmem_shared>> -> memref<10240x128xf32, #tpu.memory_space<vmem_shared>>
          tpu.wait_indirect_dma semaphore(%run_scoped3A_263 : memref<!tpu.dma_semaphore, #tpu.memory_space<semaphore_mem>>) src(%arg9 : memref<128x128xf32, #tpu.memory_space<vmem>>) dst(%dma_wait3A_275 : memref<10240x128xf32, #tpu.memory_space<vmem_shared>>)
          tpu.yield
        }) : () -> ()
        %dma_start3A_165 = arith.constant 10 : i32
        %dma_start3A_166 = arith.constant 0 : i32
        %dma_start3A_167 = tpu.memref_slice %arg7[%dma_start3A_165, %dma_start3A_166] : memref<16x128xi32, #tpu.memory_space<vmem>> -> memref<1x128xi32, #tpu.memory_space<vmem>>
        %dma_start3A_168 = tpu.memref_squeeze %dma_start3A_167 : memref<1x128xi32, #tpu.memory_space<vmem>> -> memref<128xi32, #tpu.memory_space<vmem>>
        %dma_start3A_169 = arith.constant 0 : i32
        %dma_start3A_170 = arith.constant 0 : i32
        %dma_start3A_171 = tpu.memref_slice %arg2[%dma_start3A_169, %dma_start3A_170] : memref<10000x128xf32, #tpu.memory_space<hbm>> -> memref<10000x128xf32, #tpu.memory_space<hbm>>
        tpu.enqueue_indirect_dma source(%dma_start3A_171 : memref<10000x128xf32, #tpu.memory_space<hbm>>) target(%arg9 : memref<128x128xf32, #tpu.memory_space<vmem>>) offsets(%dma_start3A_168 : memref<128xi32, #tpu.memory_space<vmem>>) semaphore(%arg12 : memref<!tpu.dma_semaphore, #tpu.memory_space<semaphore_mem>>)
        %dma_wait3A_172 = arith.constant 9 : i32
        %dma_wait3A_173 = arith.constant 0 : i32
        %dma_wait3A_174 = tpu.memref_slice %arg7[%dma_wait3A_172, %dma_wait3A_173] : memref<16x128xi32, #tpu.memory_space<vmem>> -> memref<1x128xi32, #tpu.memory_space<vmem>>
        %dma_wait3A_175 = tpu.memref_squeeze %dma_wait3A_174 : memref<1x128xi32, #tpu.memory_space<vmem>> -> memref<128xi32, #tpu.memory_space<vmem>>
        %dma_wait3A_176 = arith.constant 0 : i32
        %dma_wait3A_177 = arith.constant 0 : i32
        %dma_wait3A_178 = tpu.memref_slice %arg2[%dma_wait3A_176, %dma_wait3A_177] : memref<10000x128xf32, #tpu.memory_space<hbm>> -> memref<10000x128xf32, #tpu.memory_space<hbm>>
        tpu.wait_indirect_dma semaphore(%arg13 : memref<!tpu.dma_semaphore, #tpu.memory_space<semaphore_mem>>) src(%dma_wait3A_178 : memref<10000x128xf32, #tpu.memory_space<hbm>>) dst(%arg10 : memref<128x128xf32, #tpu.memory_space<vmem>>)
        %run_scoped3A_179 = arith.constant 9 : i32
        "tpu.region"() ({
          %run_scoped3A_263 = tpu.sem_alloc : memref<!tpu.dma_semaphore, #tpu.memory_space<semaphore_mem>>
          %dma_start3A_264 = arith.constant 0 : i32
          %dma_start3A_265 = tpu.memref_slice %arg8[%run_scoped3A_179, %dma_start3A_264] : memref<16x128xi32, #tpu.memory_space<vmem>> -> memref<1x128xi32, #tpu.memory_space<vmem>>
          %dma_start3A_266 = tpu.memref_squeeze %dma_start3A_265 : memref<1x128xi32, #tpu.memory_space<vmem>> -> memref<128xi32, #tpu.memory_space<vmem>>
          %dma_start3A_267 = arith.constant 0 : i32
          %dma_start3A_268 = arith.constant 0 : i32
          %dma_start3A_269 = tpu.memref_slice %arg11[%dma_start3A_267, %dma_start3A_268] : memref<10240x128xf32, #tpu.memory_space<vmem_shared>> -> memref<10240x128xf32, #tpu.memory_space<vmem_shared>>
          tpu.enqueue_indirect_dma source(%arg10 : memref<128x128xf32, #tpu.memory_space<vmem>>) target(%dma_start3A_269 : memref<10240x128xf32, #tpu.memory_space<vmem_shared>>) offsets(%dma_start3A_266 : memref<128xi32, #tpu.memory_space<vmem>>) semaphore(%run_scoped3A_263 : memref<!tpu.dma_semaphore, #tpu.memory_space<semaphore_mem>>) {add = true}
          %dma_wait3A_270 = arith.constant 0 : i32
          %dma_wait3A_271 = tpu.memref_slice %arg8[%run_scoped3A_179, %dma_wait3A_270] : memref<16x128xi32, #tpu.memory_space<vmem>> -> memref<1x128xi32, #tpu.memory_space<vmem>>
          %dma_wait3A_272 = tpu.memref_squeeze %dma_wait3A_271 : memref<1x128xi32, #tpu.memory_space<vmem>> -> memref<128xi32, #tpu.memory_space<vmem>>
          %dma_wait3A_273 = arith.constant 0 : i32
          %dma_wait3A_274 = arith.constant 0 : i32
          %dma_wait3A_275 = tpu.memref_slice %arg11[%dma_wait3A_273, %dma_wait3A_274] : memref<10240x128xf32, #tpu.memory_space<vmem_shared>> -> memref<10240x128xf32, #tpu.memory_space<vmem_shared>>
          tpu.wait_indirect_dma semaphore(%run_scoped3A_263 : memref<!tpu.dma_semaphore, #tpu.memory_space<semaphore_mem>>) src(%arg10 : memref<128x128xf32, #tpu.memory_space<vmem>>) dst(%dma_wait3A_275 : memref<10240x128xf32, #tpu.memory_space<vmem_shared>>)
          tpu.yield
        }) : () -> ()
        %dma_start3A_180 = arith.constant 11 : i32
        %dma_start3A_181 = arith.constant 0 : i32
        %dma_start3A_182 = tpu.memref_slice %arg7[%dma_start3A_180, %dma_start3A_181] : memref<16x128xi32, #tpu.memory_space<vmem>> -> memref<1x128xi32, #tpu.memory_space<vmem>>
        %dma_start3A_183 = tpu.memref_squeeze %dma_start3A_182 : memref<1x128xi32, #tpu.memory_space<vmem>> -> memref<128xi32, #tpu.memory_space<vmem>>
        %dma_start3A_184 = arith.constant 0 : i32
        %dma_start3A_185 = arith.constant 0 : i32
        %dma_start3A_186 = tpu.memref_slice %arg2[%dma_start3A_184, %dma_start3A_185] : memref<10000x128xf32, #tpu.memory_space<hbm>> -> memref<10000x128xf32, #tpu.memory_space<hbm>>
        tpu.enqueue_indirect_dma source(%dma_start3A_186 : memref<10000x128xf32, #tpu.memory_space<hbm>>) target(%arg10 : memref<128x128xf32, #tpu.memory_space<vmem>>) offsets(%dma_start3A_183 : memref<128xi32, #tpu.memory_space<vmem>>) semaphore(%arg13 : memref<!tpu.dma_semaphore, #tpu.memory_space<semaphore_mem>>)
        %dma_wait3A_187 = arith.constant 10 : i32
        %dma_wait3A_188 = arith.constant 0 : i32
        %dma_wait3A_189 = tpu.memref_slice %arg7[%dma_wait3A_187, %dma_wait3A_188] : memref<16x128xi32, #tpu.memory_space<vmem>> -> memref<1x128xi32, #tpu.memory_space<vmem>>
        %dma_wait3A_190 = tpu.memref_squeeze %dma_wait3A_189 : memref<1x128xi32, #tpu.memory_space<vmem>> -> memref<128xi32, #tpu.memory_space<vmem>>
        %dma_wait3A_191 = arith.constant 0 : i32
        %dma_wait3A_192 = arith.constant 0 : i32
        %dma_wait3A_193 = tpu.memref_slice %arg2[%dma_wait3A_191, %dma_wait3A_192] : memref<10000x128xf32, #tpu.memory_space<hbm>> -> memref<10000x128xf32, #tpu.memory_space<hbm>>
        tpu.wait_indirect_dma semaphore(%arg12 : memref<!tpu.dma_semaphore, #tpu.memory_space<semaphore_mem>>) src(%dma_wait3A_193 : memref<10000x128xf32, #tpu.memory_space<hbm>>) dst(%arg9 : memref<128x128xf32, #tpu.memory_space<vmem>>)
        %run_scoped3A_194 = arith.constant 10 : i32
        "tpu.region"() ({
          %run_scoped3A_263 = tpu.sem_alloc : memref<!tpu.dma_semaphore, #tpu.memory_space<semaphore_mem>>
          %dma_start3A_264 = arith.constant 0 : i32
          %dma_start3A_265 = tpu.memref_slice %arg8[%run_scoped3A_194, %dma_start3A_264] : memref<16x128xi32, #tpu.memory_space<vmem>> -> memref<1x128xi32, #tpu.memory_space<vmem>>
          %dma_start3A_266 = tpu.memref_squeeze %dma_start3A_265 : memref<1x128xi32, #tpu.memory_space<vmem>> -> memref<128xi32, #tpu.memory_space<vmem>>
          %dma_start3A_267 = arith.constant 0 : i32
          %dma_start3A_268 = arith.constant 0 : i32
          %dma_start3A_269 = tpu.memref_slice %arg11[%dma_start3A_267, %dma_start3A_268] : memref<10240x128xf32, #tpu.memory_space<vmem_shared>> -> memref<10240x128xf32, #tpu.memory_space<vmem_shared>>
          tpu.enqueue_indirect_dma source(%arg9 : memref<128x128xf32, #tpu.memory_space<vmem>>) target(%dma_start3A_269 : memref<10240x128xf32, #tpu.memory_space<vmem_shared>>) offsets(%dma_start3A_266 : memref<128xi32, #tpu.memory_space<vmem>>) semaphore(%run_scoped3A_263 : memref<!tpu.dma_semaphore, #tpu.memory_space<semaphore_mem>>) {add = true}
          %dma_wait3A_270 = arith.constant 0 : i32
          %dma_wait3A_271 = tpu.memref_slice %arg8[%run_scoped3A_194, %dma_wait3A_270] : memref<16x128xi32, #tpu.memory_space<vmem>> -> memref<1x128xi32, #tpu.memory_space<vmem>>
          %dma_wait3A_272 = tpu.memref_squeeze %dma_wait3A_271 : memref<1x128xi32, #tpu.memory_space<vmem>> -> memref<128xi32, #tpu.memory_space<vmem>>
          %dma_wait3A_273 = arith.constant 0 : i32
          %dma_wait3A_274 = arith.constant 0 : i32
          %dma_wait3A_275 = tpu.memref_slice %arg11[%dma_wait3A_273, %dma_wait3A_274] : memref<10240x128xf32, #tpu.memory_space<vmem_shared>> -> memref<10240x128xf32, #tpu.memory_space<vmem_shared>>
          tpu.wait_indirect_dma semaphore(%run_scoped3A_263 : memref<!tpu.dma_semaphore, #tpu.memory_space<semaphore_mem>>) src(%arg9 : memref<128x128xf32, #tpu.memory_space<vmem>>) dst(%dma_wait3A_275 : memref<10240x128xf32, #tpu.memory_space<vmem_shared>>)
          tpu.yield
        }) : () -> ()
        %dma_start3A_195 = arith.constant 12 : i32
        %dma_start3A_196 = arith.constant 0 : i32
        %dma_start3A_197 = tpu.memref_slice %arg7[%dma_start3A_195, %dma_start3A_196] : memref<16x128xi32, #tpu.memory_space<vmem>> -> memref<1x128xi32, #tpu.memory_space<vmem>>
        %dma_start3A_198 = tpu.memref_squeeze %dma_start3A_197 : memref<1x128xi32, #tpu.memory_space<vmem>> -> memref<128xi32, #tpu.memory_space<vmem>>
        %dma_start3A_199 = arith.constant 0 : i32
        %dma_start3A_200 = arith.constant 0 : i32
        %dma_start3A_201 = tpu.memref_slice %arg2[%dma_start3A_199, %dma_start3A_200] : memref<10000x128xf32, #tpu.memory_space<hbm>> -> memref<10000x128xf32, #tpu.memory_space<hbm>>
        tpu.enqueue_indirect_dma source(%dma_start3A_201 : memref<10000x128xf32, #tpu.memory_space<hbm>>) target(%arg9 : memref<128x128xf32, #tpu.memory_space<vmem>>) offsets(%dma_start3A_198 : memref<128xi32, #tpu.memory_space<vmem>>) semaphore(%arg12 : memref<!tpu.dma_semaphore, #tpu.memory_space<semaphore_mem>>)
        %dma_wait3A_202 = arith.constant 11 : i32
        %dma_wait3A_203 = arith.constant 0 : i32
        %dma_wait3A_204 = tpu.memref_slice %arg7[%dma_wait3A_202, %dma_wait3A_203] : memref<16x128xi32, #tpu.memory_space<vmem>> -> memref<1x128xi32, #tpu.memory_space<vmem>>
        %dma_wait3A_205 = tpu.memref_squeeze %dma_wait3A_204 : memref<1x128xi32, #tpu.memory_space<vmem>> -> memref<128xi32, #tpu.memory_space<vmem>>
        %dma_wait3A_206 = arith.constant 0 : i32
        %dma_wait3A_207 = arith.constant 0 : i32
        %dma_wait3A_208 = tpu.memref_slice %arg2[%dma_wait3A_206, %dma_wait3A_207] : memref<10000x128xf32, #tpu.memory_space<hbm>> -> memref<10000x128xf32, #tpu.memory_space<hbm>>
        tpu.wait_indirect_dma semaphore(%arg13 : memref<!tpu.dma_semaphore, #tpu.memory_space<semaphore_mem>>) src(%dma_wait3A_208 : memref<10000x128xf32, #tpu.memory_space<hbm>>) dst(%arg10 : memref<128x128xf32, #tpu.memory_space<vmem>>)
        %run_scoped3A_209 = arith.constant 11 : i32
        "tpu.region"() ({
          %run_scoped3A_263 = tpu.sem_alloc : memref<!tpu.dma_semaphore, #tpu.memory_space<semaphore_mem>>
          %dma_start3A_264 = arith.constant 0 : i32
          %dma_start3A_265 = tpu.memref_slice %arg8[%run_scoped3A_209, %dma_start3A_264] : memref<16x128xi32, #tpu.memory_space<vmem>> -> memref<1x128xi32, #tpu.memory_space<vmem>>
          %dma_start3A_266 = tpu.memref_squeeze %dma_start3A_265 : memref<1x128xi32, #tpu.memory_space<vmem>> -> memref<128xi32, #tpu.memory_space<vmem>>
          %dma_start3A_267 = arith.constant 0 : i32
          %dma_start3A_268 = arith.constant 0 : i32
          %dma_start3A_269 = tpu.memref_slice %arg11[%dma_start3A_267, %dma_start3A_268] : memref<10240x128xf32, #tpu.memory_space<vmem_shared>> -> memref<10240x128xf32, #tpu.memory_space<vmem_shared>>
          tpu.enqueue_indirect_dma source(%arg10 : memref<128x128xf32, #tpu.memory_space<vmem>>) target(%dma_start3A_269 : memref<10240x128xf32, #tpu.memory_space<vmem_shared>>) offsets(%dma_start3A_266 : memref<128xi32, #tpu.memory_space<vmem>>) semaphore(%run_scoped3A_263 : memref<!tpu.dma_semaphore, #tpu.memory_space<semaphore_mem>>) {add = true}
          %dma_wait3A_270 = arith.constant 0 : i32
          %dma_wait3A_271 = tpu.memref_slice %arg8[%run_scoped3A_209, %dma_wait3A_270] : memref<16x128xi32, #tpu.memory_space<vmem>> -> memref<1x128xi32, #tpu.memory_space<vmem>>
          %dma_wait3A_272 = tpu.memref_squeeze %dma_wait3A_271 : memref<1x128xi32, #tpu.memory_space<vmem>> -> memref<128xi32, #tpu.memory_space<vmem>>
          %dma_wait3A_273 = arith.constant 0 : i32
          %dma_wait3A_274 = arith.constant 0 : i32
          %dma_wait3A_275 = tpu.memref_slice %arg11[%dma_wait3A_273, %dma_wait3A_274] : memref<10240x128xf32, #tpu.memory_space<vmem_shared>> -> memref<10240x128xf32, #tpu.memory_space<vmem_shared>>
          tpu.wait_indirect_dma semaphore(%run_scoped3A_263 : memref<!tpu.dma_semaphore, #tpu.memory_space<semaphore_mem>>) src(%arg10 : memref<128x128xf32, #tpu.memory_space<vmem>>) dst(%dma_wait3A_275 : memref<10240x128xf32, #tpu.memory_space<vmem_shared>>)
          tpu.yield
        }) : () -> ()
        %dma_start3A_210 = arith.constant 13 : i32
        %dma_start3A_211 = arith.constant 0 : i32
        %dma_start3A_212 = tpu.memref_slice %arg7[%dma_start3A_210, %dma_start3A_211] : memref<16x128xi32, #tpu.memory_space<vmem>> -> memref<1x128xi32, #tpu.memory_space<vmem>>
        %dma_start3A_213 = tpu.memref_squeeze %dma_start3A_212 : memref<1x128xi32, #tpu.memory_space<vmem>> -> memref<128xi32, #tpu.memory_space<vmem>>
        %dma_start3A_214 = arith.constant 0 : i32
        %dma_start3A_215 = arith.constant 0 : i32
        %dma_start3A_216 = tpu.memref_slice %arg2[%dma_start3A_214, %dma_start3A_215] : memref<10000x128xf32, #tpu.memory_space<hbm>> -> memref<10000x128xf32, #tpu.memory_space<hbm>>
        tpu.enqueue_indirect_dma source(%dma_start3A_216 : memref<10000x128xf32, #tpu.memory_space<hbm>>) target(%arg10 : memref<128x128xf32, #tpu.memory_space<vmem>>) offsets(%dma_start3A_213 : memref<128xi32, #tpu.memory_space<vmem>>) semaphore(%arg13 : memref<!tpu.dma_semaphore, #tpu.memory_space<semaphore_mem>>)
        %dma_wait3A_217 = arith.constant 12 : i32
        %dma_wait3A_218 = arith.constant 0 : i32
        %dma_wait3A_219 = tpu.memref_slice %arg7[%dma_wait3A_217, %dma_wait3A_218] : memref<16x128xi32, #tpu.memory_space<vmem>> -> memref<1x128xi32, #tpu.memory_space<vmem>>
        %dma_wait3A_220 = tpu.memref_squeeze %dma_wait3A_219 : memref<1x128xi32, #tpu.memory_space<vmem>> -> memref<128xi32, #tpu.memory_space<vmem>>
        %dma_wait3A_221 = arith.constant 0 : i32
        %dma_wait3A_222 = arith.constant 0 : i32
        %dma_wait3A_223 = tpu.memref_slice %arg2[%dma_wait3A_221, %dma_wait3A_222] : memref<10000x128xf32, #tpu.memory_space<hbm>> -> memref<10000x128xf32, #tpu.memory_space<hbm>>
        tpu.wait_indirect_dma semaphore(%arg12 : memref<!tpu.dma_semaphore, #tpu.memory_space<semaphore_mem>>) src(%dma_wait3A_223 : memref<10000x128xf32, #tpu.memory_space<hbm>>) dst(%arg9 : memref<128x128xf32, #tpu.memory_space<vmem>>)
        %run_scoped3A_224 = arith.constant 12 : i32
        "tpu.region"() ({
          %run_scoped3A_263 = tpu.sem_alloc : memref<!tpu.dma_semaphore, #tpu.memory_space<semaphore_mem>>
          %dma_start3A_264 = arith.constant 0 : i32
          %dma_start3A_265 = tpu.memref_slice %arg8[%run_scoped3A_224, %dma_start3A_264] : memref<16x128xi32, #tpu.memory_space<vmem>> -> memref<1x128xi32, #tpu.memory_space<vmem>>
          %dma_start3A_266 = tpu.memref_squeeze %dma_start3A_265 : memref<1x128xi32, #tpu.memory_space<vmem>> -> memref<128xi32, #tpu.memory_space<vmem>>
          %dma_start3A_267 = arith.constant 0 : i32
          %dma_start3A_268 = arith.constant 0 : i32
          %dma_start3A_269 = tpu.memref_slice %arg11[%dma_start3A_267, %dma_start3A_268] : memref<10240x128xf32, #tpu.memory_space<vmem_shared>> -> memref<10240x128xf32, #tpu.memory_space<vmem_shared>>
          tpu.enqueue_indirect_dma source(%arg9 : memref<128x128xf32, #tpu.memory_space<vmem>>) target(%dma_start3A_269 : memref<10240x128xf32, #tpu.memory_space<vmem_shared>>) offsets(%dma_start3A_266 : memref<128xi32, #tpu.memory_space<vmem>>) semaphore(%run_scoped3A_263 : memref<!tpu.dma_semaphore, #tpu.memory_space<semaphore_mem>>) {add = true}
          %dma_wait3A_270 = arith.constant 0 : i32
          %dma_wait3A_271 = tpu.memref_slice %arg8[%run_scoped3A_224, %dma_wait3A_270] : memref<16x128xi32, #tpu.memory_space<vmem>> -> memref<1x128xi32, #tpu.memory_space<vmem>>
          %dma_wait3A_272 = tpu.memref_squeeze %dma_wait3A_271 : memref<1x128xi32, #tpu.memory_space<vmem>> -> memref<128xi32, #tpu.memory_space<vmem>>
          %dma_wait3A_273 = arith.constant 0 : i32
          %dma_wait3A_274 = arith.constant 0 : i32
          %dma_wait3A_275 = tpu.memref_slice %arg11[%dma_wait3A_273, %dma_wait3A_274] : memref<10240x128xf32, #tpu.memory_space<vmem_shared>> -> memref<10240x128xf32, #tpu.memory_space<vmem_shared>>
          tpu.wait_indirect_dma semaphore(%run_scoped3A_263 : memref<!tpu.dma_semaphore, #tpu.memory_space<semaphore_mem>>) src(%arg9 : memref<128x128xf32, #tpu.memory_space<vmem>>) dst(%dma_wait3A_275 : memref<10240x128xf32, #tpu.memory_space<vmem_shared>>)
          tpu.yield
        }) : () -> ()
        %dma_start3A_225 = arith.constant 14 : i32
        %dma_start3A_226 = arith.constant 0 : i32
        %dma_start3A_227 = tpu.memref_slice %arg7[%dma_start3A_225, %dma_start3A_226] : memref<16x128xi32, #tpu.memory_space<vmem>> -> memref<1x128xi32, #tpu.memory_space<vmem>>
        %dma_start3A_228 = tpu.memref_squeeze %dma_start3A_227 : memref<1x128xi32, #tpu.memory_space<vmem>> -> memref<128xi32, #tpu.memory_space<vmem>>
        %dma_start3A_229 = arith.constant 0 : i32
        %dma_start3A_230 = arith.constant 0 : i32
        %dma_start3A_231 = tpu.memref_slice %arg2[%dma_start3A_229, %dma_start3A_230] : memref<10000x128xf32, #tpu.memory_space<hbm>> -> memref<10000x128xf32, #tpu.memory_space<hbm>>
        tpu.enqueue_indirect_dma source(%dma_start3A_231 : memref<10000x128xf32, #tpu.memory_space<hbm>>) target(%arg9 : memref<128x128xf32, #tpu.memory_space<vmem>>) offsets(%dma_start3A_228 : memref<128xi32, #tpu.memory_space<vmem>>) semaphore(%arg12 : memref<!tpu.dma_semaphore, #tpu.memory_space<semaphore_mem>>)
        %dma_wait3A_232 = arith.constant 13 : i32
        %dma_wait3A_233 = arith.constant 0 : i32
        %dma_wait3A_234 = tpu.memref_slice %arg7[%dma_wait3A_232, %dma_wait3A_233] : memref<16x128xi32, #tpu.memory_space<vmem>> -> memref<1x128xi32, #tpu.memory_space<vmem>>
        %dma_wait3A_235 = tpu.memref_squeeze %dma_wait3A_234 : memref<1x128xi32, #tpu.memory_space<vmem>> -> memref<128xi32, #tpu.memory_space<vmem>>
        %dma_wait3A_236 = arith.constant 0 : i32
        %dma_wait3A_237 = arith.constant 0 : i32
        %dma_wait3A_238 = tpu.memref_slice %arg2[%dma_wait3A_236, %dma_wait3A_237] : memref<10000x128xf32, #tpu.memory_space<hbm>> -> memref<10000x128xf32, #tpu.memory_space<hbm>>
        tpu.wait_indirect_dma semaphore(%arg13 : memref<!tpu.dma_semaphore, #tpu.memory_space<semaphore_mem>>) src(%dma_wait3A_238 : memref<10000x128xf32, #tpu.memory_space<hbm>>) dst(%arg10 : memref<128x128xf32, #tpu.memory_space<vmem>>)
        %run_scoped3A_239 = arith.constant 13 : i32
        "tpu.region"() ({
          %run_scoped3A_263 = tpu.sem_alloc : memref<!tpu.dma_semaphore, #tpu.memory_space<semaphore_mem>>
          %dma_start3A_264 = arith.constant 0 : i32
          %dma_start3A_265 = tpu.memref_slice %arg8[%run_scoped3A_239, %dma_start3A_264] : memref<16x128xi32, #tpu.memory_space<vmem>> -> memref<1x128xi32, #tpu.memory_space<vmem>>
          %dma_start3A_266 = tpu.memref_squeeze %dma_start3A_265 : memref<1x128xi32, #tpu.memory_space<vmem>> -> memref<128xi32, #tpu.memory_space<vmem>>
          %dma_start3A_267 = arith.constant 0 : i32
          %dma_start3A_268 = arith.constant 0 : i32
          %dma_start3A_269 = tpu.memref_slice %arg11[%dma_start3A_267, %dma_start3A_268] : memref<10240x128xf32, #tpu.memory_space<vmem_shared>> -> memref<10240x128xf32, #tpu.memory_space<vmem_shared>>
          tpu.enqueue_indirect_dma source(%arg10 : memref<128x128xf32, #tpu.memory_space<vmem>>) target(%dma_start3A_269 : memref<10240x128xf32, #tpu.memory_space<vmem_shared>>) offsets(%dma_start3A_266 : memref<128xi32, #tpu.memory_space<vmem>>) semaphore(%run_scoped3A_263 : memref<!tpu.dma_semaphore, #tpu.memory_space<semaphore_mem>>) {add = true}
          %dma_wait3A_270 = arith.constant 0 : i32
          %dma_wait3A_271 = tpu.memref_slice %arg8[%run_scoped3A_239, %dma_wait3A_270] : memref<16x128xi32, #tpu.memory_space<vmem>> -> memref<1x128xi32, #tpu.memory_space<vmem>>
          %dma_wait3A_272 = tpu.memref_squeeze %dma_wait3A_271 : memref<1x128xi32, #tpu.memory_space<vmem>> -> memref<128xi32, #tpu.memory_space<vmem>>
          %dma_wait3A_273 = arith.constant 0 : i32
          %dma_wait3A_274 = arith.constant 0 : i32
          %dma_wait3A_275 = tpu.memref_slice %arg11[%dma_wait3A_273, %dma_wait3A_274] : memref<10240x128xf32, #tpu.memory_space<vmem_shared>> -> memref<10240x128xf32, #tpu.memory_space<vmem_shared>>
          tpu.wait_indirect_dma semaphore(%run_scoped3A_263 : memref<!tpu.dma_semaphore, #tpu.memory_space<semaphore_mem>>) src(%arg10 : memref<128x128xf32, #tpu.memory_space<vmem>>) dst(%dma_wait3A_275 : memref<10240x128xf32, #tpu.memory_space<vmem_shared>>)
          tpu.yield
        }) : () -> ()
        %dma_start3A_240 = arith.constant 15 : i32
        %dma_start3A_241 = arith.constant 0 : i32
        %dma_start3A_242 = tpu.memref_slice %arg7[%dma_start3A_240, %dma_start3A_241] : memref<16x128xi32, #tpu.memory_space<vmem>> -> memref<1x128xi32, #tpu.memory_space<vmem>>
        %dma_start3A_243 = tpu.memref_squeeze %dma_start3A_242 : memref<1x128xi32, #tpu.memory_space<vmem>> -> memref<128xi32, #tpu.memory_space<vmem>>
        %dma_start3A_244 = arith.constant 0 : i32
        %dma_start3A_245 = arith.constant 0 : i32
        %dma_start3A_246 = tpu.memref_slice %arg2[%dma_start3A_244, %dma_start3A_245] : memref<10000x128xf32, #tpu.memory_space<hbm>> -> memref<10000x128xf32, #tpu.memory_space<hbm>>
        tpu.enqueue_indirect_dma source(%dma_start3A_246 : memref<10000x128xf32, #tpu.memory_space<hbm>>) target(%arg10 : memref<128x128xf32, #tpu.memory_space<vmem>>) offsets(%dma_start3A_243 : memref<128xi32, #tpu.memory_space<vmem>>) semaphore(%arg13 : memref<!tpu.dma_semaphore, #tpu.memory_space<semaphore_mem>>)
        %dma_wait3A_247 = arith.constant 14 : i32
        %dma_wait3A_248 = arith.constant 0 : i32
        %dma_wait3A_249 = tpu.memref_slice %arg7[%dma_wait3A_247, %dma_wait3A_248] : memref<16x128xi32, #tpu.memory_space<vmem>> -> memref<1x128xi32, #tpu.memory_space<vmem>>
        %dma_wait3A_250 = tpu.memref_squeeze %dma_wait3A_249 : memref<1x128xi32, #tpu.memory_space<vmem>> -> memref<128xi32, #tpu.memory_space<vmem>>
        %dma_wait3A_251 = arith.constant 0 : i32
        %dma_wait3A_252 = arith.constant 0 : i32
        %dma_wait3A_253 = tpu.memref_slice %arg2[%dma_wait3A_251, %dma_wait3A_252] : memref<10000x128xf32, #tpu.memory_space<hbm>> -> memref<10000x128xf32, #tpu.memory_space<hbm>>
        tpu.wait_indirect_dma semaphore(%arg12 : memref<!tpu.dma_semaphore, #tpu.memory_space<semaphore_mem>>) src(%dma_wait3A_253 : memref<10000x128xf32, #tpu.memory_space<hbm>>) dst(%arg9 : memref<128x128xf32, #tpu.memory_space<vmem>>)
        %run_scoped3A_254 = arith.constant 14 : i32
        "tpu.region"() ({
          %run_scoped3A_263 = tpu.sem_alloc : memref<!tpu.dma_semaphore, #tpu.memory_space<semaphore_mem>>
          %dma_start3A_264 = arith.constant 0 : i32
          %dma_start3A_265 = tpu.memref_slice %arg8[%run_scoped3A_254, %dma_start3A_264] : memref<16x128xi32, #tpu.memory_space<vmem>> -> memref<1x128xi32, #tpu.memory_space<vmem>>
          %dma_start3A_266 = tpu.memref_squeeze %dma_start3A_265 : memref<1x128xi32, #tpu.memory_space<vmem>> -> memref<128xi32, #tpu.memory_space<vmem>>
          %dma_start3A_267 = arith.constant 0 : i32
          %dma_start3A_268 = arith.constant 0 : i32
          %dma_start3A_269 = tpu.memref_slice %arg11[%dma_start3A_267, %dma_start3A_268] : memref<10240x128xf32, #tpu.memory_space<vmem_shared>> -> memref<10240x128xf32, #tpu.memory_space<vmem_shared>>
          tpu.enqueue_indirect_dma source(%arg9 : memref<128x128xf32, #tpu.memory_space<vmem>>) target(%dma_start3A_269 : memref<10240x128xf32, #tpu.memory_space<vmem_shared>>) offsets(%dma_start3A_266 : memref<128xi32, #tpu.memory_space<vmem>>) semaphore(%run_scoped3A_263 : memref<!tpu.dma_semaphore, #tpu.memory_space<semaphore_mem>>) {add = true}
          %dma_wait3A_270 = arith.constant 0 : i32
          %dma_wait3A_271 = tpu.memref_slice %arg8[%run_scoped3A_254, %dma_wait3A_270] : memref<16x128xi32, #tpu.memory_space<vmem>> -> memref<1x128xi32, #tpu.memory_space<vmem>>
          %dma_wait3A_272 = tpu.memref_squeeze %dma_wait3A_271 : memref<1x128xi32, #tpu.memory_space<vmem>> -> memref<128xi32, #tpu.memory_space<vmem>>
          %dma_wait3A_273 = arith.constant 0 : i32
          %dma_wait3A_274 = arith.constant 0 : i32
          %dma_wait3A_275 = tpu.memref_slice %arg11[%dma_wait3A_273, %dma_wait3A_274] : memref<10240x128xf32, #tpu.memory_space<vmem_shared>> -> memref<10240x128xf32, #tpu.memory_space<vmem_shared>>
          tpu.wait_indirect_dma semaphore(%run_scoped3A_263 : memref<!tpu.dma_semaphore, #tpu.memory_space<semaphore_mem>>) src(%arg9 : memref<128x128xf32, #tpu.memory_space<vmem>>) dst(%dma_wait3A_275 : memref<10240x128xf32, #tpu.memory_space<vmem_shared>>)
          tpu.yield
        }) : () -> ()
        %dma_wait3A_255 = arith.constant 15 : i32
        %dma_wait3A_256 = arith.constant 0 : i32
        %dma_wait3A_257 = tpu.memref_slice %arg7[%dma_wait3A_255, %dma_wait3A_256] : memref<16x128xi32, #tpu.memory_space<vmem>> -> memref<1x128xi32, #tpu.memory_space<vmem>>
        %dma_wait3A_258 = tpu.memref_squeeze %dma_wait3A_257 : memref<1x128xi32, #tpu.memory_space<vmem>> -> memref<128xi32, #tpu.memory_space<vmem>>
        %dma_wait3A_259 = arith.constant 0 : i32
        %dma_wait3A_260 = arith.constant 0 : i32
        %dma_wait3A_261 = tpu.memref_slice %arg2[%dma_wait3A_259, %dma_wait3A_260] : memref<10000x128xf32, #tpu.memory_space<hbm>> -> memref<10000x128xf32, #tpu.memory_space<hbm>>
        tpu.wait_indirect_dma semaphore(%arg13 : memref<!tpu.dma_semaphore, #tpu.memory_space<semaphore_mem>>) src(%dma_wait3A_261 : memref<10000x128xf32, #tpu.memory_space<hbm>>) dst(%arg10 : memref<128x128xf32, #tpu.memory_space<vmem>>)
        %run_scoped3A_262 = arith.constant 15 : i32
        "tpu.region"() ({
          %run_scoped3A_263 = tpu.sem_alloc : memref<!tpu.dma_semaphore, #tpu.memory_space<semaphore_mem>>
          %dma_start3A_264 = arith.constant 0 : i32
          %dma_start3A_265 = tpu.memref_slice %arg8[%run_scoped3A_262, %dma_start3A_264] : memref<16x128xi32, #tpu.memory_space<vmem>> -> memref<1x128xi32, #tpu.memory_space<vmem>>
          %dma_start3A_266 = tpu.memref_squeeze %dma_start3A_265 : memref<1x128xi32, #tpu.memory_space<vmem>> -> memref<128xi32, #tpu.memory_space<vmem>>
          %dma_start3A_267 = arith.constant 0 : i32
          %dma_start3A_268 = arith.constant 0 : i32
          %dma_start3A_269 = tpu.memref_slice %arg11[%dma_start3A_267, %dma_start3A_268] : memref<10240x128xf32, #tpu.memory_space<vmem_shared>> -> memref<10240x128xf32, #tpu.memory_space<vmem_shared>>
          tpu.enqueue_indirect_dma source(%arg10 : memref<128x128xf32, #tpu.memory_space<vmem>>) target(%dma_start3A_269 : memref<10240x128xf32, #tpu.memory_space<vmem_shared>>) offsets(%dma_start3A_266 : memref<128xi32, #tpu.memory_space<vmem>>) semaphore(%run_scoped3A_263 : memref<!tpu.dma_semaphore, #tpu.memory_space<semaphore_mem>>) {add = true}
          %dma_wait3A_270 = arith.constant 0 : i32
          %dma_wait3A_271 = tpu.memref_slice %arg8[%run_scoped3A_262, %dma_wait3A_270] : memref<16x128xi32, #tpu.memory_space<vmem>> -> memref<1x128xi32, #tpu.memory_space<vmem>>
          %dma_wait3A_272 = tpu.memref_squeeze %dma_wait3A_271 : memref<1x128xi32, #tpu.memory_space<vmem>> -> memref<128xi32, #tpu.memory_space<vmem>>
          %dma_wait3A_273 = arith.constant 0 : i32
          %dma_wait3A_274 = arith.constant 0 : i32
          %dma_wait3A_275 = tpu.memref_slice %arg11[%dma_wait3A_273, %dma_wait3A_274] : memref<10240x128xf32, #tpu.memory_space<vmem_shared>> -> memref<10240x128xf32, #tpu.memory_space<vmem_shared>>
          tpu.wait_indirect_dma semaphore(%run_scoped3A_263 : memref<!tpu.dma_semaphore, #tpu.memory_space<semaphore_mem>>) src(%arg10 : memref<128x128xf32, #tpu.memory_space<vmem>>) dst(%dma_wait3A_275 : memref<10240x128xf32, #tpu.memory_space<vmem_shared>>)
          tpu.yield
        }) : () -> ()
      }
      %scan3A_19 = arith.constant 8 : i32
    } else {
    }
    %eq3A_3 = arith.constant 1 : i32
    %eq3A_4 = arith.cmpi eq, %arg0, %eq3A_3 : i32
    %convert_element_type3A_5 = arith.extui %eq3A_4 : i1 to i32
    %cond3A_6 = arith.constant 0 : i32
    %cond3A_7 = arith.cmpi ne, %convert_element_type3A_5, %cond3A_6 : i32
    scf.if %cond3A_7 {
      %mul3A_13 = arith.constant 32 : i32
      %mul3A_14 = arith.muli %arg1, %mul3A_13 : i32
      %add3A = arith.constant 2048 : i32
      %add3A_15 = arith.addi %add3A, %mul3A_14 : i32
      %scan3A = arith.constant 0 : i32
      %scan3A_16 = arith.constant 0 : i32
      %scan3A_17 = arith.constant 2 : i32
      %scan3A_18 = arith.addi %scan3A_16, %scan3A_17 : i32
      %scan3A_19 = arith.constant 1 : i32
      scf.for %scan3A_21 = %scan3A_16 to %scan3A_18 step %scan3A_19  : i32 {
        %mul3A_22 = arith.constant 16 : i32
        %mul3A_23 = arith.muli %scan3A_21, %mul3A_22 : i32
        %add3A_24 = arith.addi %add3A_15, %mul3A_23 : i32
        "tpu.region"() ({
          %run_scoped3A_265 = tpu.sem_alloc : memref<!tpu.dma_semaphore, #tpu.memory_space<semaphore_mem>>
          %dma_start3A_266 = arith.constant 0 : i32
          %dma_start3A_267 = tpu.memref_slice %arg3[%add3A_24, %dma_start3A_266] : memref<2560x128xi32, #tpu.memory_space<hbm>> -> memref<16x128xi32, #tpu.memory_space<hbm>>
          %dma_start3A_268 = arith.constant 0 : i32
          %dma_start3A_269 = tpu.memref_slice %arg3[%add3A_24, %dma_start3A_268] : memref<2560x128xi32, #tpu.memory_space<hbm>> -> memref<16x128xi32, #tpu.memory_space<hbm>>
          tpu.enqueue_dma source(%dma_start3A_269 : memref<16x128xi32, #tpu.memory_space<hbm>>) target(%arg7 : memref<16x128xi32, #tpu.memory_space<vmem>>) target_semaphore(%run_scoped3A_265 : memref<!tpu.dma_semaphore, #tpu.memory_space<semaphore_mem>>)
          %dma_wait3A_270 = arith.constant 0 : i32
          %dma_wait3A_271 = tpu.memref_slice %arg3[%add3A_24, %dma_wait3A_270] : memref<2560x128xi32, #tpu.memory_space<hbm>> -> memref<16x128xi32, #tpu.memory_space<hbm>>
          %dma_wait3A_272 = arith.constant 0 : i32
          %dma_wait3A_273 = tpu.memref_slice %arg3[%add3A_24, %dma_wait3A_272] : memref<2560x128xi32, #tpu.memory_space<hbm>> -> memref<16x128xi32, #tpu.memory_space<hbm>>
          tpu.wait_dma2 semaphore(%run_scoped3A_265 : memref<!tpu.dma_semaphore, #tpu.memory_space<semaphore_mem>>) src(%dma_wait3A_273 : memref<16x128xi32, #tpu.memory_space<hbm>>) dst(%arg7 : memref<16x128xi32, #tpu.memory_space<vmem>>)
          tpu.yield
        }) : () -> ()
        %mul3A_25 = arith.constant 16 : i32
        %mul3A_26 = arith.muli %scan3A_21, %mul3A_25 : i32
        %add3A_27 = arith.addi %add3A_15, %mul3A_26 : i32
        "tpu.region"() ({
          %run_scoped3A_265 = tpu.sem_alloc : memref<!tpu.dma_semaphore, #tpu.memory_space<semaphore_mem>>
          %dma_start3A_266 = arith.constant 0 : i32
          %dma_start3A_267 = tpu.memref_slice %arg4[%add3A_27, %dma_start3A_266] : memref<2560x128xi32, #tpu.memory_space<hbm>> -> memref<16x128xi32, #tpu.memory_space<hbm>>
          %dma_start3A_268 = arith.constant 0 : i32
          %dma_start3A_269 = tpu.memref_slice %arg4[%add3A_27, %dma_start3A_268] : memref<2560x128xi32, #tpu.memory_space<hbm>> -> memref<16x128xi32, #tpu.memory_space<hbm>>
          tpu.enqueue_dma source(%dma_start3A_269 : memref<16x128xi32, #tpu.memory_space<hbm>>) target(%arg8 : memref<16x128xi32, #tpu.memory_space<vmem>>) target_semaphore(%run_scoped3A_265 : memref<!tpu.dma_semaphore, #tpu.memory_space<semaphore_mem>>)
          %dma_wait3A_270 = arith.constant 0 : i32
          %dma_wait3A_271 = tpu.memref_slice %arg4[%add3A_27, %dma_wait3A_270] : memref<2560x128xi32, #tpu.memory_space<hbm>> -> memref<16x128xi32, #tpu.memory_space<hbm>>
          %dma_wait3A_272 = arith.constant 0 : i32
          %dma_wait3A_273 = tpu.memref_slice %arg4[%add3A_27, %dma_wait3A_272] : memref<2560x128xi32, #tpu.memory_space<hbm>> -> memref<16x128xi32, #tpu.memory_space<hbm>>
          tpu.wait_dma2 semaphore(%run_scoped3A_265 : memref<!tpu.dma_semaphore, #tpu.memory_space<semaphore_mem>>) src(%dma_wait3A_273 : memref<16x128xi32, #tpu.memory_space<hbm>>) dst(%arg8 : memref<16x128xi32, #tpu.memory_space<vmem>>)
          tpu.yield
        }) : () -> ()
        %dma_start3A = arith.constant 0 : i32
        %dma_start3A_28 = arith.constant 0 : i32
        %dma_start3A_29 = tpu.memref_slice %arg7[%dma_start3A, %dma_start3A_28] : memref<16x128xi32, #tpu.memory_space<vmem>> -> memref<1x128xi32, #tpu.memory_space<vmem>>
        %dma_start3A_30 = tpu.memref_squeeze %dma_start3A_29 : memref<1x128xi32, #tpu.memory_space<vmem>> -> memref<128xi32, #tpu.memory_space<vmem>>
        %dma_start3A_31 = arith.constant 0 : i32
        %dma_start3A_32 = arith.constant 0 : i32
        %dma_start3A_33 = tpu.memref_slice %arg2[%dma_start3A_31, %dma_start3A_32] : memref<10000x128xf32, #tpu.memory_space<hbm>> -> memref<10000x128xf32, #tpu.memory_space<hbm>>
        tpu.enqueue_indirect_dma source(%dma_start3A_33 : memref<10000x128xf32, #tpu.memory_space<hbm>>) target(%arg9 : memref<128x128xf32, #tpu.memory_space<vmem>>) offsets(%dma_start3A_30 : memref<128xi32, #tpu.memory_space<vmem>>) semaphore(%arg12 : memref<!tpu.dma_semaphore, #tpu.memory_space<semaphore_mem>>)
        %dma_start3A_34 = arith.constant 1 : i32
        %dma_start3A_35 = arith.constant 0 : i32
        %dma_start3A_36 = tpu.memref_slice %arg7[%dma_start3A_34, %dma_start3A_35] : memref<16x128xi32, #tpu.memory_space<vmem>> -> memref<1x128xi32, #tpu.memory_space<vmem>>
        %dma_start3A_37 = tpu.memref_squeeze %dma_start3A_36 : memref<1x128xi32, #tpu.memory_space<vmem>> -> memref<128xi32, #tpu.memory_space<vmem>>
        %dma_start3A_38 = arith.constant 0 : i32
        %dma_start3A_39 = arith.constant 0 : i32
        %dma_start3A_40 = tpu.memref_slice %arg2[%dma_start3A_38, %dma_start3A_39] : memref<10000x128xf32, #tpu.memory_space<hbm>> -> memref<10000x128xf32, #tpu.memory_space<hbm>>
        tpu.enqueue_indirect_dma source(%dma_start3A_40 : memref<10000x128xf32, #tpu.memory_space<hbm>>) target(%arg10 : memref<128x128xf32, #tpu.memory_space<vmem>>) offsets(%dma_start3A_37 : memref<128xi32, #tpu.memory_space<vmem>>) semaphore(%arg13 : memref<!tpu.dma_semaphore, #tpu.memory_space<semaphore_mem>>)
        %dma_wait3A = arith.constant 0 : i32
        %dma_wait3A_41 = arith.constant 0 : i32
        %dma_wait3A_42 = tpu.memref_slice %arg7[%dma_wait3A, %dma_wait3A_41] : memref<16x128xi32, #tpu.memory_space<vmem>> -> memref<1x128xi32, #tpu.memory_space<vmem>>
        %dma_wait3A_43 = tpu.memref_squeeze %dma_wait3A_42 : memref<1x128xi32, #tpu.memory_space<vmem>> -> memref<128xi32, #tpu.memory_space<vmem>>
        %dma_wait3A_44 = arith.constant 0 : i32
        %dma_wait3A_45 = arith.constant 0 : i32
        %dma_wait3A_46 = tpu.memref_slice %arg2[%dma_wait3A_44, %dma_wait3A_45] : memref<10000x128xf32, #tpu.memory_space<hbm>> -> memref<10000x128xf32, #tpu.memory_space<hbm>>
        tpu.wait_indirect_dma semaphore(%arg12 : memref<!tpu.dma_semaphore, #tpu.memory_space<semaphore_mem>>) src(%dma_wait3A_46 : memref<10000x128xf32, #tpu.memory_space<hbm>>) dst(%arg9 : memref<128x128xf32, #tpu.memory_space<vmem>>)
        %run_scoped3A = arith.constant 0 : i32
        "tpu.region"() ({
          %run_scoped3A_265 = tpu.sem_alloc : memref<!tpu.dma_semaphore, #tpu.memory_space<semaphore_mem>>
          %dma_start3A_266 = arith.constant 0 : i32
          %dma_start3A_267 = tpu.memref_slice %arg8[%run_scoped3A, %dma_start3A_266] : memref<16x128xi32, #tpu.memory_space<vmem>> -> memref<1x128xi32, #tpu.memory_space<vmem>>
          %dma_start3A_268 = tpu.memref_squeeze %dma_start3A_267 : memref<1x128xi32, #tpu.memory_space<vmem>> -> memref<128xi32, #tpu.memory_space<vmem>>
          %dma_start3A_269 = arith.constant 0 : i32
          %dma_start3A_270 = arith.constant 0 : i32
          %dma_start3A_271 = tpu.memref_slice %arg11[%dma_start3A_269, %dma_start3A_270] : memref<10240x128xf32, #tpu.memory_space<vmem_shared>> -> memref<10240x128xf32, #tpu.memory_space<vmem_shared>>
          tpu.enqueue_indirect_dma source(%arg9 : memref<128x128xf32, #tpu.memory_space<vmem>>) target(%dma_start3A_271 : memref<10240x128xf32, #tpu.memory_space<vmem_shared>>) offsets(%dma_start3A_268 : memref<128xi32, #tpu.memory_space<vmem>>) semaphore(%run_scoped3A_265 : memref<!tpu.dma_semaphore, #tpu.memory_space<semaphore_mem>>) {add = true}
          %dma_wait3A_272 = arith.constant 0 : i32
          %dma_wait3A_273 = tpu.memref_slice %arg8[%run_scoped3A, %dma_wait3A_272] : memref<16x128xi32, #tpu.memory_space<vmem>> -> memref<1x128xi32, #tpu.memory_space<vmem>>
          %dma_wait3A_274 = tpu.memref_squeeze %dma_wait3A_273 : memref<1x128xi32, #tpu.memory_space<vmem>> -> memref<128xi32, #tpu.memory_space<vmem>>
          %dma_wait3A_275 = arith.constant 0 : i32
          %dma_wait3A_276 = arith.constant 0 : i32
          %dma_wait3A_277 = tpu.memref_slice %arg11[%dma_wait3A_275, %dma_wait3A_276] : memref<10240x128xf32, #tpu.memory_space<vmem_shared>> -> memref<10240x128xf32, #tpu.memory_space<vmem_shared>>
          tpu.wait_indirect_dma semaphore(%run_scoped3A_265 : memref<!tpu.dma_semaphore, #tpu.memory_space<semaphore_mem>>) src(%arg9 : memref<128x128xf32, #tpu.memory_space<vmem>>) dst(%dma_wait3A_277 : memref<10240x128xf32, #tpu.memory_space<vmem_shared>>)
          tpu.yield
        }) : () -> ()
        %dma_start3A_47 = arith.constant 2 : i32
        %dma_start3A_48 = arith.constant 0 : i32
        %dma_start3A_49 = tpu.memref_slice %arg7[%dma_start3A_47, %dma_start3A_48] : memref<16x128xi32, #tpu.memory_space<vmem>> -> memref<1x128xi32, #tpu.memory_space<vmem>>
        %dma_start3A_50 = tpu.memref_squeeze %dma_start3A_49 : memref<1x128xi32, #tpu.memory_space<vmem>> -> memref<128xi32, #tpu.memory_space<vmem>>
        %dma_start3A_51 = arith.constant 0 : i32
        %dma_start3A_52 = arith.constant 0 : i32
        %dma_start3A_53 = tpu.memref_slice %arg2[%dma_start3A_51, %dma_start3A_52] : memref<10000x128xf32, #tpu.memory_space<hbm>> -> memref<10000x128xf32, #tpu.memory_space<hbm>>
        tpu.enqueue_indirect_dma source(%dma_start3A_53 : memref<10000x128xf32, #tpu.memory_space<hbm>>) target(%arg9 : memref<128x128xf32, #tpu.memory_space<vmem>>) offsets(%dma_start3A_50 : memref<128xi32, #tpu.memory_space<vmem>>) semaphore(%arg12 : memref<!tpu.dma_semaphore, #tpu.memory_space<semaphore_mem>>)
        %dma_wait3A_54 = arith.constant 1 : i32
        %dma_wait3A_55 = arith.constant 0 : i32
        %dma_wait3A_56 = tpu.memref_slice %arg7[%dma_wait3A_54, %dma_wait3A_55] : memref<16x128xi32, #tpu.memory_space<vmem>> -> memref<1x128xi32, #tpu.memory_space<vmem>>
        %dma_wait3A_57 = tpu.memref_squeeze %dma_wait3A_56 : memref<1x128xi32, #tpu.memory_space<vmem>> -> memref<128xi32, #tpu.memory_space<vmem>>
        %dma_wait3A_58 = arith.constant 0 : i32
        %dma_wait3A_59 = arith.constant 0 : i32
        %dma_wait3A_60 = tpu.memref_slice %arg2[%dma_wait3A_58, %dma_wait3A_59] : memref<10000x128xf32, #tpu.memory_space<hbm>> -> memref<10000x128xf32, #tpu.memory_space<hbm>>
        tpu.wait_indirect_dma semaphore(%arg13 : memref<!tpu.dma_semaphore, #tpu.memory_space<semaphore_mem>>) src(%dma_wait3A_60 : memref<10000x128xf32, #tpu.memory_space<hbm>>) dst(%arg10 : memref<128x128xf32, #tpu.memory_space<vmem>>)
        %run_scoped3A_61 = arith.constant 1 : i32
        "tpu.region"() ({
          %run_scoped3A_265 = tpu.sem_alloc : memref<!tpu.dma_semaphore, #tpu.memory_space<semaphore_mem>>
          %dma_start3A_266 = arith.constant 0 : i32
          %dma_start3A_267 = tpu.memref_slice %arg8[%run_scoped3A_61, %dma_start3A_266] : memref<16x128xi32, #tpu.memory_space<vmem>> -> memref<1x128xi32, #tpu.memory_space<vmem>>
          %dma_start3A_268 = tpu.memref_squeeze %dma_start3A_267 : memref<1x128xi32, #tpu.memory_space<vmem>> -> memref<128xi32, #tpu.memory_space<vmem>>
          %dma_start3A_269 = arith.constant 0 : i32
          %dma_start3A_270 = arith.constant 0 : i32
          %dma_start3A_271 = tpu.memref_slice %arg11[%dma_start3A_269, %dma_start3A_270] : memref<10240x128xf32, #tpu.memory_space<vmem_shared>> -> memref<10240x128xf32, #tpu.memory_space<vmem_shared>>
          tpu.enqueue_indirect_dma source(%arg10 : memref<128x128xf32, #tpu.memory_space<vmem>>) target(%dma_start3A_271 : memref<10240x128xf32, #tpu.memory_space<vmem_shared>>) offsets(%dma_start3A_268 : memref<128xi32, #tpu.memory_space<vmem>>) semaphore(%run_scoped3A_265 : memref<!tpu.dma_semaphore, #tpu.memory_space<semaphore_mem>>) {add = true}
          %dma_wait3A_272 = arith.constant 0 : i32
          %dma_wait3A_273 = tpu.memref_slice %arg8[%run_scoped3A_61, %dma_wait3A_272] : memref<16x128xi32, #tpu.memory_space<vmem>> -> memref<1x128xi32, #tpu.memory_space<vmem>>
          %dma_wait3A_274 = tpu.memref_squeeze %dma_wait3A_273 : memref<1x128xi32, #tpu.memory_space<vmem>> -> memref<128xi32, #tpu.memory_space<vmem>>
          %dma_wait3A_275 = arith.constant 0 : i32
          %dma_wait3A_276 = arith.constant 0 : i32
          %dma_wait3A_277 = tpu.memref_slice %arg11[%dma_wait3A_275, %dma_wait3A_276] : memref<10240x128xf32, #tpu.memory_space<vmem_shared>> -> memref<10240x128xf32, #tpu.memory_space<vmem_shared>>
          tpu.wait_indirect_dma semaphore(%run_scoped3A_265 : memref<!tpu.dma_semaphore, #tpu.memory_space<semaphore_mem>>) src(%arg10 : memref<128x128xf32, #tpu.memory_space<vmem>>) dst(%dma_wait3A_277 : memref<10240x128xf32, #tpu.memory_space<vmem_shared>>)
          tpu.yield
        }) : () -> ()
        %dma_start3A_62 = arith.constant 3 : i32
        %dma_start3A_63 = arith.constant 0 : i32
        %dma_start3A_64 = tpu.memref_slice %arg7[%dma_start3A_62, %dma_start3A_63] : memref<16x128xi32, #tpu.memory_space<vmem>> -> memref<1x128xi32, #tpu.memory_space<vmem>>
        %dma_start3A_65 = tpu.memref_squeeze %dma_start3A_64 : memref<1x128xi32, #tpu.memory_space<vmem>> -> memref<128xi32, #tpu.memory_space<vmem>>
        %dma_start3A_66 = arith.constant 0 : i32
        %dma_start3A_67 = arith.constant 0 : i32
        %dma_start3A_68 = tpu.memref_slice %arg2[%dma_start3A_66, %dma_start3A_67] : memref<10000x128xf32, #tpu.memory_space<hbm>> -> memref<10000x128xf32, #tpu.memory_space<hbm>>
        tpu.enqueue_indirect_dma source(%dma_start3A_68 : memref<10000x128xf32, #tpu.memory_space<hbm>>) target(%arg10 : memref<128x128xf32, #tpu.memory_space<vmem>>) offsets(%dma_start3A_65 : memref<128xi32, #tpu.memory_space<vmem>>) semaphore(%arg13 : memref<!tpu.dma_semaphore, #tpu.memory_space<semaphore_mem>>)
        %dma_wait3A_69 = arith.constant 2 : i32
        %dma_wait3A_70 = arith.constant 0 : i32
        %dma_wait3A_71 = tpu.memref_slice %arg7[%dma_wait3A_69, %dma_wait3A_70] : memref<16x128xi32, #tpu.memory_space<vmem>> -> memref<1x128xi32, #tpu.memory_space<vmem>>
        %dma_wait3A_72 = tpu.memref_squeeze %dma_wait3A_71 : memref<1x128xi32, #tpu.memory_space<vmem>> -> memref<128xi32, #tpu.memory_space<vmem>>
        %dma_wait3A_73 = arith.constant 0 : i32
        %dma_wait3A_74 = arith.constant 0 : i32
        %dma_wait3A_75 = tpu.memref_slice %arg2[%dma_wait3A_73, %dma_wait3A_74] : memref<10000x128xf32, #tpu.memory_space<hbm>> -> memref<10000x128xf32, #tpu.memory_space<hbm>>
        tpu.wait_indirect_dma semaphore(%arg12 : memref<!tpu.dma_semaphore, #tpu.memory_space<semaphore_mem>>) src(%dma_wait3A_75 : memref<10000x128xf32, #tpu.memory_space<hbm>>) dst(%arg9 : memref<128x128xf32, #tpu.memory_space<vmem>>)
        %run_scoped3A_76 = arith.constant 2 : i32
        "tpu.region"() ({
          %run_scoped3A_265 = tpu.sem_alloc : memref<!tpu.dma_semaphore, #tpu.memory_space<semaphore_mem>>
          %dma_start3A_266 = arith.constant 0 : i32
          %dma_start3A_267 = tpu.memref_slice %arg8[%run_scoped3A_76, %dma_start3A_266] : memref<16x128xi32, #tpu.memory_space<vmem>> -> memref<1x128xi32, #tpu.memory_space<vmem>>
          %dma_start3A_268 = tpu.memref_squeeze %dma_start3A_267 : memref<1x128xi32, #tpu.memory_space<vmem>> -> memref<128xi32, #tpu.memory_space<vmem>>
          %dma_start3A_269 = arith.constant 0 : i32
          %dma_start3A_270 = arith.constant 0 : i32
          %dma_start3A_271 = tpu.memref_slice %arg11[%dma_start3A_269, %dma_start3A_270] : memref<10240x128xf32, #tpu.memory_space<vmem_shared>> -> memref<10240x128xf32, #tpu.memory_space<vmem_shared>>
          tpu.enqueue_indirect_dma source(%arg9 : memref<128x128xf32, #tpu.memory_space<vmem>>) target(%dma_start3A_271 : memref<10240x128xf32, #tpu.memory_space<vmem_shared>>) offsets(%dma_start3A_268 : memref<128xi32, #tpu.memory_space<vmem>>) semaphore(%run_scoped3A_265 : memref<!tpu.dma_semaphore, #tpu.memory_space<semaphore_mem>>) {add = true}
          %dma_wait3A_272 = arith.constant 0 : i32
          %dma_wait3A_273 = tpu.memref_slice %arg8[%run_scoped3A_76, %dma_wait3A_272] : memref<16x128xi32, #tpu.memory_space<vmem>> -> memref<1x128xi32, #tpu.memory_space<vmem>>
          %dma_wait3A_274 = tpu.memref_squeeze %dma_wait3A_273 : memref<1x128xi32, #tpu.memory_space<vmem>> -> memref<128xi32, #tpu.memory_space<vmem>>
          %dma_wait3A_275 = arith.constant 0 : i32
          %dma_wait3A_276 = arith.constant 0 : i32
          %dma_wait3A_277 = tpu.memref_slice %arg11[%dma_wait3A_275, %dma_wait3A_276] : memref<10240x128xf32, #tpu.memory_space<vmem_shared>> -> memref<10240x128xf32, #tpu.memory_space<vmem_shared>>
          tpu.wait_indirect_dma semaphore(%run_scoped3A_265 : memref<!tpu.dma_semaphore, #tpu.memory_space<semaphore_mem>>) src(%arg9 : memref<128x128xf32, #tpu.memory_space<vmem>>) dst(%dma_wait3A_277 : memref<10240x128xf32, #tpu.memory_space<vmem_shared>>)
          tpu.yield
        }) : () -> ()
        %dma_start3A_77 = arith.constant 4 : i32
        %dma_start3A_78 = arith.constant 0 : i32
        %dma_start3A_79 = tpu.memref_slice %arg7[%dma_start3A_77, %dma_start3A_78] : memref<16x128xi32, #tpu.memory_space<vmem>> -> memref<1x128xi32, #tpu.memory_space<vmem>>
        %dma_start3A_80 = tpu.memref_squeeze %dma_start3A_79 : memref<1x128xi32, #tpu.memory_space<vmem>> -> memref<128xi32, #tpu.memory_space<vmem>>
        %dma_start3A_81 = arith.constant 0 : i32
        %dma_start3A_82 = arith.constant 0 : i32
        %dma_start3A_83 = tpu.memref_slice %arg2[%dma_start3A_81, %dma_start3A_82] : memref<10000x128xf32, #tpu.memory_space<hbm>> -> memref<10000x128xf32, #tpu.memory_space<hbm>>
        tpu.enqueue_indirect_dma source(%dma_start3A_83 : memref<10000x128xf32, #tpu.memory_space<hbm>>) target(%arg9 : memref<128x128xf32, #tpu.memory_space<vmem>>) offsets(%dma_start3A_80 : memref<128xi32, #tpu.memory_space<vmem>>) semaphore(%arg12 : memref<!tpu.dma_semaphore, #tpu.memory_space<semaphore_mem>>)
        %dma_wait3A_84 = arith.constant 3 : i32
        %dma_wait3A_85 = arith.constant 0 : i32
        %dma_wait3A_86 = tpu.memref_slice %arg7[%dma_wait3A_84, %dma_wait3A_85] : memref<16x128xi32, #tpu.memory_space<vmem>> -> memref<1x128xi32, #tpu.memory_space<vmem>>
        %dma_wait3A_87 = tpu.memref_squeeze %dma_wait3A_86 : memref<1x128xi32, #tpu.memory_space<vmem>> -> memref<128xi32, #tpu.memory_space<vmem>>
        %dma_wait3A_88 = arith.constant 0 : i32
        %dma_wait3A_89 = arith.constant 0 : i32
        %dma_wait3A_90 = tpu.memref_slice %arg2[%dma_wait3A_88, %dma_wait3A_89] : memref<10000x128xf32, #tpu.memory_space<hbm>> -> memref<10000x128xf32, #tpu.memory_space<hbm>>
        tpu.wait_indirect_dma semaphore(%arg13 : memref<!tpu.dma_semaphore, #tpu.memory_space<semaphore_mem>>) src(%dma_wait3A_90 : memref<10000x128xf32, #tpu.memory_space<hbm>>) dst(%arg10 : memref<128x128xf32, #tpu.memory_space<vmem>>)
        %run_scoped3A_91 = arith.constant 3 : i32
        "tpu.region"() ({
          %run_scoped3A_265 = tpu.sem_alloc : memref<!tpu.dma_semaphore, #tpu.memory_space<semaphore_mem>>
          %dma_start3A_266 = arith.constant 0 : i32
          %dma_start3A_267 = tpu.memref_slice %arg8[%run_scoped3A_91, %dma_start3A_266] : memref<16x128xi32, #tpu.memory_space<vmem>> -> memref<1x128xi32, #tpu.memory_space<vmem>>
          %dma_start3A_268 = tpu.memref_squeeze %dma_start3A_267 : memref<1x128xi32, #tpu.memory_space<vmem>> -> memref<128xi32, #tpu.memory_space<vmem>>
          %dma_start3A_269 = arith.constant 0 : i32
          %dma_start3A_270 = arith.constant 0 : i32
          %dma_start3A_271 = tpu.memref_slice %arg11[%dma_start3A_269, %dma_start3A_270] : memref<10240x128xf32, #tpu.memory_space<vmem_shared>> -> memref<10240x128xf32, #tpu.memory_space<vmem_shared>>
          tpu.enqueue_indirect_dma source(%arg10 : memref<128x128xf32, #tpu.memory_space<vmem>>) target(%dma_start3A_271 : memref<10240x128xf32, #tpu.memory_space<vmem_shared>>) offsets(%dma_start3A_268 : memref<128xi32, #tpu.memory_space<vmem>>) semaphore(%run_scoped3A_265 : memref<!tpu.dma_semaphore, #tpu.memory_space<semaphore_mem>>) {add = true}
          %dma_wait3A_272 = arith.constant 0 : i32
          %dma_wait3A_273 = tpu.memref_slice %arg8[%run_scoped3A_91, %dma_wait3A_272] : memref<16x128xi32, #tpu.memory_space<vmem>> -> memref<1x128xi32, #tpu.memory_space<vmem>>
          %dma_wait3A_274 = tpu.memref_squeeze %dma_wait3A_273 : memref<1x128xi32, #tpu.memory_space<vmem>> -> memref<128xi32, #tpu.memory_space<vmem>>
          %dma_wait3A_275 = arith.constant 0 : i32
          %dma_wait3A_276 = arith.constant 0 : i32
          %dma_wait3A_277 = tpu.memref_slice %arg11[%dma_wait3A_275, %dma_wait3A_276] : memref<10240x128xf32, #tpu.memory_space<vmem_shared>> -> memref<10240x128xf32, #tpu.memory_space<vmem_shared>>
          tpu.wait_indirect_dma semaphore(%run_scoped3A_265 : memref<!tpu.dma_semaphore, #tpu.memory_space<semaphore_mem>>) src(%arg10 : memref<128x128xf32, #tpu.memory_space<vmem>>) dst(%dma_wait3A_277 : memref<10240x128xf32, #tpu.memory_space<vmem_shared>>)
          tpu.yield
        }) : () -> ()
        %dma_start3A_92 = arith.constant 5 : i32
        %dma_start3A_93 = arith.constant 0 : i32
        %dma_start3A_94 = tpu.memref_slice %arg7[%dma_start3A_92, %dma_start3A_93] : memref<16x128xi32, #tpu.memory_space<vmem>> -> memref<1x128xi32, #tpu.memory_space<vmem>>
        %dma_start3A_95 = tpu.memref_squeeze %dma_start3A_94 : memref<1x128xi32, #tpu.memory_space<vmem>> -> memref<128xi32, #tpu.memory_space<vmem>>
        %dma_start3A_96 = arith.constant 0 : i32
        %dma_start3A_97 = arith.constant 0 : i32
        %dma_start3A_98 = tpu.memref_slice %arg2[%dma_start3A_96, %dma_start3A_97] : memref<10000x128xf32, #tpu.memory_space<hbm>> -> memref<10000x128xf32, #tpu.memory_space<hbm>>
        tpu.enqueue_indirect_dma source(%dma_start3A_98 : memref<10000x128xf32, #tpu.memory_space<hbm>>) target(%arg10 : memref<128x128xf32, #tpu.memory_space<vmem>>) offsets(%dma_start3A_95 : memref<128xi32, #tpu.memory_space<vmem>>) semaphore(%arg13 : memref<!tpu.dma_semaphore, #tpu.memory_space<semaphore_mem>>)
        %dma_wait3A_99 = arith.constant 4 : i32
        %dma_wait3A_100 = arith.constant 0 : i32
        %dma_wait3A_101 = tpu.memref_slice %arg7[%dma_wait3A_99, %dma_wait3A_100] : memref<16x128xi32, #tpu.memory_space<vmem>> -> memref<1x128xi32, #tpu.memory_space<vmem>>
        %dma_wait3A_102 = tpu.memref_squeeze %dma_wait3A_101 : memref<1x128xi32, #tpu.memory_space<vmem>> -> memref<128xi32, #tpu.memory_space<vmem>>
        %dma_wait3A_103 = arith.constant 0 : i32
        %dma_wait3A_104 = arith.constant 0 : i32
        %dma_wait3A_105 = tpu.memref_slice %arg2[%dma_wait3A_103, %dma_wait3A_104] : memref<10000x128xf32, #tpu.memory_space<hbm>> -> memref<10000x128xf32, #tpu.memory_space<hbm>>
        tpu.wait_indirect_dma semaphore(%arg12 : memref<!tpu.dma_semaphore, #tpu.memory_space<semaphore_mem>>) src(%dma_wait3A_105 : memref<10000x128xf32, #tpu.memory_space<hbm>>) dst(%arg9 : memref<128x128xf32, #tpu.memory_space<vmem>>)
        %run_scoped3A_106 = arith.constant 4 : i32
        "tpu.region"() ({
          %run_scoped3A_265 = tpu.sem_alloc : memref<!tpu.dma_semaphore, #tpu.memory_space<semaphore_mem>>
          %dma_start3A_266 = arith.constant 0 : i32
          %dma_start3A_267 = tpu.memref_slice %arg8[%run_scoped3A_106, %dma_start3A_266] : memref<16x128xi32, #tpu.memory_space<vmem>> -> memref<1x128xi32, #tpu.memory_space<vmem>>
          %dma_start3A_268 = tpu.memref_squeeze %dma_start3A_267 : memref<1x128xi32, #tpu.memory_space<vmem>> -> memref<128xi32, #tpu.memory_space<vmem>>
          %dma_start3A_269 = arith.constant 0 : i32
          %dma_start3A_270 = arith.constant 0 : i32
          %dma_start3A_271 = tpu.memref_slice %arg11[%dma_start3A_269, %dma_start3A_270] : memref<10240x128xf32, #tpu.memory_space<vmem_shared>> -> memref<10240x128xf32, #tpu.memory_space<vmem_shared>>
          tpu.enqueue_indirect_dma source(%arg9 : memref<128x128xf32, #tpu.memory_space<vmem>>) target(%dma_start3A_271 : memref<10240x128xf32, #tpu.memory_space<vmem_shared>>) offsets(%dma_start3A_268 : memref<128xi32, #tpu.memory_space<vmem>>) semaphore(%run_scoped3A_265 : memref<!tpu.dma_semaphore, #tpu.memory_space<semaphore_mem>>) {add = true}
          %dma_wait3A_272 = arith.constant 0 : i32
          %dma_wait3A_273 = tpu.memref_slice %arg8[%run_scoped3A_106, %dma_wait3A_272] : memref<16x128xi32, #tpu.memory_space<vmem>> -> memref<1x128xi32, #tpu.memory_space<vmem>>
          %dma_wait3A_274 = tpu.memref_squeeze %dma_wait3A_273 : memref<1x128xi32, #tpu.memory_space<vmem>> -> memref<128xi32, #tpu.memory_space<vmem>>
          %dma_wait3A_275 = arith.constant 0 : i32
          %dma_wait3A_276 = arith.constant 0 : i32
          %dma_wait3A_277 = tpu.memref_slice %arg11[%dma_wait3A_275, %dma_wait3A_276] : memref<10240x128xf32, #tpu.memory_space<vmem_shared>> -> memref<10240x128xf32, #tpu.memory_space<vmem_shared>>
          tpu.wait_indirect_dma semaphore(%run_scoped3A_265 : memref<!tpu.dma_semaphore, #tpu.memory_space<semaphore_mem>>) src(%arg9 : memref<128x128xf32, #tpu.memory_space<vmem>>) dst(%dma_wait3A_277 : memref<10240x128xf32, #tpu.memory_space<vmem_shared>>)
          tpu.yield
        }) : () -> ()
        %dma_start3A_107 = arith.constant 6 : i32
        %dma_start3A_108 = arith.constant 0 : i32
        %dma_start3A_109 = tpu.memref_slice %arg7[%dma_start3A_107, %dma_start3A_108] : memref<16x128xi32, #tpu.memory_space<vmem>> -> memref<1x128xi32, #tpu.memory_space<vmem>>
        %dma_start3A_110 = tpu.memref_squeeze %dma_start3A_109 : memref<1x128xi32, #tpu.memory_space<vmem>> -> memref<128xi32, #tpu.memory_space<vmem>>
        %dma_start3A_111 = arith.constant 0 : i32
        %dma_start3A_112 = arith.constant 0 : i32
        %dma_start3A_113 = tpu.memref_slice %arg2[%dma_start3A_111, %dma_start3A_112] : memref<10000x128xf32, #tpu.memory_space<hbm>> -> memref<10000x128xf32, #tpu.memory_space<hbm>>
        tpu.enqueue_indirect_dma source(%dma_start3A_113 : memref<10000x128xf32, #tpu.memory_space<hbm>>) target(%arg9 : memref<128x128xf32, #tpu.memory_space<vmem>>) offsets(%dma_start3A_110 : memref<128xi32, #tpu.memory_space<vmem>>) semaphore(%arg12 : memref<!tpu.dma_semaphore, #tpu.memory_space<semaphore_mem>>)
        %dma_wait3A_114 = arith.constant 5 : i32
        %dma_wait3A_115 = arith.constant 0 : i32
        %dma_wait3A_116 = tpu.memref_slice %arg7[%dma_wait3A_114, %dma_wait3A_115] : memref<16x128xi32, #tpu.memory_space<vmem>> -> memref<1x128xi32, #tpu.memory_space<vmem>>
        %dma_wait3A_117 = tpu.memref_squeeze %dma_wait3A_116 : memref<1x128xi32, #tpu.memory_space<vmem>> -> memref<128xi32, #tpu.memory_space<vmem>>
        %dma_wait3A_118 = arith.constant 0 : i32
        %dma_wait3A_119 = arith.constant 0 : i32
        %dma_wait3A_120 = tpu.memref_slice %arg2[%dma_wait3A_118, %dma_wait3A_119] : memref<10000x128xf32, #tpu.memory_space<hbm>> -> memref<10000x128xf32, #tpu.memory_space<hbm>>
        tpu.wait_indirect_dma semaphore(%arg13 : memref<!tpu.dma_semaphore, #tpu.memory_space<semaphore_mem>>) src(%dma_wait3A_120 : memref<10000x128xf32, #tpu.memory_space<hbm>>) dst(%arg10 : memref<128x128xf32, #tpu.memory_space<vmem>>)
        %run_scoped3A_121 = arith.constant 5 : i32
        "tpu.region"() ({
          %run_scoped3A_265 = tpu.sem_alloc : memref<!tpu.dma_semaphore, #tpu.memory_space<semaphore_mem>>
          %dma_start3A_266 = arith.constant 0 : i32
          %dma_start3A_267 = tpu.memref_slice %arg8[%run_scoped3A_121, %dma_start3A_266] : memref<16x128xi32, #tpu.memory_space<vmem>> -> memref<1x128xi32, #tpu.memory_space<vmem>>
          %dma_start3A_268 = tpu.memref_squeeze %dma_start3A_267 : memref<1x128xi32, #tpu.memory_space<vmem>> -> memref<128xi32, #tpu.memory_space<vmem>>
          %dma_start3A_269 = arith.constant 0 : i32
          %dma_start3A_270 = arith.constant 0 : i32
          %dma_start3A_271 = tpu.memref_slice %arg11[%dma_start3A_269, %dma_start3A_270] : memref<10240x128xf32, #tpu.memory_space<vmem_shared>> -> memref<10240x128xf32, #tpu.memory_space<vmem_shared>>
          tpu.enqueue_indirect_dma source(%arg10 : memref<128x128xf32, #tpu.memory_space<vmem>>) target(%dma_start3A_271 : memref<10240x128xf32, #tpu.memory_space<vmem_shared>>) offsets(%dma_start3A_268 : memref<128xi32, #tpu.memory_space<vmem>>) semaphore(%run_scoped3A_265 : memref<!tpu.dma_semaphore, #tpu.memory_space<semaphore_mem>>) {add = true}
          %dma_wait3A_272 = arith.constant 0 : i32
          %dma_wait3A_273 = tpu.memref_slice %arg8[%run_scoped3A_121, %dma_wait3A_272] : memref<16x128xi32, #tpu.memory_space<vmem>> -> memref<1x128xi32, #tpu.memory_space<vmem>>
          %dma_wait3A_274 = tpu.memref_squeeze %dma_wait3A_273 : memref<1x128xi32, #tpu.memory_space<vmem>> -> memref<128xi32, #tpu.memory_space<vmem>>
          %dma_wait3A_275 = arith.constant 0 : i32
          %dma_wait3A_276 = arith.constant 0 : i32
          %dma_wait3A_277 = tpu.memref_slice %arg11[%dma_wait3A_275, %dma_wait3A_276] : memref<10240x128xf32, #tpu.memory_space<vmem_shared>> -> memref<10240x128xf32, #tpu.memory_space<vmem_shared>>
          tpu.wait_indirect_dma semaphore(%run_scoped3A_265 : memref<!tpu.dma_semaphore, #tpu.memory_space<semaphore_mem>>) src(%arg10 : memref<128x128xf32, #tpu.memory_space<vmem>>) dst(%dma_wait3A_277 : memref<10240x128xf32, #tpu.memory_space<vmem_shared>>)
          tpu.yield
        }) : () -> ()
        %dma_start3A_122 = arith.constant 7 : i32
        %dma_start3A_123 = arith.constant 0 : i32
        %dma_start3A_124 = tpu.memref_slice %arg7[%dma_start3A_122, %dma_start3A_123] : memref<16x128xi32, #tpu.memory_space<vmem>> -> memref<1x128xi32, #tpu.memory_space<vmem>>
        %dma_start3A_125 = tpu.memref_squeeze %dma_start3A_124 : memref<1x128xi32, #tpu.memory_space<vmem>> -> memref<128xi32, #tpu.memory_space<vmem>>
        %dma_start3A_126 = arith.constant 0 : i32
        %dma_start3A_127 = arith.constant 0 : i32
        %dma_start3A_128 = tpu.memref_slice %arg2[%dma_start3A_126, %dma_start3A_127] : memref<10000x128xf32, #tpu.memory_space<hbm>> -> memref<10000x128xf32, #tpu.memory_space<hbm>>
        tpu.enqueue_indirect_dma source(%dma_start3A_128 : memref<10000x128xf32, #tpu.memory_space<hbm>>) target(%arg10 : memref<128x128xf32, #tpu.memory_space<vmem>>) offsets(%dma_start3A_125 : memref<128xi32, #tpu.memory_space<vmem>>) semaphore(%arg13 : memref<!tpu.dma_semaphore, #tpu.memory_space<semaphore_mem>>)
        %dma_wait3A_129 = arith.constant 6 : i32
        %dma_wait3A_130 = arith.constant 0 : i32
        %dma_wait3A_131 = tpu.memref_slice %arg7[%dma_wait3A_129, %dma_wait3A_130] : memref<16x128xi32, #tpu.memory_space<vmem>> -> memref<1x128xi32, #tpu.memory_space<vmem>>
        %dma_wait3A_132 = tpu.memref_squeeze %dma_wait3A_131 : memref<1x128xi32, #tpu.memory_space<vmem>> -> memref<128xi32, #tpu.memory_space<vmem>>
        %dma_wait3A_133 = arith.constant 0 : i32
        %dma_wait3A_134 = arith.constant 0 : i32
        %dma_wait3A_135 = tpu.memref_slice %arg2[%dma_wait3A_133, %dma_wait3A_134] : memref<10000x128xf32, #tpu.memory_space<hbm>> -> memref<10000x128xf32, #tpu.memory_space<hbm>>
        tpu.wait_indirect_dma semaphore(%arg12 : memref<!tpu.dma_semaphore, #tpu.memory_space<semaphore_mem>>) src(%dma_wait3A_135 : memref<10000x128xf32, #tpu.memory_space<hbm>>) dst(%arg9 : memref<128x128xf32, #tpu.memory_space<vmem>>)
        %run_scoped3A_136 = arith.constant 6 : i32
        "tpu.region"() ({
          %run_scoped3A_265 = tpu.sem_alloc : memref<!tpu.dma_semaphore, #tpu.memory_space<semaphore_mem>>
          %dma_start3A_266 = arith.constant 0 : i32
          %dma_start3A_267 = tpu.memref_slice %arg8[%run_scoped3A_136, %dma_start3A_266] : memref<16x128xi32, #tpu.memory_space<vmem>> -> memref<1x128xi32, #tpu.memory_space<vmem>>
          %dma_start3A_268 = tpu.memref_squeeze %dma_start3A_267 : memref<1x128xi32, #tpu.memory_space<vmem>> -> memref<128xi32, #tpu.memory_space<vmem>>
          %dma_start3A_269 = arith.constant 0 : i32
          %dma_start3A_270 = arith.constant 0 : i32
          %dma_start3A_271 = tpu.memref_slice %arg11[%dma_start3A_269, %dma_start3A_270] : memref<10240x128xf32, #tpu.memory_space<vmem_shared>> -> memref<10240x128xf32, #tpu.memory_space<vmem_shared>>
          tpu.enqueue_indirect_dma source(%arg9 : memref<128x128xf32, #tpu.memory_space<vmem>>) target(%dma_start3A_271 : memref<10240x128xf32, #tpu.memory_space<vmem_shared>>) offsets(%dma_start3A_268 : memref<128xi32, #tpu.memory_space<vmem>>) semaphore(%run_scoped3A_265 : memref<!tpu.dma_semaphore, #tpu.memory_space<semaphore_mem>>) {add = true}
          %dma_wait3A_272 = arith.constant 0 : i32
          %dma_wait3A_273 = tpu.memref_slice %arg8[%run_scoped3A_136, %dma_wait3A_272] : memref<16x128xi32, #tpu.memory_space<vmem>> -> memref<1x128xi32, #tpu.memory_space<vmem>>
          %dma_wait3A_274 = tpu.memref_squeeze %dma_wait3A_273 : memref<1x128xi32, #tpu.memory_space<vmem>> -> memref<128xi32, #tpu.memory_space<vmem>>
          %dma_wait3A_275 = arith.constant 0 : i32
          %dma_wait3A_276 = arith.constant 0 : i32
          %dma_wait3A_277 = tpu.memref_slice %arg11[%dma_wait3A_275, %dma_wait3A_276] : memref<10240x128xf32, #tpu.memory_space<vmem_shared>> -> memref<10240x128xf32, #tpu.memory_space<vmem_shared>>
          tpu.wait_indirect_dma semaphore(%run_scoped3A_265 : memref<!tpu.dma_semaphore, #tpu.memory_space<semaphore_mem>>) src(%arg9 : memref<128x128xf32, #tpu.memory_space<vmem>>) dst(%dma_wait3A_277 : memref<10240x128xf32, #tpu.memory_space<vmem_shared>>)
          tpu.yield
        }) : () -> ()
        %dma_start3A_137 = arith.constant 8 : i32
        %dma_start3A_138 = arith.constant 0 : i32
        %dma_start3A_139 = tpu.memref_slice %arg7[%dma_start3A_137, %dma_start3A_138] : memref<16x128xi32, #tpu.memory_space<vmem>> -> memref<1x128xi32, #tpu.memory_space<vmem>>
        %dma_start3A_140 = tpu.memref_squeeze %dma_start3A_139 : memref<1x128xi32, #tpu.memory_space<vmem>> -> memref<128xi32, #tpu.memory_space<vmem>>
        %dma_start3A_141 = arith.constant 0 : i32
        %dma_start3A_142 = arith.constant 0 : i32
        %dma_start3A_143 = tpu.memref_slice %arg2[%dma_start3A_141, %dma_start3A_142] : memref<10000x128xf32, #tpu.memory_space<hbm>> -> memref<10000x128xf32, #tpu.memory_space<hbm>>
        tpu.enqueue_indirect_dma source(%dma_start3A_143 : memref<10000x128xf32, #tpu.memory_space<hbm>>) target(%arg9 : memref<128x128xf32, #tpu.memory_space<vmem>>) offsets(%dma_start3A_140 : memref<128xi32, #tpu.memory_space<vmem>>) semaphore(%arg12 : memref<!tpu.dma_semaphore, #tpu.memory_space<semaphore_mem>>)
        %dma_wait3A_144 = arith.constant 7 : i32
        %dma_wait3A_145 = arith.constant 0 : i32
        %dma_wait3A_146 = tpu.memref_slice %arg7[%dma_wait3A_144, %dma_wait3A_145] : memref<16x128xi32, #tpu.memory_space<vmem>> -> memref<1x128xi32, #tpu.memory_space<vmem>>
        %dma_wait3A_147 = tpu.memref_squeeze %dma_wait3A_146 : memref<1x128xi32, #tpu.memory_space<vmem>> -> memref<128xi32, #tpu.memory_space<vmem>>
        %dma_wait3A_148 = arith.constant 0 : i32
        %dma_wait3A_149 = arith.constant 0 : i32
        %dma_wait3A_150 = tpu.memref_slice %arg2[%dma_wait3A_148, %dma_wait3A_149] : memref<10000x128xf32, #tpu.memory_space<hbm>> -> memref<10000x128xf32, #tpu.memory_space<hbm>>
        tpu.wait_indirect_dma semaphore(%arg13 : memref<!tpu.dma_semaphore, #tpu.memory_space<semaphore_mem>>) src(%dma_wait3A_150 : memref<10000x128xf32, #tpu.memory_space<hbm>>) dst(%arg10 : memref<128x128xf32, #tpu.memory_space<vmem>>)
        %run_scoped3A_151 = arith.constant 7 : i32
        "tpu.region"() ({
          %run_scoped3A_265 = tpu.sem_alloc : memref<!tpu.dma_semaphore, #tpu.memory_space<semaphore_mem>>
          %dma_start3A_266 = arith.constant 0 : i32
          %dma_start3A_267 = tpu.memref_slice %arg8[%run_scoped3A_151, %dma_start3A_266] : memref<16x128xi32, #tpu.memory_space<vmem>> -> memref<1x128xi32, #tpu.memory_space<vmem>>
          %dma_start3A_268 = tpu.memref_squeeze %dma_start3A_267 : memref<1x128xi32, #tpu.memory_space<vmem>> -> memref<128xi32, #tpu.memory_space<vmem>>
          %dma_start3A_269 = arith.constant 0 : i32
          %dma_start3A_270 = arith.constant 0 : i32
          %dma_start3A_271 = tpu.memref_slice %arg11[%dma_start3A_269, %dma_start3A_270] : memref<10240x128xf32, #tpu.memory_space<vmem_shared>> -> memref<10240x128xf32, #tpu.memory_space<vmem_shared>>
          tpu.enqueue_indirect_dma source(%arg10 : memref<128x128xf32, #tpu.memory_space<vmem>>) target(%dma_start3A_271 : memref<10240x128xf32, #tpu.memory_space<vmem_shared>>) offsets(%dma_start3A_268 : memref<128xi32, #tpu.memory_space<vmem>>) semaphore(%run_scoped3A_265 : memref<!tpu.dma_semaphore, #tpu.memory_space<semaphore_mem>>) {add = true}
          %dma_wait3A_272 = arith.constant 0 : i32
          %dma_wait3A_273 = tpu.memref_slice %arg8[%run_scoped3A_151, %dma_wait3A_272] : memref<16x128xi32, #tpu.memory_space<vmem>> -> memref<1x128xi32, #tpu.memory_space<vmem>>
          %dma_wait3A_274 = tpu.memref_squeeze %dma_wait3A_273 : memref<1x128xi32, #tpu.memory_space<vmem>> -> memref<128xi32, #tpu.memory_space<vmem>>
          %dma_wait3A_275 = arith.constant 0 : i32
          %dma_wait3A_276 = arith.constant 0 : i32
          %dma_wait3A_277 = tpu.memref_slice %arg11[%dma_wait3A_275, %dma_wait3A_276] : memref<10240x128xf32, #tpu.memory_space<vmem_shared>> -> memref<10240x128xf32, #tpu.memory_space<vmem_shared>>
          tpu.wait_indirect_dma semaphore(%run_scoped3A_265 : memref<!tpu.dma_semaphore, #tpu.memory_space<semaphore_mem>>) src(%arg10 : memref<128x128xf32, #tpu.memory_space<vmem>>) dst(%dma_wait3A_277 : memref<10240x128xf32, #tpu.memory_space<vmem_shared>>)
          tpu.yield
        }) : () -> ()
        %dma_start3A_152 = arith.constant 9 : i32
        %dma_start3A_153 = arith.constant 0 : i32
        %dma_start3A_154 = tpu.memref_slice %arg7[%dma_start3A_152, %dma_start3A_153] : memref<16x128xi32, #tpu.memory_space<vmem>> -> memref<1x128xi32, #tpu.memory_space<vmem>>
        %dma_start3A_155 = tpu.memref_squeeze %dma_start3A_154 : memref<1x128xi32, #tpu.memory_space<vmem>> -> memref<128xi32, #tpu.memory_space<vmem>>
        %dma_start3A_156 = arith.constant 0 : i32
        %dma_start3A_157 = arith.constant 0 : i32
        %dma_start3A_158 = tpu.memref_slice %arg2[%dma_start3A_156, %dma_start3A_157] : memref<10000x128xf32, #tpu.memory_space<hbm>> -> memref<10000x128xf32, #tpu.memory_space<hbm>>
        tpu.enqueue_indirect_dma source(%dma_start3A_158 : memref<10000x128xf32, #tpu.memory_space<hbm>>) target(%arg10 : memref<128x128xf32, #tpu.memory_space<vmem>>) offsets(%dma_start3A_155 : memref<128xi32, #tpu.memory_space<vmem>>) semaphore(%arg13 : memref<!tpu.dma_semaphore, #tpu.memory_space<semaphore_mem>>)
        %dma_wait3A_159 = arith.constant 8 : i32
        %dma_wait3A_160 = arith.constant 0 : i32
        %dma_wait3A_161 = tpu.memref_slice %arg7[%dma_wait3A_159, %dma_wait3A_160] : memref<16x128xi32, #tpu.memory_space<vmem>> -> memref<1x128xi32, #tpu.memory_space<vmem>>
        %dma_wait3A_162 = tpu.memref_squeeze %dma_wait3A_161 : memref<1x128xi32, #tpu.memory_space<vmem>> -> memref<128xi32, #tpu.memory_space<vmem>>
        %dma_wait3A_163 = arith.constant 0 : i32
        %dma_wait3A_164 = arith.constant 0 : i32
        %dma_wait3A_165 = tpu.memref_slice %arg2[%dma_wait3A_163, %dma_wait3A_164] : memref<10000x128xf32, #tpu.memory_space<hbm>> -> memref<10000x128xf32, #tpu.memory_space<hbm>>
        tpu.wait_indirect_dma semaphore(%arg12 : memref<!tpu.dma_semaphore, #tpu.memory_space<semaphore_mem>>) src(%dma_wait3A_165 : memref<10000x128xf32, #tpu.memory_space<hbm>>) dst(%arg9 : memref<128x128xf32, #tpu.memory_space<vmem>>)
        %run_scoped3A_166 = arith.constant 8 : i32
        "tpu.region"() ({
          %run_scoped3A_265 = tpu.sem_alloc : memref<!tpu.dma_semaphore, #tpu.memory_space<semaphore_mem>>
          %dma_start3A_266 = arith.constant 0 : i32
          %dma_start3A_267 = tpu.memref_slice %arg8[%run_scoped3A_166, %dma_start3A_266] : memref<16x128xi32, #tpu.memory_space<vmem>> -> memref<1x128xi32, #tpu.memory_space<vmem>>
          %dma_start3A_268 = tpu.memref_squeeze %dma_start3A_267 : memref<1x128xi32, #tpu.memory_space<vmem>> -> memref<128xi32, #tpu.memory_space<vmem>>
          %dma_start3A_269 = arith.constant 0 : i32
          %dma_start3A_270 = arith.constant 0 : i32
          %dma_start3A_271 = tpu.memref_slice %arg11[%dma_start3A_269, %dma_start3A_270] : memref<10240x128xf32, #tpu.memory_space<vmem_shared>> -> memref<10240x128xf32, #tpu.memory_space<vmem_shared>>
          tpu.enqueue_indirect_dma source(%arg9 : memref<128x128xf32, #tpu.memory_space<vmem>>) target(%dma_start3A_271 : memref<10240x128xf32, #tpu.memory_space<vmem_shared>>) offsets(%dma_start3A_268 : memref<128xi32, #tpu.memory_space<vmem>>) semaphore(%run_scoped3A_265 : memref<!tpu.dma_semaphore, #tpu.memory_space<semaphore_mem>>) {add = true}
          %dma_wait3A_272 = arith.constant 0 : i32
          %dma_wait3A_273 = tpu.memref_slice %arg8[%run_scoped3A_166, %dma_wait3A_272] : memref<16x128xi32, #tpu.memory_space<vmem>> -> memref<1x128xi32, #tpu.memory_space<vmem>>
          %dma_wait3A_274 = tpu.memref_squeeze %dma_wait3A_273 : memref<1x128xi32, #tpu.memory_space<vmem>> -> memref<128xi32, #tpu.memory_space<vmem>>
          %dma_wait3A_275 = arith.constant 0 : i32
          %dma_wait3A_276 = arith.constant 0 : i32
          %dma_wait3A_277 = tpu.memref_slice %arg11[%dma_wait3A_275, %dma_wait3A_276] : memref<10240x128xf32, #tpu.memory_space<vmem_shared>> -> memref<10240x128xf32, #tpu.memory_space<vmem_shared>>
          tpu.wait_indirect_dma semaphore(%run_scoped3A_265 : memref<!tpu.dma_semaphore, #tpu.memory_space<semaphore_mem>>) src(%arg9 : memref<128x128xf32, #tpu.memory_space<vmem>>) dst(%dma_wait3A_277 : memref<10240x128xf32, #tpu.memory_space<vmem_shared>>)
          tpu.yield
        }) : () -> ()
        %dma_start3A_167 = arith.constant 10 : i32
        %dma_start3A_168 = arith.constant 0 : i32
        %dma_start3A_169 = tpu.memref_slice %arg7[%dma_start3A_167, %dma_start3A_168] : memref<16x128xi32, #tpu.memory_space<vmem>> -> memref<1x128xi32, #tpu.memory_space<vmem>>
        %dma_start3A_170 = tpu.memref_squeeze %dma_start3A_169 : memref<1x128xi32, #tpu.memory_space<vmem>> -> memref<128xi32, #tpu.memory_space<vmem>>
        %dma_start3A_171 = arith.constant 0 : i32
        %dma_start3A_172 = arith.constant 0 : i32
        %dma_start3A_173 = tpu.memref_slice %arg2[%dma_start3A_171, %dma_start3A_172] : memref<10000x128xf32, #tpu.memory_space<hbm>> -> memref<10000x128xf32, #tpu.memory_space<hbm>>
        tpu.enqueue_indirect_dma source(%dma_start3A_173 : memref<10000x128xf32, #tpu.memory_space<hbm>>) target(%arg9 : memref<128x128xf32, #tpu.memory_space<vmem>>) offsets(%dma_start3A_170 : memref<128xi32, #tpu.memory_space<vmem>>) semaphore(%arg12 : memref<!tpu.dma_semaphore, #tpu.memory_space<semaphore_mem>>)
        %dma_wait3A_174 = arith.constant 9 : i32
        %dma_wait3A_175 = arith.constant 0 : i32
        %dma_wait3A_176 = tpu.memref_slice %arg7[%dma_wait3A_174, %dma_wait3A_175] : memref<16x128xi32, #tpu.memory_space<vmem>> -> memref<1x128xi32, #tpu.memory_space<vmem>>
        %dma_wait3A_177 = tpu.memref_squeeze %dma_wait3A_176 : memref<1x128xi32, #tpu.memory_space<vmem>> -> memref<128xi32, #tpu.memory_space<vmem>>
        %dma_wait3A_178 = arith.constant 0 : i32
        %dma_wait3A_179 = arith.constant 0 : i32
        %dma_wait3A_180 = tpu.memref_slice %arg2[%dma_wait3A_178, %dma_wait3A_179] : memref<10000x128xf32, #tpu.memory_space<hbm>> -> memref<10000x128xf32, #tpu.memory_space<hbm>>
        tpu.wait_indirect_dma semaphore(%arg13 : memref<!tpu.dma_semaphore, #tpu.memory_space<semaphore_mem>>) src(%dma_wait3A_180 : memref<10000x128xf32, #tpu.memory_space<hbm>>) dst(%arg10 : memref<128x128xf32, #tpu.memory_space<vmem>>)
        %run_scoped3A_181 = arith.constant 9 : i32
        "tpu.region"() ({
          %run_scoped3A_265 = tpu.sem_alloc : memref<!tpu.dma_semaphore, #tpu.memory_space<semaphore_mem>>
          %dma_start3A_266 = arith.constant 0 : i32
          %dma_start3A_267 = tpu.memref_slice %arg8[%run_scoped3A_181, %dma_start3A_266] : memref<16x128xi32, #tpu.memory_space<vmem>> -> memref<1x128xi32, #tpu.memory_space<vmem>>
          %dma_start3A_268 = tpu.memref_squeeze %dma_start3A_267 : memref<1x128xi32, #tpu.memory_space<vmem>> -> memref<128xi32, #tpu.memory_space<vmem>>
          %dma_start3A_269 = arith.constant 0 : i32
          %dma_start3A_270 = arith.constant 0 : i32
          %dma_start3A_271 = tpu.memref_slice %arg11[%dma_start3A_269, %dma_start3A_270] : memref<10240x128xf32, #tpu.memory_space<vmem_shared>> -> memref<10240x128xf32, #tpu.memory_space<vmem_shared>>
          tpu.enqueue_indirect_dma source(%arg10 : memref<128x128xf32, #tpu.memory_space<vmem>>) target(%dma_start3A_271 : memref<10240x128xf32, #tpu.memory_space<vmem_shared>>) offsets(%dma_start3A_268 : memref<128xi32, #tpu.memory_space<vmem>>) semaphore(%run_scoped3A_265 : memref<!tpu.dma_semaphore, #tpu.memory_space<semaphore_mem>>) {add = true}
          %dma_wait3A_272 = arith.constant 0 : i32
          %dma_wait3A_273 = tpu.memref_slice %arg8[%run_scoped3A_181, %dma_wait3A_272] : memref<16x128xi32, #tpu.memory_space<vmem>> -> memref<1x128xi32, #tpu.memory_space<vmem>>
          %dma_wait3A_274 = tpu.memref_squeeze %dma_wait3A_273 : memref<1x128xi32, #tpu.memory_space<vmem>> -> memref<128xi32, #tpu.memory_space<vmem>>
          %dma_wait3A_275 = arith.constant 0 : i32
          %dma_wait3A_276 = arith.constant 0 : i32
          %dma_wait3A_277 = tpu.memref_slice %arg11[%dma_wait3A_275, %dma_wait3A_276] : memref<10240x128xf32, #tpu.memory_space<vmem_shared>> -> memref<10240x128xf32, #tpu.memory_space<vmem_shared>>
          tpu.wait_indirect_dma semaphore(%run_scoped3A_265 : memref<!tpu.dma_semaphore, #tpu.memory_space<semaphore_mem>>) src(%arg10 : memref<128x128xf32, #tpu.memory_space<vmem>>) dst(%dma_wait3A_277 : memref<10240x128xf32, #tpu.memory_space<vmem_shared>>)
          tpu.yield
        }) : () -> ()
        %dma_start3A_182 = arith.constant 11 : i32
        %dma_start3A_183 = arith.constant 0 : i32
        %dma_start3A_184 = tpu.memref_slice %arg7[%dma_start3A_182, %dma_start3A_183] : memref<16x128xi32, #tpu.memory_space<vmem>> -> memref<1x128xi32, #tpu.memory_space<vmem>>
        %dma_start3A_185 = tpu.memref_squeeze %dma_start3A_184 : memref<1x128xi32, #tpu.memory_space<vmem>> -> memref<128xi32, #tpu.memory_space<vmem>>
        %dma_start3A_186 = arith.constant 0 : i32
        %dma_start3A_187 = arith.constant 0 : i32
        %dma_start3A_188 = tpu.memref_slice %arg2[%dma_start3A_186, %dma_start3A_187] : memref<10000x128xf32, #tpu.memory_space<hbm>> -> memref<10000x128xf32, #tpu.memory_space<hbm>>
        tpu.enqueue_indirect_dma source(%dma_start3A_188 : memref<10000x128xf32, #tpu.memory_space<hbm>>) target(%arg10 : memref<128x128xf32, #tpu.memory_space<vmem>>) offsets(%dma_start3A_185 : memref<128xi32, #tpu.memory_space<vmem>>) semaphore(%arg13 : memref<!tpu.dma_semaphore, #tpu.memory_space<semaphore_mem>>)
        %dma_wait3A_189 = arith.constant 10 : i32
        %dma_wait3A_190 = arith.constant 0 : i32
        %dma_wait3A_191 = tpu.memref_slice %arg7[%dma_wait3A_189, %dma_wait3A_190] : memref<16x128xi32, #tpu.memory_space<vmem>> -> memref<1x128xi32, #tpu.memory_space<vmem>>
        %dma_wait3A_192 = tpu.memref_squeeze %dma_wait3A_191 : memref<1x128xi32, #tpu.memory_space<vmem>> -> memref<128xi32, #tpu.memory_space<vmem>>
        %dma_wait3A_193 = arith.constant 0 : i32
        %dma_wait3A_194 = arith.constant 0 : i32
        %dma_wait3A_195 = tpu.memref_slice %arg2[%dma_wait3A_193, %dma_wait3A_194] : memref<10000x128xf32, #tpu.memory_space<hbm>> -> memref<10000x128xf32, #tpu.memory_space<hbm>>
        tpu.wait_indirect_dma semaphore(%arg12 : memref<!tpu.dma_semaphore, #tpu.memory_space<semaphore_mem>>) src(%dma_wait3A_195 : memref<10000x128xf32, #tpu.memory_space<hbm>>) dst(%arg9 : memref<128x128xf32, #tpu.memory_space<vmem>>)
        %run_scoped3A_196 = arith.constant 10 : i32
        "tpu.region"() ({
          %run_scoped3A_265 = tpu.sem_alloc : memref<!tpu.dma_semaphore, #tpu.memory_space<semaphore_mem>>
          %dma_start3A_266 = arith.constant 0 : i32
          %dma_start3A_267 = tpu.memref_slice %arg8[%run_scoped3A_196, %dma_start3A_266] : memref<16x128xi32, #tpu.memory_space<vmem>> -> memref<1x128xi32, #tpu.memory_space<vmem>>
          %dma_start3A_268 = tpu.memref_squeeze %dma_start3A_267 : memref<1x128xi32, #tpu.memory_space<vmem>> -> memref<128xi32, #tpu.memory_space<vmem>>
          %dma_start3A_269 = arith.constant 0 : i32
          %dma_start3A_270 = arith.constant 0 : i32
          %dma_start3A_271 = tpu.memref_slice %arg11[%dma_start3A_269, %dma_start3A_270] : memref<10240x128xf32, #tpu.memory_space<vmem_shared>> -> memref<10240x128xf32, #tpu.memory_space<vmem_shared>>
          tpu.enqueue_indirect_dma source(%arg9 : memref<128x128xf32, #tpu.memory_space<vmem>>) target(%dma_start3A_271 : memref<10240x128xf32, #tpu.memory_space<vmem_shared>>) offsets(%dma_start3A_268 : memref<128xi32, #tpu.memory_space<vmem>>) semaphore(%run_scoped3A_265 : memref<!tpu.dma_semaphore, #tpu.memory_space<semaphore_mem>>) {add = true}
          %dma_wait3A_272 = arith.constant 0 : i32
          %dma_wait3A_273 = tpu.memref_slice %arg8[%run_scoped3A_196, %dma_wait3A_272] : memref<16x128xi32, #tpu.memory_space<vmem>> -> memref<1x128xi32, #tpu.memory_space<vmem>>
          %dma_wait3A_274 = tpu.memref_squeeze %dma_wait3A_273 : memref<1x128xi32, #tpu.memory_space<vmem>> -> memref<128xi32, #tpu.memory_space<vmem>>
          %dma_wait3A_275 = arith.constant 0 : i32
          %dma_wait3A_276 = arith.constant 0 : i32
          %dma_wait3A_277 = tpu.memref_slice %arg11[%dma_wait3A_275, %dma_wait3A_276] : memref<10240x128xf32, #tpu.memory_space<vmem_shared>> -> memref<10240x128xf32, #tpu.memory_space<vmem_shared>>
          tpu.wait_indirect_dma semaphore(%run_scoped3A_265 : memref<!tpu.dma_semaphore, #tpu.memory_space<semaphore_mem>>) src(%arg9 : memref<128x128xf32, #tpu.memory_space<vmem>>) dst(%dma_wait3A_277 : memref<10240x128xf32, #tpu.memory_space<vmem_shared>>)
          tpu.yield
        }) : () -> ()
        %dma_start3A_197 = arith.constant 12 : i32
        %dma_start3A_198 = arith.constant 0 : i32
        %dma_start3A_199 = tpu.memref_slice %arg7[%dma_start3A_197, %dma_start3A_198] : memref<16x128xi32, #tpu.memory_space<vmem>> -> memref<1x128xi32, #tpu.memory_space<vmem>>
        %dma_start3A_200 = tpu.memref_squeeze %dma_start3A_199 : memref<1x128xi32, #tpu.memory_space<vmem>> -> memref<128xi32, #tpu.memory_space<vmem>>
        %dma_start3A_201 = arith.constant 0 : i32
        %dma_start3A_202 = arith.constant 0 : i32
        %dma_start3A_203 = tpu.memref_slice %arg2[%dma_start3A_201, %dma_start3A_202] : memref<10000x128xf32, #tpu.memory_space<hbm>> -> memref<10000x128xf32, #tpu.memory_space<hbm>>
        tpu.enqueue_indirect_dma source(%dma_start3A_203 : memref<10000x128xf32, #tpu.memory_space<hbm>>) target(%arg9 : memref<128x128xf32, #tpu.memory_space<vmem>>) offsets(%dma_start3A_200 : memref<128xi32, #tpu.memory_space<vmem>>) semaphore(%arg12 : memref<!tpu.dma_semaphore, #tpu.memory_space<semaphore_mem>>)
        %dma_wait3A_204 = arith.constant 11 : i32
        %dma_wait3A_205 = arith.constant 0 : i32
        %dma_wait3A_206 = tpu.memref_slice %arg7[%dma_wait3A_204, %dma_wait3A_205] : memref<16x128xi32, #tpu.memory_space<vmem>> -> memref<1x128xi32, #tpu.memory_space<vmem>>
        %dma_wait3A_207 = tpu.memref_squeeze %dma_wait3A_206 : memref<1x128xi32, #tpu.memory_space<vmem>> -> memref<128xi32, #tpu.memory_space<vmem>>
        %dma_wait3A_208 = arith.constant 0 : i32
        %dma_wait3A_209 = arith.constant 0 : i32
        %dma_wait3A_210 = tpu.memref_slice %arg2[%dma_wait3A_208, %dma_wait3A_209] : memref<10000x128xf32, #tpu.memory_space<hbm>> -> memref<10000x128xf32, #tpu.memory_space<hbm>>
        tpu.wait_indirect_dma semaphore(%arg13 : memref<!tpu.dma_semaphore, #tpu.memory_space<semaphore_mem>>) src(%dma_wait3A_210 : memref<10000x128xf32, #tpu.memory_space<hbm>>) dst(%arg10 : memref<128x128xf32, #tpu.memory_space<vmem>>)
        %run_scoped3A_211 = arith.constant 11 : i32
        "tpu.region"() ({
          %run_scoped3A_265 = tpu.sem_alloc : memref<!tpu.dma_semaphore, #tpu.memory_space<semaphore_mem>>
          %dma_start3A_266 = arith.constant 0 : i32
          %dma_start3A_267 = tpu.memref_slice %arg8[%run_scoped3A_211, %dma_start3A_266] : memref<16x128xi32, #tpu.memory_space<vmem>> -> memref<1x128xi32, #tpu.memory_space<vmem>>
          %dma_start3A_268 = tpu.memref_squeeze %dma_start3A_267 : memref<1x128xi32, #tpu.memory_space<vmem>> -> memref<128xi32, #tpu.memory_space<vmem>>
          %dma_start3A_269 = arith.constant 0 : i32
          %dma_start3A_270 = arith.constant 0 : i32
          %dma_start3A_271 = tpu.memref_slice %arg11[%dma_start3A_269, %dma_start3A_270] : memref<10240x128xf32, #tpu.memory_space<vmem_shared>> -> memref<10240x128xf32, #tpu.memory_space<vmem_shared>>
          tpu.enqueue_indirect_dma source(%arg10 : memref<128x128xf32, #tpu.memory_space<vmem>>) target(%dma_start3A_271 : memref<10240x128xf32, #tpu.memory_space<vmem_shared>>) offsets(%dma_start3A_268 : memref<128xi32, #tpu.memory_space<vmem>>) semaphore(%run_scoped3A_265 : memref<!tpu.dma_semaphore, #tpu.memory_space<semaphore_mem>>) {add = true}
          %dma_wait3A_272 = arith.constant 0 : i32
          %dma_wait3A_273 = tpu.memref_slice %arg8[%run_scoped3A_211, %dma_wait3A_272] : memref<16x128xi32, #tpu.memory_space<vmem>> -> memref<1x128xi32, #tpu.memory_space<vmem>>
          %dma_wait3A_274 = tpu.memref_squeeze %dma_wait3A_273 : memref<1x128xi32, #tpu.memory_space<vmem>> -> memref<128xi32, #tpu.memory_space<vmem>>
          %dma_wait3A_275 = arith.constant 0 : i32
          %dma_wait3A_276 = arith.constant 0 : i32
          %dma_wait3A_277 = tpu.memref_slice %arg11[%dma_wait3A_275, %dma_wait3A_276] : memref<10240x128xf32, #tpu.memory_space<vmem_shared>> -> memref<10240x128xf32, #tpu.memory_space<vmem_shared>>
          tpu.wait_indirect_dma semaphore(%run_scoped3A_265 : memref<!tpu.dma_semaphore, #tpu.memory_space<semaphore_mem>>) src(%arg10 : memref<128x128xf32, #tpu.memory_space<vmem>>) dst(%dma_wait3A_277 : memref<10240x128xf32, #tpu.memory_space<vmem_shared>>)
          tpu.yield
        }) : () -> ()
        %dma_start3A_212 = arith.constant 13 : i32
        %dma_start3A_213 = arith.constant 0 : i32
        %dma_start3A_214 = tpu.memref_slice %arg7[%dma_start3A_212, %dma_start3A_213] : memref<16x128xi32, #tpu.memory_space<vmem>> -> memref<1x128xi32, #tpu.memory_space<vmem>>
        %dma_start3A_215 = tpu.memref_squeeze %dma_start3A_214 : memref<1x128xi32, #tpu.memory_space<vmem>> -> memref<128xi32, #tpu.memory_space<vmem>>
        %dma_start3A_216 = arith.constant 0 : i32
        %dma_start3A_217 = arith.constant 0 : i32
        %dma_start3A_218 = tpu.memref_slice %arg2[%dma_start3A_216, %dma_start3A_217] : memref<10000x128xf32, #tpu.memory_space<hbm>> -> memref<10000x128xf32, #tpu.memory_space<hbm>>
        tpu.enqueue_indirect_dma source(%dma_start3A_218 : memref<10000x128xf32, #tpu.memory_space<hbm>>) target(%arg10 : memref<128x128xf32, #tpu.memory_space<vmem>>) offsets(%dma_start3A_215 : memref<128xi32, #tpu.memory_space<vmem>>) semaphore(%arg13 : memref<!tpu.dma_semaphore, #tpu.memory_space<semaphore_mem>>)
        %dma_wait3A_219 = arith.constant 12 : i32
        %dma_wait3A_220 = arith.constant 0 : i32
        %dma_wait3A_221 = tpu.memref_slice %arg7[%dma_wait3A_219, %dma_wait3A_220] : memref<16x128xi32, #tpu.memory_space<vmem>> -> memref<1x128xi32, #tpu.memory_space<vmem>>
        %dma_wait3A_222 = tpu.memref_squeeze %dma_wait3A_221 : memref<1x128xi32, #tpu.memory_space<vmem>> -> memref<128xi32, #tpu.memory_space<vmem>>
        %dma_wait3A_223 = arith.constant 0 : i32
        %dma_wait3A_224 = arith.constant 0 : i32
        %dma_wait3A_225 = tpu.memref_slice %arg2[%dma_wait3A_223, %dma_wait3A_224] : memref<10000x128xf32, #tpu.memory_space<hbm>> -> memref<10000x128xf32, #tpu.memory_space<hbm>>
        tpu.wait_indirect_dma semaphore(%arg12 : memref<!tpu.dma_semaphore, #tpu.memory_space<semaphore_mem>>) src(%dma_wait3A_225 : memref<10000x128xf32, #tpu.memory_space<hbm>>) dst(%arg9 : memref<128x128xf32, #tpu.memory_space<vmem>>)
        %run_scoped3A_226 = arith.constant 12 : i32
        "tpu.region"() ({
          %run_scoped3A_265 = tpu.sem_alloc : memref<!tpu.dma_semaphore, #tpu.memory_space<semaphore_mem>>
          %dma_start3A_266 = arith.constant 0 : i32
          %dma_start3A_267 = tpu.memref_slice %arg8[%run_scoped3A_226, %dma_start3A_266] : memref<16x128xi32, #tpu.memory_space<vmem>> -> memref<1x128xi32, #tpu.memory_space<vmem>>
          %dma_start3A_268 = tpu.memref_squeeze %dma_start3A_267 : memref<1x128xi32, #tpu.memory_space<vmem>> -> memref<128xi32, #tpu.memory_space<vmem>>
          %dma_start3A_269 = arith.constant 0 : i32
          %dma_start3A_270 = arith.constant 0 : i32
          %dma_start3A_271 = tpu.memref_slice %arg11[%dma_start3A_269, %dma_start3A_270] : memref<10240x128xf32, #tpu.memory_space<vmem_shared>> -> memref<10240x128xf32, #tpu.memory_space<vmem_shared>>
          tpu.enqueue_indirect_dma source(%arg9 : memref<128x128xf32, #tpu.memory_space<vmem>>) target(%dma_start3A_271 : memref<10240x128xf32, #tpu.memory_space<vmem_shared>>) offsets(%dma_start3A_268 : memref<128xi32, #tpu.memory_space<vmem>>) semaphore(%run_scoped3A_265 : memref<!tpu.dma_semaphore, #tpu.memory_space<semaphore_mem>>) {add = true}
          %dma_wait3A_272 = arith.constant 0 : i32
          %dma_wait3A_273 = tpu.memref_slice %arg8[%run_scoped3A_226, %dma_wait3A_272] : memref<16x128xi32, #tpu.memory_space<vmem>> -> memref<1x128xi32, #tpu.memory_space<vmem>>
          %dma_wait3A_274 = tpu.memref_squeeze %dma_wait3A_273 : memref<1x128xi32, #tpu.memory_space<vmem>> -> memref<128xi32, #tpu.memory_space<vmem>>
          %dma_wait3A_275 = arith.constant 0 : i32
          %dma_wait3A_276 = arith.constant 0 : i32
          %dma_wait3A_277 = tpu.memref_slice %arg11[%dma_wait3A_275, %dma_wait3A_276] : memref<10240x128xf32, #tpu.memory_space<vmem_shared>> -> memref<10240x128xf32, #tpu.memory_space<vmem_shared>>
          tpu.wait_indirect_dma semaphore(%run_scoped3A_265 : memref<!tpu.dma_semaphore, #tpu.memory_space<semaphore_mem>>) src(%arg9 : memref<128x128xf32, #tpu.memory_space<vmem>>) dst(%dma_wait3A_277 : memref<10240x128xf32, #tpu.memory_space<vmem_shared>>)
          tpu.yield
        }) : () -> ()
        %dma_start3A_227 = arith.constant 14 : i32
        %dma_start3A_228 = arith.constant 0 : i32
        %dma_start3A_229 = tpu.memref_slice %arg7[%dma_start3A_227, %dma_start3A_228] : memref<16x128xi32, #tpu.memory_space<vmem>> -> memref<1x128xi32, #tpu.memory_space<vmem>>
        %dma_start3A_230 = tpu.memref_squeeze %dma_start3A_229 : memref<1x128xi32, #tpu.memory_space<vmem>> -> memref<128xi32, #tpu.memory_space<vmem>>
        %dma_start3A_231 = arith.constant 0 : i32
        %dma_start3A_232 = arith.constant 0 : i32
        %dma_start3A_233 = tpu.memref_slice %arg2[%dma_start3A_231, %dma_start3A_232] : memref<10000x128xf32, #tpu.memory_space<hbm>> -> memref<10000x128xf32, #tpu.memory_space<hbm>>
        tpu.enqueue_indirect_dma source(%dma_start3A_233 : memref<10000x128xf32, #tpu.memory_space<hbm>>) target(%arg9 : memref<128x128xf32, #tpu.memory_space<vmem>>) offsets(%dma_start3A_230 : memref<128xi32, #tpu.memory_space<vmem>>) semaphore(%arg12 : memref<!tpu.dma_semaphore, #tpu.memory_space<semaphore_mem>>)
        %dma_wait3A_234 = arith.constant 13 : i32
        %dma_wait3A_235 = arith.constant 0 : i32
        %dma_wait3A_236 = tpu.memref_slice %arg7[%dma_wait3A_234, %dma_wait3A_235] : memref<16x128xi32, #tpu.memory_space<vmem>> -> memref<1x128xi32, #tpu.memory_space<vmem>>
        %dma_wait3A_237 = tpu.memref_squeeze %dma_wait3A_236 : memref<1x128xi32, #tpu.memory_space<vmem>> -> memref<128xi32, #tpu.memory_space<vmem>>
        %dma_wait3A_238 = arith.constant 0 : i32
        %dma_wait3A_239 = arith.constant 0 : i32
        %dma_wait3A_240 = tpu.memref_slice %arg2[%dma_wait3A_238, %dma_wait3A_239] : memref<10000x128xf32, #tpu.memory_space<hbm>> -> memref<10000x128xf32, #tpu.memory_space<hbm>>
        tpu.wait_indirect_dma semaphore(%arg13 : memref<!tpu.dma_semaphore, #tpu.memory_space<semaphore_mem>>) src(%dma_wait3A_240 : memref<10000x128xf32, #tpu.memory_space<hbm>>) dst(%arg10 : memref<128x128xf32, #tpu.memory_space<vmem>>)
        %run_scoped3A_241 = arith.constant 13 : i32
        "tpu.region"() ({
          %run_scoped3A_265 = tpu.sem_alloc : memref<!tpu.dma_semaphore, #tpu.memory_space<semaphore_mem>>
          %dma_start3A_266 = arith.constant 0 : i32
          %dma_start3A_267 = tpu.memref_slice %arg8[%run_scoped3A_241, %dma_start3A_266] : memref<16x128xi32, #tpu.memory_space<vmem>> -> memref<1x128xi32, #tpu.memory_space<vmem>>
          %dma_start3A_268 = tpu.memref_squeeze %dma_start3A_267 : memref<1x128xi32, #tpu.memory_space<vmem>> -> memref<128xi32, #tpu.memory_space<vmem>>
          %dma_start3A_269 = arith.constant 0 : i32
          %dma_start3A_270 = arith.constant 0 : i32
          %dma_start3A_271 = tpu.memref_slice %arg11[%dma_start3A_269, %dma_start3A_270] : memref<10240x128xf32, #tpu.memory_space<vmem_shared>> -> memref<10240x128xf32, #tpu.memory_space<vmem_shared>>
          tpu.enqueue_indirect_dma source(%arg10 : memref<128x128xf32, #tpu.memory_space<vmem>>) target(%dma_start3A_271 : memref<10240x128xf32, #tpu.memory_space<vmem_shared>>) offsets(%dma_start3A_268 : memref<128xi32, #tpu.memory_space<vmem>>) semaphore(%run_scoped3A_265 : memref<!tpu.dma_semaphore, #tpu.memory_space<semaphore_mem>>) {add = true}
          %dma_wait3A_272 = arith.constant 0 : i32
          %dma_wait3A_273 = tpu.memref_slice %arg8[%run_scoped3A_241, %dma_wait3A_272] : memref<16x128xi32, #tpu.memory_space<vmem>> -> memref<1x128xi32, #tpu.memory_space<vmem>>
          %dma_wait3A_274 = tpu.memref_squeeze %dma_wait3A_273 : memref<1x128xi32, #tpu.memory_space<vmem>> -> memref<128xi32, #tpu.memory_space<vmem>>
          %dma_wait3A_275 = arith.constant 0 : i32
          %dma_wait3A_276 = arith.constant 0 : i32
          %dma_wait3A_277 = tpu.memref_slice %arg11[%dma_wait3A_275, %dma_wait3A_276] : memref<10240x128xf32, #tpu.memory_space<vmem_shared>> -> memref<10240x128xf32, #tpu.memory_space<vmem_shared>>
          tpu.wait_indirect_dma semaphore(%run_scoped3A_265 : memref<!tpu.dma_semaphore, #tpu.memory_space<semaphore_mem>>) src(%arg10 : memref<128x128xf32, #tpu.memory_space<vmem>>) dst(%dma_wait3A_277 : memref<10240x128xf32, #tpu.memory_space<vmem_shared>>)
          tpu.yield
        }) : () -> ()
        %dma_start3A_242 = arith.constant 15 : i32
        %dma_start3A_243 = arith.constant 0 : i32
        %dma_start3A_244 = tpu.memref_slice %arg7[%dma_start3A_242, %dma_start3A_243] : memref<16x128xi32, #tpu.memory_space<vmem>> -> memref<1x128xi32, #tpu.memory_space<vmem>>
        %dma_start3A_245 = tpu.memref_squeeze %dma_start3A_244 : memref<1x128xi32, #tpu.memory_space<vmem>> -> memref<128xi32, #tpu.memory_space<vmem>>
        %dma_start3A_246 = arith.constant 0 : i32
        %dma_start3A_247 = arith.constant 0 : i32
        %dma_start3A_248 = tpu.memref_slice %arg2[%dma_start3A_246, %dma_start3A_247] : memref<10000x128xf32, #tpu.memory_space<hbm>> -> memref<10000x128xf32, #tpu.memory_space<hbm>>
        tpu.enqueue_indirect_dma source(%dma_start3A_248 : memref<10000x128xf32, #tpu.memory_space<hbm>>) target(%arg10 : memref<128x128xf32, #tpu.memory_space<vmem>>) offsets(%dma_start3A_245 : memref<128xi32, #tpu.memory_space<vmem>>) semaphore(%arg13 : memref<!tpu.dma_semaphore, #tpu.memory_space<semaphore_mem>>)
        %dma_wait3A_249 = arith.constant 14 : i32
        %dma_wait3A_250 = arith.constant 0 : i32
        %dma_wait3A_251 = tpu.memref_slice %arg7[%dma_wait3A_249, %dma_wait3A_250] : memref<16x128xi32, #tpu.memory_space<vmem>> -> memref<1x128xi32, #tpu.memory_space<vmem>>
        %dma_wait3A_252 = tpu.memref_squeeze %dma_wait3A_251 : memref<1x128xi32, #tpu.memory_space<vmem>> -> memref<128xi32, #tpu.memory_space<vmem>>
        %dma_wait3A_253 = arith.constant 0 : i32
        %dma_wait3A_254 = arith.constant 0 : i32
        %dma_wait3A_255 = tpu.memref_slice %arg2[%dma_wait3A_253, %dma_wait3A_254] : memref<10000x128xf32, #tpu.memory_space<hbm>> -> memref<10000x128xf32, #tpu.memory_space<hbm>>
        tpu.wait_indirect_dma semaphore(%arg12 : memref<!tpu.dma_semaphore, #tpu.memory_space<semaphore_mem>>) src(%dma_wait3A_255 : memref<10000x128xf32, #tpu.memory_space<hbm>>) dst(%arg9 : memref<128x128xf32, #tpu.memory_space<vmem>>)
        %run_scoped3A_256 = arith.constant 14 : i32
        "tpu.region"() ({
          %run_scoped3A_265 = tpu.sem_alloc : memref<!tpu.dma_semaphore, #tpu.memory_space<semaphore_mem>>
          %dma_start3A_266 = arith.constant 0 : i32
          %dma_start3A_267 = tpu.memref_slice %arg8[%run_scoped3A_256, %dma_start3A_266] : memref<16x128xi32, #tpu.memory_space<vmem>> -> memref<1x128xi32, #tpu.memory_space<vmem>>
          %dma_start3A_268 = tpu.memref_squeeze %dma_start3A_267 : memref<1x128xi32, #tpu.memory_space<vmem>> -> memref<128xi32, #tpu.memory_space<vmem>>
          %dma_start3A_269 = arith.constant 0 : i32
          %dma_start3A_270 = arith.constant 0 : i32
          %dma_start3A_271 = tpu.memref_slice %arg11[%dma_start3A_269, %dma_start3A_270] : memref<10240x128xf32, #tpu.memory_space<vmem_shared>> -> memref<10240x128xf32, #tpu.memory_space<vmem_shared>>
          tpu.enqueue_indirect_dma source(%arg9 : memref<128x128xf32, #tpu.memory_space<vmem>>) target(%dma_start3A_271 : memref<10240x128xf32, #tpu.memory_space<vmem_shared>>) offsets(%dma_start3A_268 : memref<128xi32, #tpu.memory_space<vmem>>) semaphore(%run_scoped3A_265 : memref<!tpu.dma_semaphore, #tpu.memory_space<semaphore_mem>>) {add = true}
          %dma_wait3A_272 = arith.constant 0 : i32
          %dma_wait3A_273 = tpu.memref_slice %arg8[%run_scoped3A_256, %dma_wait3A_272] : memref<16x128xi32, #tpu.memory_space<vmem>> -> memref<1x128xi32, #tpu.memory_space<vmem>>
          %dma_wait3A_274 = tpu.memref_squeeze %dma_wait3A_273 : memref<1x128xi32, #tpu.memory_space<vmem>> -> memref<128xi32, #tpu.memory_space<vmem>>
          %dma_wait3A_275 = arith.constant 0 : i32
          %dma_wait3A_276 = arith.constant 0 : i32
          %dma_wait3A_277 = tpu.memref_slice %arg11[%dma_wait3A_275, %dma_wait3A_276] : memref<10240x128xf32, #tpu.memory_space<vmem_shared>> -> memref<10240x128xf32, #tpu.memory_space<vmem_shared>>
          tpu.wait_indirect_dma semaphore(%run_scoped3A_265 : memref<!tpu.dma_semaphore, #tpu.memory_space<semaphore_mem>>) src(%arg9 : memref<128x128xf32, #tpu.memory_space<vmem>>) dst(%dma_wait3A_277 : memref<10240x128xf32, #tpu.memory_space<vmem_shared>>)
          tpu.yield
        }) : () -> ()
        %dma_wait3A_257 = arith.constant 15 : i32
        %dma_wait3A_258 = arith.constant 0 : i32
        %dma_wait3A_259 = tpu.memref_slice %arg7[%dma_wait3A_257, %dma_wait3A_258] : memref<16x128xi32, #tpu.memory_space<vmem>> -> memref<1x128xi32, #tpu.memory_space<vmem>>
        %dma_wait3A_260 = tpu.memref_squeeze %dma_wait3A_259 : memref<1x128xi32, #tpu.memory_space<vmem>> -> memref<128xi32, #tpu.memory_space<vmem>>
        %dma_wait3A_261 = arith.constant 0 : i32
        %dma_wait3A_262 = arith.constant 0 : i32
        %dma_wait3A_263 = tpu.memref_slice %arg2[%dma_wait3A_261, %dma_wait3A_262] : memref<10000x128xf32, #tpu.memory_space<hbm>> -> memref<10000x128xf32, #tpu.memory_space<hbm>>
        tpu.wait_indirect_dma semaphore(%arg13 : memref<!tpu.dma_semaphore, #tpu.memory_space<semaphore_mem>>) src(%dma_wait3A_263 : memref<10000x128xf32, #tpu.memory_space<hbm>>) dst(%arg10 : memref<128x128xf32, #tpu.memory_space<vmem>>)
        %run_scoped3A_264 = arith.constant 15 : i32
        "tpu.region"() ({
          %run_scoped3A_265 = tpu.sem_alloc : memref<!tpu.dma_semaphore, #tpu.memory_space<semaphore_mem>>
          %dma_start3A_266 = arith.constant 0 : i32
          %dma_start3A_267 = tpu.memref_slice %arg8[%run_scoped3A_264, %dma_start3A_266] : memref<16x128xi32, #tpu.memory_space<vmem>> -> memref<1x128xi32, #tpu.memory_space<vmem>>
          %dma_start3A_268 = tpu.memref_squeeze %dma_start3A_267 : memref<1x128xi32, #tpu.memory_space<vmem>> -> memref<128xi32, #tpu.memory_space<vmem>>
          %dma_start3A_269 = arith.constant 0 : i32
          %dma_start3A_270 = arith.constant 0 : i32
          %dma_start3A_271 = tpu.memref_slice %arg11[%dma_start3A_269, %dma_start3A_270] : memref<10240x128xf32, #tpu.memory_space<vmem_shared>> -> memref<10240x128xf32, #tpu.memory_space<vmem_shared>>
          tpu.enqueue_indirect_dma source(%arg10 : memref<128x128xf32, #tpu.memory_space<vmem>>) target(%dma_start3A_271 : memref<10240x128xf32, #tpu.memory_space<vmem_shared>>) offsets(%dma_start3A_268 : memref<128xi32, #tpu.memory_space<vmem>>) semaphore(%run_scoped3A_265 : memref<!tpu.dma_semaphore, #tpu.memory_space<semaphore_mem>>) {add = true}
          %dma_wait3A_272 = arith.constant 0 : i32
          %dma_wait3A_273 = tpu.memref_slice %arg8[%run_scoped3A_264, %dma_wait3A_272] : memref<16x128xi32, #tpu.memory_space<vmem>> -> memref<1x128xi32, #tpu.memory_space<vmem>>
          %dma_wait3A_274 = tpu.memref_squeeze %dma_wait3A_273 : memref<1x128xi32, #tpu.memory_space<vmem>> -> memref<128xi32, #tpu.memory_space<vmem>>
          %dma_wait3A_275 = arith.constant 0 : i32
          %dma_wait3A_276 = arith.constant 0 : i32
          %dma_wait3A_277 = tpu.memref_slice %arg11[%dma_wait3A_275, %dma_wait3A_276] : memref<10240x128xf32, #tpu.memory_space<vmem_shared>> -> memref<10240x128xf32, #tpu.memory_space<vmem_shared>>
          tpu.wait_indirect_dma semaphore(%run_scoped3A_265 : memref<!tpu.dma_semaphore, #tpu.memory_space<semaphore_mem>>) src(%arg10 : memref<128x128xf32, #tpu.memory_space<vmem>>) dst(%dma_wait3A_277 : memref<10240x128xf32, #tpu.memory_space<vmem_shared>>)
          tpu.yield
        }) : () -> ()
      }
      %scan3A_20 = arith.constant 2 : i32
    } else {
    }
    %barrier3A_8 = arith.constant 0 : index
    tpu.barrier barrier_id(%barrier3A_8)
    %mul3A_9 = arith.constant 640 : i32
    %mul3A_10 = arith.muli %arg1, %mul3A_9 : i32
    %mul3A_11 = arith.constant 640 : i32
    %mul3A_12 = arith.muli %arg1, %mul3A_11 : i32
    "tpu.region"() ({
      %run_scoped3A = tpu.sem_alloc : memref<!tpu.dma_semaphore, #tpu.memory_space<semaphore_mem>>
      %dma_start3A = arith.constant 0 : i32
      %dma_start3A_13 = tpu.memref_slice %arg6[%arg0, %mul3A_12, %dma_start3A] : memref<2x10240x128xf32, #tpu.memory_space<hbm>> -> memref<1x640x128xf32, #tpu.memory_space<hbm>>
      %dma_start3A_14 = tpu.memref_squeeze %dma_start3A_13 : memref<1x640x128xf32, #tpu.memory_space<hbm>> -> memref<640x128xf32, #tpu.memory_space<hbm>>
      %dma_start3A_15 = arith.constant 0 : i32
      %dma_start3A_16 = tpu.memref_slice %arg11[%mul3A_10, %dma_start3A_15] : memref<10240x128xf32, #tpu.memory_space<vmem_shared>> -> memref<640x128xf32, #tpu.memory_space<vmem_shared>>
      tpu.enqueue_dma source(%dma_start3A_16 : memref<640x128xf32, #tpu.memory_space<vmem_shared>>) target(%dma_start3A_14 : memref<640x128xf32, #tpu.memory_space<hbm>>) target_semaphore(%run_scoped3A : memref<!tpu.dma_semaphore, #tpu.memory_space<semaphore_mem>>)
      %dma_wait3A = arith.constant 0 : i32
      %dma_wait3A_17 = tpu.memref_slice %arg6[%arg0, %mul3A_12, %dma_wait3A] : memref<2x10240x128xf32, #tpu.memory_space<hbm>> -> memref<1x640x128xf32, #tpu.memory_space<hbm>>
      %dma_wait3A_18 = tpu.memref_squeeze %dma_wait3A_17 : memref<1x640x128xf32, #tpu.memory_space<hbm>> -> memref<640x128xf32, #tpu.memory_space<hbm>>
      %dma_wait3A_19 = arith.constant 0 : i32
      %dma_wait3A_20 = tpu.memref_slice %arg11[%mul3A_10, %dma_wait3A_19] : memref<10240x128xf32, #tpu.memory_space<vmem_shared>> -> memref<640x128xf32, #tpu.memory_space<vmem_shared>>
      tpu.wait_dma2 semaphore(%run_scoped3A : memref<!tpu.dma_semaphore, #tpu.memory_space<semaphore_mem>>) src(%dma_wait3A_20 : memref<640x128xf32, #tpu.memory_space<vmem_shared>>) dst(%dma_wait3A_18 : memref<640x128xf32, #tpu.memory_space<hbm>>)
      tpu.yield
    }) : () -> ()
    return
  }
}

#map = affine_map<(d0, d1) -> (0, 0)>
#map1 = affine_map<(d0, d1) -> (0, 0, 0)>
module attributes {stable_mosaic.version = 14 : i64} {
  func.func @body(%arg0: i32, %arg1: i32, %arg2: memref<2560x128xi32, #tpu.memory_space<hbm>>, %arg3: memref<640x128xf32, #tpu.memory_space<hbm>>, %arg4: memref<128x128xf32, #tpu.memory_space<hbm>>, %arg5: memref<2x10240x128xf32, #tpu.memory_space<hbm>>, %arg6: memref<80x128xi32, #tpu.memory_space<vmem>>, %arg7: memref<128x128xf32, #tpu.memory_space<vmem>>, %arg8: memref<10240x128xf32, #tpu.memory_space<vmem_shared>>, %arg9: memref<!tpu.dma_semaphore, #tpu.memory_space<semaphore_mem>>) attributes {dimension_semantics = [#tpu.dimension_semantics<core_parallel>, #tpu.dimension_semantics<subcore_parallel>], iteration_bounds = array<i64: 2, 16>, scalar_prefetch = 0 : i64, scratch_operands = 4 : i64, tpu.core_type = #tpu.core_type<sc_vector_subcore>, window_params = [{transform_indices = #map}, {transform_indices = #map}, {transform_indices = #map}, {transform_indices = #map1}]} {
    %mul3A = arith.constant 2 : i32
    %mul3A_0 = arith.muli %arg1, %mul3A : i32
    %add3A = arith.addi %mul3A_0, %arg0 : i32
    "tpu.region"() ({
      %run_scoped3A = tpu.sem_alloc : memref<!tpu.dma_semaphore, #tpu.memory_space<semaphore_mem>>
      tpu.enqueue_dma source(%arg4 : memref<128x128xf32, #tpu.memory_space<hbm>>) target(%arg7 : memref<128x128xf32, #tpu.memory_space<vmem>>) target_semaphore(%run_scoped3A : memref<!tpu.dma_semaphore, #tpu.memory_space<semaphore_mem>>)
      tpu.wait_dma2 semaphore(%run_scoped3A : memref<!tpu.dma_semaphore, #tpu.memory_space<semaphore_mem>>) src(%arg4 : memref<128x128xf32, #tpu.memory_space<hbm>>) dst(%arg7 : memref<128x128xf32, #tpu.memory_space<vmem>>)
      tpu.yield
    }) : () -> ()
    %mul3A_1 = arith.constant 640 : i32
    %mul3A_2 = arith.muli %arg1, %mul3A_1 : i32
    "tpu.region"() ({
      %run_scoped3A = tpu.sem_alloc : memref<!tpu.dma_semaphore, #tpu.memory_space<semaphore_mem>>
      %dma_start3A = arith.constant 0 : i32
      %dma_start3A_15 = tpu.memref_slice %arg8[%mul3A_2, %dma_start3A] : memref<10240x128xf32, #tpu.memory_space<vmem_shared>> -> memref<640x128xf32, #tpu.memory_space<vmem_shared>>
      tpu.enqueue_dma source(%arg3 : memref<640x128xf32, #tpu.memory_space<hbm>>) target(%dma_start3A_15 : memref<640x128xf32, #tpu.memory_space<vmem_shared>>) target_semaphore(%run_scoped3A : memref<!tpu.dma_semaphore, #tpu.memory_space<semaphore_mem>>)
      %dma_wait3A = arith.constant 0 : i32
      %dma_wait3A_16 = tpu.memref_slice %arg8[%mul3A_2, %dma_wait3A] : memref<10240x128xf32, #tpu.memory_space<vmem_shared>> -> memref<640x128xf32, #tpu.memory_space<vmem_shared>>
      tpu.wait_dma2 semaphore(%run_scoped3A : memref<!tpu.dma_semaphore, #tpu.memory_space<semaphore_mem>>) src(%arg3 : memref<640x128xf32, #tpu.memory_space<hbm>>) dst(%dma_wait3A_16 : memref<640x128xf32, #tpu.memory_space<vmem_shared>>)
      tpu.yield
    }) : () -> ()
    %barrier3A = arith.constant 0 : index
    tpu.barrier barrier_id(%barrier3A)
    %mul3A_3 = arith.constant 80 : i32
    %mul3A_4 = arith.muli %add3A, %mul3A_3 : i32
    "tpu.region"() ({
      %run_scoped3A = tpu.sem_alloc : memref<!tpu.dma_semaphore, #tpu.memory_space<semaphore_mem>>
      %dma_start3A = arith.constant 0 : i32
      %dma_start3A_15 = tpu.memref_slice %arg2[%mul3A_4, %dma_start3A] : memref<2560x128xi32, #tpu.memory_space<hbm>> -> memref<80x128xi32, #tpu.memory_space<hbm>>
      %dma_start3A_16 = arith.constant 0 : i32
      %dma_start3A_17 = tpu.memref_slice %arg2[%mul3A_4, %dma_start3A_16] : memref<2560x128xi32, #tpu.memory_space<hbm>> -> memref<80x128xi32, #tpu.memory_space<hbm>>
      tpu.enqueue_dma source(%dma_start3A_17 : memref<80x128xi32, #tpu.memory_space<hbm>>) target(%arg6 : memref<80x128xi32, #tpu.memory_space<vmem>>) target_semaphore(%run_scoped3A : memref<!tpu.dma_semaphore, #tpu.memory_space<semaphore_mem>>)
      %dma_wait3A = arith.constant 0 : i32
      %dma_wait3A_18 = tpu.memref_slice %arg2[%mul3A_4, %dma_wait3A] : memref<2560x128xi32, #tpu.memory_space<hbm>> -> memref<80x128xi32, #tpu.memory_space<hbm>>
      %dma_wait3A_19 = arith.constant 0 : i32
      %dma_wait3A_20 = tpu.memref_slice %arg2[%mul3A_4, %dma_wait3A_19] : memref<2560x128xi32, #tpu.memory_space<hbm>> -> memref<80x128xi32, #tpu.memory_space<hbm>>
      tpu.wait_dma2 semaphore(%run_scoped3A : memref<!tpu.dma_semaphore, #tpu.memory_space<semaphore_mem>>) src(%dma_wait3A_20 : memref<80x128xi32, #tpu.memory_space<hbm>>) dst(%arg6 : memref<80x128xi32, #tpu.memory_space<vmem>>)
      tpu.yield
    }) : () -> ()
    %scan3A = arith.constant 0 : i32
    %scan3A_5 = arith.constant 0 : i32
    %scan3A_6 = arith.constant 80 : i32
    %scan3A_7 = arith.addi %scan3A_5, %scan3A_6 : i32
    %scan3A_8 = arith.constant 1 : i32
    scf.for %scan3A_15 = %scan3A_5 to %scan3A_7 step %scan3A_8  : i32 {
      "tpu.region"() ({
        %run_scoped3A = tpu.sem_alloc : memref<!tpu.dma_semaphore, #tpu.memory_space<semaphore_mem>>
        %dma_start3A = arith.constant 0 : i32
        %dma_start3A_16 = tpu.memref_slice %arg6[%scan3A_15, %dma_start3A] : memref<80x128xi32, #tpu.memory_space<vmem>> -> memref<1x128xi32, #tpu.memory_space<vmem>>
        %dma_start3A_17 = tpu.memref_squeeze %dma_start3A_16 : memref<1x128xi32, #tpu.memory_space<vmem>> -> memref<128xi32, #tpu.memory_space<vmem>>
        %dma_start3A_18 = arith.constant 0 : i32
        %dma_start3A_19 = arith.constant 0 : i32
        %dma_start3A_20 = tpu.memref_slice %arg8[%dma_start3A_18, %dma_start3A_19] : memref<10240x128xf32, #tpu.memory_space<vmem_shared>> -> memref<10240x128xf32, #tpu.memory_space<vmem_shared>>
        tpu.enqueue_indirect_dma source(%arg7 : memref<128x128xf32, #tpu.memory_space<vmem>>) target(%dma_start3A_20 : memref<10240x128xf32, #tpu.memory_space<vmem_shared>>) offsets(%dma_start3A_17 : memref<128xi32, #tpu.memory_space<vmem>>) semaphore(%run_scoped3A : memref<!tpu.dma_semaphore, #tpu.memory_space<semaphore_mem>>) {add = true}
        %dma_wait3A = arith.constant 0 : i32
        %dma_wait3A_21 = tpu.memref_slice %arg6[%scan3A_15, %dma_wait3A] : memref<80x128xi32, #tpu.memory_space<vmem>> -> memref<1x128xi32, #tpu.memory_space<vmem>>
        %dma_wait3A_22 = tpu.memref_squeeze %dma_wait3A_21 : memref<1x128xi32, #tpu.memory_space<vmem>> -> memref<128xi32, #tpu.memory_space<vmem>>
        %dma_wait3A_23 = arith.constant 0 : i32
        %dma_wait3A_24 = arith.constant 0 : i32
        %dma_wait3A_25 = tpu.memref_slice %arg8[%dma_wait3A_23, %dma_wait3A_24] : memref<10240x128xf32, #tpu.memory_space<vmem_shared>> -> memref<10240x128xf32, #tpu.memory_space<vmem_shared>>
        tpu.wait_indirect_dma semaphore(%run_scoped3A : memref<!tpu.dma_semaphore, #tpu.memory_space<semaphore_mem>>) src(%arg7 : memref<128x128xf32, #tpu.memory_space<vmem>>) dst(%dma_wait3A_25 : memref<10240x128xf32, #tpu.memory_space<vmem_shared>>)
        tpu.yield
      }) : () -> ()
    }
    %scan3A_9 = arith.constant 80 : i32
    %barrier3A_10 = arith.constant 0 : index
    tpu.barrier barrier_id(%barrier3A_10)
    %mul3A_11 = arith.constant 640 : i32
    %mul3A_12 = arith.muli %arg1, %mul3A_11 : i32
    %mul3A_13 = arith.constant 640 : i32
    %mul3A_14 = arith.muli %arg1, %mul3A_13 : i32
    "tpu.region"() ({
      %run_scoped3A = tpu.sem_alloc : memref<!tpu.dma_semaphore, #tpu.memory_space<semaphore_mem>>
      %dma_start3A = arith.constant 0 : i32
      %dma_start3A_15 = tpu.memref_slice %arg5[%arg0, %mul3A_14, %dma_start3A] : memref<2x10240x128xf32, #tpu.memory_space<hbm>> -> memref<1x640x128xf32, #tpu.memory_space<hbm>>
      %dma_start3A_16 = tpu.memref_squeeze %dma_start3A_15 : memref<1x640x128xf32, #tpu.memory_space<hbm>> -> memref<640x128xf32, #tpu.memory_space<hbm>>
      %dma_start3A_17 = arith.constant 0 : i32
      %dma_start3A_18 = tpu.memref_slice %arg8[%mul3A_12, %dma_start3A_17] : memref<10240x128xf32, #tpu.memory_space<vmem_shared>> -> memref<640x128xf32, #tpu.memory_space<vmem_shared>>
      tpu.enqueue_dma source(%dma_start3A_18 : memref<640x128xf32, #tpu.memory_space<vmem_shared>>) target(%dma_start3A_16 : memref<640x128xf32, #tpu.memory_space<hbm>>) target_semaphore(%run_scoped3A : memref<!tpu.dma_semaphore, #tpu.memory_space<semaphore_mem>>)
      %dma_wait3A = arith.constant 0 : i32
      %dma_wait3A_19 = tpu.memref_slice %arg5[%arg0, %mul3A_14, %dma_wait3A] : memref<2x10240x128xf32, #tpu.memory_space<hbm>> -> memref<1x640x128xf32, #tpu.memory_space<hbm>>
      %dma_wait3A_20 = tpu.memref_squeeze %dma_wait3A_19 : memref<1x640x128xf32, #tpu.memory_space<hbm>> -> memref<640x128xf32, #tpu.memory_space<hbm>>
      %dma_wait3A_21 = arith.constant 0 : i32
      %dma_wait3A_22 = tpu.memref_slice %arg8[%mul3A_12, %dma_wait3A_21] : memref<10240x128xf32, #tpu.memory_space<vmem_shared>> -> memref<640x128xf32, #tpu.memory_space<vmem_shared>>
      tpu.wait_dma2 semaphore(%run_scoped3A : memref<!tpu.dma_semaphore, #tpu.memory_space<semaphore_mem>>) src(%dma_wait3A_22 : memref<640x128xf32, #tpu.memory_space<vmem_shared>>) dst(%dma_wait3A_20 : memref<640x128xf32, #tpu.memory_space<hbm>>)
      tpu.yield
    }) : () -> ()
    return
  }
}

#map = affine_map<(d0, d1) -> (0, 0)>
#map1 = affine_map<(d0, d1) -> (0, 0, 0)>
module attributes {stable_mosaic.version = 14 : i64} {
  func.func @body(%arg0: i32, %arg1: i32, %arg2: memref<10000x128xf32, #tpu.memory_space<hbm>>, %arg3: memref<2560x128xi32, #tpu.memory_space<hbm>>, %arg4: memref<2560x128xi32, #tpu.memory_space<hbm>>, %arg5: memref<640x128xf32, #tpu.memory_space<hbm>>, %arg6: memref<2x10240x128xf32, #tpu.memory_space<hbm>>, %arg7: memref<16x128xi32, #tpu.memory_space<vmem>>, %arg8: memref<16x128xi32, #tpu.memory_space<vmem>>, %arg9: memref<128x128xf32, #tpu.memory_space<vmem>>, %arg10: memref<128x128xf32, #tpu.memory_space<vmem>>, %arg11: memref<10240x128xf32, #tpu.memory_space<vmem_shared>>, %arg12: memref<!tpu.dma_semaphore, #tpu.memory_space<semaphore_mem>>, %arg13: memref<!tpu.dma_semaphore, #tpu.memory_space<semaphore_mem>>) attributes {dimension_semantics = [#tpu.dimension_semantics<core_parallel>, #tpu.dimension_semantics<subcore_parallel>], iteration_bounds = array<i64: 2, 16>, scalar_prefetch = 0 : i64, scratch_operands = 7 : i64, tpu.core_type = #tpu.core_type<sc_vector_subcore>, window_params = [{transform_indices = #map}, {transform_indices = #map}, {transform_indices = #map}, {transform_indices = #map}, {transform_indices = #map1}]} {
    %mul3A = arith.constant 640 : i32
    %mul3A_0 = arith.muli %arg1, %mul3A : i32
    "tpu.region"() ({
      %run_scoped3A = tpu.sem_alloc : memref<!tpu.dma_semaphore, #tpu.memory_space<semaphore_mem>>
      %dma_start3A = arith.constant 0 : i32
      %dma_start3A_13 = tpu.memref_slice %arg11[%mul3A_0, %dma_start3A] : memref<10240x128xf32, #tpu.memory_space<vmem_shared>> -> memref<640x128xf32, #tpu.memory_space<vmem_shared>>
      tpu.enqueue_dma source(%arg5 : memref<640x128xf32, #tpu.memory_space<hbm>>) target(%dma_start3A_13 : memref<640x128xf32, #tpu.memory_space<vmem_shared>>) target_semaphore(%run_scoped3A : memref<!tpu.dma_semaphore, #tpu.memory_space<semaphore_mem>>)
      %dma_wait3A = arith.constant 0 : i32
      %dma_wait3A_14 = tpu.memref_slice %arg11[%mul3A_0, %dma_wait3A] : memref<10240x128xf32, #tpu.memory_space<vmem_shared>> -> memref<640x128xf32, #tpu.memory_space<vmem_shared>>
      tpu.wait_dma2 semaphore(%run_scoped3A : memref<!tpu.dma_semaphore, #tpu.memory_space<semaphore_mem>>) src(%arg5 : memref<640x128xf32, #tpu.memory_space<hbm>>) dst(%dma_wait3A_14 : memref<640x128xf32, #tpu.memory_space<vmem_shared>>)
      tpu.yield
    }) : () -> ()
    %barrier3A = arith.constant 0 : index
    tpu.barrier barrier_id(%barrier3A)
    %eq3A = arith.constant 0 : i32
    %eq3A_1 = arith.cmpi eq, %arg0, %eq3A : i32
    %convert_element_type3A = arith.extui %eq3A_1 : i1 to i32
    %cond3A = arith.constant 0 : i32
    %cond3A_2 = arith.cmpi ne, %convert_element_type3A, %cond3A : i32
    scf.if %cond3A_2 {
      %mul3A_13 = arith.constant 128 : i32
      %mul3A_14 = arith.muli %arg1, %mul3A_13 : i32
      %scan3A = arith.constant 0 : i32
      %scan3A_15 = arith.constant 0 : i32
      %scan3A_16 = arith.constant 8 : i32
      %scan3A_17 = arith.addi %scan3A_15, %scan3A_16 : i32
      %scan3A_18 = arith.constant 1 : i32
      scf.for %scan3A_20 = %scan3A_15 to %scan3A_17 step %scan3A_18  : i32 {
        %mul3A_21 = arith.constant 16 : i32
        %mul3A_22 = arith.muli %scan3A_20, %mul3A_21 : i32
        %add3A = arith.addi %mul3A_14, %mul3A_22 : i32
        "tpu.region"() ({
          %run_scoped3A_263 = tpu.sem_alloc : memref<!tpu.dma_semaphore, #tpu.memory_space<semaphore_mem>>
          %dma_start3A_264 = arith.constant 0 : i32
          %dma_start3A_265 = tpu.memref_slice %arg3[%add3A, %dma_start3A_264] : memref<2560x128xi32, #tpu.memory_space<hbm>> -> memref<16x128xi32, #tpu.memory_space<hbm>>
          %dma_start3A_266 = arith.constant 0 : i32
          %dma_start3A_267 = tpu.memref_slice %arg3[%add3A, %dma_start3A_266] : memref<2560x128xi32, #tpu.memory_space<hbm>> -> memref<16x128xi32, #tpu.memory_space<hbm>>
          tpu.enqueue_dma source(%dma_start3A_267 : memref<16x128xi32, #tpu.memory_space<hbm>>) target(%arg7 : memref<16x128xi32, #tpu.memory_space<vmem>>) target_semaphore(%run_scoped3A_263 : memref<!tpu.dma_semaphore, #tpu.memory_space<semaphore_mem>>)
          %dma_wait3A_268 = arith.constant 0 : i32
          %dma_wait3A_269 = tpu.memref_slice %arg3[%add3A, %dma_wait3A_268] : memref<2560x128xi32, #tpu.memory_space<hbm>> -> memref<16x128xi32, #tpu.memory_space<hbm>>
          %dma_wait3A_270 = arith.constant 0 : i32
          %dma_wait3A_271 = tpu.memref_slice %arg3[%add3A, %dma_wait3A_270] : memref<2560x128xi32, #tpu.memory_space<hbm>> -> memref<16x128xi32, #tpu.memory_space<hbm>>
          tpu.wait_dma2 semaphore(%run_scoped3A_263 : memref<!tpu.dma_semaphore, #tpu.memory_space<semaphore_mem>>) src(%dma_wait3A_271 : memref<16x128xi32, #tpu.memory_space<hbm>>) dst(%arg7 : memref<16x128xi32, #tpu.memory_space<vmem>>)
          tpu.yield
        }) : () -> ()
        %mul3A_23 = arith.constant 16 : i32
        %mul3A_24 = arith.muli %scan3A_20, %mul3A_23 : i32
        %add3A_25 = arith.addi %mul3A_14, %mul3A_24 : i32
        "tpu.region"() ({
          %run_scoped3A_263 = tpu.sem_alloc : memref<!tpu.dma_semaphore, #tpu.memory_space<semaphore_mem>>
          %dma_start3A_264 = arith.constant 0 : i32
          %dma_start3A_265 = tpu.memref_slice %arg4[%add3A_25, %dma_start3A_264] : memref<2560x128xi32, #tpu.memory_space<hbm>> -> memref<16x128xi32, #tpu.memory_space<hbm>>
          %dma_start3A_266 = arith.constant 0 : i32
          %dma_start3A_267 = tpu.memref_slice %arg4[%add3A_25, %dma_start3A_266] : memref<2560x128xi32, #tpu.memory_space<hbm>> -> memref<16x128xi32, #tpu.memory_space<hbm>>
          tpu.enqueue_dma source(%dma_start3A_267 : memref<16x128xi32, #tpu.memory_space<hbm>>) target(%arg8 : memref<16x128xi32, #tpu.memory_space<vmem>>) target_semaphore(%run_scoped3A_263 : memref<!tpu.dma_semaphore, #tpu.memory_space<semaphore_mem>>)
          %dma_wait3A_268 = arith.constant 0 : i32
          %dma_wait3A_269 = tpu.memref_slice %arg4[%add3A_25, %dma_wait3A_268] : memref<2560x128xi32, #tpu.memory_space<hbm>> -> memref<16x128xi32, #tpu.memory_space<hbm>>
          %dma_wait3A_270 = arith.constant 0 : i32
          %dma_wait3A_271 = tpu.memref_slice %arg4[%add3A_25, %dma_wait3A_270] : memref<2560x128xi32, #tpu.memory_space<hbm>> -> memref<16x128xi32, #tpu.memory_space<hbm>>
          tpu.wait_dma2 semaphore(%run_scoped3A_263 : memref<!tpu.dma_semaphore, #tpu.memory_space<semaphore_mem>>) src(%dma_wait3A_271 : memref<16x128xi32, #tpu.memory_space<hbm>>) dst(%arg8 : memref<16x128xi32, #tpu.memory_space<vmem>>)
          tpu.yield
        }) : () -> ()
        %dma_start3A = arith.constant 0 : i32
        %dma_start3A_26 = arith.constant 0 : i32
        %dma_start3A_27 = tpu.memref_slice %arg7[%dma_start3A, %dma_start3A_26] : memref<16x128xi32, #tpu.memory_space<vmem>> -> memref<1x128xi32, #tpu.memory_space<vmem>>
        %dma_start3A_28 = tpu.memref_squeeze %dma_start3A_27 : memref<1x128xi32, #tpu.memory_space<vmem>> -> memref<128xi32, #tpu.memory_space<vmem>>
        %dma_start3A_29 = arith.constant 0 : i32
        %dma_start3A_30 = arith.constant 0 : i32
        %dma_start3A_31 = tpu.memref_slice %arg2[%dma_start3A_29, %dma_start3A_30] : memref<10000x128xf32, #tpu.memory_space<hbm>> -> memref<10000x128xf32, #tpu.memory_space<hbm>>
        tpu.enqueue_indirect_dma source(%dma_start3A_31 : memref<10000x128xf32, #tpu.memory_space<hbm>>) target(%arg9 : memref<128x128xf32, #tpu.memory_space<vmem>>) offsets(%dma_start3A_28 : memref<128xi32, #tpu.memory_space<vmem>>) semaphore(%arg12 : memref<!tpu.dma_semaphore, #tpu.memory_space<semaphore_mem>>)
        %dma_start3A_32 = arith.constant 1 : i32
        %dma_start3A_33 = arith.constant 0 : i32
        %dma_start3A_34 = tpu.memref_slice %arg7[%dma_start3A_32, %dma_start3A_33] : memref<16x128xi32, #tpu.memory_space<vmem>> -> memref<1x128xi32, #tpu.memory_space<vmem>>
        %dma_start3A_35 = tpu.memref_squeeze %dma_start3A_34 : memref<1x128xi32, #tpu.memory_space<vmem>> -> memref<128xi32, #tpu.memory_space<vmem>>
        %dma_start3A_36 = arith.constant 0 : i32
        %dma_start3A_37 = arith.constant 0 : i32
        %dma_start3A_38 = tpu.memref_slice %arg2[%dma_start3A_36, %dma_start3A_37] : memref<10000x128xf32, #tpu.memory_space<hbm>> -> memref<10000x128xf32, #tpu.memory_space<hbm>>
        tpu.enqueue_indirect_dma source(%dma_start3A_38 : memref<10000x128xf32, #tpu.memory_space<hbm>>) target(%arg10 : memref<128x128xf32, #tpu.memory_space<vmem>>) offsets(%dma_start3A_35 : memref<128xi32, #tpu.memory_space<vmem>>) semaphore(%arg13 : memref<!tpu.dma_semaphore, #tpu.memory_space<semaphore_mem>>)
        %dma_wait3A = arith.constant 0 : i32
        %dma_wait3A_39 = arith.constant 0 : i32
        %dma_wait3A_40 = tpu.memref_slice %arg7[%dma_wait3A, %dma_wait3A_39] : memref<16x128xi32, #tpu.memory_space<vmem>> -> memref<1x128xi32, #tpu.memory_space<vmem>>
        %dma_wait3A_41 = tpu.memref_squeeze %dma_wait3A_40 : memref<1x128xi32, #tpu.memory_space<vmem>> -> memref<128xi32, #tpu.memory_space<vmem>>
        %dma_wait3A_42 = arith.constant 0 : i32
        %dma_wait3A_43 = arith.constant 0 : i32
        %dma_wait3A_44 = tpu.memref_slice %arg2[%dma_wait3A_42, %dma_wait3A_43] : memref<10000x128xf32, #tpu.memory_space<hbm>> -> memref<10000x128xf32, #tpu.memory_space<hbm>>
        tpu.wait_indirect_dma semaphore(%arg12 : memref<!tpu.dma_semaphore, #tpu.memory_space<semaphore_mem>>) src(%dma_wait3A_44 : memref<10000x128xf32, #tpu.memory_space<hbm>>) dst(%arg9 : memref<128x128xf32, #tpu.memory_space<vmem>>)
        %run_scoped3A = arith.constant 0 : i32
        "tpu.region"() ({
          %run_scoped3A_263 = tpu.sem_alloc : memref<!tpu.dma_semaphore, #tpu.memory_space<semaphore_mem>>
          %dma_start3A_264 = arith.constant 0 : i32
          %dma_start3A_265 = tpu.memref_slice %arg8[%run_scoped3A, %dma_start3A_264] : memref<16x128xi32, #tpu.memory_space<vmem>> -> memref<1x128xi32, #tpu.memory_space<vmem>>
          %dma_start3A_266 = tpu.memref_squeeze %dma_start3A_265 : memref<1x128xi32, #tpu.memory_space<vmem>> -> memref<128xi32, #tpu.memory_space<vmem>>
          %dma_start3A_267 = arith.constant 0 : i32
          %dma_start3A_268 = arith.constant 0 : i32
          %dma_start3A_269 = tpu.memref_slice %arg11[%dma_start3A_267, %dma_start3A_268] : memref<10240x128xf32, #tpu.memory_space<vmem_shared>> -> memref<10240x128xf32, #tpu.memory_space<vmem_shared>>
          tpu.enqueue_indirect_dma source(%arg9 : memref<128x128xf32, #tpu.memory_space<vmem>>) target(%dma_start3A_269 : memref<10240x128xf32, #tpu.memory_space<vmem_shared>>) offsets(%dma_start3A_266 : memref<128xi32, #tpu.memory_space<vmem>>) semaphore(%run_scoped3A_263 : memref<!tpu.dma_semaphore, #tpu.memory_space<semaphore_mem>>) {add = true}
          %dma_wait3A_270 = arith.constant 0 : i32
          %dma_wait3A_271 = tpu.memref_slice %arg8[%run_scoped3A, %dma_wait3A_270] : memref<16x128xi32, #tpu.memory_space<vmem>> -> memref<1x128xi32, #tpu.memory_space<vmem>>
          %dma_wait3A_272 = tpu.memref_squeeze %dma_wait3A_271 : memref<1x128xi32, #tpu.memory_space<vmem>> -> memref<128xi32, #tpu.memory_space<vmem>>
          %dma_wait3A_273 = arith.constant 0 : i32
          %dma_wait3A_274 = arith.constant 0 : i32
          %dma_wait3A_275 = tpu.memref_slice %arg11[%dma_wait3A_273, %dma_wait3A_274] : memref<10240x128xf32, #tpu.memory_space<vmem_shared>> -> memref<10240x128xf32, #tpu.memory_space<vmem_shared>>
          tpu.wait_indirect_dma semaphore(%run_scoped3A_263 : memref<!tpu.dma_semaphore, #tpu.memory_space<semaphore_mem>>) src(%arg9 : memref<128x128xf32, #tpu.memory_space<vmem>>) dst(%dma_wait3A_275 : memref<10240x128xf32, #tpu.memory_space<vmem_shared>>)
          tpu.yield
        }) : () -> ()
        %dma_start3A_45 = arith.constant 2 : i32
        %dma_start3A_46 = arith.constant 0 : i32
        %dma_start3A_47 = tpu.memref_slice %arg7[%dma_start3A_45, %dma_start3A_46] : memref<16x128xi32, #tpu.memory_space<vmem>> -> memref<1x128xi32, #tpu.memory_space<vmem>>
        %dma_start3A_48 = tpu.memref_squeeze %dma_start3A_47 : memref<1x128xi32, #tpu.memory_space<vmem>> -> memref<128xi32, #tpu.memory_space<vmem>>
        %dma_start3A_49 = arith.constant 0 : i32
        %dma_start3A_50 = arith.constant 0 : i32
        %dma_start3A_51 = tpu.memref_slice %arg2[%dma_start3A_49, %dma_start3A_50] : memref<10000x128xf32, #tpu.memory_space<hbm>> -> memref<10000x128xf32, #tpu.memory_space<hbm>>
        tpu.enqueue_indirect_dma source(%dma_start3A_51 : memref<10000x128xf32, #tpu.memory_space<hbm>>) target(%arg9 : memref<128x128xf32, #tpu.memory_space<vmem>>) offsets(%dma_start3A_48 : memref<128xi32, #tpu.memory_space<vmem>>) semaphore(%arg12 : memref<!tpu.dma_semaphore, #tpu.memory_space<semaphore_mem>>)
        %dma_wait3A_52 = arith.constant 1 : i32
        %dma_wait3A_53 = arith.constant 0 : i32
        %dma_wait3A_54 = tpu.memref_slice %arg7[%dma_wait3A_52, %dma_wait3A_53] : memref<16x128xi32, #tpu.memory_space<vmem>> -> memref<1x128xi32, #tpu.memory_space<vmem>>
        %dma_wait3A_55 = tpu.memref_squeeze %dma_wait3A_54 : memref<1x128xi32, #tpu.memory_space<vmem>> -> memref<128xi32, #tpu.memory_space<vmem>>
        %dma_wait3A_56 = arith.constant 0 : i32
        %dma_wait3A_57 = arith.constant 0 : i32
        %dma_wait3A_58 = tpu.memref_slice %arg2[%dma_wait3A_56, %dma_wait3A_57] : memref<10000x128xf32, #tpu.memory_space<hbm>> -> memref<10000x128xf32, #tpu.memory_space<hbm>>
        tpu.wait_indirect_dma semaphore(%arg13 : memref<!tpu.dma_semaphore, #tpu.memory_space<semaphore_mem>>) src(%dma_wait3A_58 : memref<10000x128xf32, #tpu.memory_space<hbm>>) dst(%arg10 : memref<128x128xf32, #tpu.memory_space<vmem>>)
        %run_scoped3A_59 = arith.constant 1 : i32
        "tpu.region"() ({
          %run_scoped3A_263 = tpu.sem_alloc : memref<!tpu.dma_semaphore, #tpu.memory_space<semaphore_mem>>
          %dma_start3A_264 = arith.constant 0 : i32
          %dma_start3A_265 = tpu.memref_slice %arg8[%run_scoped3A_59, %dma_start3A_264] : memref<16x128xi32, #tpu.memory_space<vmem>> -> memref<1x128xi32, #tpu.memory_space<vmem>>
          %dma_start3A_266 = tpu.memref_squeeze %dma_start3A_265 : memref<1x128xi32, #tpu.memory_space<vmem>> -> memref<128xi32, #tpu.memory_space<vmem>>
          %dma_start3A_267 = arith.constant 0 : i32
          %dma_start3A_268 = arith.constant 0 : i32
          %dma_start3A_269 = tpu.memref_slice %arg11[%dma_start3A_267, %dma_start3A_268] : memref<10240x128xf32, #tpu.memory_space<vmem_shared>> -> memref<10240x128xf32, #tpu.memory_space<vmem_shared>>
          tpu.enqueue_indirect_dma source(%arg10 : memref<128x128xf32, #tpu.memory_space<vmem>>) target(%dma_start3A_269 : memref<10240x128xf32, #tpu.memory_space<vmem_shared>>) offsets(%dma_start3A_266 : memref<128xi32, #tpu.memory_space<vmem>>) semaphore(%run_scoped3A_263 : memref<!tpu.dma_semaphore, #tpu.memory_space<semaphore_mem>>) {add = true}
          %dma_wait3A_270 = arith.constant 0 : i32
          %dma_wait3A_271 = tpu.memref_slice %arg8[%run_scoped3A_59, %dma_wait3A_270] : memref<16x128xi32, #tpu.memory_space<vmem>> -> memref<1x128xi32, #tpu.memory_space<vmem>>
          %dma_wait3A_272 = tpu.memref_squeeze %dma_wait3A_271 : memref<1x128xi32, #tpu.memory_space<vmem>> -> memref<128xi32, #tpu.memory_space<vmem>>
          %dma_wait3A_273 = arith.constant 0 : i32
          %dma_wait3A_274 = arith.constant 0 : i32
          %dma_wait3A_275 = tpu.memref_slice %arg11[%dma_wait3A_273, %dma_wait3A_274] : memref<10240x128xf32, #tpu.memory_space<vmem_shared>> -> memref<10240x128xf32, #tpu.memory_space<vmem_shared>>
          tpu.wait_indirect_dma semaphore(%run_scoped3A_263 : memref<!tpu.dma_semaphore, #tpu.memory_space<semaphore_mem>>) src(%arg10 : memref<128x128xf32, #tpu.memory_space<vmem>>) dst(%dma_wait3A_275 : memref<10240x128xf32, #tpu.memory_space<vmem_shared>>)
          tpu.yield
        }) : () -> ()
        %dma_start3A_60 = arith.constant 3 : i32
        %dma_start3A_61 = arith.constant 0 : i32
        %dma_start3A_62 = tpu.memref_slice %arg7[%dma_start3A_60, %dma_start3A_61] : memref<16x128xi32, #tpu.memory_space<vmem>> -> memref<1x128xi32, #tpu.memory_space<vmem>>
        %dma_start3A_63 = tpu.memref_squeeze %dma_start3A_62 : memref<1x128xi32, #tpu.memory_space<vmem>> -> memref<128xi32, #tpu.memory_space<vmem>>
        %dma_start3A_64 = arith.constant 0 : i32
        %dma_start3A_65 = arith.constant 0 : i32
        %dma_start3A_66 = tpu.memref_slice %arg2[%dma_start3A_64, %dma_start3A_65] : memref<10000x128xf32, #tpu.memory_space<hbm>> -> memref<10000x128xf32, #tpu.memory_space<hbm>>
        tpu.enqueue_indirect_dma source(%dma_start3A_66 : memref<10000x128xf32, #tpu.memory_space<hbm>>) target(%arg10 : memref<128x128xf32, #tpu.memory_space<vmem>>) offsets(%dma_start3A_63 : memref<128xi32, #tpu.memory_space<vmem>>) semaphore(%arg13 : memref<!tpu.dma_semaphore, #tpu.memory_space<semaphore_mem>>)
        %dma_wait3A_67 = arith.constant 2 : i32
        %dma_wait3A_68 = arith.constant 0 : i32
        %dma_wait3A_69 = tpu.memref_slice %arg7[%dma_wait3A_67, %dma_wait3A_68] : memref<16x128xi32, #tpu.memory_space<vmem>> -> memref<1x128xi32, #tpu.memory_space<vmem>>
        %dma_wait3A_70 = tpu.memref_squeeze %dma_wait3A_69 : memref<1x128xi32, #tpu.memory_space<vmem>> -> memref<128xi32, #tpu.memory_space<vmem>>
        %dma_wait3A_71 = arith.constant 0 : i32
        %dma_wait3A_72 = arith.constant 0 : i32
        %dma_wait3A_73 = tpu.memref_slice %arg2[%dma_wait3A_71, %dma_wait3A_72] : memref<10000x128xf32, #tpu.memory_space<hbm>> -> memref<10000x128xf32, #tpu.memory_space<hbm>>
        tpu.wait_indirect_dma semaphore(%arg12 : memref<!tpu.dma_semaphore, #tpu.memory_space<semaphore_mem>>) src(%dma_wait3A_73 : memref<10000x128xf32, #tpu.memory_space<hbm>>) dst(%arg9 : memref<128x128xf32, #tpu.memory_space<vmem>>)
        %run_scoped3A_74 = arith.constant 2 : i32
        "tpu.region"() ({
          %run_scoped3A_263 = tpu.sem_alloc : memref<!tpu.dma_semaphore, #tpu.memory_space<semaphore_mem>>
          %dma_start3A_264 = arith.constant 0 : i32
          %dma_start3A_265 = tpu.memref_slice %arg8[%run_scoped3A_74, %dma_start3A_264] : memref<16x128xi32, #tpu.memory_space<vmem>> -> memref<1x128xi32, #tpu.memory_space<vmem>>
          %dma_start3A_266 = tpu.memref_squeeze %dma_start3A_265 : memref<1x128xi32, #tpu.memory_space<vmem>> -> memref<128xi32, #tpu.memory_space<vmem>>
          %dma_start3A_267 = arith.constant 0 : i32
          %dma_start3A_268 = arith.constant 0 : i32
          %dma_start3A_269 = tpu.memref_slice %arg11[%dma_start3A_267, %dma_start3A_268] : memref<10240x128xf32, #tpu.memory_space<vmem_shared>> -> memref<10240x128xf32, #tpu.memory_space<vmem_shared>>
          tpu.enqueue_indirect_dma source(%arg9 : memref<128x128xf32, #tpu.memory_space<vmem>>) target(%dma_start3A_269 : memref<10240x128xf32, #tpu.memory_space<vmem_shared>>) offsets(%dma_start3A_266 : memref<128xi32, #tpu.memory_space<vmem>>) semaphore(%run_scoped3A_263 : memref<!tpu.dma_semaphore, #tpu.memory_space<semaphore_mem>>) {add = true}
          %dma_wait3A_270 = arith.constant 0 : i32
          %dma_wait3A_271 = tpu.memref_slice %arg8[%run_scoped3A_74, %dma_wait3A_270] : memref<16x128xi32, #tpu.memory_space<vmem>> -> memref<1x128xi32, #tpu.memory_space<vmem>>
          %dma_wait3A_272 = tpu.memref_squeeze %dma_wait3A_271 : memref<1x128xi32, #tpu.memory_space<vmem>> -> memref<128xi32, #tpu.memory_space<vmem>>
          %dma_wait3A_273 = arith.constant 0 : i32
          %dma_wait3A_274 = arith.constant 0 : i32
          %dma_wait3A_275 = tpu.memref_slice %arg11[%dma_wait3A_273, %dma_wait3A_274] : memref<10240x128xf32, #tpu.memory_space<vmem_shared>> -> memref<10240x128xf32, #tpu.memory_space<vmem_shared>>
          tpu.wait_indirect_dma semaphore(%run_scoped3A_263 : memref<!tpu.dma_semaphore, #tpu.memory_space<semaphore_mem>>) src(%arg9 : memref<128x128xf32, #tpu.memory_space<vmem>>) dst(%dma_wait3A_275 : memref<10240x128xf32, #tpu.memory_space<vmem_shared>>)
          tpu.yield
        }) : () -> ()
        %dma_start3A_75 = arith.constant 4 : i32
        %dma_start3A_76 = arith.constant 0 : i32
        %dma_start3A_77 = tpu.memref_slice %arg7[%dma_start3A_75, %dma_start3A_76] : memref<16x128xi32, #tpu.memory_space<vmem>> -> memref<1x128xi32, #tpu.memory_space<vmem>>
        %dma_start3A_78 = tpu.memref_squeeze %dma_start3A_77 : memref<1x128xi32, #tpu.memory_space<vmem>> -> memref<128xi32, #tpu.memory_space<vmem>>
        %dma_start3A_79 = arith.constant 0 : i32
        %dma_start3A_80 = arith.constant 0 : i32
        %dma_start3A_81 = tpu.memref_slice %arg2[%dma_start3A_79, %dma_start3A_80] : memref<10000x128xf32, #tpu.memory_space<hbm>> -> memref<10000x128xf32, #tpu.memory_space<hbm>>
        tpu.enqueue_indirect_dma source(%dma_start3A_81 : memref<10000x128xf32, #tpu.memory_space<hbm>>) target(%arg9 : memref<128x128xf32, #tpu.memory_space<vmem>>) offsets(%dma_start3A_78 : memref<128xi32, #tpu.memory_space<vmem>>) semaphore(%arg12 : memref<!tpu.dma_semaphore, #tpu.memory_space<semaphore_mem>>)
        %dma_wait3A_82 = arith.constant 3 : i32
        %dma_wait3A_83 = arith.constant 0 : i32
        %dma_wait3A_84 = tpu.memref_slice %arg7[%dma_wait3A_82, %dma_wait3A_83] : memref<16x128xi32, #tpu.memory_space<vmem>> -> memref<1x128xi32, #tpu.memory_space<vmem>>
        %dma_wait3A_85 = tpu.memref_squeeze %dma_wait3A_84 : memref<1x128xi32, #tpu.memory_space<vmem>> -> memref<128xi32, #tpu.memory_space<vmem>>
        %dma_wait3A_86 = arith.constant 0 : i32
        %dma_wait3A_87 = arith.constant 0 : i32
        %dma_wait3A_88 = tpu.memref_slice %arg2[%dma_wait3A_86, %dma_wait3A_87] : memref<10000x128xf32, #tpu.memory_space<hbm>> -> memref<10000x128xf32, #tpu.memory_space<hbm>>
        tpu.wait_indirect_dma semaphore(%arg13 : memref<!tpu.dma_semaphore, #tpu.memory_space<semaphore_mem>>) src(%dma_wait3A_88 : memref<10000x128xf32, #tpu.memory_space<hbm>>) dst(%arg10 : memref<128x128xf32, #tpu.memory_space<vmem>>)
        %run_scoped3A_89 = arith.constant 3 : i32
        "tpu.region"() ({
          %run_scoped3A_263 = tpu.sem_alloc : memref<!tpu.dma_semaphore, #tpu.memory_space<semaphore_mem>>
          %dma_start3A_264 = arith.constant 0 : i32
          %dma_start3A_265 = tpu.memref_slice %arg8[%run_scoped3A_89, %dma_start3A_264] : memref<16x128xi32, #tpu.memory_space<vmem>> -> memref<1x128xi32, #tpu.memory_space<vmem>>
          %dma_start3A_266 = tpu.memref_squeeze %dma_start3A_265 : memref<1x128xi32, #tpu.memory_space<vmem>> -> memref<128xi32, #tpu.memory_space<vmem>>
          %dma_start3A_267 = arith.constant 0 : i32
          %dma_start3A_268 = arith.constant 0 : i32
          %dma_start3A_269 = tpu.memref_slice %arg11[%dma_start3A_267, %dma_start3A_268] : memref<10240x128xf32, #tpu.memory_space<vmem_shared>> -> memref<10240x128xf32, #tpu.memory_space<vmem_shared>>
          tpu.enqueue_indirect_dma source(%arg10 : memref<128x128xf32, #tpu.memory_space<vmem>>) target(%dma_start3A_269 : memref<10240x128xf32, #tpu.memory_space<vmem_shared>>) offsets(%dma_start3A_266 : memref<128xi32, #tpu.memory_space<vmem>>) semaphore(%run_scoped3A_263 : memref<!tpu.dma_semaphore, #tpu.memory_space<semaphore_mem>>) {add = true}
          %dma_wait3A_270 = arith.constant 0 : i32
          %dma_wait3A_271 = tpu.memref_slice %arg8[%run_scoped3A_89, %dma_wait3A_270] : memref<16x128xi32, #tpu.memory_space<vmem>> -> memref<1x128xi32, #tpu.memory_space<vmem>>
          %dma_wait3A_272 = tpu.memref_squeeze %dma_wait3A_271 : memref<1x128xi32, #tpu.memory_space<vmem>> -> memref<128xi32, #tpu.memory_space<vmem>>
          %dma_wait3A_273 = arith.constant 0 : i32
          %dma_wait3A_274 = arith.constant 0 : i32
          %dma_wait3A_275 = tpu.memref_slice %arg11[%dma_wait3A_273, %dma_wait3A_274] : memref<10240x128xf32, #tpu.memory_space<vmem_shared>> -> memref<10240x128xf32, #tpu.memory_space<vmem_shared>>
          tpu.wait_indirect_dma semaphore(%run_scoped3A_263 : memref<!tpu.dma_semaphore, #tpu.memory_space<semaphore_mem>>) src(%arg10 : memref<128x128xf32, #tpu.memory_space<vmem>>) dst(%dma_wait3A_275 : memref<10240x128xf32, #tpu.memory_space<vmem_shared>>)
          tpu.yield
        }) : () -> ()
        %dma_start3A_90 = arith.constant 5 : i32
        %dma_start3A_91 = arith.constant 0 : i32
        %dma_start3A_92 = tpu.memref_slice %arg7[%dma_start3A_90, %dma_start3A_91] : memref<16x128xi32, #tpu.memory_space<vmem>> -> memref<1x128xi32, #tpu.memory_space<vmem>>
        %dma_start3A_93 = tpu.memref_squeeze %dma_start3A_92 : memref<1x128xi32, #tpu.memory_space<vmem>> -> memref<128xi32, #tpu.memory_space<vmem>>
        %dma_start3A_94 = arith.constant 0 : i32
        %dma_start3A_95 = arith.constant 0 : i32
        %dma_start3A_96 = tpu.memref_slice %arg2[%dma_start3A_94, %dma_start3A_95] : memref<10000x128xf32, #tpu.memory_space<hbm>> -> memref<10000x128xf32, #tpu.memory_space<hbm>>
        tpu.enqueue_indirect_dma source(%dma_start3A_96 : memref<10000x128xf32, #tpu.memory_space<hbm>>) target(%arg10 : memref<128x128xf32, #tpu.memory_space<vmem>>) offsets(%dma_start3A_93 : memref<128xi32, #tpu.memory_space<vmem>>) semaphore(%arg13 : memref<!tpu.dma_semaphore, #tpu.memory_space<semaphore_mem>>)
        %dma_wait3A_97 = arith.constant 4 : i32
        %dma_wait3A_98 = arith.constant 0 : i32
        %dma_wait3A_99 = tpu.memref_slice %arg7[%dma_wait3A_97, %dma_wait3A_98] : memref<16x128xi32, #tpu.memory_space<vmem>> -> memref<1x128xi32, #tpu.memory_space<vmem>>
        %dma_wait3A_100 = tpu.memref_squeeze %dma_wait3A_99 : memref<1x128xi32, #tpu.memory_space<vmem>> -> memref<128xi32, #tpu.memory_space<vmem>>
        %dma_wait3A_101 = arith.constant 0 : i32
        %dma_wait3A_102 = arith.constant 0 : i32
        %dma_wait3A_103 = tpu.memref_slice %arg2[%dma_wait3A_101, %dma_wait3A_102] : memref<10000x128xf32, #tpu.memory_space<hbm>> -> memref<10000x128xf32, #tpu.memory_space<hbm>>
        tpu.wait_indirect_dma semaphore(%arg12 : memref<!tpu.dma_semaphore, #tpu.memory_space<semaphore_mem>>) src(%dma_wait3A_103 : memref<10000x128xf32, #tpu.memory_space<hbm>>) dst(%arg9 : memref<128x128xf32, #tpu.memory_space<vmem>>)
        %run_scoped3A_104 = arith.constant 4 : i32
        "tpu.region"() ({
          %run_scoped3A_263 = tpu.sem_alloc : memref<!tpu.dma_semaphore, #tpu.memory_space<semaphore_mem>>
          %dma_start3A_264 = arith.constant 0 : i32
          %dma_start3A_265 = tpu.memref_slice %arg8[%run_scoped3A_104, %dma_start3A_264] : memref<16x128xi32, #tpu.memory_space<vmem>> -> memref<1x128xi32, #tpu.memory_space<vmem>>
          %dma_start3A_266 = tpu.memref_squeeze %dma_start3A_265 : memref<1x128xi32, #tpu.memory_space<vmem>> -> memref<128xi32, #tpu.memory_space<vmem>>
          %dma_start3A_267 = arith.constant 0 : i32
          %dma_start3A_268 = arith.constant 0 : i32
          %dma_start3A_269 = tpu.memref_slice %arg11[%dma_start3A_267, %dma_start3A_268] : memref<10240x128xf32, #tpu.memory_space<vmem_shared>> -> memref<10240x128xf32, #tpu.memory_space<vmem_shared>>
          tpu.enqueue_indirect_dma source(%arg9 : memref<128x128xf32, #tpu.memory_space<vmem>>) target(%dma_start3A_269 : memref<10240x128xf32, #tpu.memory_space<vmem_shared>>) offsets(%dma_start3A_266 : memref<128xi32, #tpu.memory_space<vmem>>) semaphore(%run_scoped3A_263 : memref<!tpu.dma_semaphore, #tpu.memory_space<semaphore_mem>>) {add = true}
          %dma_wait3A_270 = arith.constant 0 : i32
          %dma_wait3A_271 = tpu.memref_slice %arg8[%run_scoped3A_104, %dma_wait3A_270] : memref<16x128xi32, #tpu.memory_space<vmem>> -> memref<1x128xi32, #tpu.memory_space<vmem>>
          %dma_wait3A_272 = tpu.memref_squeeze %dma_wait3A_271 : memref<1x128xi32, #tpu.memory_space<vmem>> -> memref<128xi32, #tpu.memory_space<vmem>>
          %dma_wait3A_273 = arith.constant 0 : i32
          %dma_wait3A_274 = arith.constant 0 : i32
          %dma_wait3A_275 = tpu.memref_slice %arg11[%dma_wait3A_273, %dma_wait3A_274] : memref<10240x128xf32, #tpu.memory_space<vmem_shared>> -> memref<10240x128xf32, #tpu.memory_space<vmem_shared>>
          tpu.wait_indirect_dma semaphore(%run_scoped3A_263 : memref<!tpu.dma_semaphore, #tpu.memory_space<semaphore_mem>>) src(%arg9 : memref<128x128xf32, #tpu.memory_space<vmem>>) dst(%dma_wait3A_275 : memref<10240x128xf32, #tpu.memory_space<vmem_shared>>)
          tpu.yield
        }) : () -> ()
        %dma_start3A_105 = arith.constant 6 : i32
        %dma_start3A_106 = arith.constant 0 : i32
        %dma_start3A_107 = tpu.memref_slice %arg7[%dma_start3A_105, %dma_start3A_106] : memref<16x128xi32, #tpu.memory_space<vmem>> -> memref<1x128xi32, #tpu.memory_space<vmem>>
        %dma_start3A_108 = tpu.memref_squeeze %dma_start3A_107 : memref<1x128xi32, #tpu.memory_space<vmem>> -> memref<128xi32, #tpu.memory_space<vmem>>
        %dma_start3A_109 = arith.constant 0 : i32
        %dma_start3A_110 = arith.constant 0 : i32
        %dma_start3A_111 = tpu.memref_slice %arg2[%dma_start3A_109, %dma_start3A_110] : memref<10000x128xf32, #tpu.memory_space<hbm>> -> memref<10000x128xf32, #tpu.memory_space<hbm>>
        tpu.enqueue_indirect_dma source(%dma_start3A_111 : memref<10000x128xf32, #tpu.memory_space<hbm>>) target(%arg9 : memref<128x128xf32, #tpu.memory_space<vmem>>) offsets(%dma_start3A_108 : memref<128xi32, #tpu.memory_space<vmem>>) semaphore(%arg12 : memref<!tpu.dma_semaphore, #tpu.memory_space<semaphore_mem>>)
        %dma_wait3A_112 = arith.constant 5 : i32
        %dma_wait3A_113 = arith.constant 0 : i32
        %dma_wait3A_114 = tpu.memref_slice %arg7[%dma_wait3A_112, %dma_wait3A_113] : memref<16x128xi32, #tpu.memory_space<vmem>> -> memref<1x128xi32, #tpu.memory_space<vmem>>
        %dma_wait3A_115 = tpu.memref_squeeze %dma_wait3A_114 : memref<1x128xi32, #tpu.memory_space<vmem>> -> memref<128xi32, #tpu.memory_space<vmem>>
        %dma_wait3A_116 = arith.constant 0 : i32
        %dma_wait3A_117 = arith.constant 0 : i32
        %dma_wait3A_118 = tpu.memref_slice %arg2[%dma_wait3A_116, %dma_wait3A_117] : memref<10000x128xf32, #tpu.memory_space<hbm>> -> memref<10000x128xf32, #tpu.memory_space<hbm>>
        tpu.wait_indirect_dma semaphore(%arg13 : memref<!tpu.dma_semaphore, #tpu.memory_space<semaphore_mem>>) src(%dma_wait3A_118 : memref<10000x128xf32, #tpu.memory_space<hbm>>) dst(%arg10 : memref<128x128xf32, #tpu.memory_space<vmem>>)
        %run_scoped3A_119 = arith.constant 5 : i32
        "tpu.region"() ({
          %run_scoped3A_263 = tpu.sem_alloc : memref<!tpu.dma_semaphore, #tpu.memory_space<semaphore_mem>>
          %dma_start3A_264 = arith.constant 0 : i32
          %dma_start3A_265 = tpu.memref_slice %arg8[%run_scoped3A_119, %dma_start3A_264] : memref<16x128xi32, #tpu.memory_space<vmem>> -> memref<1x128xi32, #tpu.memory_space<vmem>>
          %dma_start3A_266 = tpu.memref_squeeze %dma_start3A_265 : memref<1x128xi32, #tpu.memory_space<vmem>> -> memref<128xi32, #tpu.memory_space<vmem>>
          %dma_start3A_267 = arith.constant 0 : i32
          %dma_start3A_268 = arith.constant 0 : i32
          %dma_start3A_269 = tpu.memref_slice %arg11[%dma_start3A_267, %dma_start3A_268] : memref<10240x128xf32, #tpu.memory_space<vmem_shared>> -> memref<10240x128xf32, #tpu.memory_space<vmem_shared>>
          tpu.enqueue_indirect_dma source(%arg10 : memref<128x128xf32, #tpu.memory_space<vmem>>) target(%dma_start3A_269 : memref<10240x128xf32, #tpu.memory_space<vmem_shared>>) offsets(%dma_start3A_266 : memref<128xi32, #tpu.memory_space<vmem>>) semaphore(%run_scoped3A_263 : memref<!tpu.dma_semaphore, #tpu.memory_space<semaphore_mem>>) {add = true}
          %dma_wait3A_270 = arith.constant 0 : i32
          %dma_wait3A_271 = tpu.memref_slice %arg8[%run_scoped3A_119, %dma_wait3A_270] : memref<16x128xi32, #tpu.memory_space<vmem>> -> memref<1x128xi32, #tpu.memory_space<vmem>>
          %dma_wait3A_272 = tpu.memref_squeeze %dma_wait3A_271 : memref<1x128xi32, #tpu.memory_space<vmem>> -> memref<128xi32, #tpu.memory_space<vmem>>
          %dma_wait3A_273 = arith.constant 0 : i32
          %dma_wait3A_274 = arith.constant 0 : i32
          %dma_wait3A_275 = tpu.memref_slice %arg11[%dma_wait3A_273, %dma_wait3A_274] : memref<10240x128xf32, #tpu.memory_space<vmem_shared>> -> memref<10240x128xf32, #tpu.memory_space<vmem_shared>>
          tpu.wait_indirect_dma semaphore(%run_scoped3A_263 : memref<!tpu.dma_semaphore, #tpu.memory_space<semaphore_mem>>) src(%arg10 : memref<128x128xf32, #tpu.memory_space<vmem>>) dst(%dma_wait3A_275 : memref<10240x128xf32, #tpu.memory_space<vmem_shared>>)
          tpu.yield
        }) : () -> ()
        %dma_start3A_120 = arith.constant 7 : i32
        %dma_start3A_121 = arith.constant 0 : i32
        %dma_start3A_122 = tpu.memref_slice %arg7[%dma_start3A_120, %dma_start3A_121] : memref<16x128xi32, #tpu.memory_space<vmem>> -> memref<1x128xi32, #tpu.memory_space<vmem>>
        %dma_start3A_123 = tpu.memref_squeeze %dma_start3A_122 : memref<1x128xi32, #tpu.memory_space<vmem>> -> memref<128xi32, #tpu.memory_space<vmem>>
        %dma_start3A_124 = arith.constant 0 : i32
        %dma_start3A_125 = arith.constant 0 : i32
        %dma_start3A_126 = tpu.memref_slice %arg2[%dma_start3A_124, %dma_start3A_125] : memref<10000x128xf32, #tpu.memory_space<hbm>> -> memref<10000x128xf32, #tpu.memory_space<hbm>>
        tpu.enqueue_indirect_dma source(%dma_start3A_126 : memref<10000x128xf32, #tpu.memory_space<hbm>>) target(%arg10 : memref<128x128xf32, #tpu.memory_space<vmem>>) offsets(%dma_start3A_123 : memref<128xi32, #tpu.memory_space<vmem>>) semaphore(%arg13 : memref<!tpu.dma_semaphore, #tpu.memory_space<semaphore_mem>>)
        %dma_wait3A_127 = arith.constant 6 : i32
        %dma_wait3A_128 = arith.constant 0 : i32
        %dma_wait3A_129 = tpu.memref_slice %arg7[%dma_wait3A_127, %dma_wait3A_128] : memref<16x128xi32, #tpu.memory_space<vmem>> -> memref<1x128xi32, #tpu.memory_space<vmem>>
        %dma_wait3A_130 = tpu.memref_squeeze %dma_wait3A_129 : memref<1x128xi32, #tpu.memory_space<vmem>> -> memref<128xi32, #tpu.memory_space<vmem>>
        %dma_wait3A_131 = arith.constant 0 : i32
        %dma_wait3A_132 = arith.constant 0 : i32
        %dma_wait3A_133 = tpu.memref_slice %arg2[%dma_wait3A_131, %dma_wait3A_132] : memref<10000x128xf32, #tpu.memory_space<hbm>> -> memref<10000x128xf32, #tpu.memory_space<hbm>>
        tpu.wait_indirect_dma semaphore(%arg12 : memref<!tpu.dma_semaphore, #tpu.memory_space<semaphore_mem>>) src(%dma_wait3A_133 : memref<10000x128xf32, #tpu.memory_space<hbm>>) dst(%arg9 : memref<128x128xf32, #tpu.memory_space<vmem>>)
        %run_scoped3A_134 = arith.constant 6 : i32
        "tpu.region"() ({
          %run_scoped3A_263 = tpu.sem_alloc : memref<!tpu.dma_semaphore, #tpu.memory_space<semaphore_mem>>
          %dma_start3A_264 = arith.constant 0 : i32
          %dma_start3A_265 = tpu.memref_slice %arg8[%run_scoped3A_134, %dma_start3A_264] : memref<16x128xi32, #tpu.memory_space<vmem>> -> memref<1x128xi32, #tpu.memory_space<vmem>>
          %dma_start3A_266 = tpu.memref_squeeze %dma_start3A_265 : memref<1x128xi32, #tpu.memory_space<vmem>> -> memref<128xi32, #tpu.memory_space<vmem>>
          %dma_start3A_267 = arith.constant 0 : i32
          %dma_start3A_268 = arith.constant 0 : i32
          %dma_start3A_269 = tpu.memref_slice %arg11[%dma_start3A_267, %dma_start3A_268] : memref<10240x128xf32, #tpu.memory_space<vmem_shared>> -> memref<10240x128xf32, #tpu.memory_space<vmem_shared>>
          tpu.enqueue_indirect_dma source(%arg9 : memref<128x128xf32, #tpu.memory_space<vmem>>) target(%dma_start3A_269 : memref<10240x128xf32, #tpu.memory_space<vmem_shared>>) offsets(%dma_start3A_266 : memref<128xi32, #tpu.memory_space<vmem>>) semaphore(%run_scoped3A_263 : memref<!tpu.dma_semaphore, #tpu.memory_space<semaphore_mem>>) {add = true}
          %dma_wait3A_270 = arith.constant 0 : i32
          %dma_wait3A_271 = tpu.memref_slice %arg8[%run_scoped3A_134, %dma_wait3A_270] : memref<16x128xi32, #tpu.memory_space<vmem>> -> memref<1x128xi32, #tpu.memory_space<vmem>>
          %dma_wait3A_272 = tpu.memref_squeeze %dma_wait3A_271 : memref<1x128xi32, #tpu.memory_space<vmem>> -> memref<128xi32, #tpu.memory_space<vmem>>
          %dma_wait3A_273 = arith.constant 0 : i32
          %dma_wait3A_274 = arith.constant 0 : i32
          %dma_wait3A_275 = tpu.memref_slice %arg11[%dma_wait3A_273, %dma_wait3A_274] : memref<10240x128xf32, #tpu.memory_space<vmem_shared>> -> memref<10240x128xf32, #tpu.memory_space<vmem_shared>>
          tpu.wait_indirect_dma semaphore(%run_scoped3A_263 : memref<!tpu.dma_semaphore, #tpu.memory_space<semaphore_mem>>) src(%arg9 : memref<128x128xf32, #tpu.memory_space<vmem>>) dst(%dma_wait3A_275 : memref<10240x128xf32, #tpu.memory_space<vmem_shared>>)
          tpu.yield
        }) : () -> ()
        %dma_start3A_135 = arith.constant 8 : i32
        %dma_start3A_136 = arith.constant 0 : i32
        %dma_start3A_137 = tpu.memref_slice %arg7[%dma_start3A_135, %dma_start3A_136] : memref<16x128xi32, #tpu.memory_space<vmem>> -> memref<1x128xi32, #tpu.memory_space<vmem>>
        %dma_start3A_138 = tpu.memref_squeeze %dma_start3A_137 : memref<1x128xi32, #tpu.memory_space<vmem>> -> memref<128xi32, #tpu.memory_space<vmem>>
        %dma_start3A_139 = arith.constant 0 : i32
        %dma_start3A_140 = arith.constant 0 : i32
        %dma_start3A_141 = tpu.memref_slice %arg2[%dma_start3A_139, %dma_start3A_140] : memref<10000x128xf32, #tpu.memory_space<hbm>> -> memref<10000x128xf32, #tpu.memory_space<hbm>>
        tpu.enqueue_indirect_dma source(%dma_start3A_141 : memref<10000x128xf32, #tpu.memory_space<hbm>>) target(%arg9 : memref<128x128xf32, #tpu.memory_space<vmem>>) offsets(%dma_start3A_138 : memref<128xi32, #tpu.memory_space<vmem>>) semaphore(%arg12 : memref<!tpu.dma_semaphore, #tpu.memory_space<semaphore_mem>>)
        %dma_wait3A_142 = arith.constant 7 : i32
        %dma_wait3A_143 = arith.constant 0 : i32
        %dma_wait3A_144 = tpu.memref_slice %arg7[%dma_wait3A_142, %dma_wait3A_143] : memref<16x128xi32, #tpu.memory_space<vmem>> -> memref<1x128xi32, #tpu.memory_space<vmem>>
        %dma_wait3A_145 = tpu.memref_squeeze %dma_wait3A_144 : memref<1x128xi32, #tpu.memory_space<vmem>> -> memref<128xi32, #tpu.memory_space<vmem>>
        %dma_wait3A_146 = arith.constant 0 : i32
        %dma_wait3A_147 = arith.constant 0 : i32
        %dma_wait3A_148 = tpu.memref_slice %arg2[%dma_wait3A_146, %dma_wait3A_147] : memref<10000x128xf32, #tpu.memory_space<hbm>> -> memref<10000x128xf32, #tpu.memory_space<hbm>>
        tpu.wait_indirect_dma semaphore(%arg13 : memref<!tpu.dma_semaphore, #tpu.memory_space<semaphore_mem>>) src(%dma_wait3A_148 : memref<10000x128xf32, #tpu.memory_space<hbm>>) dst(%arg10 : memref<128x128xf32, #tpu.memory_space<vmem>>)
        %run_scoped3A_149 = arith.constant 7 : i32
        "tpu.region"() ({
          %run_scoped3A_263 = tpu.sem_alloc : memref<!tpu.dma_semaphore, #tpu.memory_space<semaphore_mem>>
          %dma_start3A_264 = arith.constant 0 : i32
          %dma_start3A_265 = tpu.memref_slice %arg8[%run_scoped3A_149, %dma_start3A_264] : memref<16x128xi32, #tpu.memory_space<vmem>> -> memref<1x128xi32, #tpu.memory_space<vmem>>
          %dma_start3A_266 = tpu.memref_squeeze %dma_start3A_265 : memref<1x128xi32, #tpu.memory_space<vmem>> -> memref<128xi32, #tpu.memory_space<vmem>>
          %dma_start3A_267 = arith.constant 0 : i32
          %dma_start3A_268 = arith.constant 0 : i32
          %dma_start3A_269 = tpu.memref_slice %arg11[%dma_start3A_267, %dma_start3A_268] : memref<10240x128xf32, #tpu.memory_space<vmem_shared>> -> memref<10240x128xf32, #tpu.memory_space<vmem_shared>>
          tpu.enqueue_indirect_dma source(%arg10 : memref<128x128xf32, #tpu.memory_space<vmem>>) target(%dma_start3A_269 : memref<10240x128xf32, #tpu.memory_space<vmem_shared>>) offsets(%dma_start3A_266 : memref<128xi32, #tpu.memory_space<vmem>>) semaphore(%run_scoped3A_263 : memref<!tpu.dma_semaphore, #tpu.memory_space<semaphore_mem>>) {add = true}
          %dma_wait3A_270 = arith.constant 0 : i32
          %dma_wait3A_271 = tpu.memref_slice %arg8[%run_scoped3A_149, %dma_wait3A_270] : memref<16x128xi32, #tpu.memory_space<vmem>> -> memref<1x128xi32, #tpu.memory_space<vmem>>
          %dma_wait3A_272 = tpu.memref_squeeze %dma_wait3A_271 : memref<1x128xi32, #tpu.memory_space<vmem>> -> memref<128xi32, #tpu.memory_space<vmem>>
          %dma_wait3A_273 = arith.constant 0 : i32
          %dma_wait3A_274 = arith.constant 0 : i32
          %dma_wait3A_275 = tpu.memref_slice %arg11[%dma_wait3A_273, %dma_wait3A_274] : memref<10240x128xf32, #tpu.memory_space<vmem_shared>> -> memref<10240x128xf32, #tpu.memory_space<vmem_shared>>
          tpu.wait_indirect_dma semaphore(%run_scoped3A_263 : memref<!tpu.dma_semaphore, #tpu.memory_space<semaphore_mem>>) src(%arg10 : memref<128x128xf32, #tpu.memory_space<vmem>>) dst(%dma_wait3A_275 : memref<10240x128xf32, #tpu.memory_space<vmem_shared>>)
          tpu.yield
        }) : () -> ()
        %dma_start3A_150 = arith.constant 9 : i32
        %dma_start3A_151 = arith.constant 0 : i32
        %dma_start3A_152 = tpu.memref_slice %arg7[%dma_start3A_150, %dma_start3A_151] : memref<16x128xi32, #tpu.memory_space<vmem>> -> memref<1x128xi32, #tpu.memory_space<vmem>>
        %dma_start3A_153 = tpu.memref_squeeze %dma_start3A_152 : memref<1x128xi32, #tpu.memory_space<vmem>> -> memref<128xi32, #tpu.memory_space<vmem>>
        %dma_start3A_154 = arith.constant 0 : i32
        %dma_start3A_155 = arith.constant 0 : i32
        %dma_start3A_156 = tpu.memref_slice %arg2[%dma_start3A_154, %dma_start3A_155] : memref<10000x128xf32, #tpu.memory_space<hbm>> -> memref<10000x128xf32, #tpu.memory_space<hbm>>
        tpu.enqueue_indirect_dma source(%dma_start3A_156 : memref<10000x128xf32, #tpu.memory_space<hbm>>) target(%arg10 : memref<128x128xf32, #tpu.memory_space<vmem>>) offsets(%dma_start3A_153 : memref<128xi32, #tpu.memory_space<vmem>>) semaphore(%arg13 : memref<!tpu.dma_semaphore, #tpu.memory_space<semaphore_mem>>)
        %dma_wait3A_157 = arith.constant 8 : i32
        %dma_wait3A_158 = arith.constant 0 : i32
        %dma_wait3A_159 = tpu.memref_slice %arg7[%dma_wait3A_157, %dma_wait3A_158] : memref<16x128xi32, #tpu.memory_space<vmem>> -> memref<1x128xi32, #tpu.memory_space<vmem>>
        %dma_wait3A_160 = tpu.memref_squeeze %dma_wait3A_159 : memref<1x128xi32, #tpu.memory_space<vmem>> -> memref<128xi32, #tpu.memory_space<vmem>>
        %dma_wait3A_161 = arith.constant 0 : i32
        %dma_wait3A_162 = arith.constant 0 : i32
        %dma_wait3A_163 = tpu.memref_slice %arg2[%dma_wait3A_161, %dma_wait3A_162] : memref<10000x128xf32, #tpu.memory_space<hbm>> -> memref<10000x128xf32, #tpu.memory_space<hbm>>
        tpu.wait_indirect_dma semaphore(%arg12 : memref<!tpu.dma_semaphore, #tpu.memory_space<semaphore_mem>>) src(%dma_wait3A_163 : memref<10000x128xf32, #tpu.memory_space<hbm>>) dst(%arg9 : memref<128x128xf32, #tpu.memory_space<vmem>>)
        %run_scoped3A_164 = arith.constant 8 : i32
        "tpu.region"() ({
          %run_scoped3A_263 = tpu.sem_alloc : memref<!tpu.dma_semaphore, #tpu.memory_space<semaphore_mem>>
          %dma_start3A_264 = arith.constant 0 : i32
          %dma_start3A_265 = tpu.memref_slice %arg8[%run_scoped3A_164, %dma_start3A_264] : memref<16x128xi32, #tpu.memory_space<vmem>> -> memref<1x128xi32, #tpu.memory_space<vmem>>
          %dma_start3A_266 = tpu.memref_squeeze %dma_start3A_265 : memref<1x128xi32, #tpu.memory_space<vmem>> -> memref<128xi32, #tpu.memory_space<vmem>>
          %dma_start3A_267 = arith.constant 0 : i32
          %dma_start3A_268 = arith.constant 0 : i32
          %dma_start3A_269 = tpu.memref_slice %arg11[%dma_start3A_267, %dma_start3A_268] : memref<10240x128xf32, #tpu.memory_space<vmem_shared>> -> memref<10240x128xf32, #tpu.memory_space<vmem_shared>>
          tpu.enqueue_indirect_dma source(%arg9 : memref<128x128xf32, #tpu.memory_space<vmem>>) target(%dma_start3A_269 : memref<10240x128xf32, #tpu.memory_space<vmem_shared>>) offsets(%dma_start3A_266 : memref<128xi32, #tpu.memory_space<vmem>>) semaphore(%run_scoped3A_263 : memref<!tpu.dma_semaphore, #tpu.memory_space<semaphore_mem>>) {add = true}
          %dma_wait3A_270 = arith.constant 0 : i32
          %dma_wait3A_271 = tpu.memref_slice %arg8[%run_scoped3A_164, %dma_wait3A_270] : memref<16x128xi32, #tpu.memory_space<vmem>> -> memref<1x128xi32, #tpu.memory_space<vmem>>
          %dma_wait3A_272 = tpu.memref_squeeze %dma_wait3A_271 : memref<1x128xi32, #tpu.memory_space<vmem>> -> memref<128xi32, #tpu.memory_space<vmem>>
          %dma_wait3A_273 = arith.constant 0 : i32
          %dma_wait3A_274 = arith.constant 0 : i32
          %dma_wait3A_275 = tpu.memref_slice %arg11[%dma_wait3A_273, %dma_wait3A_274] : memref<10240x128xf32, #tpu.memory_space<vmem_shared>> -> memref<10240x128xf32, #tpu.memory_space<vmem_shared>>
          tpu.wait_indirect_dma semaphore(%run_scoped3A_263 : memref<!tpu.dma_semaphore, #tpu.memory_space<semaphore_mem>>) src(%arg9 : memref<128x128xf32, #tpu.memory_space<vmem>>) dst(%dma_wait3A_275 : memref<10240x128xf32, #tpu.memory_space<vmem_shared>>)
          tpu.yield
        }) : () -> ()
        %dma_start3A_165 = arith.constant 10 : i32
        %dma_start3A_166 = arith.constant 0 : i32
        %dma_start3A_167 = tpu.memref_slice %arg7[%dma_start3A_165, %dma_start3A_166] : memref<16x128xi32, #tpu.memory_space<vmem>> -> memref<1x128xi32, #tpu.memory_space<vmem>>
        %dma_start3A_168 = tpu.memref_squeeze %dma_start3A_167 : memref<1x128xi32, #tpu.memory_space<vmem>> -> memref<128xi32, #tpu.memory_space<vmem>>
        %dma_start3A_169 = arith.constant 0 : i32
        %dma_start3A_170 = arith.constant 0 : i32
        %dma_start3A_171 = tpu.memref_slice %arg2[%dma_start3A_169, %dma_start3A_170] : memref<10000x128xf32, #tpu.memory_space<hbm>> -> memref<10000x128xf32, #tpu.memory_space<hbm>>
        tpu.enqueue_indirect_dma source(%dma_start3A_171 : memref<10000x128xf32, #tpu.memory_space<hbm>>) target(%arg9 : memref<128x128xf32, #tpu.memory_space<vmem>>) offsets(%dma_start3A_168 : memref<128xi32, #tpu.memory_space<vmem>>) semaphore(%arg12 : memref<!tpu.dma_semaphore, #tpu.memory_space<semaphore_mem>>)
        %dma_wait3A_172 = arith.constant 9 : i32
        %dma_wait3A_173 = arith.constant 0 : i32
        %dma_wait3A_174 = tpu.memref_slice %arg7[%dma_wait3A_172, %dma_wait3A_173] : memref<16x128xi32, #tpu.memory_space<vmem>> -> memref<1x128xi32, #tpu.memory_space<vmem>>
        %dma_wait3A_175 = tpu.memref_squeeze %dma_wait3A_174 : memref<1x128xi32, #tpu.memory_space<vmem>> -> memref<128xi32, #tpu.memory_space<vmem>>
        %dma_wait3A_176 = arith.constant 0 : i32
        %dma_wait3A_177 = arith.constant 0 : i32
        %dma_wait3A_178 = tpu.memref_slice %arg2[%dma_wait3A_176, %dma_wait3A_177] : memref<10000x128xf32, #tpu.memory_space<hbm>> -> memref<10000x128xf32, #tpu.memory_space<hbm>>
        tpu.wait_indirect_dma semaphore(%arg13 : memref<!tpu.dma_semaphore, #tpu.memory_space<semaphore_mem>>) src(%dma_wait3A_178 : memref<10000x128xf32, #tpu.memory_space<hbm>>) dst(%arg10 : memref<128x128xf32, #tpu.memory_space<vmem>>)
        %run_scoped3A_179 = arith.constant 9 : i32
        "tpu.region"() ({
          %run_scoped3A_263 = tpu.sem_alloc : memref<!tpu.dma_semaphore, #tpu.memory_space<semaphore_mem>>
          %dma_start3A_264 = arith.constant 0 : i32
          %dma_start3A_265 = tpu.memref_slice %arg8[%run_scoped3A_179, %dma_start3A_264] : memref<16x128xi32, #tpu.memory_space<vmem>> -> memref<1x128xi32, #tpu.memory_space<vmem>>
          %dma_start3A_266 = tpu.memref_squeeze %dma_start3A_265 : memref<1x128xi32, #tpu.memory_space<vmem>> -> memref<128xi32, #tpu.memory_space<vmem>>
          %dma_start3A_267 = arith.constant 0 : i32
          %dma_start3A_268 = arith.constant 0 : i32
          %dma_start3A_269 = tpu.memref_slice %arg11[%dma_start3A_267, %dma_start3A_268] : memref<10240x128xf32, #tpu.memory_space<vmem_shared>> -> memref<10240x128xf32, #tpu.memory_space<vmem_shared>>
          tpu.enqueue_indirect_dma source(%arg10 : memref<128x128xf32, #tpu.memory_space<vmem>>) target(%dma_start3A_269 : memref<10240x128xf32, #tpu.memory_space<vmem_shared>>) offsets(%dma_start3A_266 : memref<128xi32, #tpu.memory_space<vmem>>) semaphore(%run_scoped3A_263 : memref<!tpu.dma_semaphore, #tpu.memory_space<semaphore_mem>>) {add = true}
          %dma_wait3A_270 = arith.constant 0 : i32
          %dma_wait3A_271 = tpu.memref_slice %arg8[%run_scoped3A_179, %dma_wait3A_270] : memref<16x128xi32, #tpu.memory_space<vmem>> -> memref<1x128xi32, #tpu.memory_space<vmem>>
          %dma_wait3A_272 = tpu.memref_squeeze %dma_wait3A_271 : memref<1x128xi32, #tpu.memory_space<vmem>> -> memref<128xi32, #tpu.memory_space<vmem>>
          %dma_wait3A_273 = arith.constant 0 : i32
          %dma_wait3A_274 = arith.constant 0 : i32
          %dma_wait3A_275 = tpu.memref_slice %arg11[%dma_wait3A_273, %dma_wait3A_274] : memref<10240x128xf32, #tpu.memory_space<vmem_shared>> -> memref<10240x128xf32, #tpu.memory_space<vmem_shared>>
          tpu.wait_indirect_dma semaphore(%run_scoped3A_263 : memref<!tpu.dma_semaphore, #tpu.memory_space<semaphore_mem>>) src(%arg10 : memref<128x128xf32, #tpu.memory_space<vmem>>) dst(%dma_wait3A_275 : memref<10240x128xf32, #tpu.memory_space<vmem_shared>>)
          tpu.yield
        }) : () -> ()
        %dma_start3A_180 = arith.constant 11 : i32
        %dma_start3A_181 = arith.constant 0 : i32
        %dma_start3A_182 = tpu.memref_slice %arg7[%dma_start3A_180, %dma_start3A_181] : memref<16x128xi32, #tpu.memory_space<vmem>> -> memref<1x128xi32, #tpu.memory_space<vmem>>
        %dma_start3A_183 = tpu.memref_squeeze %dma_start3A_182 : memref<1x128xi32, #tpu.memory_space<vmem>> -> memref<128xi32, #tpu.memory_space<vmem>>
        %dma_start3A_184 = arith.constant 0 : i32
        %dma_start3A_185 = arith.constant 0 : i32
        %dma_start3A_186 = tpu.memref_slice %arg2[%dma_start3A_184, %dma_start3A_185] : memref<10000x128xf32, #tpu.memory_space<hbm>> -> memref<10000x128xf32, #tpu.memory_space<hbm>>
        tpu.enqueue_indirect_dma source(%dma_start3A_186 : memref<10000x128xf32, #tpu.memory_space<hbm>>) target(%arg10 : memref<128x128xf32, #tpu.memory_space<vmem>>) offsets(%dma_start3A_183 : memref<128xi32, #tpu.memory_space<vmem>>) semaphore(%arg13 : memref<!tpu.dma_semaphore, #tpu.memory_space<semaphore_mem>>)
        %dma_wait3A_187 = arith.constant 10 : i32
        %dma_wait3A_188 = arith.constant 0 : i32
        %dma_wait3A_189 = tpu.memref_slice %arg7[%dma_wait3A_187, %dma_wait3A_188] : memref<16x128xi32, #tpu.memory_space<vmem>> -> memref<1x128xi32, #tpu.memory_space<vmem>>
        %dma_wait3A_190 = tpu.memref_squeeze %dma_wait3A_189 : memref<1x128xi32, #tpu.memory_space<vmem>> -> memref<128xi32, #tpu.memory_space<vmem>>
        %dma_wait3A_191 = arith.constant 0 : i32
        %dma_wait3A_192 = arith.constant 0 : i32
        %dma_wait3A_193 = tpu.memref_slice %arg2[%dma_wait3A_191, %dma_wait3A_192] : memref<10000x128xf32, #tpu.memory_space<hbm>> -> memref<10000x128xf32, #tpu.memory_space<hbm>>
        tpu.wait_indirect_dma semaphore(%arg12 : memref<!tpu.dma_semaphore, #tpu.memory_space<semaphore_mem>>) src(%dma_wait3A_193 : memref<10000x128xf32, #tpu.memory_space<hbm>>) dst(%arg9 : memref<128x128xf32, #tpu.memory_space<vmem>>)
        %run_scoped3A_194 = arith.constant 10 : i32
        "tpu.region"() ({
          %run_scoped3A_263 = tpu.sem_alloc : memref<!tpu.dma_semaphore, #tpu.memory_space<semaphore_mem>>
          %dma_start3A_264 = arith.constant 0 : i32
          %dma_start3A_265 = tpu.memref_slice %arg8[%run_scoped3A_194, %dma_start3A_264] : memref<16x128xi32, #tpu.memory_space<vmem>> -> memref<1x128xi32, #tpu.memory_space<vmem>>
          %dma_start3A_266 = tpu.memref_squeeze %dma_start3A_265 : memref<1x128xi32, #tpu.memory_space<vmem>> -> memref<128xi32, #tpu.memory_space<vmem>>
          %dma_start3A_267 = arith.constant 0 : i32
          %dma_start3A_268 = arith.constant 0 : i32
          %dma_start3A_269 = tpu.memref_slice %arg11[%dma_start3A_267, %dma_start3A_268] : memref<10240x128xf32, #tpu.memory_space<vmem_shared>> -> memref<10240x128xf32, #tpu.memory_space<vmem_shared>>
          tpu.enqueue_indirect_dma source(%arg9 : memref<128x128xf32, #tpu.memory_space<vmem>>) target(%dma_start3A_269 : memref<10240x128xf32, #tpu.memory_space<vmem_shared>>) offsets(%dma_start3A_266 : memref<128xi32, #tpu.memory_space<vmem>>) semaphore(%run_scoped3A_263 : memref<!tpu.dma_semaphore, #tpu.memory_space<semaphore_mem>>) {add = true}
          %dma_wait3A_270 = arith.constant 0 : i32
          %dma_wait3A_271 = tpu.memref_slice %arg8[%run_scoped3A_194, %dma_wait3A_270] : memref<16x128xi32, #tpu.memory_space<vmem>> -> memref<1x128xi32, #tpu.memory_space<vmem>>
          %dma_wait3A_272 = tpu.memref_squeeze %dma_wait3A_271 : memref<1x128xi32, #tpu.memory_space<vmem>> -> memref<128xi32, #tpu.memory_space<vmem>>
          %dma_wait3A_273 = arith.constant 0 : i32
          %dma_wait3A_274 = arith.constant 0 : i32
          %dma_wait3A_275 = tpu.memref_slice %arg11[%dma_wait3A_273, %dma_wait3A_274] : memref<10240x128xf32, #tpu.memory_space<vmem_shared>> -> memref<10240x128xf32, #tpu.memory_space<vmem_shared>>
          tpu.wait_indirect_dma semaphore(%run_scoped3A_263 : memref<!tpu.dma_semaphore, #tpu.memory_space<semaphore_mem>>) src(%arg9 : memref<128x128xf32, #tpu.memory_space<vmem>>) dst(%dma_wait3A_275 : memref<10240x128xf32, #tpu.memory_space<vmem_shared>>)
          tpu.yield
        }) : () -> ()
        %dma_start3A_195 = arith.constant 12 : i32
        %dma_start3A_196 = arith.constant 0 : i32
        %dma_start3A_197 = tpu.memref_slice %arg7[%dma_start3A_195, %dma_start3A_196] : memref<16x128xi32, #tpu.memory_space<vmem>> -> memref<1x128xi32, #tpu.memory_space<vmem>>
        %dma_start3A_198 = tpu.memref_squeeze %dma_start3A_197 : memref<1x128xi32, #tpu.memory_space<vmem>> -> memref<128xi32, #tpu.memory_space<vmem>>
        %dma_start3A_199 = arith.constant 0 : i32
        %dma_start3A_200 = arith.constant 0 : i32
        %dma_start3A_201 = tpu.memref_slice %arg2[%dma_start3A_199, %dma_start3A_200] : memref<10000x128xf32, #tpu.memory_space<hbm>> -> memref<10000x128xf32, #tpu.memory_space<hbm>>
        tpu.enqueue_indirect_dma source(%dma_start3A_201 : memref<10000x128xf32, #tpu.memory_space<hbm>>) target(%arg9 : memref<128x128xf32, #tpu.memory_space<vmem>>) offsets(%dma_start3A_198 : memref<128xi32, #tpu.memory_space<vmem>>) semaphore(%arg12 : memref<!tpu.dma_semaphore, #tpu.memory_space<semaphore_mem>>)
        %dma_wait3A_202 = arith.constant 11 : i32
        %dma_wait3A_203 = arith.constant 0 : i32
        %dma_wait3A_204 = tpu.memref_slice %arg7[%dma_wait3A_202, %dma_wait3A_203] : memref<16x128xi32, #tpu.memory_space<vmem>> -> memref<1x128xi32, #tpu.memory_space<vmem>>
        %dma_wait3A_205 = tpu.memref_squeeze %dma_wait3A_204 : memref<1x128xi32, #tpu.memory_space<vmem>> -> memref<128xi32, #tpu.memory_space<vmem>>
        %dma_wait3A_206 = arith.constant 0 : i32
        %dma_wait3A_207 = arith.constant 0 : i32
        %dma_wait3A_208 = tpu.memref_slice %arg2[%dma_wait3A_206, %dma_wait3A_207] : memref<10000x128xf32, #tpu.memory_space<hbm>> -> memref<10000x128xf32, #tpu.memory_space<hbm>>
        tpu.wait_indirect_dma semaphore(%arg13 : memref<!tpu.dma_semaphore, #tpu.memory_space<semaphore_mem>>) src(%dma_wait3A_208 : memref<10000x128xf32, #tpu.memory_space<hbm>>) dst(%arg10 : memref<128x128xf32, #tpu.memory_space<vmem>>)
        %run_scoped3A_209 = arith.constant 11 : i32
        "tpu.region"() ({
          %run_scoped3A_263 = tpu.sem_alloc : memref<!tpu.dma_semaphore, #tpu.memory_space<semaphore_mem>>
          %dma_start3A_264 = arith.constant 0 : i32
          %dma_start3A_265 = tpu.memref_slice %arg8[%run_scoped3A_209, %dma_start3A_264] : memref<16x128xi32, #tpu.memory_space<vmem>> -> memref<1x128xi32, #tpu.memory_space<vmem>>
          %dma_start3A_266 = tpu.memref_squeeze %dma_start3A_265 : memref<1x128xi32, #tpu.memory_space<vmem>> -> memref<128xi32, #tpu.memory_space<vmem>>
          %dma_start3A_267 = arith.constant 0 : i32
          %dma_start3A_268 = arith.constant 0 : i32
          %dma_start3A_269 = tpu.memref_slice %arg11[%dma_start3A_267, %dma_start3A_268] : memref<10240x128xf32, #tpu.memory_space<vmem_shared>> -> memref<10240x128xf32, #tpu.memory_space<vmem_shared>>
          tpu.enqueue_indirect_dma source(%arg10 : memref<128x128xf32, #tpu.memory_space<vmem>>) target(%dma_start3A_269 : memref<10240x128xf32, #tpu.memory_space<vmem_shared>>) offsets(%dma_start3A_266 : memref<128xi32, #tpu.memory_space<vmem>>) semaphore(%run_scoped3A_263 : memref<!tpu.dma_semaphore, #tpu.memory_space<semaphore_mem>>) {add = true}
          %dma_wait3A_270 = arith.constant 0 : i32
          %dma_wait3A_271 = tpu.memref_slice %arg8[%run_scoped3A_209, %dma_wait3A_270] : memref<16x128xi32, #tpu.memory_space<vmem>> -> memref<1x128xi32, #tpu.memory_space<vmem>>
          %dma_wait3A_272 = tpu.memref_squeeze %dma_wait3A_271 : memref<1x128xi32, #tpu.memory_space<vmem>> -> memref<128xi32, #tpu.memory_space<vmem>>
          %dma_wait3A_273 = arith.constant 0 : i32
          %dma_wait3A_274 = arith.constant 0 : i32
          %dma_wait3A_275 = tpu.memref_slice %arg11[%dma_wait3A_273, %dma_wait3A_274] : memref<10240x128xf32, #tpu.memory_space<vmem_shared>> -> memref<10240x128xf32, #tpu.memory_space<vmem_shared>>
          tpu.wait_indirect_dma semaphore(%run_scoped3A_263 : memref<!tpu.dma_semaphore, #tpu.memory_space<semaphore_mem>>) src(%arg10 : memref<128x128xf32, #tpu.memory_space<vmem>>) dst(%dma_wait3A_275 : memref<10240x128xf32, #tpu.memory_space<vmem_shared>>)
          tpu.yield
        }) : () -> ()
        %dma_start3A_210 = arith.constant 13 : i32
        %dma_start3A_211 = arith.constant 0 : i32
        %dma_start3A_212 = tpu.memref_slice %arg7[%dma_start3A_210, %dma_start3A_211] : memref<16x128xi32, #tpu.memory_space<vmem>> -> memref<1x128xi32, #tpu.memory_space<vmem>>
        %dma_start3A_213 = tpu.memref_squeeze %dma_start3A_212 : memref<1x128xi32, #tpu.memory_space<vmem>> -> memref<128xi32, #tpu.memory_space<vmem>>
        %dma_start3A_214 = arith.constant 0 : i32
        %dma_start3A_215 = arith.constant 0 : i32
        %dma_start3A_216 = tpu.memref_slice %arg2[%dma_start3A_214, %dma_start3A_215] : memref<10000x128xf32, #tpu.memory_space<hbm>> -> memref<10000x128xf32, #tpu.memory_space<hbm>>
        tpu.enqueue_indirect_dma source(%dma_start3A_216 : memref<10000x128xf32, #tpu.memory_space<hbm>>) target(%arg10 : memref<128x128xf32, #tpu.memory_space<vmem>>) offsets(%dma_start3A_213 : memref<128xi32, #tpu.memory_space<vmem>>) semaphore(%arg13 : memref<!tpu.dma_semaphore, #tpu.memory_space<semaphore_mem>>)
        %dma_wait3A_217 = arith.constant 12 : i32
        %dma_wait3A_218 = arith.constant 0 : i32
        %dma_wait3A_219 = tpu.memref_slice %arg7[%dma_wait3A_217, %dma_wait3A_218] : memref<16x128xi32, #tpu.memory_space<vmem>> -> memref<1x128xi32, #tpu.memory_space<vmem>>
        %dma_wait3A_220 = tpu.memref_squeeze %dma_wait3A_219 : memref<1x128xi32, #tpu.memory_space<vmem>> -> memref<128xi32, #tpu.memory_space<vmem>>
        %dma_wait3A_221 = arith.constant 0 : i32
        %dma_wait3A_222 = arith.constant 0 : i32
        %dma_wait3A_223 = tpu.memref_slice %arg2[%dma_wait3A_221, %dma_wait3A_222] : memref<10000x128xf32, #tpu.memory_space<hbm>> -> memref<10000x128xf32, #tpu.memory_space<hbm>>
        tpu.wait_indirect_dma semaphore(%arg12 : memref<!tpu.dma_semaphore, #tpu.memory_space<semaphore_mem>>) src(%dma_wait3A_223 : memref<10000x128xf32, #tpu.memory_space<hbm>>) dst(%arg9 : memref<128x128xf32, #tpu.memory_space<vmem>>)
        %run_scoped3A_224 = arith.constant 12 : i32
        "tpu.region"() ({
          %run_scoped3A_263 = tpu.sem_alloc : memref<!tpu.dma_semaphore, #tpu.memory_space<semaphore_mem>>
          %dma_start3A_264 = arith.constant 0 : i32
          %dma_start3A_265 = tpu.memref_slice %arg8[%run_scoped3A_224, %dma_start3A_264] : memref<16x128xi32, #tpu.memory_space<vmem>> -> memref<1x128xi32, #tpu.memory_space<vmem>>
          %dma_start3A_266 = tpu.memref_squeeze %dma_start3A_265 : memref<1x128xi32, #tpu.memory_space<vmem>> -> memref<128xi32, #tpu.memory_space<vmem>>
          %dma_start3A_267 = arith.constant 0 : i32
          %dma_start3A_268 = arith.constant 0 : i32
          %dma_start3A_269 = tpu.memref_slice %arg11[%dma_start3A_267, %dma_start3A_268] : memref<10240x128xf32, #tpu.memory_space<vmem_shared>> -> memref<10240x128xf32, #tpu.memory_space<vmem_shared>>
          tpu.enqueue_indirect_dma source(%arg9 : memref<128x128xf32, #tpu.memory_space<vmem>>) target(%dma_start3A_269 : memref<10240x128xf32, #tpu.memory_space<vmem_shared>>) offsets(%dma_start3A_266 : memref<128xi32, #tpu.memory_space<vmem>>) semaphore(%run_scoped3A_263 : memref<!tpu.dma_semaphore, #tpu.memory_space<semaphore_mem>>) {add = true}
          %dma_wait3A_270 = arith.constant 0 : i32
          %dma_wait3A_271 = tpu.memref_slice %arg8[%run_scoped3A_224, %dma_wait3A_270] : memref<16x128xi32, #tpu.memory_space<vmem>> -> memref<1x128xi32, #tpu.memory_space<vmem>>
          %dma_wait3A_272 = tpu.memref_squeeze %dma_wait3A_271 : memref<1x128xi32, #tpu.memory_space<vmem>> -> memref<128xi32, #tpu.memory_space<vmem>>
          %dma_wait3A_273 = arith.constant 0 : i32
          %dma_wait3A_274 = arith.constant 0 : i32
          %dma_wait3A_275 = tpu.memref_slice %arg11[%dma_wait3A_273, %dma_wait3A_274] : memref<10240x128xf32, #tpu.memory_space<vmem_shared>> -> memref<10240x128xf32, #tpu.memory_space<vmem_shared>>
          tpu.wait_indirect_dma semaphore(%run_scoped3A_263 : memref<!tpu.dma_semaphore, #tpu.memory_space<semaphore_mem>>) src(%arg9 : memref<128x128xf32, #tpu.memory_space<vmem>>) dst(%dma_wait3A_275 : memref<10240x128xf32, #tpu.memory_space<vmem_shared>>)
          tpu.yield
        }) : () -> ()
        %dma_start3A_225 = arith.constant 14 : i32
        %dma_start3A_226 = arith.constant 0 : i32
        %dma_start3A_227 = tpu.memref_slice %arg7[%dma_start3A_225, %dma_start3A_226] : memref<16x128xi32, #tpu.memory_space<vmem>> -> memref<1x128xi32, #tpu.memory_space<vmem>>
        %dma_start3A_228 = tpu.memref_squeeze %dma_start3A_227 : memref<1x128xi32, #tpu.memory_space<vmem>> -> memref<128xi32, #tpu.memory_space<vmem>>
        %dma_start3A_229 = arith.constant 0 : i32
        %dma_start3A_230 = arith.constant 0 : i32
        %dma_start3A_231 = tpu.memref_slice %arg2[%dma_start3A_229, %dma_start3A_230] : memref<10000x128xf32, #tpu.memory_space<hbm>> -> memref<10000x128xf32, #tpu.memory_space<hbm>>
        tpu.enqueue_indirect_dma source(%dma_start3A_231 : memref<10000x128xf32, #tpu.memory_space<hbm>>) target(%arg9 : memref<128x128xf32, #tpu.memory_space<vmem>>) offsets(%dma_start3A_228 : memref<128xi32, #tpu.memory_space<vmem>>) semaphore(%arg12 : memref<!tpu.dma_semaphore, #tpu.memory_space<semaphore_mem>>)
        %dma_wait3A_232 = arith.constant 13 : i32
        %dma_wait3A_233 = arith.constant 0 : i32
        %dma_wait3A_234 = tpu.memref_slice %arg7[%dma_wait3A_232, %dma_wait3A_233] : memref<16x128xi32, #tpu.memory_space<vmem>> -> memref<1x128xi32, #tpu.memory_space<vmem>>
        %dma_wait3A_235 = tpu.memref_squeeze %dma_wait3A_234 : memref<1x128xi32, #tpu.memory_space<vmem>> -> memref<128xi32, #tpu.memory_space<vmem>>
        %dma_wait3A_236 = arith.constant 0 : i32
        %dma_wait3A_237 = arith.constant 0 : i32
        %dma_wait3A_238 = tpu.memref_slice %arg2[%dma_wait3A_236, %dma_wait3A_237] : memref<10000x128xf32, #tpu.memory_space<hbm>> -> memref<10000x128xf32, #tpu.memory_space<hbm>>
        tpu.wait_indirect_dma semaphore(%arg13 : memref<!tpu.dma_semaphore, #tpu.memory_space<semaphore_mem>>) src(%dma_wait3A_238 : memref<10000x128xf32, #tpu.memory_space<hbm>>) dst(%arg10 : memref<128x128xf32, #tpu.memory_space<vmem>>)
        %run_scoped3A_239 = arith.constant 13 : i32
        "tpu.region"() ({
          %run_scoped3A_263 = tpu.sem_alloc : memref<!tpu.dma_semaphore, #tpu.memory_space<semaphore_mem>>
          %dma_start3A_264 = arith.constant 0 : i32
          %dma_start3A_265 = tpu.memref_slice %arg8[%run_scoped3A_239, %dma_start3A_264] : memref<16x128xi32, #tpu.memory_space<vmem>> -> memref<1x128xi32, #tpu.memory_space<vmem>>
          %dma_start3A_266 = tpu.memref_squeeze %dma_start3A_265 : memref<1x128xi32, #tpu.memory_space<vmem>> -> memref<128xi32, #tpu.memory_space<vmem>>
          %dma_start3A_267 = arith.constant 0 : i32
          %dma_start3A_268 = arith.constant 0 : i32
          %dma_start3A_269 = tpu.memref_slice %arg11[%dma_start3A_267, %dma_start3A_268] : memref<10240x128xf32, #tpu.memory_space<vmem_shared>> -> memref<10240x128xf32, #tpu.memory_space<vmem_shared>>
          tpu.enqueue_indirect_dma source(%arg10 : memref<128x128xf32, #tpu.memory_space<vmem>>) target(%dma_start3A_269 : memref<10240x128xf32, #tpu.memory_space<vmem_shared>>) offsets(%dma_start3A_266 : memref<128xi32, #tpu.memory_space<vmem>>) semaphore(%run_scoped3A_263 : memref<!tpu.dma_semaphore, #tpu.memory_space<semaphore_mem>>) {add = true}
          %dma_wait3A_270 = arith.constant 0 : i32
          %dma_wait3A_271 = tpu.memref_slice %arg8[%run_scoped3A_239, %dma_wait3A_270] : memref<16x128xi32, #tpu.memory_space<vmem>> -> memref<1x128xi32, #tpu.memory_space<vmem>>
          %dma_wait3A_272 = tpu.memref_squeeze %dma_wait3A_271 : memref<1x128xi32, #tpu.memory_space<vmem>> -> memref<128xi32, #tpu.memory_space<vmem>>
          %dma_wait3A_273 = arith.constant 0 : i32
          %dma_wait3A_274 = arith.constant 0 : i32
          %dma_wait3A_275 = tpu.memref_slice %arg11[%dma_wait3A_273, %dma_wait3A_274] : memref<10240x128xf32, #tpu.memory_space<vmem_shared>> -> memref<10240x128xf32, #tpu.memory_space<vmem_shared>>
          tpu.wait_indirect_dma semaphore(%run_scoped3A_263 : memref<!tpu.dma_semaphore, #tpu.memory_space<semaphore_mem>>) src(%arg10 : memref<128x128xf32, #tpu.memory_space<vmem>>) dst(%dma_wait3A_275 : memref<10240x128xf32, #tpu.memory_space<vmem_shared>>)
          tpu.yield
        }) : () -> ()
        %dma_start3A_240 = arith.constant 15 : i32
        %dma_start3A_241 = arith.constant 0 : i32
        %dma_start3A_242 = tpu.memref_slice %arg7[%dma_start3A_240, %dma_start3A_241] : memref<16x128xi32, #tpu.memory_space<vmem>> -> memref<1x128xi32, #tpu.memory_space<vmem>>
        %dma_start3A_243 = tpu.memref_squeeze %dma_start3A_242 : memref<1x128xi32, #tpu.memory_space<vmem>> -> memref<128xi32, #tpu.memory_space<vmem>>
        %dma_start3A_244 = arith.constant 0 : i32
        %dma_start3A_245 = arith.constant 0 : i32
        %dma_start3A_246 = tpu.memref_slice %arg2[%dma_start3A_244, %dma_start3A_245] : memref<10000x128xf32, #tpu.memory_space<hbm>> -> memref<10000x128xf32, #tpu.memory_space<hbm>>
        tpu.enqueue_indirect_dma source(%dma_start3A_246 : memref<10000x128xf32, #tpu.memory_space<hbm>>) target(%arg10 : memref<128x128xf32, #tpu.memory_space<vmem>>) offsets(%dma_start3A_243 : memref<128xi32, #tpu.memory_space<vmem>>) semaphore(%arg13 : memref<!tpu.dma_semaphore, #tpu.memory_space<semaphore_mem>>)
        %dma_wait3A_247 = arith.constant 14 : i32
        %dma_wait3A_248 = arith.constant 0 : i32
        %dma_wait3A_249 = tpu.memref_slice %arg7[%dma_wait3A_247, %dma_wait3A_248] : memref<16x128xi32, #tpu.memory_space<vmem>> -> memref<1x128xi32, #tpu.memory_space<vmem>>
        %dma_wait3A_250 = tpu.memref_squeeze %dma_wait3A_249 : memref<1x128xi32, #tpu.memory_space<vmem>> -> memref<128xi32, #tpu.memory_space<vmem>>
        %dma_wait3A_251 = arith.constant 0 : i32
        %dma_wait3A_252 = arith.constant 0 : i32
        %dma_wait3A_253 = tpu.memref_slice %arg2[%dma_wait3A_251, %dma_wait3A_252] : memref<10000x128xf32, #tpu.memory_space<hbm>> -> memref<10000x128xf32, #tpu.memory_space<hbm>>
        tpu.wait_indirect_dma semaphore(%arg12 : memref<!tpu.dma_semaphore, #tpu.memory_space<semaphore_mem>>) src(%dma_wait3A_253 : memref<10000x128xf32, #tpu.memory_space<hbm>>) dst(%arg9 : memref<128x128xf32, #tpu.memory_space<vmem>>)
        %run_scoped3A_254 = arith.constant 14 : i32
        "tpu.region"() ({
          %run_scoped3A_263 = tpu.sem_alloc : memref<!tpu.dma_semaphore, #tpu.memory_space<semaphore_mem>>
          %dma_start3A_264 = arith.constant 0 : i32
          %dma_start3A_265 = tpu.memref_slice %arg8[%run_scoped3A_254, %dma_start3A_264] : memref<16x128xi32, #tpu.memory_space<vmem>> -> memref<1x128xi32, #tpu.memory_space<vmem>>
          %dma_start3A_266 = tpu.memref_squeeze %dma_start3A_265 : memref<1x128xi32, #tpu.memory_space<vmem>> -> memref<128xi32, #tpu.memory_space<vmem>>
          %dma_start3A_267 = arith.constant 0 : i32
          %dma_start3A_268 = arith.constant 0 : i32
          %dma_start3A_269 = tpu.memref_slice %arg11[%dma_start3A_267, %dma_start3A_268] : memref<10240x128xf32, #tpu.memory_space<vmem_shared>> -> memref<10240x128xf32, #tpu.memory_space<vmem_shared>>
          tpu.enqueue_indirect_dma source(%arg9 : memref<128x128xf32, #tpu.memory_space<vmem>>) target(%dma_start3A_269 : memref<10240x128xf32, #tpu.memory_space<vmem_shared>>) offsets(%dma_start3A_266 : memref<128xi32, #tpu.memory_space<vmem>>) semaphore(%run_scoped3A_263 : memref<!tpu.dma_semaphore, #tpu.memory_space<semaphore_mem>>) {add = true}
          %dma_wait3A_270 = arith.constant 0 : i32
          %dma_wait3A_271 = tpu.memref_slice %arg8[%run_scoped3A_254, %dma_wait3A_270] : memref<16x128xi32, #tpu.memory_space<vmem>> -> memref<1x128xi32, #tpu.memory_space<vmem>>
          %dma_wait3A_272 = tpu.memref_squeeze %dma_wait3A_271 : memref<1x128xi32, #tpu.memory_space<vmem>> -> memref<128xi32, #tpu.memory_space<vmem>>
          %dma_wait3A_273 = arith.constant 0 : i32
          %dma_wait3A_274 = arith.constant 0 : i32
          %dma_wait3A_275 = tpu.memref_slice %arg11[%dma_wait3A_273, %dma_wait3A_274] : memref<10240x128xf32, #tpu.memory_space<vmem_shared>> -> memref<10240x128xf32, #tpu.memory_space<vmem_shared>>
          tpu.wait_indirect_dma semaphore(%run_scoped3A_263 : memref<!tpu.dma_semaphore, #tpu.memory_space<semaphore_mem>>) src(%arg9 : memref<128x128xf32, #tpu.memory_space<vmem>>) dst(%dma_wait3A_275 : memref<10240x128xf32, #tpu.memory_space<vmem_shared>>)
          tpu.yield
        }) : () -> ()
        %dma_wait3A_255 = arith.constant 15 : i32
        %dma_wait3A_256 = arith.constant 0 : i32
        %dma_wait3A_257 = tpu.memref_slice %arg7[%dma_wait3A_255, %dma_wait3A_256] : memref<16x128xi32, #tpu.memory_space<vmem>> -> memref<1x128xi32, #tpu.memory_space<vmem>>
        %dma_wait3A_258 = tpu.memref_squeeze %dma_wait3A_257 : memref<1x128xi32, #tpu.memory_space<vmem>> -> memref<128xi32, #tpu.memory_space<vmem>>
        %dma_wait3A_259 = arith.constant 0 : i32
        %dma_wait3A_260 = arith.constant 0 : i32
        %dma_wait3A_261 = tpu.memref_slice %arg2[%dma_wait3A_259, %dma_wait3A_260] : memref<10000x128xf32, #tpu.memory_space<hbm>> -> memref<10000x128xf32, #tpu.memory_space<hbm>>
        tpu.wait_indirect_dma semaphore(%arg13 : memref<!tpu.dma_semaphore, #tpu.memory_space<semaphore_mem>>) src(%dma_wait3A_261 : memref<10000x128xf32, #tpu.memory_space<hbm>>) dst(%arg10 : memref<128x128xf32, #tpu.memory_space<vmem>>)
        %run_scoped3A_262 = arith.constant 15 : i32
        "tpu.region"() ({
          %run_scoped3A_263 = tpu.sem_alloc : memref<!tpu.dma_semaphore, #tpu.memory_space<semaphore_mem>>
          %dma_start3A_264 = arith.constant 0 : i32
          %dma_start3A_265 = tpu.memref_slice %arg8[%run_scoped3A_262, %dma_start3A_264] : memref<16x128xi32, #tpu.memory_space<vmem>> -> memref<1x128xi32, #tpu.memory_space<vmem>>
          %dma_start3A_266 = tpu.memref_squeeze %dma_start3A_265 : memref<1x128xi32, #tpu.memory_space<vmem>> -> memref<128xi32, #tpu.memory_space<vmem>>
          %dma_start3A_267 = arith.constant 0 : i32
          %dma_start3A_268 = arith.constant 0 : i32
          %dma_start3A_269 = tpu.memref_slice %arg11[%dma_start3A_267, %dma_start3A_268] : memref<10240x128xf32, #tpu.memory_space<vmem_shared>> -> memref<10240x128xf32, #tpu.memory_space<vmem_shared>>
          tpu.enqueue_indirect_dma source(%arg10 : memref<128x128xf32, #tpu.memory_space<vmem>>) target(%dma_start3A_269 : memref<10240x128xf32, #tpu.memory_space<vmem_shared>>) offsets(%dma_start3A_266 : memref<128xi32, #tpu.memory_space<vmem>>) semaphore(%run_scoped3A_263 : memref<!tpu.dma_semaphore, #tpu.memory_space<semaphore_mem>>) {add = true}
          %dma_wait3A_270 = arith.constant 0 : i32
          %dma_wait3A_271 = tpu.memref_slice %arg8[%run_scoped3A_262, %dma_wait3A_270] : memref<16x128xi32, #tpu.memory_space<vmem>> -> memref<1x128xi32, #tpu.memory_space<vmem>>
          %dma_wait3A_272 = tpu.memref_squeeze %dma_wait3A_271 : memref<1x128xi32, #tpu.memory_space<vmem>> -> memref<128xi32, #tpu.memory_space<vmem>>
          %dma_wait3A_273 = arith.constant 0 : i32
          %dma_wait3A_274 = arith.constant 0 : i32
          %dma_wait3A_275 = tpu.memref_slice %arg11[%dma_wait3A_273, %dma_wait3A_274] : memref<10240x128xf32, #tpu.memory_space<vmem_shared>> -> memref<10240x128xf32, #tpu.memory_space<vmem_shared>>
          tpu.wait_indirect_dma semaphore(%run_scoped3A_263 : memref<!tpu.dma_semaphore, #tpu.memory_space<semaphore_mem>>) src(%arg10 : memref<128x128xf32, #tpu.memory_space<vmem>>) dst(%dma_wait3A_275 : memref<10240x128xf32, #tpu.memory_space<vmem_shared>>)
          tpu.yield
        }) : () -> ()
      }
      %scan3A_19 = arith.constant 8 : i32
    } else {
    }
    %eq3A_3 = arith.constant 1 : i32
    %eq3A_4 = arith.cmpi eq, %arg0, %eq3A_3 : i32
    %convert_element_type3A_5 = arith.extui %eq3A_4 : i1 to i32
    %cond3A_6 = arith.constant 0 : i32
    %cond3A_7 = arith.cmpi ne, %convert_element_type3A_5, %cond3A_6 : i32
    scf.if %cond3A_7 {
      %mul3A_13 = arith.constant 32 : i32
      %mul3A_14 = arith.muli %arg1, %mul3A_13 : i32
      %add3A = arith.constant 2048 : i32
      %add3A_15 = arith.addi %add3A, %mul3A_14 : i32
      %scan3A = arith.constant 0 : i32
      %scan3A_16 = arith.constant 0 : i32
      %scan3A_17 = arith.constant 2 : i32
      %scan3A_18 = arith.addi %scan3A_16, %scan3A_17 : i32
      %scan3A_19 = arith.constant 1 : i32
      scf.for %scan3A_21 = %scan3A_16 to %scan3A_18 step %scan3A_19  : i32 {
        %mul3A_22 = arith.constant 16 : i32
        %mul3A_23 = arith.muli %scan3A_21, %mul3A_22 : i32
        %add3A_24 = arith.addi %add3A_15, %mul3A_23 : i32
        "tpu.region"() ({
          %run_scoped3A_265 = tpu.sem_alloc : memref<!tpu.dma_semaphore, #tpu.memory_space<semaphore_mem>>
          %dma_start3A_266 = arith.constant 0 : i32
          %dma_start3A_267 = tpu.memref_slice %arg3[%add3A_24, %dma_start3A_266] : memref<2560x128xi32, #tpu.memory_space<hbm>> -> memref<16x128xi32, #tpu.memory_space<hbm>>
          %dma_start3A_268 = arith.constant 0 : i32
          %dma_start3A_269 = tpu.memref_slice %arg3[%add3A_24, %dma_start3A_268] : memref<2560x128xi32, #tpu.memory_space<hbm>> -> memref<16x128xi32, #tpu.memory_space<hbm>>
          tpu.enqueue_dma source(%dma_start3A_269 : memref<16x128xi32, #tpu.memory_space<hbm>>) target(%arg7 : memref<16x128xi32, #tpu.memory_space<vmem>>) target_semaphore(%run_scoped3A_265 : memref<!tpu.dma_semaphore, #tpu.memory_space<semaphore_mem>>)
          %dma_wait3A_270 = arith.constant 0 : i32
          %dma_wait3A_271 = tpu.memref_slice %arg3[%add3A_24, %dma_wait3A_270] : memref<2560x128xi32, #tpu.memory_space<hbm>> -> memref<16x128xi32, #tpu.memory_space<hbm>>
          %dma_wait3A_272 = arith.constant 0 : i32
          %dma_wait3A_273 = tpu.memref_slice %arg3[%add3A_24, %dma_wait3A_272] : memref<2560x128xi32, #tpu.memory_space<hbm>> -> memref<16x128xi32, #tpu.memory_space<hbm>>
          tpu.wait_dma2 semaphore(%run_scoped3A_265 : memref<!tpu.dma_semaphore, #tpu.memory_space<semaphore_mem>>) src(%dma_wait3A_273 : memref<16x128xi32, #tpu.memory_space<hbm>>) dst(%arg7 : memref<16x128xi32, #tpu.memory_space<vmem>>)
          tpu.yield
        }) : () -> ()
        %mul3A_25 = arith.constant 16 : i32
        %mul3A_26 = arith.muli %scan3A_21, %mul3A_25 : i32
        %add3A_27 = arith.addi %add3A_15, %mul3A_26 : i32
        "tpu.region"() ({
          %run_scoped3A_265 = tpu.sem_alloc : memref<!tpu.dma_semaphore, #tpu.memory_space<semaphore_mem>>
          %dma_start3A_266 = arith.constant 0 : i32
          %dma_start3A_267 = tpu.memref_slice %arg4[%add3A_27, %dma_start3A_266] : memref<2560x128xi32, #tpu.memory_space<hbm>> -> memref<16x128xi32, #tpu.memory_space<hbm>>
          %dma_start3A_268 = arith.constant 0 : i32
          %dma_start3A_269 = tpu.memref_slice %arg4[%add3A_27, %dma_start3A_268] : memref<2560x128xi32, #tpu.memory_space<hbm>> -> memref<16x128xi32, #tpu.memory_space<hbm>>
          tpu.enqueue_dma source(%dma_start3A_269 : memref<16x128xi32, #tpu.memory_space<hbm>>) target(%arg8 : memref<16x128xi32, #tpu.memory_space<vmem>>) target_semaphore(%run_scoped3A_265 : memref<!tpu.dma_semaphore, #tpu.memory_space<semaphore_mem>>)
          %dma_wait3A_270 = arith.constant 0 : i32
          %dma_wait3A_271 = tpu.memref_slice %arg4[%add3A_27, %dma_wait3A_270] : memref<2560x128xi32, #tpu.memory_space<hbm>> -> memref<16x128xi32, #tpu.memory_space<hbm>>
          %dma_wait3A_272 = arith.constant 0 : i32
          %dma_wait3A_273 = tpu.memref_slice %arg4[%add3A_27, %dma_wait3A_272] : memref<2560x128xi32, #tpu.memory_space<hbm>> -> memref<16x128xi32, #tpu.memory_space<hbm>>
          tpu.wait_dma2 semaphore(%run_scoped3A_265 : memref<!tpu.dma_semaphore, #tpu.memory_space<semaphore_mem>>) src(%dma_wait3A_273 : memref<16x128xi32, #tpu.memory_space<hbm>>) dst(%arg8 : memref<16x128xi32, #tpu.memory_space<vmem>>)
          tpu.yield
        }) : () -> ()
        %dma_start3A = arith.constant 0 : i32
        %dma_start3A_28 = arith.constant 0 : i32
        %dma_start3A_29 = tpu.memref_slice %arg7[%dma_start3A, %dma_start3A_28] : memref<16x128xi32, #tpu.memory_space<vmem>> -> memref<1x128xi32, #tpu.memory_space<vmem>>
        %dma_start3A_30 = tpu.memref_squeeze %dma_start3A_29 : memref<1x128xi32, #tpu.memory_space<vmem>> -> memref<128xi32, #tpu.memory_space<vmem>>
        %dma_start3A_31 = arith.constant 0 : i32
        %dma_start3A_32 = arith.constant 0 : i32
        %dma_start3A_33 = tpu.memref_slice %arg2[%dma_start3A_31, %dma_start3A_32] : memref<10000x128xf32, #tpu.memory_space<hbm>> -> memref<10000x128xf32, #tpu.memory_space<hbm>>
        tpu.enqueue_indirect_dma source(%dma_start3A_33 : memref<10000x128xf32, #tpu.memory_space<hbm>>) target(%arg9 : memref<128x128xf32, #tpu.memory_space<vmem>>) offsets(%dma_start3A_30 : memref<128xi32, #tpu.memory_space<vmem>>) semaphore(%arg12 : memref<!tpu.dma_semaphore, #tpu.memory_space<semaphore_mem>>)
        %dma_start3A_34 = arith.constant 1 : i32
        %dma_start3A_35 = arith.constant 0 : i32
        %dma_start3A_36 = tpu.memref_slice %arg7[%dma_start3A_34, %dma_start3A_35] : memref<16x128xi32, #tpu.memory_space<vmem>> -> memref<1x128xi32, #tpu.memory_space<vmem>>
        %dma_start3A_37 = tpu.memref_squeeze %dma_start3A_36 : memref<1x128xi32, #tpu.memory_space<vmem>> -> memref<128xi32, #tpu.memory_space<vmem>>
        %dma_start3A_38 = arith.constant 0 : i32
        %dma_start3A_39 = arith.constant 0 : i32
        %dma_start3A_40 = tpu.memref_slice %arg2[%dma_start3A_38, %dma_start3A_39] : memref<10000x128xf32, #tpu.memory_space<hbm>> -> memref<10000x128xf32, #tpu.memory_space<hbm>>
        tpu.enqueue_indirect_dma source(%dma_start3A_40 : memref<10000x128xf32, #tpu.memory_space<hbm>>) target(%arg10 : memref<128x128xf32, #tpu.memory_space<vmem>>) offsets(%dma_start3A_37 : memref<128xi32, #tpu.memory_space<vmem>>) semaphore(%arg13 : memref<!tpu.dma_semaphore, #tpu.memory_space<semaphore_mem>>)
        %dma_wait3A = arith.constant 0 : i32
        %dma_wait3A_41 = arith.constant 0 : i32
        %dma_wait3A_42 = tpu.memref_slice %arg7[%dma_wait3A, %dma_wait3A_41] : memref<16x128xi32, #tpu.memory_space<vmem>> -> memref<1x128xi32, #tpu.memory_space<vmem>>
        %dma_wait3A_43 = tpu.memref_squeeze %dma_wait3A_42 : memref<1x128xi32, #tpu.memory_space<vmem>> -> memref<128xi32, #tpu.memory_space<vmem>>
        %dma_wait3A_44 = arith.constant 0 : i32
        %dma_wait3A_45 = arith.constant 0 : i32
        %dma_wait3A_46 = tpu.memref_slice %arg2[%dma_wait3A_44, %dma_wait3A_45] : memref<10000x128xf32, #tpu.memory_space<hbm>> -> memref<10000x128xf32, #tpu.memory_space<hbm>>
        tpu.wait_indirect_dma semaphore(%arg12 : memref<!tpu.dma_semaphore, #tpu.memory_space<semaphore_mem>>) src(%dma_wait3A_46 : memref<10000x128xf32, #tpu.memory_space<hbm>>) dst(%arg9 : memref<128x128xf32, #tpu.memory_space<vmem>>)
        %run_scoped3A = arith.constant 0 : i32
        "tpu.region"() ({
          %run_scoped3A_265 = tpu.sem_alloc : memref<!tpu.dma_semaphore, #tpu.memory_space<semaphore_mem>>
          %dma_start3A_266 = arith.constant 0 : i32
          %dma_start3A_267 = tpu.memref_slice %arg8[%run_scoped3A, %dma_start3A_266] : memref<16x128xi32, #tpu.memory_space<vmem>> -> memref<1x128xi32, #tpu.memory_space<vmem>>
          %dma_start3A_268 = tpu.memref_squeeze %dma_start3A_267 : memref<1x128xi32, #tpu.memory_space<vmem>> -> memref<128xi32, #tpu.memory_space<vmem>>
          %dma_start3A_269 = arith.constant 0 : i32
          %dma_start3A_270 = arith.constant 0 : i32
          %dma_start3A_271 = tpu.memref_slice %arg11[%dma_start3A_269, %dma_start3A_270] : memref<10240x128xf32, #tpu.memory_space<vmem_shared>> -> memref<10240x128xf32, #tpu.memory_space<vmem_shared>>
          tpu.enqueue_indirect_dma source(%arg9 : memref<128x128xf32, #tpu.memory_space<vmem>>) target(%dma_start3A_271 : memref<10240x128xf32, #tpu.memory_space<vmem_shared>>) offsets(%dma_start3A_268 : memref<128xi32, #tpu.memory_space<vmem>>) semaphore(%run_scoped3A_265 : memref<!tpu.dma_semaphore, #tpu.memory_space<semaphore_mem>>) {add = true}
          %dma_wait3A_272 = arith.constant 0 : i32
          %dma_wait3A_273 = tpu.memref_slice %arg8[%run_scoped3A, %dma_wait3A_272] : memref<16x128xi32, #tpu.memory_space<vmem>> -> memref<1x128xi32, #tpu.memory_space<vmem>>
          %dma_wait3A_274 = tpu.memref_squeeze %dma_wait3A_273 : memref<1x128xi32, #tpu.memory_space<vmem>> -> memref<128xi32, #tpu.memory_space<vmem>>
          %dma_wait3A_275 = arith.constant 0 : i32
          %dma_wait3A_276 = arith.constant 0 : i32
          %dma_wait3A_277 = tpu.memref_slice %arg11[%dma_wait3A_275, %dma_wait3A_276] : memref<10240x128xf32, #tpu.memory_space<vmem_shared>> -> memref<10240x128xf32, #tpu.memory_space<vmem_shared>>
          tpu.wait_indirect_dma semaphore(%run_scoped3A_265 : memref<!tpu.dma_semaphore, #tpu.memory_space<semaphore_mem>>) src(%arg9 : memref<128x128xf32, #tpu.memory_space<vmem>>) dst(%dma_wait3A_277 : memref<10240x128xf32, #tpu.memory_space<vmem_shared>>)
          tpu.yield
        }) : () -> ()
        %dma_start3A_47 = arith.constant 2 : i32
        %dma_start3A_48 = arith.constant 0 : i32
        %dma_start3A_49 = tpu.memref_slice %arg7[%dma_start3A_47, %dma_start3A_48] : memref<16x128xi32, #tpu.memory_space<vmem>> -> memref<1x128xi32, #tpu.memory_space<vmem>>
        %dma_start3A_50 = tpu.memref_squeeze %dma_start3A_49 : memref<1x128xi32, #tpu.memory_space<vmem>> -> memref<128xi32, #tpu.memory_space<vmem>>
        %dma_start3A_51 = arith.constant 0 : i32
        %dma_start3A_52 = arith.constant 0 : i32
        %dma_start3A_53 = tpu.memref_slice %arg2[%dma_start3A_51, %dma_start3A_52] : memref<10000x128xf32, #tpu.memory_space<hbm>> -> memref<10000x128xf32, #tpu.memory_space<hbm>>
        tpu.enqueue_indirect_dma source(%dma_start3A_53 : memref<10000x128xf32, #tpu.memory_space<hbm>>) target(%arg9 : memref<128x128xf32, #tpu.memory_space<vmem>>) offsets(%dma_start3A_50 : memref<128xi32, #tpu.memory_space<vmem>>) semaphore(%arg12 : memref<!tpu.dma_semaphore, #tpu.memory_space<semaphore_mem>>)
        %dma_wait3A_54 = arith.constant 1 : i32
        %dma_wait3A_55 = arith.constant 0 : i32
        %dma_wait3A_56 = tpu.memref_slice %arg7[%dma_wait3A_54, %dma_wait3A_55] : memref<16x128xi32, #tpu.memory_space<vmem>> -> memref<1x128xi32, #tpu.memory_space<vmem>>
        %dma_wait3A_57 = tpu.memref_squeeze %dma_wait3A_56 : memref<1x128xi32, #tpu.memory_space<vmem>> -> memref<128xi32, #tpu.memory_space<vmem>>
        %dma_wait3A_58 = arith.constant 0 : i32
        %dma_wait3A_59 = arith.constant 0 : i32
        %dma_wait3A_60 = tpu.memref_slice %arg2[%dma_wait3A_58, %dma_wait3A_59] : memref<10000x128xf32, #tpu.memory_space<hbm>> -> memref<10000x128xf32, #tpu.memory_space<hbm>>
        tpu.wait_indirect_dma semaphore(%arg13 : memref<!tpu.dma_semaphore, #tpu.memory_space<semaphore_mem>>) src(%dma_wait3A_60 : memref<10000x128xf32, #tpu.memory_space<hbm>>) dst(%arg10 : memref<128x128xf32, #tpu.memory_space<vmem>>)
        %run_scoped3A_61 = arith.constant 1 : i32
        "tpu.region"() ({
          %run_scoped3A_265 = tpu.sem_alloc : memref<!tpu.dma_semaphore, #tpu.memory_space<semaphore_mem>>
          %dma_start3A_266 = arith.constant 0 : i32
          %dma_start3A_267 = tpu.memref_slice %arg8[%run_scoped3A_61, %dma_start3A_266] : memref<16x128xi32, #tpu.memory_space<vmem>> -> memref<1x128xi32, #tpu.memory_space<vmem>>
          %dma_start3A_268 = tpu.memref_squeeze %dma_start3A_267 : memref<1x128xi32, #tpu.memory_space<vmem>> -> memref<128xi32, #tpu.memory_space<vmem>>
          %dma_start3A_269 = arith.constant 0 : i32
          %dma_start3A_270 = arith.constant 0 : i32
          %dma_start3A_271 = tpu.memref_slice %arg11[%dma_start3A_269, %dma_start3A_270] : memref<10240x128xf32, #tpu.memory_space<vmem_shared>> -> memref<10240x128xf32, #tpu.memory_space<vmem_shared>>
          tpu.enqueue_indirect_dma source(%arg10 : memref<128x128xf32, #tpu.memory_space<vmem>>) target(%dma_start3A_271 : memref<10240x128xf32, #tpu.memory_space<vmem_shared>>) offsets(%dma_start3A_268 : memref<128xi32, #tpu.memory_space<vmem>>) semaphore(%run_scoped3A_265 : memref<!tpu.dma_semaphore, #tpu.memory_space<semaphore_mem>>) {add = true}
          %dma_wait3A_272 = arith.constant 0 : i32
          %dma_wait3A_273 = tpu.memref_slice %arg8[%run_scoped3A_61, %dma_wait3A_272] : memref<16x128xi32, #tpu.memory_space<vmem>> -> memref<1x128xi32, #tpu.memory_space<vmem>>
          %dma_wait3A_274 = tpu.memref_squeeze %dma_wait3A_273 : memref<1x128xi32, #tpu.memory_space<vmem>> -> memref<128xi32, #tpu.memory_space<vmem>>
          %dma_wait3A_275 = arith.constant 0 : i32
          %dma_wait3A_276 = arith.constant 0 : i32
          %dma_wait3A_277 = tpu.memref_slice %arg11[%dma_wait3A_275, %dma_wait3A_276] : memref<10240x128xf32, #tpu.memory_space<vmem_shared>> -> memref<10240x128xf32, #tpu.memory_space<vmem_shared>>
          tpu.wait_indirect_dma semaphore(%run_scoped3A_265 : memref<!tpu.dma_semaphore, #tpu.memory_space<semaphore_mem>>) src(%arg10 : memref<128x128xf32, #tpu.memory_space<vmem>>) dst(%dma_wait3A_277 : memref<10240x128xf32, #tpu.memory_space<vmem_shared>>)
          tpu.yield
        }) : () -> ()
        %dma_start3A_62 = arith.constant 3 : i32
        %dma_start3A_63 = arith.constant 0 : i32
        %dma_start3A_64 = tpu.memref_slice %arg7[%dma_start3A_62, %dma_start3A_63] : memref<16x128xi32, #tpu.memory_space<vmem>> -> memref<1x128xi32, #tpu.memory_space<vmem>>
        %dma_start3A_65 = tpu.memref_squeeze %dma_start3A_64 : memref<1x128xi32, #tpu.memory_space<vmem>> -> memref<128xi32, #tpu.memory_space<vmem>>
        %dma_start3A_66 = arith.constant 0 : i32
        %dma_start3A_67 = arith.constant 0 : i32
        %dma_start3A_68 = tpu.memref_slice %arg2[%dma_start3A_66, %dma_start3A_67] : memref<10000x128xf32, #tpu.memory_space<hbm>> -> memref<10000x128xf32, #tpu.memory_space<hbm>>
        tpu.enqueue_indirect_dma source(%dma_start3A_68 : memref<10000x128xf32, #tpu.memory_space<hbm>>) target(%arg10 : memref<128x128xf32, #tpu.memory_space<vmem>>) offsets(%dma_start3A_65 : memref<128xi32, #tpu.memory_space<vmem>>) semaphore(%arg13 : memref<!tpu.dma_semaphore, #tpu.memory_space<semaphore_mem>>)
        %dma_wait3A_69 = arith.constant 2 : i32
        %dma_wait3A_70 = arith.constant 0 : i32
        %dma_wait3A_71 = tpu.memref_slice %arg7[%dma_wait3A_69, %dma_wait3A_70] : memref<16x128xi32, #tpu.memory_space<vmem>> -> memref<1x128xi32, #tpu.memory_space<vmem>>
        %dma_wait3A_72 = tpu.memref_squeeze %dma_wait3A_71 : memref<1x128xi32, #tpu.memory_space<vmem>> -> memref<128xi32, #tpu.memory_space<vmem>>
        %dma_wait3A_73 = arith.constant 0 : i32
        %dma_wait3A_74 = arith.constant 0 : i32
        %dma_wait3A_75 = tpu.memref_slice %arg2[%dma_wait3A_73, %dma_wait3A_74] : memref<10000x128xf32, #tpu.memory_space<hbm>> -> memref<10000x128xf32, #tpu.memory_space<hbm>>
        tpu.wait_indirect_dma semaphore(%arg12 : memref<!tpu.dma_semaphore, #tpu.memory_space<semaphore_mem>>) src(%dma_wait3A_75 : memref<10000x128xf32, #tpu.memory_space<hbm>>) dst(%arg9 : memref<128x128xf32, #tpu.memory_space<vmem>>)
        %run_scoped3A_76 = arith.constant 2 : i32
        "tpu.region"() ({
          %run_scoped3A_265 = tpu.sem_alloc : memref<!tpu.dma_semaphore, #tpu.memory_space<semaphore_mem>>
          %dma_start3A_266 = arith.constant 0 : i32
          %dma_start3A_267 = tpu.memref_slice %arg8[%run_scoped3A_76, %dma_start3A_266] : memref<16x128xi32, #tpu.memory_space<vmem>> -> memref<1x128xi32, #tpu.memory_space<vmem>>
          %dma_start3A_268 = tpu.memref_squeeze %dma_start3A_267 : memref<1x128xi32, #tpu.memory_space<vmem>> -> memref<128xi32, #tpu.memory_space<vmem>>
          %dma_start3A_269 = arith.constant 0 : i32
          %dma_start3A_270 = arith.constant 0 : i32
          %dma_start3A_271 = tpu.memref_slice %arg11[%dma_start3A_269, %dma_start3A_270] : memref<10240x128xf32, #tpu.memory_space<vmem_shared>> -> memref<10240x128xf32, #tpu.memory_space<vmem_shared>>
          tpu.enqueue_indirect_dma source(%arg9 : memref<128x128xf32, #tpu.memory_space<vmem>>) target(%dma_start3A_271 : memref<10240x128xf32, #tpu.memory_space<vmem_shared>>) offsets(%dma_start3A_268 : memref<128xi32, #tpu.memory_space<vmem>>) semaphore(%run_scoped3A_265 : memref<!tpu.dma_semaphore, #tpu.memory_space<semaphore_mem>>) {add = true}
          %dma_wait3A_272 = arith.constant 0 : i32
          %dma_wait3A_273 = tpu.memref_slice %arg8[%run_scoped3A_76, %dma_wait3A_272] : memref<16x128xi32, #tpu.memory_space<vmem>> -> memref<1x128xi32, #tpu.memory_space<vmem>>
          %dma_wait3A_274 = tpu.memref_squeeze %dma_wait3A_273 : memref<1x128xi32, #tpu.memory_space<vmem>> -> memref<128xi32, #tpu.memory_space<vmem>>
          %dma_wait3A_275 = arith.constant 0 : i32
          %dma_wait3A_276 = arith.constant 0 : i32
          %dma_wait3A_277 = tpu.memref_slice %arg11[%dma_wait3A_275, %dma_wait3A_276] : memref<10240x128xf32, #tpu.memory_space<vmem_shared>> -> memref<10240x128xf32, #tpu.memory_space<vmem_shared>>
          tpu.wait_indirect_dma semaphore(%run_scoped3A_265 : memref<!tpu.dma_semaphore, #tpu.memory_space<semaphore_mem>>) src(%arg9 : memref<128x128xf32, #tpu.memory_space<vmem>>) dst(%dma_wait3A_277 : memref<10240x128xf32, #tpu.memory_space<vmem_shared>>)
          tpu.yield
        }) : () -> ()
        %dma_start3A_77 = arith.constant 4 : i32
        %dma_start3A_78 = arith.constant 0 : i32
        %dma_start3A_79 = tpu.memref_slice %arg7[%dma_start3A_77, %dma_start3A_78] : memref<16x128xi32, #tpu.memory_space<vmem>> -> memref<1x128xi32, #tpu.memory_space<vmem>>
        %dma_start3A_80 = tpu.memref_squeeze %dma_start3A_79 : memref<1x128xi32, #tpu.memory_space<vmem>> -> memref<128xi32, #tpu.memory_space<vmem>>
        %dma_start3A_81 = arith.constant 0 : i32
        %dma_start3A_82 = arith.constant 0 : i32
        %dma_start3A_83 = tpu.memref_slice %arg2[%dma_start3A_81, %dma_start3A_82] : memref<10000x128xf32, #tpu.memory_space<hbm>> -> memref<10000x128xf32, #tpu.memory_space<hbm>>
        tpu.enqueue_indirect_dma source(%dma_start3A_83 : memref<10000x128xf32, #tpu.memory_space<hbm>>) target(%arg9 : memref<128x128xf32, #tpu.memory_space<vmem>>) offsets(%dma_start3A_80 : memref<128xi32, #tpu.memory_space<vmem>>) semaphore(%arg12 : memref<!tpu.dma_semaphore, #tpu.memory_space<semaphore_mem>>)
        %dma_wait3A_84 = arith.constant 3 : i32
        %dma_wait3A_85 = arith.constant 0 : i32
        %dma_wait3A_86 = tpu.memref_slice %arg7[%dma_wait3A_84, %dma_wait3A_85] : memref<16x128xi32, #tpu.memory_space<vmem>> -> memref<1x128xi32, #tpu.memory_space<vmem>>
        %dma_wait3A_87 = tpu.memref_squeeze %dma_wait3A_86 : memref<1x128xi32, #tpu.memory_space<vmem>> -> memref<128xi32, #tpu.memory_space<vmem>>
        %dma_wait3A_88 = arith.constant 0 : i32
        %dma_wait3A_89 = arith.constant 0 : i32
        %dma_wait3A_90 = tpu.memref_slice %arg2[%dma_wait3A_88, %dma_wait3A_89] : memref<10000x128xf32, #tpu.memory_space<hbm>> -> memref<10000x128xf32, #tpu.memory_space<hbm>>
        tpu.wait_indirect_dma semaphore(%arg13 : memref<!tpu.dma_semaphore, #tpu.memory_space<semaphore_mem>>) src(%dma_wait3A_90 : memref<10000x128xf32, #tpu.memory_space<hbm>>) dst(%arg10 : memref<128x128xf32, #tpu.memory_space<vmem>>)
        %run_scoped3A_91 = arith.constant 3 : i32
        "tpu.region"() ({
          %run_scoped3A_265 = tpu.sem_alloc : memref<!tpu.dma_semaphore, #tpu.memory_space<semaphore_mem>>
          %dma_start3A_266 = arith.constant 0 : i32
          %dma_start3A_267 = tpu.memref_slice %arg8[%run_scoped3A_91, %dma_start3A_266] : memref<16x128xi32, #tpu.memory_space<vmem>> -> memref<1x128xi32, #tpu.memory_space<vmem>>
          %dma_start3A_268 = tpu.memref_squeeze %dma_start3A_267 : memref<1x128xi32, #tpu.memory_space<vmem>> -> memref<128xi32, #tpu.memory_space<vmem>>
          %dma_start3A_269 = arith.constant 0 : i32
          %dma_start3A_270 = arith.constant 0 : i32
          %dma_start3A_271 = tpu.memref_slice %arg11[%dma_start3A_269, %dma_start3A_270] : memref<10240x128xf32, #tpu.memory_space<vmem_shared>> -> memref<10240x128xf32, #tpu.memory_space<vmem_shared>>
          tpu.enqueue_indirect_dma source(%arg10 : memref<128x128xf32, #tpu.memory_space<vmem>>) target(%dma_start3A_271 : memref<10240x128xf32, #tpu.memory_space<vmem_shared>>) offsets(%dma_start3A_268 : memref<128xi32, #tpu.memory_space<vmem>>) semaphore(%run_scoped3A_265 : memref<!tpu.dma_semaphore, #tpu.memory_space<semaphore_mem>>) {add = true}
          %dma_wait3A_272 = arith.constant 0 : i32
          %dma_wait3A_273 = tpu.memref_slice %arg8[%run_scoped3A_91, %dma_wait3A_272] : memref<16x128xi32, #tpu.memory_space<vmem>> -> memref<1x128xi32, #tpu.memory_space<vmem>>
          %dma_wait3A_274 = tpu.memref_squeeze %dma_wait3A_273 : memref<1x128xi32, #tpu.memory_space<vmem>> -> memref<128xi32, #tpu.memory_space<vmem>>
          %dma_wait3A_275 = arith.constant 0 : i32
          %dma_wait3A_276 = arith.constant 0 : i32
          %dma_wait3A_277 = tpu.memref_slice %arg11[%dma_wait3A_275, %dma_wait3A_276] : memref<10240x128xf32, #tpu.memory_space<vmem_shared>> -> memref<10240x128xf32, #tpu.memory_space<vmem_shared>>
          tpu.wait_indirect_dma semaphore(%run_scoped3A_265 : memref<!tpu.dma_semaphore, #tpu.memory_space<semaphore_mem>>) src(%arg10 : memref<128x128xf32, #tpu.memory_space<vmem>>) dst(%dma_wait3A_277 : memref<10240x128xf32, #tpu.memory_space<vmem_shared>>)
          tpu.yield
        }) : () -> ()
        %dma_start3A_92 = arith.constant 5 : i32
        %dma_start3A_93 = arith.constant 0 : i32
        %dma_start3A_94 = tpu.memref_slice %arg7[%dma_start3A_92, %dma_start3A_93] : memref<16x128xi32, #tpu.memory_space<vmem>> -> memref<1x128xi32, #tpu.memory_space<vmem>>
        %dma_start3A_95 = tpu.memref_squeeze %dma_start3A_94 : memref<1x128xi32, #tpu.memory_space<vmem>> -> memref<128xi32, #tpu.memory_space<vmem>>
        %dma_start3A_96 = arith.constant 0 : i32
        %dma_start3A_97 = arith.constant 0 : i32
        %dma_start3A_98 = tpu.memref_slice %arg2[%dma_start3A_96, %dma_start3A_97] : memref<10000x128xf32, #tpu.memory_space<hbm>> -> memref<10000x128xf32, #tpu.memory_space<hbm>>
        tpu.enqueue_indirect_dma source(%dma_start3A_98 : memref<10000x128xf32, #tpu.memory_space<hbm>>) target(%arg10 : memref<128x128xf32, #tpu.memory_space<vmem>>) offsets(%dma_start3A_95 : memref<128xi32, #tpu.memory_space<vmem>>) semaphore(%arg13 : memref<!tpu.dma_semaphore, #tpu.memory_space<semaphore_mem>>)
        %dma_wait3A_99 = arith.constant 4 : i32
        %dma_wait3A_100 = arith.constant 0 : i32
        %dma_wait3A_101 = tpu.memref_slice %arg7[%dma_wait3A_99, %dma_wait3A_100] : memref<16x128xi32, #tpu.memory_space<vmem>> -> memref<1x128xi32, #tpu.memory_space<vmem>>
        %dma_wait3A_102 = tpu.memref_squeeze %dma_wait3A_101 : memref<1x128xi32, #tpu.memory_space<vmem>> -> memref<128xi32, #tpu.memory_space<vmem>>
        %dma_wait3A_103 = arith.constant 0 : i32
        %dma_wait3A_104 = arith.constant 0 : i32
        %dma_wait3A_105 = tpu.memref_slice %arg2[%dma_wait3A_103, %dma_wait3A_104] : memref<10000x128xf32, #tpu.memory_space<hbm>> -> memref<10000x128xf32, #tpu.memory_space<hbm>>
        tpu.wait_indirect_dma semaphore(%arg12 : memref<!tpu.dma_semaphore, #tpu.memory_space<semaphore_mem>>) src(%dma_wait3A_105 : memref<10000x128xf32, #tpu.memory_space<hbm>>) dst(%arg9 : memref<128x128xf32, #tpu.memory_space<vmem>>)
        %run_scoped3A_106 = arith.constant 4 : i32
        "tpu.region"() ({
          %run_scoped3A_265 = tpu.sem_alloc : memref<!tpu.dma_semaphore, #tpu.memory_space<semaphore_mem>>
          %dma_start3A_266 = arith.constant 0 : i32
          %dma_start3A_267 = tpu.memref_slice %arg8[%run_scoped3A_106, %dma_start3A_266] : memref<16x128xi32, #tpu.memory_space<vmem>> -> memref<1x128xi32, #tpu.memory_space<vmem>>
          %dma_start3A_268 = tpu.memref_squeeze %dma_start3A_267 : memref<1x128xi32, #tpu.memory_space<vmem>> -> memref<128xi32, #tpu.memory_space<vmem>>
          %dma_start3A_269 = arith.constant 0 : i32
          %dma_start3A_270 = arith.constant 0 : i32
          %dma_start3A_271 = tpu.memref_slice %arg11[%dma_start3A_269, %dma_start3A_270] : memref<10240x128xf32, #tpu.memory_space<vmem_shared>> -> memref<10240x128xf32, #tpu.memory_space<vmem_shared>>
          tpu.enqueue_indirect_dma source(%arg9 : memref<128x128xf32, #tpu.memory_space<vmem>>) target(%dma_start3A_271 : memref<10240x128xf32, #tpu.memory_space<vmem_shared>>) offsets(%dma_start3A_268 : memref<128xi32, #tpu.memory_space<vmem>>) semaphore(%run_scoped3A_265 : memref<!tpu.dma_semaphore, #tpu.memory_space<semaphore_mem>>) {add = true}
          %dma_wait3A_272 = arith.constant 0 : i32
          %dma_wait3A_273 = tpu.memref_slice %arg8[%run_scoped3A_106, %dma_wait3A_272] : memref<16x128xi32, #tpu.memory_space<vmem>> -> memref<1x128xi32, #tpu.memory_space<vmem>>
          %dma_wait3A_274 = tpu.memref_squeeze %dma_wait3A_273 : memref<1x128xi32, #tpu.memory_space<vmem>> -> memref<128xi32, #tpu.memory_space<vmem>>
          %dma_wait3A_275 = arith.constant 0 : i32
          %dma_wait3A_276 = arith.constant 0 : i32
          %dma_wait3A_277 = tpu.memref_slice %arg11[%dma_wait3A_275, %dma_wait3A_276] : memref<10240x128xf32, #tpu.memory_space<vmem_shared>> -> memref<10240x128xf32, #tpu.memory_space<vmem_shared>>
          tpu.wait_indirect_dma semaphore(%run_scoped3A_265 : memref<!tpu.dma_semaphore, #tpu.memory_space<semaphore_mem>>) src(%arg9 : memref<128x128xf32, #tpu.memory_space<vmem>>) dst(%dma_wait3A_277 : memref<10240x128xf32, #tpu.memory_space<vmem_shared>>)
          tpu.yield
        }) : () -> ()
        %dma_start3A_107 = arith.constant 6 : i32
        %dma_start3A_108 = arith.constant 0 : i32
        %dma_start3A_109 = tpu.memref_slice %arg7[%dma_start3A_107, %dma_start3A_108] : memref<16x128xi32, #tpu.memory_space<vmem>> -> memref<1x128xi32, #tpu.memory_space<vmem>>
        %dma_start3A_110 = tpu.memref_squeeze %dma_start3A_109 : memref<1x128xi32, #tpu.memory_space<vmem>> -> memref<128xi32, #tpu.memory_space<vmem>>
        %dma_start3A_111 = arith.constant 0 : i32
        %dma_start3A_112 = arith.constant 0 : i32
        %dma_start3A_113 = tpu.memref_slice %arg2[%dma_start3A_111, %dma_start3A_112] : memref<10000x128xf32, #tpu.memory_space<hbm>> -> memref<10000x128xf32, #tpu.memory_space<hbm>>
        tpu.enqueue_indirect_dma source(%dma_start3A_113 : memref<10000x128xf32, #tpu.memory_space<hbm>>) target(%arg9 : memref<128x128xf32, #tpu.memory_space<vmem>>) offsets(%dma_start3A_110 : memref<128xi32, #tpu.memory_space<vmem>>) semaphore(%arg12 : memref<!tpu.dma_semaphore, #tpu.memory_space<semaphore_mem>>)
        %dma_wait3A_114 = arith.constant 5 : i32
        %dma_wait3A_115 = arith.constant 0 : i32
        %dma_wait3A_116 = tpu.memref_slice %arg7[%dma_wait3A_114, %dma_wait3A_115] : memref<16x128xi32, #tpu.memory_space<vmem>> -> memref<1x128xi32, #tpu.memory_space<vmem>>
        %dma_wait3A_117 = tpu.memref_squeeze %dma_wait3A_116 : memref<1x128xi32, #tpu.memory_space<vmem>> -> memref<128xi32, #tpu.memory_space<vmem>>
        %dma_wait3A_118 = arith.constant 0 : i32
        %dma_wait3A_119 = arith.constant 0 : i32
        %dma_wait3A_120 = tpu.memref_slice %arg2[%dma_wait3A_118, %dma_wait3A_119] : memref<10000x128xf32, #tpu.memory_space<hbm>> -> memref<10000x128xf32, #tpu.memory_space<hbm>>
        tpu.wait_indirect_dma semaphore(%arg13 : memref<!tpu.dma_semaphore, #tpu.memory_space<semaphore_mem>>) src(%dma_wait3A_120 : memref<10000x128xf32, #tpu.memory_space<hbm>>) dst(%arg10 : memref<128x128xf32, #tpu.memory_space<vmem>>)
        %run_scoped3A_121 = arith.constant 5 : i32
        "tpu.region"() ({
          %run_scoped3A_265 = tpu.sem_alloc : memref<!tpu.dma_semaphore, #tpu.memory_space<semaphore_mem>>
          %dma_start3A_266 = arith.constant 0 : i32
          %dma_start3A_267 = tpu.memref_slice %arg8[%run_scoped3A_121, %dma_start3A_266] : memref<16x128xi32, #tpu.memory_space<vmem>> -> memref<1x128xi32, #tpu.memory_space<vmem>>
          %dma_start3A_268 = tpu.memref_squeeze %dma_start3A_267 : memref<1x128xi32, #tpu.memory_space<vmem>> -> memref<128xi32, #tpu.memory_space<vmem>>
          %dma_start3A_269 = arith.constant 0 : i32
          %dma_start3A_270 = arith.constant 0 : i32
          %dma_start3A_271 = tpu.memref_slice %arg11[%dma_start3A_269, %dma_start3A_270] : memref<10240x128xf32, #tpu.memory_space<vmem_shared>> -> memref<10240x128xf32, #tpu.memory_space<vmem_shared>>
          tpu.enqueue_indirect_dma source(%arg10 : memref<128x128xf32, #tpu.memory_space<vmem>>) target(%dma_start3A_271 : memref<10240x128xf32, #tpu.memory_space<vmem_shared>>) offsets(%dma_start3A_268 : memref<128xi32, #tpu.memory_space<vmem>>) semaphore(%run_scoped3A_265 : memref<!tpu.dma_semaphore, #tpu.memory_space<semaphore_mem>>) {add = true}
          %dma_wait3A_272 = arith.constant 0 : i32
          %dma_wait3A_273 = tpu.memref_slice %arg8[%run_scoped3A_121, %dma_wait3A_272] : memref<16x128xi32, #tpu.memory_space<vmem>> -> memref<1x128xi32, #tpu.memory_space<vmem>>
          %dma_wait3A_274 = tpu.memref_squeeze %dma_wait3A_273 : memref<1x128xi32, #tpu.memory_space<vmem>> -> memref<128xi32, #tpu.memory_space<vmem>>
          %dma_wait3A_275 = arith.constant 0 : i32
          %dma_wait3A_276 = arith.constant 0 : i32
          %dma_wait3A_277 = tpu.memref_slice %arg11[%dma_wait3A_275, %dma_wait3A_276] : memref<10240x128xf32, #tpu.memory_space<vmem_shared>> -> memref<10240x128xf32, #tpu.memory_space<vmem_shared>>
          tpu.wait_indirect_dma semaphore(%run_scoped3A_265 : memref<!tpu.dma_semaphore, #tpu.memory_space<semaphore_mem>>) src(%arg10 : memref<128x128xf32, #tpu.memory_space<vmem>>) dst(%dma_wait3A_277 : memref<10240x128xf32, #tpu.memory_space<vmem_shared>>)
          tpu.yield
        }) : () -> ()
        %dma_start3A_122 = arith.constant 7 : i32
        %dma_start3A_123 = arith.constant 0 : i32
        %dma_start3A_124 = tpu.memref_slice %arg7[%dma_start3A_122, %dma_start3A_123] : memref<16x128xi32, #tpu.memory_space<vmem>> -> memref<1x128xi32, #tpu.memory_space<vmem>>
        %dma_start3A_125 = tpu.memref_squeeze %dma_start3A_124 : memref<1x128xi32, #tpu.memory_space<vmem>> -> memref<128xi32, #tpu.memory_space<vmem>>
        %dma_start3A_126 = arith.constant 0 : i32
        %dma_start3A_127 = arith.constant 0 : i32
        %dma_start3A_128 = tpu.memref_slice %arg2[%dma_start3A_126, %dma_start3A_127] : memref<10000x128xf32, #tpu.memory_space<hbm>> -> memref<10000x128xf32, #tpu.memory_space<hbm>>
        tpu.enqueue_indirect_dma source(%dma_start3A_128 : memref<10000x128xf32, #tpu.memory_space<hbm>>) target(%arg10 : memref<128x128xf32, #tpu.memory_space<vmem>>) offsets(%dma_start3A_125 : memref<128xi32, #tpu.memory_space<vmem>>) semaphore(%arg13 : memref<!tpu.dma_semaphore, #tpu.memory_space<semaphore_mem>>)
        %dma_wait3A_129 = arith.constant 6 : i32
        %dma_wait3A_130 = arith.constant 0 : i32
        %dma_wait3A_131 = tpu.memref_slice %arg7[%dma_wait3A_129, %dma_wait3A_130] : memref<16x128xi32, #tpu.memory_space<vmem>> -> memref<1x128xi32, #tpu.memory_space<vmem>>
        %dma_wait3A_132 = tpu.memref_squeeze %dma_wait3A_131 : memref<1x128xi32, #tpu.memory_space<vmem>> -> memref<128xi32, #tpu.memory_space<vmem>>
        %dma_wait3A_133 = arith.constant 0 : i32
        %dma_wait3A_134 = arith.constant 0 : i32
        %dma_wait3A_135 = tpu.memref_slice %arg2[%dma_wait3A_133, %dma_wait3A_134] : memref<10000x128xf32, #tpu.memory_space<hbm>> -> memref<10000x128xf32, #tpu.memory_space<hbm>>
        tpu.wait_indirect_dma semaphore(%arg12 : memref<!tpu.dma_semaphore, #tpu.memory_space<semaphore_mem>>) src(%dma_wait3A_135 : memref<10000x128xf32, #tpu.memory_space<hbm>>) dst(%arg9 : memref<128x128xf32, #tpu.memory_space<vmem>>)
        %run_scoped3A_136 = arith.constant 6 : i32
        "tpu.region"() ({
          %run_scoped3A_265 = tpu.sem_alloc : memref<!tpu.dma_semaphore, #tpu.memory_space<semaphore_mem>>
          %dma_start3A_266 = arith.constant 0 : i32
          %dma_start3A_267 = tpu.memref_slice %arg8[%run_scoped3A_136, %dma_start3A_266] : memref<16x128xi32, #tpu.memory_space<vmem>> -> memref<1x128xi32, #tpu.memory_space<vmem>>
          %dma_start3A_268 = tpu.memref_squeeze %dma_start3A_267 : memref<1x128xi32, #tpu.memory_space<vmem>> -> memref<128xi32, #tpu.memory_space<vmem>>
          %dma_start3A_269 = arith.constant 0 : i32
          %dma_start3A_270 = arith.constant 0 : i32
          %dma_start3A_271 = tpu.memref_slice %arg11[%dma_start3A_269, %dma_start3A_270] : memref<10240x128xf32, #tpu.memory_space<vmem_shared>> -> memref<10240x128xf32, #tpu.memory_space<vmem_shared>>
          tpu.enqueue_indirect_dma source(%arg9 : memref<128x128xf32, #tpu.memory_space<vmem>>) target(%dma_start3A_271 : memref<10240x128xf32, #tpu.memory_space<vmem_shared>>) offsets(%dma_start3A_268 : memref<128xi32, #tpu.memory_space<vmem>>) semaphore(%run_scoped3A_265 : memref<!tpu.dma_semaphore, #tpu.memory_space<semaphore_mem>>) {add = true}
          %dma_wait3A_272 = arith.constant 0 : i32
          %dma_wait3A_273 = tpu.memref_slice %arg8[%run_scoped3A_136, %dma_wait3A_272] : memref<16x128xi32, #tpu.memory_space<vmem>> -> memref<1x128xi32, #tpu.memory_space<vmem>>
          %dma_wait3A_274 = tpu.memref_squeeze %dma_wait3A_273 : memref<1x128xi32, #tpu.memory_space<vmem>> -> memref<128xi32, #tpu.memory_space<vmem>>
          %dma_wait3A_275 = arith.constant 0 : i32
          %dma_wait3A_276 = arith.constant 0 : i32
          %dma_wait3A_277 = tpu.memref_slice %arg11[%dma_wait3A_275, %dma_wait3A_276] : memref<10240x128xf32, #tpu.memory_space<vmem_shared>> -> memref<10240x128xf32, #tpu.memory_space<vmem_shared>>
          tpu.wait_indirect_dma semaphore(%run_scoped3A_265 : memref<!tpu.dma_semaphore, #tpu.memory_space<semaphore_mem>>) src(%arg9 : memref<128x128xf32, #tpu.memory_space<vmem>>) dst(%dma_wait3A_277 : memref<10240x128xf32, #tpu.memory_space<vmem_shared>>)
          tpu.yield
        }) : () -> ()
        %dma_start3A_137 = arith.constant 8 : i32
        %dma_start3A_138 = arith.constant 0 : i32
        %dma_start3A_139 = tpu.memref_slice %arg7[%dma_start3A_137, %dma_start3A_138] : memref<16x128xi32, #tpu.memory_space<vmem>> -> memref<1x128xi32, #tpu.memory_space<vmem>>
        %dma_start3A_140 = tpu.memref_squeeze %dma_start3A_139 : memref<1x128xi32, #tpu.memory_space<vmem>> -> memref<128xi32, #tpu.memory_space<vmem>>
        %dma_start3A_141 = arith.constant 0 : i32
        %dma_start3A_142 = arith.constant 0 : i32
        %dma_start3A_143 = tpu.memref_slice %arg2[%dma_start3A_141, %dma_start3A_142] : memref<10000x128xf32, #tpu.memory_space<hbm>> -> memref<10000x128xf32, #tpu.memory_space<hbm>>
        tpu.enqueue_indirect_dma source(%dma_start3A_143 : memref<10000x128xf32, #tpu.memory_space<hbm>>) target(%arg9 : memref<128x128xf32, #tpu.memory_space<vmem>>) offsets(%dma_start3A_140 : memref<128xi32, #tpu.memory_space<vmem>>) semaphore(%arg12 : memref<!tpu.dma_semaphore, #tpu.memory_space<semaphore_mem>>)
        %dma_wait3A_144 = arith.constant 7 : i32
        %dma_wait3A_145 = arith.constant 0 : i32
        %dma_wait3A_146 = tpu.memref_slice %arg7[%dma_wait3A_144, %dma_wait3A_145] : memref<16x128xi32, #tpu.memory_space<vmem>> -> memref<1x128xi32, #tpu.memory_space<vmem>>
        %dma_wait3A_147 = tpu.memref_squeeze %dma_wait3A_146 : memref<1x128xi32, #tpu.memory_space<vmem>> -> memref<128xi32, #tpu.memory_space<vmem>>
        %dma_wait3A_148 = arith.constant 0 : i32
        %dma_wait3A_149 = arith.constant 0 : i32
        %dma_wait3A_150 = tpu.memref_slice %arg2[%dma_wait3A_148, %dma_wait3A_149] : memref<10000x128xf32, #tpu.memory_space<hbm>> -> memref<10000x128xf32, #tpu.memory_space<hbm>>
        tpu.wait_indirect_dma semaphore(%arg13 : memref<!tpu.dma_semaphore, #tpu.memory_space<semaphore_mem>>) src(%dma_wait3A_150 : memref<10000x128xf32, #tpu.memory_space<hbm>>) dst(%arg10 : memref<128x128xf32, #tpu.memory_space<vmem>>)
        %run_scoped3A_151 = arith.constant 7 : i32
        "tpu.region"() ({
          %run_scoped3A_265 = tpu.sem_alloc : memref<!tpu.dma_semaphore, #tpu.memory_space<semaphore_mem>>
          %dma_start3A_266 = arith.constant 0 : i32
          %dma_start3A_267 = tpu.memref_slice %arg8[%run_scoped3A_151, %dma_start3A_266] : memref<16x128xi32, #tpu.memory_space<vmem>> -> memref<1x128xi32, #tpu.memory_space<vmem>>
          %dma_start3A_268 = tpu.memref_squeeze %dma_start3A_267 : memref<1x128xi32, #tpu.memory_space<vmem>> -> memref<128xi32, #tpu.memory_space<vmem>>
          %dma_start3A_269 = arith.constant 0 : i32
          %dma_start3A_270 = arith.constant 0 : i32
          %dma_start3A_271 = tpu.memref_slice %arg11[%dma_start3A_269, %dma_start3A_270] : memref<10240x128xf32, #tpu.memory_space<vmem_shared>> -> memref<10240x128xf32, #tpu.memory_space<vmem_shared>>
          tpu.enqueue_indirect_dma source(%arg10 : memref<128x128xf32, #tpu.memory_space<vmem>>) target(%dma_start3A_271 : memref<10240x128xf32, #tpu.memory_space<vmem_shared>>) offsets(%dma_start3A_268 : memref<128xi32, #tpu.memory_space<vmem>>) semaphore(%run_scoped3A_265 : memref<!tpu.dma_semaphore, #tpu.memory_space<semaphore_mem>>) {add = true}
          %dma_wait3A_272 = arith.constant 0 : i32
          %dma_wait3A_273 = tpu.memref_slice %arg8[%run_scoped3A_151, %dma_wait3A_272] : memref<16x128xi32, #tpu.memory_space<vmem>> -> memref<1x128xi32, #tpu.memory_space<vmem>>
          %dma_wait3A_274 = tpu.memref_squeeze %dma_wait3A_273 : memref<1x128xi32, #tpu.memory_space<vmem>> -> memref<128xi32, #tpu.memory_space<vmem>>
          %dma_wait3A_275 = arith.constant 0 : i32
          %dma_wait3A_276 = arith.constant 0 : i32
          %dma_wait3A_277 = tpu.memref_slice %arg11[%dma_wait3A_275, %dma_wait3A_276] : memref<10240x128xf32, #tpu.memory_space<vmem_shared>> -> memref<10240x128xf32, #tpu.memory_space<vmem_shared>>
          tpu.wait_indirect_dma semaphore(%run_scoped3A_265 : memref<!tpu.dma_semaphore, #tpu.memory_space<semaphore_mem>>) src(%arg10 : memref<128x128xf32, #tpu.memory_space<vmem>>) dst(%dma_wait3A_277 : memref<10240x128xf32, #tpu.memory_space<vmem_shared>>)
          tpu.yield
        }) : () -> ()
        %dma_start3A_152 = arith.constant 9 : i32
        %dma_start3A_153 = arith.constant 0 : i32
        %dma_start3A_154 = tpu.memref_slice %arg7[%dma_start3A_152, %dma_start3A_153] : memref<16x128xi32, #tpu.memory_space<vmem>> -> memref<1x128xi32, #tpu.memory_space<vmem>>
        %dma_start3A_155 = tpu.memref_squeeze %dma_start3A_154 : memref<1x128xi32, #tpu.memory_space<vmem>> -> memref<128xi32, #tpu.memory_space<vmem>>
        %dma_start3A_156 = arith.constant 0 : i32
        %dma_start3A_157 = arith.constant 0 : i32
        %dma_start3A_158 = tpu.memref_slice %arg2[%dma_start3A_156, %dma_start3A_157] : memref<10000x128xf32, #tpu.memory_space<hbm>> -> memref<10000x128xf32, #tpu.memory_space<hbm>>
        tpu.enqueue_indirect_dma source(%dma_start3A_158 : memref<10000x128xf32, #tpu.memory_space<hbm>>) target(%arg10 : memref<128x128xf32, #tpu.memory_space<vmem>>) offsets(%dma_start3A_155 : memref<128xi32, #tpu.memory_space<vmem>>) semaphore(%arg13 : memref<!tpu.dma_semaphore, #tpu.memory_space<semaphore_mem>>)
        %dma_wait3A_159 = arith.constant 8 : i32
        %dma_wait3A_160 = arith.constant 0 : i32
        %dma_wait3A_161 = tpu.memref_slice %arg7[%dma_wait3A_159, %dma_wait3A_160] : memref<16x128xi32, #tpu.memory_space<vmem>> -> memref<1x128xi32, #tpu.memory_space<vmem>>
        %dma_wait3A_162 = tpu.memref_squeeze %dma_wait3A_161 : memref<1x128xi32, #tpu.memory_space<vmem>> -> memref<128xi32, #tpu.memory_space<vmem>>
        %dma_wait3A_163 = arith.constant 0 : i32
        %dma_wait3A_164 = arith.constant 0 : i32
        %dma_wait3A_165 = tpu.memref_slice %arg2[%dma_wait3A_163, %dma_wait3A_164] : memref<10000x128xf32, #tpu.memory_space<hbm>> -> memref<10000x128xf32, #tpu.memory_space<hbm>>
        tpu.wait_indirect_dma semaphore(%arg12 : memref<!tpu.dma_semaphore, #tpu.memory_space<semaphore_mem>>) src(%dma_wait3A_165 : memref<10000x128xf32, #tpu.memory_space<hbm>>) dst(%arg9 : memref<128x128xf32, #tpu.memory_space<vmem>>)
        %run_scoped3A_166 = arith.constant 8 : i32
        "tpu.region"() ({
          %run_scoped3A_265 = tpu.sem_alloc : memref<!tpu.dma_semaphore, #tpu.memory_space<semaphore_mem>>
          %dma_start3A_266 = arith.constant 0 : i32
          %dma_start3A_267 = tpu.memref_slice %arg8[%run_scoped3A_166, %dma_start3A_266] : memref<16x128xi32, #tpu.memory_space<vmem>> -> memref<1x128xi32, #tpu.memory_space<vmem>>
          %dma_start3A_268 = tpu.memref_squeeze %dma_start3A_267 : memref<1x128xi32, #tpu.memory_space<vmem>> -> memref<128xi32, #tpu.memory_space<vmem>>
          %dma_start3A_269 = arith.constant 0 : i32
          %dma_start3A_270 = arith.constant 0 : i32
          %dma_start3A_271 = tpu.memref_slice %arg11[%dma_start3A_269, %dma_start3A_270] : memref<10240x128xf32, #tpu.memory_space<vmem_shared>> -> memref<10240x128xf32, #tpu.memory_space<vmem_shared>>
          tpu.enqueue_indirect_dma source(%arg9 : memref<128x128xf32, #tpu.memory_space<vmem>>) target(%dma_start3A_271 : memref<10240x128xf32, #tpu.memory_space<vmem_shared>>) offsets(%dma_start3A_268 : memref<128xi32, #tpu.memory_space<vmem>>) semaphore(%run_scoped3A_265 : memref<!tpu.dma_semaphore, #tpu.memory_space<semaphore_mem>>) {add = true}
          %dma_wait3A_272 = arith.constant 0 : i32
          %dma_wait3A_273 = tpu.memref_slice %arg8[%run_scoped3A_166, %dma_wait3A_272] : memref<16x128xi32, #tpu.memory_space<vmem>> -> memref<1x128xi32, #tpu.memory_space<vmem>>
          %dma_wait3A_274 = tpu.memref_squeeze %dma_wait3A_273 : memref<1x128xi32, #tpu.memory_space<vmem>> -> memref<128xi32, #tpu.memory_space<vmem>>
          %dma_wait3A_275 = arith.constant 0 : i32
          %dma_wait3A_276 = arith.constant 0 : i32
          %dma_wait3A_277 = tpu.memref_slice %arg11[%dma_wait3A_275, %dma_wait3A_276] : memref<10240x128xf32, #tpu.memory_space<vmem_shared>> -> memref<10240x128xf32, #tpu.memory_space<vmem_shared>>
          tpu.wait_indirect_dma semaphore(%run_scoped3A_265 : memref<!tpu.dma_semaphore, #tpu.memory_space<semaphore_mem>>) src(%arg9 : memref<128x128xf32, #tpu.memory_space<vmem>>) dst(%dma_wait3A_277 : memref<10240x128xf32, #tpu.memory_space<vmem_shared>>)
          tpu.yield
        }) : () -> ()
        %dma_start3A_167 = arith.constant 10 : i32
        %dma_start3A_168 = arith.constant 0 : i32
        %dma_start3A_169 = tpu.memref_slice %arg7[%dma_start3A_167, %dma_start3A_168] : memref<16x128xi32, #tpu.memory_space<vmem>> -> memref<1x128xi32, #tpu.memory_space<vmem>>
        %dma_start3A_170 = tpu.memref_squeeze %dma_start3A_169 : memref<1x128xi32, #tpu.memory_space<vmem>> -> memref<128xi32, #tpu.memory_space<vmem>>
        %dma_start3A_171 = arith.constant 0 : i32
        %dma_start3A_172 = arith.constant 0 : i32
        %dma_start3A_173 = tpu.memref_slice %arg2[%dma_start3A_171, %dma_start3A_172] : memref<10000x128xf32, #tpu.memory_space<hbm>> -> memref<10000x128xf32, #tpu.memory_space<hbm>>
        tpu.enqueue_indirect_dma source(%dma_start3A_173 : memref<10000x128xf32, #tpu.memory_space<hbm>>) target(%arg9 : memref<128x128xf32, #tpu.memory_space<vmem>>) offsets(%dma_start3A_170 : memref<128xi32, #tpu.memory_space<vmem>>) semaphore(%arg12 : memref<!tpu.dma_semaphore, #tpu.memory_space<semaphore_mem>>)
        %dma_wait3A_174 = arith.constant 9 : i32
        %dma_wait3A_175 = arith.constant 0 : i32
        %dma_wait3A_176 = tpu.memref_slice %arg7[%dma_wait3A_174, %dma_wait3A_175] : memref<16x128xi32, #tpu.memory_space<vmem>> -> memref<1x128xi32, #tpu.memory_space<vmem>>
        %dma_wait3A_177 = tpu.memref_squeeze %dma_wait3A_176 : memref<1x128xi32, #tpu.memory_space<vmem>> -> memref<128xi32, #tpu.memory_space<vmem>>
        %dma_wait3A_178 = arith.constant 0 : i32
        %dma_wait3A_179 = arith.constant 0 : i32
        %dma_wait3A_180 = tpu.memref_slice %arg2[%dma_wait3A_178, %dma_wait3A_179] : memref<10000x128xf32, #tpu.memory_space<hbm>> -> memref<10000x128xf32, #tpu.memory_space<hbm>>
        tpu.wait_indirect_dma semaphore(%arg13 : memref<!tpu.dma_semaphore, #tpu.memory_space<semaphore_mem>>) src(%dma_wait3A_180 : memref<10000x128xf32, #tpu.memory_space<hbm>>) dst(%arg10 : memref<128x128xf32, #tpu.memory_space<vmem>>)
        %run_scoped3A_181 = arith.constant 9 : i32
        "tpu.region"() ({
          %run_scoped3A_265 = tpu.sem_alloc : memref<!tpu.dma_semaphore, #tpu.memory_space<semaphore_mem>>
          %dma_start3A_266 = arith.constant 0 : i32
          %dma_start3A_267 = tpu.memref_slice %arg8[%run_scoped3A_181, %dma_start3A_266] : memref<16x128xi32, #tpu.memory_space<vmem>> -> memref<1x128xi32, #tpu.memory_space<vmem>>
          %dma_start3A_268 = tpu.memref_squeeze %dma_start3A_267 : memref<1x128xi32, #tpu.memory_space<vmem>> -> memref<128xi32, #tpu.memory_space<vmem>>
          %dma_start3A_269 = arith.constant 0 : i32
          %dma_start3A_270 = arith.constant 0 : i32
          %dma_start3A_271 = tpu.memref_slice %arg11[%dma_start3A_269, %dma_start3A_270] : memref<10240x128xf32, #tpu.memory_space<vmem_shared>> -> memref<10240x128xf32, #tpu.memory_space<vmem_shared>>
          tpu.enqueue_indirect_dma source(%arg10 : memref<128x128xf32, #tpu.memory_space<vmem>>) target(%dma_start3A_271 : memref<10240x128xf32, #tpu.memory_space<vmem_shared>>) offsets(%dma_start3A_268 : memref<128xi32, #tpu.memory_space<vmem>>) semaphore(%run_scoped3A_265 : memref<!tpu.dma_semaphore, #tpu.memory_space<semaphore_mem>>) {add = true}
          %dma_wait3A_272 = arith.constant 0 : i32
          %dma_wait3A_273 = tpu.memref_slice %arg8[%run_scoped3A_181, %dma_wait3A_272] : memref<16x128xi32, #tpu.memory_space<vmem>> -> memref<1x128xi32, #tpu.memory_space<vmem>>
          %dma_wait3A_274 = tpu.memref_squeeze %dma_wait3A_273 : memref<1x128xi32, #tpu.memory_space<vmem>> -> memref<128xi32, #tpu.memory_space<vmem>>
          %dma_wait3A_275 = arith.constant 0 : i32
          %dma_wait3A_276 = arith.constant 0 : i32
          %dma_wait3A_277 = tpu.memref_slice %arg11[%dma_wait3A_275, %dma_wait3A_276] : memref<10240x128xf32, #tpu.memory_space<vmem_shared>> -> memref<10240x128xf32, #tpu.memory_space<vmem_shared>>
          tpu.wait_indirect_dma semaphore(%run_scoped3A_265 : memref<!tpu.dma_semaphore, #tpu.memory_space<semaphore_mem>>) src(%arg10 : memref<128x128xf32, #tpu.memory_space<vmem>>) dst(%dma_wait3A_277 : memref<10240x128xf32, #tpu.memory_space<vmem_shared>>)
          tpu.yield
        }) : () -> ()
        %dma_start3A_182 = arith.constant 11 : i32
        %dma_start3A_183 = arith.constant 0 : i32
        %dma_start3A_184 = tpu.memref_slice %arg7[%dma_start3A_182, %dma_start3A_183] : memref<16x128xi32, #tpu.memory_space<vmem>> -> memref<1x128xi32, #tpu.memory_space<vmem>>
        %dma_start3A_185 = tpu.memref_squeeze %dma_start3A_184 : memref<1x128xi32, #tpu.memory_space<vmem>> -> memref<128xi32, #tpu.memory_space<vmem>>
        %dma_start3A_186 = arith.constant 0 : i32
        %dma_start3A_187 = arith.constant 0 : i32
        %dma_start3A_188 = tpu.memref_slice %arg2[%dma_start3A_186, %dma_start3A_187] : memref<10000x128xf32, #tpu.memory_space<hbm>> -> memref<10000x128xf32, #tpu.memory_space<hbm>>
        tpu.enqueue_indirect_dma source(%dma_start3A_188 : memref<10000x128xf32, #tpu.memory_space<hbm>>) target(%arg10 : memref<128x128xf32, #tpu.memory_space<vmem>>) offsets(%dma_start3A_185 : memref<128xi32, #tpu.memory_space<vmem>>) semaphore(%arg13 : memref<!tpu.dma_semaphore, #tpu.memory_space<semaphore_mem>>)
        %dma_wait3A_189 = arith.constant 10 : i32
        %dma_wait3A_190 = arith.constant 0 : i32
        %dma_wait3A_191 = tpu.memref_slice %arg7[%dma_wait3A_189, %dma_wait3A_190] : memref<16x128xi32, #tpu.memory_space<vmem>> -> memref<1x128xi32, #tpu.memory_space<vmem>>
        %dma_wait3A_192 = tpu.memref_squeeze %dma_wait3A_191 : memref<1x128xi32, #tpu.memory_space<vmem>> -> memref<128xi32, #tpu.memory_space<vmem>>
        %dma_wait3A_193 = arith.constant 0 : i32
        %dma_wait3A_194 = arith.constant 0 : i32
        %dma_wait3A_195 = tpu.memref_slice %arg2[%dma_wait3A_193, %dma_wait3A_194] : memref<10000x128xf32, #tpu.memory_space<hbm>> -> memref<10000x128xf32, #tpu.memory_space<hbm>>
        tpu.wait_indirect_dma semaphore(%arg12 : memref<!tpu.dma_semaphore, #tpu.memory_space<semaphore_mem>>) src(%dma_wait3A_195 : memref<10000x128xf32, #tpu.memory_space<hbm>>) dst(%arg9 : memref<128x128xf32, #tpu.memory_space<vmem>>)
        %run_scoped3A_196 = arith.constant 10 : i32
        "tpu.region"() ({
          %run_scoped3A_265 = tpu.sem_alloc : memref<!tpu.dma_semaphore, #tpu.memory_space<semaphore_mem>>
          %dma_start3A_266 = arith.constant 0 : i32
          %dma_start3A_267 = tpu.memref_slice %arg8[%run_scoped3A_196, %dma_start3A_266] : memref<16x128xi32, #tpu.memory_space<vmem>> -> memref<1x128xi32, #tpu.memory_space<vmem>>
          %dma_start3A_268 = tpu.memref_squeeze %dma_start3A_267 : memref<1x128xi32, #tpu.memory_space<vmem>> -> memref<128xi32, #tpu.memory_space<vmem>>
          %dma_start3A_269 = arith.constant 0 : i32
          %dma_start3A_270 = arith.constant 0 : i32
          %dma_start3A_271 = tpu.memref_slice %arg11[%dma_start3A_269, %dma_start3A_270] : memref<10240x128xf32, #tpu.memory_space<vmem_shared>> -> memref<10240x128xf32, #tpu.memory_space<vmem_shared>>
          tpu.enqueue_indirect_dma source(%arg9 : memref<128x128xf32, #tpu.memory_space<vmem>>) target(%dma_start3A_271 : memref<10240x128xf32, #tpu.memory_space<vmem_shared>>) offsets(%dma_start3A_268 : memref<128xi32, #tpu.memory_space<vmem>>) semaphore(%run_scoped3A_265 : memref<!tpu.dma_semaphore, #tpu.memory_space<semaphore_mem>>) {add = true}
          %dma_wait3A_272 = arith.constant 0 : i32
          %dma_wait3A_273 = tpu.memref_slice %arg8[%run_scoped3A_196, %dma_wait3A_272] : memref<16x128xi32, #tpu.memory_space<vmem>> -> memref<1x128xi32, #tpu.memory_space<vmem>>
          %dma_wait3A_274 = tpu.memref_squeeze %dma_wait3A_273 : memref<1x128xi32, #tpu.memory_space<vmem>> -> memref<128xi32, #tpu.memory_space<vmem>>
          %dma_wait3A_275 = arith.constant 0 : i32
          %dma_wait3A_276 = arith.constant 0 : i32
          %dma_wait3A_277 = tpu.memref_slice %arg11[%dma_wait3A_275, %dma_wait3A_276] : memref<10240x128xf32, #tpu.memory_space<vmem_shared>> -> memref<10240x128xf32, #tpu.memory_space<vmem_shared>>
          tpu.wait_indirect_dma semaphore(%run_scoped3A_265 : memref<!tpu.dma_semaphore, #tpu.memory_space<semaphore_mem>>) src(%arg9 : memref<128x128xf32, #tpu.memory_space<vmem>>) dst(%dma_wait3A_277 : memref<10240x128xf32, #tpu.memory_space<vmem_shared>>)
          tpu.yield
        }) : () -> ()
        %dma_start3A_197 = arith.constant 12 : i32
        %dma_start3A_198 = arith.constant 0 : i32
        %dma_start3A_199 = tpu.memref_slice %arg7[%dma_start3A_197, %dma_start3A_198] : memref<16x128xi32, #tpu.memory_space<vmem>> -> memref<1x128xi32, #tpu.memory_space<vmem>>
        %dma_start3A_200 = tpu.memref_squeeze %dma_start3A_199 : memref<1x128xi32, #tpu.memory_space<vmem>> -> memref<128xi32, #tpu.memory_space<vmem>>
        %dma_start3A_201 = arith.constant 0 : i32
        %dma_start3A_202 = arith.constant 0 : i32
        %dma_start3A_203 = tpu.memref_slice %arg2[%dma_start3A_201, %dma_start3A_202] : memref<10000x128xf32, #tpu.memory_space<hbm>> -> memref<10000x128xf32, #tpu.memory_space<hbm>>
        tpu.enqueue_indirect_dma source(%dma_start3A_203 : memref<10000x128xf32, #tpu.memory_space<hbm>>) target(%arg9 : memref<128x128xf32, #tpu.memory_space<vmem>>) offsets(%dma_start3A_200 : memref<128xi32, #tpu.memory_space<vmem>>) semaphore(%arg12 : memref<!tpu.dma_semaphore, #tpu.memory_space<semaphore_mem>>)
        %dma_wait3A_204 = arith.constant 11 : i32
        %dma_wait3A_205 = arith.constant 0 : i32
        %dma_wait3A_206 = tpu.memref_slice %arg7[%dma_wait3A_204, %dma_wait3A_205] : memref<16x128xi32, #tpu.memory_space<vmem>> -> memref<1x128xi32, #tpu.memory_space<vmem>>
        %dma_wait3A_207 = tpu.memref_squeeze %dma_wait3A_206 : memref<1x128xi32, #tpu.memory_space<vmem>> -> memref<128xi32, #tpu.memory_space<vmem>>
        %dma_wait3A_208 = arith.constant 0 : i32
        %dma_wait3A_209 = arith.constant 0 : i32
        %dma_wait3A_210 = tpu.memref_slice %arg2[%dma_wait3A_208, %dma_wait3A_209] : memref<10000x128xf32, #tpu.memory_space<hbm>> -> memref<10000x128xf32, #tpu.memory_space<hbm>>
        tpu.wait_indirect_dma semaphore(%arg13 : memref<!tpu.dma_semaphore, #tpu.memory_space<semaphore_mem>>) src(%dma_wait3A_210 : memref<10000x128xf32, #tpu.memory_space<hbm>>) dst(%arg10 : memref<128x128xf32, #tpu.memory_space<vmem>>)
        %run_scoped3A_211 = arith.constant 11 : i32
        "tpu.region"() ({
          %run_scoped3A_265 = tpu.sem_alloc : memref<!tpu.dma_semaphore, #tpu.memory_space<semaphore_mem>>
          %dma_start3A_266 = arith.constant 0 : i32
          %dma_start3A_267 = tpu.memref_slice %arg8[%run_scoped3A_211, %dma_start3A_266] : memref<16x128xi32, #tpu.memory_space<vmem>> -> memref<1x128xi32, #tpu.memory_space<vmem>>
          %dma_start3A_268 = tpu.memref_squeeze %dma_start3A_267 : memref<1x128xi32, #tpu.memory_space<vmem>> -> memref<128xi32, #tpu.memory_space<vmem>>
          %dma_start3A_269 = arith.constant 0 : i32
          %dma_start3A_270 = arith.constant 0 : i32
          %dma_start3A_271 = tpu.memref_slice %arg11[%dma_start3A_269, %dma_start3A_270] : memref<10240x128xf32, #tpu.memory_space<vmem_shared>> -> memref<10240x128xf32, #tpu.memory_space<vmem_shared>>
          tpu.enqueue_indirect_dma source(%arg10 : memref<128x128xf32, #tpu.memory_space<vmem>>) target(%dma_start3A_271 : memref<10240x128xf32, #tpu.memory_space<vmem_shared>>) offsets(%dma_start3A_268 : memref<128xi32, #tpu.memory_space<vmem>>) semaphore(%run_scoped3A_265 : memref<!tpu.dma_semaphore, #tpu.memory_space<semaphore_mem>>) {add = true}
          %dma_wait3A_272 = arith.constant 0 : i32
          %dma_wait3A_273 = tpu.memref_slice %arg8[%run_scoped3A_211, %dma_wait3A_272] : memref<16x128xi32, #tpu.memory_space<vmem>> -> memref<1x128xi32, #tpu.memory_space<vmem>>
          %dma_wait3A_274 = tpu.memref_squeeze %dma_wait3A_273 : memref<1x128xi32, #tpu.memory_space<vmem>> -> memref<128xi32, #tpu.memory_space<vmem>>
          %dma_wait3A_275 = arith.constant 0 : i32
          %dma_wait3A_276 = arith.constant 0 : i32
          %dma_wait3A_277 = tpu.memref_slice %arg11[%dma_wait3A_275, %dma_wait3A_276] : memref<10240x128xf32, #tpu.memory_space<vmem_shared>> -> memref<10240x128xf32, #tpu.memory_space<vmem_shared>>
          tpu.wait_indirect_dma semaphore(%run_scoped3A_265 : memref<!tpu.dma_semaphore, #tpu.memory_space<semaphore_mem>>) src(%arg10 : memref<128x128xf32, #tpu.memory_space<vmem>>) dst(%dma_wait3A_277 : memref<10240x128xf32, #tpu.memory_space<vmem_shared>>)
          tpu.yield
        }) : () -> ()
        %dma_start3A_212 = arith.constant 13 : i32
        %dma_start3A_213 = arith.constant 0 : i32
        %dma_start3A_214 = tpu.memref_slice %arg7[%dma_start3A_212, %dma_start3A_213] : memref<16x128xi32, #tpu.memory_space<vmem>> -> memref<1x128xi32, #tpu.memory_space<vmem>>
        %dma_start3A_215 = tpu.memref_squeeze %dma_start3A_214 : memref<1x128xi32, #tpu.memory_space<vmem>> -> memref<128xi32, #tpu.memory_space<vmem>>
        %dma_start3A_216 = arith.constant 0 : i32
        %dma_start3A_217 = arith.constant 0 : i32
        %dma_start3A_218 = tpu.memref_slice %arg2[%dma_start3A_216, %dma_start3A_217] : memref<10000x128xf32, #tpu.memory_space<hbm>> -> memref<10000x128xf32, #tpu.memory_space<hbm>>
        tpu.enqueue_indirect_dma source(%dma_start3A_218 : memref<10000x128xf32, #tpu.memory_space<hbm>>) target(%arg10 : memref<128x128xf32, #tpu.memory_space<vmem>>) offsets(%dma_start3A_215 : memref<128xi32, #tpu.memory_space<vmem>>) semaphore(%arg13 : memref<!tpu.dma_semaphore, #tpu.memory_space<semaphore_mem>>)
        %dma_wait3A_219 = arith.constant 12 : i32
        %dma_wait3A_220 = arith.constant 0 : i32
        %dma_wait3A_221 = tpu.memref_slice %arg7[%dma_wait3A_219, %dma_wait3A_220] : memref<16x128xi32, #tpu.memory_space<vmem>> -> memref<1x128xi32, #tpu.memory_space<vmem>>
        %dma_wait3A_222 = tpu.memref_squeeze %dma_wait3A_221 : memref<1x128xi32, #tpu.memory_space<vmem>> -> memref<128xi32, #tpu.memory_space<vmem>>
        %dma_wait3A_223 = arith.constant 0 : i32
        %dma_wait3A_224 = arith.constant 0 : i32
        %dma_wait3A_225 = tpu.memref_slice %arg2[%dma_wait3A_223, %dma_wait3A_224] : memref<10000x128xf32, #tpu.memory_space<hbm>> -> memref<10000x128xf32, #tpu.memory_space<hbm>>
        tpu.wait_indirect_dma semaphore(%arg12 : memref<!tpu.dma_semaphore, #tpu.memory_space<semaphore_mem>>) src(%dma_wait3A_225 : memref<10000x128xf32, #tpu.memory_space<hbm>>) dst(%arg9 : memref<128x128xf32, #tpu.memory_space<vmem>>)
        %run_scoped3A_226 = arith.constant 12 : i32
        "tpu.region"() ({
          %run_scoped3A_265 = tpu.sem_alloc : memref<!tpu.dma_semaphore, #tpu.memory_space<semaphore_mem>>
          %dma_start3A_266 = arith.constant 0 : i32
          %dma_start3A_267 = tpu.memref_slice %arg8[%run_scoped3A_226, %dma_start3A_266] : memref<16x128xi32, #tpu.memory_space<vmem>> -> memref<1x128xi32, #tpu.memory_space<vmem>>
          %dma_start3A_268 = tpu.memref_squeeze %dma_start3A_267 : memref<1x128xi32, #tpu.memory_space<vmem>> -> memref<128xi32, #tpu.memory_space<vmem>>
          %dma_start3A_269 = arith.constant 0 : i32
          %dma_start3A_270 = arith.constant 0 : i32
          %dma_start3A_271 = tpu.memref_slice %arg11[%dma_start3A_269, %dma_start3A_270] : memref<10240x128xf32, #tpu.memory_space<vmem_shared>> -> memref<10240x128xf32, #tpu.memory_space<vmem_shared>>
          tpu.enqueue_indirect_dma source(%arg9 : memref<128x128xf32, #tpu.memory_space<vmem>>) target(%dma_start3A_271 : memref<10240x128xf32, #tpu.memory_space<vmem_shared>>) offsets(%dma_start3A_268 : memref<128xi32, #tpu.memory_space<vmem>>) semaphore(%run_scoped3A_265 : memref<!tpu.dma_semaphore, #tpu.memory_space<semaphore_mem>>) {add = true}
          %dma_wait3A_272 = arith.constant 0 : i32
          %dma_wait3A_273 = tpu.memref_slice %arg8[%run_scoped3A_226, %dma_wait3A_272] : memref<16x128xi32, #tpu.memory_space<vmem>> -> memref<1x128xi32, #tpu.memory_space<vmem>>
          %dma_wait3A_274 = tpu.memref_squeeze %dma_wait3A_273 : memref<1x128xi32, #tpu.memory_space<vmem>> -> memref<128xi32, #tpu.memory_space<vmem>>
          %dma_wait3A_275 = arith.constant 0 : i32
          %dma_wait3A_276 = arith.constant 0 : i32
          %dma_wait3A_277 = tpu.memref_slice %arg11[%dma_wait3A_275, %dma_wait3A_276] : memref<10240x128xf32, #tpu.memory_space<vmem_shared>> -> memref<10240x128xf32, #tpu.memory_space<vmem_shared>>
          tpu.wait_indirect_dma semaphore(%run_scoped3A_265 : memref<!tpu.dma_semaphore, #tpu.memory_space<semaphore_mem>>) src(%arg9 : memref<128x128xf32, #tpu.memory_space<vmem>>) dst(%dma_wait3A_277 : memref<10240x128xf32, #tpu.memory_space<vmem_shared>>)
          tpu.yield
        }) : () -> ()
        %dma_start3A_227 = arith.constant 14 : i32
        %dma_start3A_228 = arith.constant 0 : i32
        %dma_start3A_229 = tpu.memref_slice %arg7[%dma_start3A_227, %dma_start3A_228] : memref<16x128xi32, #tpu.memory_space<vmem>> -> memref<1x128xi32, #tpu.memory_space<vmem>>
        %dma_start3A_230 = tpu.memref_squeeze %dma_start3A_229 : memref<1x128xi32, #tpu.memory_space<vmem>> -> memref<128xi32, #tpu.memory_space<vmem>>
        %dma_start3A_231 = arith.constant 0 : i32
        %dma_start3A_232 = arith.constant 0 : i32
        %dma_start3A_233 = tpu.memref_slice %arg2[%dma_start3A_231, %dma_start3A_232] : memref<10000x128xf32, #tpu.memory_space<hbm>> -> memref<10000x128xf32, #tpu.memory_space<hbm>>
        tpu.enqueue_indirect_dma source(%dma_start3A_233 : memref<10000x128xf32, #tpu.memory_space<hbm>>) target(%arg9 : memref<128x128xf32, #tpu.memory_space<vmem>>) offsets(%dma_start3A_230 : memref<128xi32, #tpu.memory_space<vmem>>) semaphore(%arg12 : memref<!tpu.dma_semaphore, #tpu.memory_space<semaphore_mem>>)
        %dma_wait3A_234 = arith.constant 13 : i32
        %dma_wait3A_235 = arith.constant 0 : i32
        %dma_wait3A_236 = tpu.memref_slice %arg7[%dma_wait3A_234, %dma_wait3A_235] : memref<16x128xi32, #tpu.memory_space<vmem>> -> memref<1x128xi32, #tpu.memory_space<vmem>>
        %dma_wait3A_237 = tpu.memref_squeeze %dma_wait3A_236 : memref<1x128xi32, #tpu.memory_space<vmem>> -> memref<128xi32, #tpu.memory_space<vmem>>
        %dma_wait3A_238 = arith.constant 0 : i32
        %dma_wait3A_239 = arith.constant 0 : i32
        %dma_wait3A_240 = tpu.memref_slice %arg2[%dma_wait3A_238, %dma_wait3A_239] : memref<10000x128xf32, #tpu.memory_space<hbm>> -> memref<10000x128xf32, #tpu.memory_space<hbm>>
        tpu.wait_indirect_dma semaphore(%arg13 : memref<!tpu.dma_semaphore, #tpu.memory_space<semaphore_mem>>) src(%dma_wait3A_240 : memref<10000x128xf32, #tpu.memory_space<hbm>>) dst(%arg10 : memref<128x128xf32, #tpu.memory_space<vmem>>)
        %run_scoped3A_241 = arith.constant 13 : i32
        "tpu.region"() ({
          %run_scoped3A_265 = tpu.sem_alloc : memref<!tpu.dma_semaphore, #tpu.memory_space<semaphore_mem>>
          %dma_start3A_266 = arith.constant 0 : i32
          %dma_start3A_267 = tpu.memref_slice %arg8[%run_scoped3A_241, %dma_start3A_266] : memref<16x128xi32, #tpu.memory_space<vmem>> -> memref<1x128xi32, #tpu.memory_space<vmem>>
          %dma_start3A_268 = tpu.memref_squeeze %dma_start3A_267 : memref<1x128xi32, #tpu.memory_space<vmem>> -> memref<128xi32, #tpu.memory_space<vmem>>
          %dma_start3A_269 = arith.constant 0 : i32
          %dma_start3A_270 = arith.constant 0 : i32
          %dma_start3A_271 = tpu.memref_slice %arg11[%dma_start3A_269, %dma_start3A_270] : memref<10240x128xf32, #tpu.memory_space<vmem_shared>> -> memref<10240x128xf32, #tpu.memory_space<vmem_shared>>
          tpu.enqueue_indirect_dma source(%arg10 : memref<128x128xf32, #tpu.memory_space<vmem>>) target(%dma_start3A_271 : memref<10240x128xf32, #tpu.memory_space<vmem_shared>>) offsets(%dma_start3A_268 : memref<128xi32, #tpu.memory_space<vmem>>) semaphore(%run_scoped3A_265 : memref<!tpu.dma_semaphore, #tpu.memory_space<semaphore_mem>>) {add = true}
          %dma_wait3A_272 = arith.constant 0 : i32
          %dma_wait3A_273 = tpu.memref_slice %arg8[%run_scoped3A_241, %dma_wait3A_272] : memref<16x128xi32, #tpu.memory_space<vmem>> -> memref<1x128xi32, #tpu.memory_space<vmem>>
          %dma_wait3A_274 = tpu.memref_squeeze %dma_wait3A_273 : memref<1x128xi32, #tpu.memory_space<vmem>> -> memref<128xi32, #tpu.memory_space<vmem>>
          %dma_wait3A_275 = arith.constant 0 : i32
          %dma_wait3A_276 = arith.constant 0 : i32
          %dma_wait3A_277 = tpu.memref_slice %arg11[%dma_wait3A_275, %dma_wait3A_276] : memref<10240x128xf32, #tpu.memory_space<vmem_shared>> -> memref<10240x128xf32, #tpu.memory_space<vmem_shared>>
          tpu.wait_indirect_dma semaphore(%run_scoped3A_265 : memref<!tpu.dma_semaphore, #tpu.memory_space<semaphore_mem>>) src(%arg10 : memref<128x128xf32, #tpu.memory_space<vmem>>) dst(%dma_wait3A_277 : memref<10240x128xf32, #tpu.memory_space<vmem_shared>>)
          tpu.yield
        }) : () -> ()
        %dma_start3A_242 = arith.constant 15 : i32
        %dma_start3A_243 = arith.constant 0 : i32
        %dma_start3A_244 = tpu.memref_slice %arg7[%dma_start3A_242, %dma_start3A_243] : memref<16x128xi32, #tpu.memory_space<vmem>> -> memref<1x128xi32, #tpu.memory_space<vmem>>
        %dma_start3A_245 = tpu.memref_squeeze %dma_start3A_244 : memref<1x128xi32, #tpu.memory_space<vmem>> -> memref<128xi32, #tpu.memory_space<vmem>>
        %dma_start3A_246 = arith.constant 0 : i32
        %dma_start3A_247 = arith.constant 0 : i32
        %dma_start3A_248 = tpu.memref_slice %arg2[%dma_start3A_246, %dma_start3A_247] : memref<10000x128xf32, #tpu.memory_space<hbm>> -> memref<10000x128xf32, #tpu.memory_space<hbm>>
        tpu.enqueue_indirect_dma source(%dma_start3A_248 : memref<10000x128xf32, #tpu.memory_space<hbm>>) target(%arg10 : memref<128x128xf32, #tpu.memory_space<vmem>>) offsets(%dma_start3A_245 : memref<128xi32, #tpu.memory_space<vmem>>) semaphore(%arg13 : memref<!tpu.dma_semaphore, #tpu.memory_space<semaphore_mem>>)
        %dma_wait3A_249 = arith.constant 14 : i32
        %dma_wait3A_250 = arith.constant 0 : i32
        %dma_wait3A_251 = tpu.memref_slice %arg7[%dma_wait3A_249, %dma_wait3A_250] : memref<16x128xi32, #tpu.memory_space<vmem>> -> memref<1x128xi32, #tpu.memory_space<vmem>>
        %dma_wait3A_252 = tpu.memref_squeeze %dma_wait3A_251 : memref<1x128xi32, #tpu.memory_space<vmem>> -> memref<128xi32, #tpu.memory_space<vmem>>
        %dma_wait3A_253 = arith.constant 0 : i32
        %dma_wait3A_254 = arith.constant 0 : i32
        %dma_wait3A_255 = tpu.memref_slice %arg2[%dma_wait3A_253, %dma_wait3A_254] : memref<10000x128xf32, #tpu.memory_space<hbm>> -> memref<10000x128xf32, #tpu.memory_space<hbm>>
        tpu.wait_indirect_dma semaphore(%arg12 : memref<!tpu.dma_semaphore, #tpu.memory_space<semaphore_mem>>) src(%dma_wait3A_255 : memref<10000x128xf32, #tpu.memory_space<hbm>>) dst(%arg9 : memref<128x128xf32, #tpu.memory_space<vmem>>)
        %run_scoped3A_256 = arith.constant 14 : i32
        "tpu.region"() ({
          %run_scoped3A_265 = tpu.sem_alloc : memref<!tpu.dma_semaphore, #tpu.memory_space<semaphore_mem>>
          %dma_start3A_266 = arith.constant 0 : i32
          %dma_start3A_267 = tpu.memref_slice %arg8[%run_scoped3A_256, %dma_start3A_266] : memref<16x128xi32, #tpu.memory_space<vmem>> -> memref<1x128xi32, #tpu.memory_space<vmem>>
          %dma_start3A_268 = tpu.memref_squeeze %dma_start3A_267 : memref<1x128xi32, #tpu.memory_space<vmem>> -> memref<128xi32, #tpu.memory_space<vmem>>
          %dma_start3A_269 = arith.constant 0 : i32
          %dma_start3A_270 = arith.constant 0 : i32
          %dma_start3A_271 = tpu.memref_slice %arg11[%dma_start3A_269, %dma_start3A_270] : memref<10240x128xf32, #tpu.memory_space<vmem_shared>> -> memref<10240x128xf32, #tpu.memory_space<vmem_shared>>
          tpu.enqueue_indirect_dma source(%arg9 : memref<128x128xf32, #tpu.memory_space<vmem>>) target(%dma_start3A_271 : memref<10240x128xf32, #tpu.memory_space<vmem_shared>>) offsets(%dma_start3A_268 : memref<128xi32, #tpu.memory_space<vmem>>) semaphore(%run_scoped3A_265 : memref<!tpu.dma_semaphore, #tpu.memory_space<semaphore_mem>>) {add = true}
          %dma_wait3A_272 = arith.constant 0 : i32
          %dma_wait3A_273 = tpu.memref_slice %arg8[%run_scoped3A_256, %dma_wait3A_272] : memref<16x128xi32, #tpu.memory_space<vmem>> -> memref<1x128xi32, #tpu.memory_space<vmem>>
          %dma_wait3A_274 = tpu.memref_squeeze %dma_wait3A_273 : memref<1x128xi32, #tpu.memory_space<vmem>> -> memref<128xi32, #tpu.memory_space<vmem>>
          %dma_wait3A_275 = arith.constant 0 : i32
          %dma_wait3A_276 = arith.constant 0 : i32
          %dma_wait3A_277 = tpu.memref_slice %arg11[%dma_wait3A_275, %dma_wait3A_276] : memref<10240x128xf32, #tpu.memory_space<vmem_shared>> -> memref<10240x128xf32, #tpu.memory_space<vmem_shared>>
          tpu.wait_indirect_dma semaphore(%run_scoped3A_265 : memref<!tpu.dma_semaphore, #tpu.memory_space<semaphore_mem>>) src(%arg9 : memref<128x128xf32, #tpu.memory_space<vmem>>) dst(%dma_wait3A_277 : memref<10240x128xf32, #tpu.memory_space<vmem_shared>>)
          tpu.yield
        }) : () -> ()
        %dma_wait3A_257 = arith.constant 15 : i32
        %dma_wait3A_258 = arith.constant 0 : i32
        %dma_wait3A_259 = tpu.memref_slice %arg7[%dma_wait3A_257, %dma_wait3A_258] : memref<16x128xi32, #tpu.memory_space<vmem>> -> memref<1x128xi32, #tpu.memory_space<vmem>>
        %dma_wait3A_260 = tpu.memref_squeeze %dma_wait3A_259 : memref<1x128xi32, #tpu.memory_space<vmem>> -> memref<128xi32, #tpu.memory_space<vmem>>
        %dma_wait3A_261 = arith.constant 0 : i32
        %dma_wait3A_262 = arith.constant 0 : i32
        %dma_wait3A_263 = tpu.memref_slice %arg2[%dma_wait3A_261, %dma_wait3A_262] : memref<10000x128xf32, #tpu.memory_space<hbm>> -> memref<10000x128xf32, #tpu.memory_space<hbm>>
        tpu.wait_indirect_dma semaphore(%arg13 : memref<!tpu.dma_semaphore, #tpu.memory_space<semaphore_mem>>) src(%dma_wait3A_263 : memref<10000x128xf32, #tpu.memory_space<hbm>>) dst(%arg10 : memref<128x128xf32, #tpu.memory_space<vmem>>)
        %run_scoped3A_264 = arith.constant 15 : i32
        "tpu.region"() ({
          %run_scoped3A_265 = tpu.sem_alloc : memref<!tpu.dma_semaphore, #tpu.memory_space<semaphore_mem>>
          %dma_start3A_266 = arith.constant 0 : i32
          %dma_start3A_267 = tpu.memref_slice %arg8[%run_scoped3A_264, %dma_start3A_266] : memref<16x128xi32, #tpu.memory_space<vmem>> -> memref<1x128xi32, #tpu.memory_space<vmem>>
          %dma_start3A_268 = tpu.memref_squeeze %dma_start3A_267 : memref<1x128xi32, #tpu.memory_space<vmem>> -> memref<128xi32, #tpu.memory_space<vmem>>
          %dma_start3A_269 = arith.constant 0 : i32
          %dma_start3A_270 = arith.constant 0 : i32
          %dma_start3A_271 = tpu.memref_slice %arg11[%dma_start3A_269, %dma_start3A_270] : memref<10240x128xf32, #tpu.memory_space<vmem_shared>> -> memref<10240x128xf32, #tpu.memory_space<vmem_shared>>
          tpu.enqueue_indirect_dma source(%arg10 : memref<128x128xf32, #tpu.memory_space<vmem>>) target(%dma_start3A_271 : memref<10240x128xf32, #tpu.memory_space<vmem_shared>>) offsets(%dma_start3A_268 : memref<128xi32, #tpu.memory_space<vmem>>) semaphore(%run_scoped3A_265 : memref<!tpu.dma_semaphore, #tpu.memory_space<semaphore_mem>>) {add = true}
          %dma_wait3A_272 = arith.constant 0 : i32
          %dma_wait3A_273 = tpu.memref_slice %arg8[%run_scoped3A_264, %dma_wait3A_272] : memref<16x128xi32, #tpu.memory_space<vmem>> -> memref<1x128xi32, #tpu.memory_space<vmem>>
          %dma_wait3A_274 = tpu.memref_squeeze %dma_wait3A_273 : memref<1x128xi32, #tpu.memory_space<vmem>> -> memref<128xi32, #tpu.memory_space<vmem>>
          %dma_wait3A_275 = arith.constant 0 : i32
          %dma_wait3A_276 = arith.constant 0 : i32
          %dma_wait3A_277 = tpu.memref_slice %arg11[%dma_wait3A_275, %dma_wait3A_276] : memref<10240x128xf32, #tpu.memory_space<vmem_shared>> -> memref<10240x128xf32, #tpu.memory_space<vmem_shared>>
          tpu.wait_indirect_dma semaphore(%run_scoped3A_265 : memref<!tpu.dma_semaphore, #tpu.memory_space<semaphore_mem>>) src(%arg10 : memref<128x128xf32, #tpu.memory_space<vmem>>) dst(%dma_wait3A_277 : memref<10240x128xf32, #tpu.memory_space<vmem_shared>>)
          tpu.yield
        }) : () -> ()
      }
      %scan3A_20 = arith.constant 2 : i32
    } else {
    }
    %barrier3A_8 = arith.constant 0 : index
    tpu.barrier barrier_id(%barrier3A_8)
    %mul3A_9 = arith.constant 640 : i32
    %mul3A_10 = arith.muli %arg1, %mul3A_9 : i32
    %mul3A_11 = arith.constant 640 : i32
    %mul3A_12 = arith.muli %arg1, %mul3A_11 : i32
    "tpu.region"() ({
      %run_scoped3A = tpu.sem_alloc : memref<!tpu.dma_semaphore, #tpu.memory_space<semaphore_mem>>
      %dma_start3A = arith.constant 0 : i32
      %dma_start3A_13 = tpu.memref_slice %arg6[%arg0, %mul3A_12, %dma_start3A] : memref<2x10240x128xf32, #tpu.memory_space<hbm>> -> memref<1x640x128xf32, #tpu.memory_space<hbm>>
      %dma_start3A_14 = tpu.memref_squeeze %dma_start3A_13 : memref<1x640x128xf32, #tpu.memory_space<hbm>> -> memref<640x128xf32, #tpu.memory_space<hbm>>
      %dma_start3A_15 = arith.constant 0 : i32
      %dma_start3A_16 = tpu.memref_slice %arg11[%mul3A_10, %dma_start3A_15] : memref<10240x128xf32, #tpu.memory_space<vmem_shared>> -> memref<640x128xf32, #tpu.memory_space<vmem_shared>>
      tpu.enqueue_dma source(%dma_start3A_16 : memref<640x128xf32, #tpu.memory_space<vmem_shared>>) target(%dma_start3A_14 : memref<640x128xf32, #tpu.memory_space<hbm>>) target_semaphore(%run_scoped3A : memref<!tpu.dma_semaphore, #tpu.memory_space<semaphore_mem>>)
      %dma_wait3A = arith.constant 0 : i32
      %dma_wait3A_17 = tpu.memref_slice %arg6[%arg0, %mul3A_12, %dma_wait3A] : memref<2x10240x128xf32, #tpu.memory_space<hbm>> -> memref<1x640x128xf32, #tpu.memory_space<hbm>>
      %dma_wait3A_18 = tpu.memref_squeeze %dma_wait3A_17 : memref<1x640x128xf32, #tpu.memory_space<hbm>> -> memref<640x128xf32, #tpu.memory_space<hbm>>
      %dma_wait3A_19 = arith.constant 0 : i32
      %dma_wait3A_20 = tpu.memref_slice %arg11[%mul3A_10, %dma_wait3A_19] : memref<10240x128xf32, #tpu.memory_space<vmem_shared>> -> memref<640x128xf32, #tpu.memory_space<vmem_shared>>
      tpu.wait_dma2 semaphore(%run_scoped3A : memref<!tpu.dma_semaphore, #tpu.memory_space<semaphore_mem>>) src(%dma_wait3A_20 : memref<640x128xf32, #tpu.memory_space<vmem_shared>>) dst(%dma_wait3A_18 : memref<640x128xf32, #tpu.memory_space<hbm>>)
      tpu.yield
    }) : () -> ()
    return
  }
}

module attributes {stable_mosaic.version = 14 : i64} {
  func.func @_tc_in_body(%arg0: i32, %arg1: memref<1000x128xf32, #tpu.memory_space<vmem>>, %arg2: memref<128x128xf32, #tpu.memory_space<vmem>>, %arg3: memref<1000x128xf32, #tpu.memory_space<vmem>>, %arg4: memref<1000x128xf32, #tpu.memory_space<vmem>>, %arg5: memref<1000x128xf32, #tpu.memory_space<vmem>>) attributes {dimension_semantics = [#tpu.dimension_semantics<arbitrary>], iteration_bounds = array<i64: 10>, scalar_prefetch = 0 : i64, scratch_operands = 0 : i64, tpu.core_type = #tpu.core_type<tc>, window_params = [{transform_indices = @transform_0, window_bounds = array<i64: 1000, 128>}, {pipeline_mode = #tpu.pipeline_mode<synchronous>, transform_indices = @transform_1, window_bounds = array<i64: 128, 128>}, {transform_indices = @transform_2, window_bounds = array<i64: 1000, 128>}, {transform_indices = @transform_3, window_bounds = array<i64: 1000, 128>}, {transform_indices = @transform_4, window_bounds = array<i64: 1000, 128>}]} {
    %get3A = arith.constant 0 : index
    %get3A_0 = arith.constant 0 : index
    %get3A_1 = vector.load %arg1[%get3A, %get3A_0] : memref<1000x128xf32, #tpu.memory_space<vmem>>, vector<1000x128xf32>
    %get3A_2 = arith.constant 0 : index
    %get3A_3 = arith.constant 0 : index
    %get3A_4 = vector.load %arg2[%get3A_2, %get3A_3] : memref<128x128xf32, #tpu.memory_space<vmem>>, vector<128x128xf32>
    %dot_general3A = arith.constant dense<0.000000e+00> : vector<1000x128xf32>
    %dot_general3A_5 = tpu.matmul %get3A_1, %get3A_4, %dot_general3A {dimension_numbers = #tpu.dot_dimension_numbers<[1], [0], [0], [1], [0, 0, 1, 1], [], []>, transpose_lhs_hint = false} : vector<1000x128xf32>, vector<128x128xf32>, vector<1000x128xf32> -> vector<1000x128xf32>
    %get3A_6 = arith.constant 0 : index
    %get3A_7 = arith.constant 0 : index
    %get3A_8 = vector.load %arg3[%get3A_6, %get3A_7] : memref<1000x128xf32, #tpu.memory_space<vmem>>, vector<1000x1xf32>
    %get3A_9 = arith.constant 0 : index
    %get3A_10 = arith.constant 0 : index
    %get3A_11 = vector.load %arg4[%get3A_9, %get3A_10] : memref<1000x128xf32, #tpu.memory_space<vmem>>, vector<1000x1xf32>
    %add3A = arith.addf %get3A_8, %get3A_11 : vector<1000x1xf32>
    %add3A_12 = arith.constant 1.000000e+00 : f32
    %add3A_13 = vector.broadcast %add3A_12 : f32 to vector<1000x1xf32>
    %add3A_14 = arith.addf %add3A, %add3A_13 : vector<1000x1xf32>
    %rsqrt3A = math.rsqrt %add3A_14 : vector<1000x1xf32>
    %mul3A = vector.broadcast %rsqrt3A : vector<1000x1xf32> to vector<1000x128xf32>
    %mul3A_15 = arith.mulf %dot_general3A_5, %mul3A : vector<1000x128xf32>
    %swap3A = arith.constant 0 : index
    %swap3A_16 = arith.constant 0 : index
    %swap3A_17 = vector.load %arg5[%swap3A, %swap3A_16] : memref<1000x128xf32, #tpu.memory_space<vmem>>, vector<1000x128xf32>
    tpu.vector_store %arg5[%swap3A, %swap3A_16], %mul3A_15 {strides = array<i32>} : memref<1000x128xf32, #tpu.memory_space<vmem>>, vector<1000x128xf32>,
    return
  }
  func.func @transform_0(%arg0: i32) -> (i32, i32) {
    %c0_i32 = arith.constant 0 : i32
    %c0_i32_0 = arith.constant 0 : i32
    return %arg0, %c0_i32 : i32, i32
  }
  func.func @transform_1(%arg0: i32) -> (i32, i32) {
    %c0_i32 = arith.constant 0 : i32
    %c0_i32_0 = arith.constant 0 : i32
    %c0_i32_1 = arith.constant 0 : i32
    return %c0_i32, %c0_i32_0 : i32, i32
  }
  func.func @transform_2(%arg0: i32) -> (i32, i32) {
    %c0_i32 = arith.constant 0 : i32
    %c0_i32_0 = arith.constant 0 : i32
    return %arg0, %c0_i32 : i32, i32
  }
  func.func @transform_3(%arg0: i32) -> (i32, i32) {
    %c0_i32 = arith.constant 0 : i32
    %c0_i32_0 = arith.constant 0 : i32
    return %arg0, %c0_i32 : i32, i32
  }
  func.func @transform_4(%arg0: i32) -> (i32, i32) {
    %c0_i32 = arith.constant 0 : i32
    %c0_i32_0 = arith.constant 0 : i32
    return %arg0, %c0_i32 : i32, i32
  }
}

module attributes {stable_mosaic.version = 14 : i64} {
  func.func @_tc_mid_body(%arg0: i32, %arg1: memref<1000x128xf32, #tpu.memory_space<vmem>>, %arg2: memref<1000x128xf32, #tpu.memory_space<vmem>>, %arg3: memref<1000x128xf32, #tpu.memory_space<vmem>>, %arg4: memref<1000x128xf32, #tpu.memory_space<vmem>>, %arg5: memref<1000x128xf32, #tpu.memory_space<vmem>>, %arg6: memref<128x128xf32, #tpu.memory_space<vmem>>, %arg7: memref<1x128xf32, #tpu.memory_space<vmem>>, %arg8: memref<1000x128xf32, #tpu.memory_space<vmem>>) attributes {dimension_semantics = [#tpu.dimension_semantics<arbitrary>], iteration_bounds = array<i64: 10>, scalar_prefetch = 0 : i64, scratch_operands = 0 : i64, tpu.core_type = #tpu.core_type<tc>, window_params = [{transform_indices = @transform_0, window_bounds = array<i64: 1000, 128>}, {transform_indices = @transform_1, window_bounds = array<i64: 1000, 128>}, {transform_indices = @transform_2, window_bounds = array<i64: 1000, 128>}, {transform_indices = @transform_3, window_bounds = array<i64: 1000, 128>}, {transform_indices = @transform_4, window_bounds = array<i64: 1000, 128>}, {pipeline_mode = #tpu.pipeline_mode<synchronous>, transform_indices = @transform_5, window_bounds = array<i64: 128, 128>}, {pipeline_mode = #tpu.pipeline_mode<synchronous>, transform_indices = @transform_6, window_bounds = array<i64: 1, 128>}, {transform_indices = @transform_7, window_bounds = array<i64: 1000, 128>}]} {
    %get3A = arith.constant 0 : index
    %get3A_0 = arith.constant 0 : index
    %get3A_1 = vector.load %arg4[%get3A, %get3A_0] : memref<1000x128xf32, #tpu.memory_space<vmem>>, vector<1000x1xf32>
    %get3A_2 = arith.constant 0 : index
    %get3A_3 = arith.constant 0 : index
    %get3A_4 = vector.load %arg5[%get3A_2, %get3A_3] : memref<1000x128xf32, #tpu.memory_space<vmem>>, vector<1000x1xf32>
    %add3A = arith.addf %get3A_1, %get3A_4 : vector<1000x1xf32>
    %add3A_5 = arith.constant 1.000000e+00 : f32
    %add3A_6 = vector.broadcast %add3A_5 : f32 to vector<1000x1xf32>
    %add3A_7 = arith.addf %add3A, %add3A_6 : vector<1000x1xf32>
    %rsqrt3A = math.rsqrt %add3A_7 : vector<1000x1xf32>
    %get3A_8 = arith.constant 0 : index
    %get3A_9 = arith.constant 0 : index
    %get3A_10 = vector.load %arg1[%get3A_8, %get3A_9] : memref<1000x128xf32, #tpu.memory_space<vmem>>, vector<1000x128xf32>
    %get3A_11 = arith.constant 0 : index
    %get3A_12 = arith.constant 0 : index
    %get3A_13 = vector.load %arg2[%get3A_11, %get3A_12] : memref<1000x128xf32, #tpu.memory_space<vmem>>, vector<1000x128xf32>
    %add3A_14 = arith.addf %get3A_10, %get3A_13 : vector<1000x128xf32>
    %get3A_15 = arith.constant 0 : index
    %get3A_16 = arith.constant 0 : index
    %get3A_17 = vector.load %arg3[%get3A_15, %get3A_16] : memref<1000x128xf32, #tpu.memory_space<vmem>>, vector<1000x128xf32>
    %add3A_18 = arith.addf %add3A_14, %get3A_17 : vector<1000x128xf32>
    %mul3A = vector.broadcast %rsqrt3A : vector<1000x1xf32> to vector<1000x128xf32>
    %mul3A_19 = arith.mulf %add3A_18, %mul3A : vector<1000x128xf32>
    %get3A_20 = arith.constant 0 : index
    %get3A_21 = arith.constant 0 : index
    %get3A_22 = vector.load %arg7[%get3A_20, %get3A_21] : memref<1x128xf32, #tpu.memory_space<vmem>>, vector<1x128xf32>
    %add3A_23 = vector.broadcast %get3A_22 : vector<1x128xf32> to vector<1000x128xf32>
    %add3A_24 = arith.addf %mul3A_19, %add3A_23 : vector<1000x128xf32>
    %max3A = arith.constant 0.000000e+00 : f32
    %max3A_25 = vector.broadcast %max3A : f32 to vector<1000x128xf32>
    %max3A_26 = arith.maximumf %add3A_24, %max3A_25 : vector<1000x128xf32>
    %get3A_27 = arith.constant 0 : index
    %get3A_28 = arith.constant 0 : index
    %get3A_29 = vector.load %arg6[%get3A_27, %get3A_28] : memref<128x128xf32, #tpu.memory_space<vmem>>, vector<128x128xf32>
    %dot_general3A = arith.constant dense<0.000000e+00> : vector<1000x128xf32>
    %dot_general3A_30 = tpu.matmul %max3A_26, %get3A_29, %dot_general3A {dimension_numbers = #tpu.dot_dimension_numbers<[1], [0], [0], [1], [0, 0, 1, 1], [], []>, transpose_lhs_hint = false} : vector<1000x128xf32>, vector<128x128xf32>, vector<1000x128xf32> -> vector<1000x128xf32>
    %mul3A_31 = vector.broadcast %rsqrt3A : vector<1000x1xf32> to vector<1000x128xf32>
    %mul3A_32 = arith.mulf %dot_general3A_30, %mul3A_31 : vector<1000x128xf32>
    %swap3A = arith.constant 0 : index
    %swap3A_33 = arith.constant 0 : index
    %swap3A_34 = vector.load %arg8[%swap3A, %swap3A_33] : memref<1000x128xf32, #tpu.memory_space<vmem>>, vector<1000x128xf32>
    tpu.vector_store %arg8[%swap3A, %swap3A_33], %mul3A_32 {strides = array<i32>} : memref<1000x128xf32, #tpu.memory_space<vmem>>, vector<1000x128xf32>,
    return
  }
  func.func @transform_0(%arg0: i32) -> (i32, i32) {
    %c0_i32 = arith.constant 0 : i32
    %c0_i32_0 = arith.constant 0 : i32
    return %arg0, %c0_i32 : i32, i32
  }
  func.func @transform_1(%arg0: i32) -> (i32, i32) {
    %c0_i32 = arith.constant 0 : i32
    %c0_i32_0 = arith.constant 0 : i32
    return %arg0, %c0_i32 : i32, i32
  }
  func.func @transform_2(%arg0: i32) -> (i32, i32) {
    %c0_i32 = arith.constant 0 : i32
    %c0_i32_0 = arith.constant 0 : i32
    return %arg0, %c0_i32 : i32, i32
  }
  func.func @transform_3(%arg0: i32) -> (i32, i32) {
    %c0_i32 = arith.constant 0 : i32
    %c0_i32_0 = arith.constant 0 : i32
    return %arg0, %c0_i32 : i32, i32
  }
  func.func @transform_4(%arg0: i32) -> (i32, i32) {
    %c0_i32 = arith.constant 0 : i32
    %c0_i32_0 = arith.constant 0 : i32
    return %arg0, %c0_i32 : i32, i32
  }
  func.func @transform_5(%arg0: i32) -> (i32, i32) {
    %c0_i32 = arith.constant 0 : i32
    %c0_i32_0 = arith.constant 0 : i32
    %c0_i32_1 = arith.constant 0 : i32
    return %c0_i32, %c0_i32_0 : i32, i32
  }
  func.func @transform_6(%arg0: i32) -> (i32, i32) {
    %c0_i32 = arith.constant 0 : i32
    %c0_i32_0 = arith.constant 0 : i32
    %c0_i32_1 = arith.constant 0 : i32
    return %c0_i32, %c0_i32_0 : i32, i32
  }
  func.func @transform_7(%arg0: i32) -> (i32, i32) {
    %c0_i32 = arith.constant 0 : i32
    %c0_i32_0 = arith.constant 0 : i32
    return %arg0, %c0_i32 : i32, i32
  }
}

module attributes {stable_mosaic.version = 14 : i64} {
  func.func @_tc_out_body(%arg0: i32, %arg1: memref<1000x128xf32, #tpu.memory_space<vmem>>, %arg2: memref<1000x128xf32, #tpu.memory_space<vmem>>, %arg3: memref<1000x128xf32, #tpu.memory_space<vmem>>, %arg4: memref<1000x128xf32, #tpu.memory_space<vmem>>, %arg5: memref<1000x128xf32, #tpu.memory_space<vmem>>, %arg6: memref<1x128xf32, #tpu.memory_space<vmem>>, %arg7: memref<1000x128xf32, #tpu.memory_space<vmem>>) attributes {dimension_semantics = [#tpu.dimension_semantics<arbitrary>], iteration_bounds = array<i64: 10>, scalar_prefetch = 0 : i64, scratch_operands = 0 : i64, tpu.core_type = #tpu.core_type<tc>, window_params = [{transform_indices = @transform_0, window_bounds = array<i64: 1000, 128>}, {transform_indices = @transform_1, window_bounds = array<i64: 1000, 128>}, {transform_indices = @transform_2, window_bounds = array<i64: 1000, 128>}, {transform_indices = @transform_3, window_bounds = array<i64: 1000, 128>}, {transform_indices = @transform_4, window_bounds = array<i64: 1000, 128>}, {pipeline_mode = #tpu.pipeline_mode<synchronous>, transform_indices = @transform_5, window_bounds = array<i64: 1, 128>}, {transform_indices = @transform_6, window_bounds = array<i64: 1000, 128>}]} {
    %get3A = arith.constant 0 : index
    %get3A_0 = arith.constant 0 : index
    %get3A_1 = vector.load %arg4[%get3A, %get3A_0] : memref<1000x128xf32, #tpu.memory_space<vmem>>, vector<1000x1xf32>
    %get3A_2 = arith.constant 0 : index
    %get3A_3 = arith.constant 0 : index
    %get3A_4 = vector.load %arg5[%get3A_2, %get3A_3] : memref<1000x128xf32, #tpu.memory_space<vmem>>, vector<1000x1xf32>
    %add3A = arith.addf %get3A_1, %get3A_4 : vector<1000x1xf32>
    %add3A_5 = arith.constant 1.000000e+00 : f32
    %add3A_6 = vector.broadcast %add3A_5 : f32 to vector<1000x1xf32>
    %add3A_7 = arith.addf %add3A, %add3A_6 : vector<1000x1xf32>
    %rsqrt3A = math.rsqrt %add3A_7 : vector<1000x1xf32>
    %get3A_8 = arith.constant 0 : index
    %get3A_9 = arith.constant 0 : index
    %get3A_10 = vector.load %arg1[%get3A_8, %get3A_9] : memref<1000x128xf32, #tpu.memory_space<vmem>>, vector<1000x128xf32>
    %get3A_11 = arith.constant 0 : index
    %get3A_12 = arith.constant 0 : index
    %get3A_13 = vector.load %arg2[%get3A_11, %get3A_12] : memref<1000x128xf32, #tpu.memory_space<vmem>>, vector<1000x128xf32>
    %add3A_14 = arith.addf %get3A_10, %get3A_13 : vector<1000x128xf32>
    %get3A_15 = arith.constant 0 : index
    %get3A_16 = arith.constant 0 : index
    %get3A_17 = vector.load %arg3[%get3A_15, %get3A_16] : memref<1000x128xf32, #tpu.memory_space<vmem>>, vector<1000x128xf32>
    %add3A_18 = arith.addf %add3A_14, %get3A_17 : vector<1000x128xf32>
    %mul3A = vector.broadcast %rsqrt3A : vector<1000x1xf32> to vector<1000x128xf32>
    %mul3A_19 = arith.mulf %add3A_18, %mul3A : vector<1000x128xf32>
    %get3A_20 = arith.constant 0 : index
    %get3A_21 = arith.constant 0 : index
    %get3A_22 = vector.load %arg6[%get3A_20, %get3A_21] : memref<1x128xf32, #tpu.memory_space<vmem>>, vector<1x128xf32>
    %add3A_23 = vector.broadcast %get3A_22 : vector<1x128xf32> to vector<1000x128xf32>
    %add3A_24 = arith.addf %mul3A_19, %add3A_23 : vector<1000x128xf32>
    %swap3A = arith.constant 0 : index
    %swap3A_25 = arith.constant 0 : index
    %swap3A_26 = vector.load %arg7[%swap3A, %swap3A_25] : memref<1000x128xf32, #tpu.memory_space<vmem>>, vector<1000x128xf32>
    tpu.vector_store %arg7[%swap3A, %swap3A_25], %add3A_24 {strides = array<i32>} : memref<1000x128xf32, #tpu.memory_space<vmem>>, vector<1000x128xf32>,
    return
  }
  func.func @transform_0(%arg0: i32) -> (i32, i32) {
    %c0_i32 = arith.constant 0 : i32
    %c0_i32_0 = arith.constant 0 : i32
    return %arg0, %c0_i32 : i32, i32
  }
  func.func @transform_1(%arg0: i32) -> (i32, i32) {
    %c0_i32 = arith.constant 0 : i32
    %c0_i32_0 = arith.constant 0 : i32
    return %arg0, %c0_i32 : i32, i32
  }
  func.func @transform_2(%arg0: i32) -> (i32, i32) {
    %c0_i32 = arith.constant 0 : i32
    %c0_i32_0 = arith.constant 0 : i32
    return %arg0, %c0_i32 : i32, i32
  }
  func.func @transform_3(%arg0: i32) -> (i32, i32) {
    %c0_i32 = arith.constant 0 : i32
    %c0_i32_0 = arith.constant 0 : i32
    return %arg0, %c0_i32 : i32, i32
  }
  func.func @transform_4(%arg0: i32) -> (i32, i32) {
    %c0_i32 = arith.constant 0 : i32
    %c0_i32_0 = arith.constant 0 : i32
    return %arg0, %c0_i32 : i32, i32
  }
  func.func @transform_5(%arg0: i32) -> (i32, i32) {
    %c0_i32 = arith.constant 0 : i32
    %c0_i32_0 = arith.constant 0 : i32
    %c0_i32_1 = arith.constant 0 : i32
    return %c0_i32, %c0_i32_0 : i32, i32
  }
  func.func @transform_6(%arg0: i32) -> (i32, i32) {
    %c0_i32 = arith.constant 0 : i32
    %c0_i32_0 = arith.constant 0 : i32
    return %arg0, %c0_i32 : i32, i32
  }
}

</mosaic_0001>

<sc_bundles>
// kernel: kernel.11.cloned.1.call-start
scs
__scs_entry_jumppad:
0x0: {  	(pc) =	sbr.rel $0x88, $3  }
0x1: {  	(tag) =	ssettag $0x0;
	lr =	simm.s32 $0x1  }
0x2: {  	[smem:$0x3F9B] =	sst lr;
	_ =	strace $0xD0000000  }
0x3: {  	_ = 	snop  }
0x4: {  	_ = 	snop  }
0x5: {  	_ = 	snop  }
0x6: {  	_ = 	snop  }
0x7: {  	_ = 	snop  }
__scs_overlays_trampoline_lowered:
0x8: {  	[smem:$0x3FAA] =	sst s0  }
0x9: {  	[smem:$0x3FAB] =	sst s1  }
0xa: {  	[smem:$0x3FAC] =	sst s2  }
0xb: {  	[smem:$0x3FAD] =	sst s3  }
0xc: {  	[smem:$0x3FAE] =	sst s4  }
0xd: {  	[smem:$0x3FAF] =	sst s5  }
0xe: {  	[smem:$0x3FB0] =	sst s6  }
0xf: {  	[smem:$0x3FB1] =	sst s7  }
0x10: {  	[smem:$0x3FB2] =	sst s8  }
0x11: {  	[smem:$0x3FB3] =	sst s9;
	s0 =	simm.s32 @!p0 $0x0  }
0x12: {  	s1 =	sld [smem:$0x3F99];
	s0 =	simm.s32 @p0 $0x1  }
0x13: {  	[smem:$0x3FB4] =	sst s0;
	s0 =	simm.s32 @!p1 $0x0  }
0x14: {  	s2 =	sld [smem:$0x3F98];
	s0 =	simm.s32 @p1 $0x1  }
0x15: {  	[smem:$0x3FB5] =	sst s0;
	s0 =	simm.s32 @!p2 $0x0  }
0x16: {  	s3 =	sld [smem:$0x3FDB];
	s0 =	simm.s32 @p2 $0x1  }
0x17: {  	s4 =	simm.s32 $0x1BF5;
	[smem:$0x3FB7] =	sst s0  }
0x18: {  	s0 =	sld [smem:$0x3F9A];
	_ =	swait.ge [sflag:s4], $0x0  }
0x19: {  	s7 =	sld [smem:$0x3F9B]  }
0x1a: {  	s8 =	sadd.s32 $0xFFFFE003, lr  }
0x1b: {  	s9 =	sadd.s32 $0xFFFFFEF7, lr;
	s5 =	simm.s32 $0xFFFFFFFF;
	p2 =	slt.u32 s8, $0xFFFFF086  }
0x1c: {  	p1 =	slt.u32 s9, $0xF7A;
	s5 =	simm.s32 @!p2 $0x0  }
0x1d: {  	s5 =	simm.s32 @p1 $0x1;
	p0 =	seq.s32 s7, s2  }
0x1e: {  	s7 =	smul.u32 @!p0 $0xF7A, s2;
	p2 =	seq.s32 @!p0 s5, $0x0  }
0x1f: {  	s9 =	smul.u32 $0xF7A, s1;
	s8 =	simm.s32 @!p0 $0x1BF5;
	p2 =	por !p2, p0  }
0x20: {  	[sflag:s8] =	ssyncset.s32 @!p0 $0xFFFFF086;
	s6 =	sadd.s32 @!p0 s3, s7;
	s7 =	simm.s32 @!p0 $0x108  }
0x21: {  	s3 =	sadd.s32 s3, s9;
	s6 =	sadd.s32 @!p0 $0x88, s6;
	s7 =	simm.s32 @p2 $0x1082  }
0x22: {  	[simem:s7], [sflag:s8] =	dma.local @!p0 [hbm:s6], $0xF7A  }
0x23: {  	s9 =	sor.u32 $0xD0000000, s2;
	s6 =	simm.s32 $0x108;
	_ =	swait.ge @!p0 [sflag:s8], $0x0  }
0x24: {  	s3 =	sadd.s32 $0x88, s3;
	s6 =	simm.s32 @!p1 $0x1082;
	[sflag:s4] =	ssyncset.s32 $0xFFFFF086  }
0x25: {  	[simem:s6], [sflag:s4] =	dma.local [hbm:s3], $0xF7A  }
0x26: {  	[smem:$0x3F9B] =	sst s1;
	(tag) =	ssettag s2;
	_ =	strace s9  }
0x27: {  	s1 =	sld [smem:$0x3FAB]  }
0x28: {  	s2 =	sld [smem:$0x3FAC]  }
0x29: {  	s4 =	sld [smem:$0x3FAE]  }
0x2a: {  	p0 =	seq.s32 s5, $0x0;
	s5 =	sld [smem:$0x3FAF]  }
0x2b: {  	s6 =	sld [smem:$0x3FB0]  }
0x2c: {  	s7 =	sld [smem:$0x3FB1]  }
0x2d: {  	s3 =	simm.s32 $0x108;
	s8 =	sld [smem:$0x3FB2]  }
0x2e: {  	s3 =	simm.s32 @!p0 $0x1082;
	s9 =	sld [smem:$0x3FB3]  }
0x2f: {  	lr =	sadd.s32 s0, s3;
	s0 =	sld [smem:$0x3FAA]  }
0x30: {  	s3 =	sld [smem:$0x3FAD]  }
0x31: {  	[smem:$0x3FB6] =	sst s10  }
0x32: {  	s10 =	sld [smem:$0x3FB4];
	_ =	sdelay $0x3  }
0x33: {  	p0 =	seq.s32 s10, $0x1;
	s10 =	sld [smem:$0x3FB6];
	_ =	sdelay $0x3  }
0x34: {  	[smem:$0x3FB6] =	sst s10  }
0x35: {  	s10 =	sld [smem:$0x3FB5];
	_ =	sdelay $0x3  }
0x36: {  	p1 =	seq.s32 s10, $0x1;
	s10 =	sld [smem:$0x3FB6];
	_ =	sdelay $0x3  }
0x37: {  	[smem:$0x3FB6] =	sst s10  }
0x38: {  	s10 =	sld [smem:$0x3FB7]  }
0x39: {  	_ = 	snop;
	(pc) =	sbr.ind lr, $3  }
0x3a: {  	_ = 	snop  }
0x3b: {  	_ = 	snop  }
0x3c: {  	p2 =	seq.s32 s10, $0x1;
	s10 =	sld [smem:$0x3FB6]  }
0x3d: {  	_ =	shalt  }
0x3e: {  	_ =	shalt  }
0x3f: {  	_ =	shalt  }
0x40: {  	_ =	shalt  }
0x41: {  	_ =	shalt  }
0x42: {  	_ =	shalt  }
0x43: {  	_ =	shalt  }
0x44: {  	_ =	shalt  }
0x45: {  	_ =	shalt  }
0x46: {  	_ =	shalt  }
0x47: {  	_ =	shalt  }
0x48: {  	_ =	shalt  }
0x49: {  	_ =	shalt  }
0x4a: {  	_ =	shalt  }
0x4b: {  	_ =	shalt  }
0x4c: {  	_ =	shalt  }
0x4d: {  	_ =	shalt  }
0x4e: {  	_ =	shalt  }
0x4f: {  	_ =	shalt  }
0x50: {  	_ =	shalt  }
0x51: {  	_ =	shalt  }
0x52: {  	_ =	shalt  }
0x53: {  	_ =	shalt  }
0x54: {  	_ =	shalt  }
0x55: {  	_ =	shalt  }
0x56: {  	_ =	shalt  }
0x57: {  	_ =	shalt  }
0x58: {  	_ =	shalt  }
0x59: {  	_ =	shalt  }
0x5a: {  	_ =	shalt  }
0x5b: {  	_ =	shalt  }
0x5c: {  	_ =	shalt  }
0x5d: {  	_ =	shalt  }
0x5e: {  	_ =	shalt  }
0x5f: {  	_ =	shalt  }
0x60: {  	_ =	shalt  }
0x61: {  	_ =	shalt  }
0x62: {  	_ =	shalt  }
0x63: {  	_ =	shalt  }
0x64: {  	_ =	shalt  }
0x65: {  	_ =	shalt  }
0x66: {  	_ =	shalt  }
0x67: {  	_ =	shalt  }
0x68: {  	_ =	shalt  }
0x69: {  	_ =	shalt  }
0x6a: {  	_ =	shalt  }
0x6b: {  	_ =	shalt  }
0x6c: {  	_ =	shalt  }
0x6d: {  	_ =	shalt  }
0x6e: {  	_ =	shalt  }
0x6f: {  	_ =	shalt  }
0x70: {  	_ =	shalt  }
0x71: {  	_ =	shalt  }
0x72: {  	_ =	shalt  }
0x73: {  	_ =	shalt  }
0x74: {  	_ =	shalt  }
0x75: {  	_ =	shalt  }
0x76: {  	_ =	shalt  }
0x77: {  	_ =	shalt  }
0x78: {  	_ =	shalt  }
0x79: {  	_ =	shalt  }
0x7a: {  	_ =	shalt  }
0x7b: {  	_ =	shalt  }
0x7c: {  	_ =	shalt  }
0x7d: {  	_ =	shalt  }
0x7e: {  	_ =	shalt  }
0x7f: {  	_ =	shalt  }
0x80: {  	_ =	shalt  }
0x81: {  	_ =	shalt  }
0x82: {  	_ =	shalt  }
0x83: {  	_ =	shalt  }
0x84: {  	_ =	shalt  }
0x85: {  	_ =	shalt  }
0x86: {  	_ =	shalt  }
0x87: {  	_ =	shalt  }
.Lfunc_end0:
.L_simem_size_0:
called_computation.1_lowered:
.L_overlay_start_0:
0x88: {  	s2 =	sld [smem:$0x3FD9]  }
0x89: {  	s3 =	sld [smem:$0x3FFE];
	_ =	sdelay $0x1  }
0x8a: {  	s1 =	srdreg.scid  }
0x8b: {  	s0 =	sand.u32 $0x1, s1  }
0x8c: {  	s17 =	sshll.u32 s0, $0xA;
	s2 =	sadd.s32 s3, s2  }
0x8d: {  	s2 =	sadd.s32 s2, s17  }
0x8e: {  	[smem:$0x3FC2] =	sst s2  }
0x8f: {  	_ = 	snop  }
0x90: {  	s2 =	sld [smem:$0x3FD0];
	(tm) =	ssettm $0x1  }
0x91: {  	s18 =	sld [smem:$0x3FFB];
	_ =	sdelay $0x3  }
0x92: {  	_ =	strace s18  }
0x93: {  	s3 =	sld [smem:$0x3FFC];
	_ =	sdelay $0x3  }
0x94: {  	_ =	strace s3  }
0x95: {  	s3 =	sld [smem:$0x3FFD];
	_ =	sdelay $0x3  }
0x96: {  	_ =	strace s3  }
0x97: {  	_ =	strace $0x8FFFFFFF  }
0x98: {  	s19 =	sld [smem:$0x3FDB];
	_ =	sdelay $0x1  }
0x99: {  	s4 =	simm.s32 $_scs_section_size  }
0x9a: {  	s5 =	simm.s32 $_size__tile_overlayer_lowered;
	s6 =	simm.s32 $_tile_overlayer_lowered  }
0x9b: {  	s22 =	simm.s32 $0x1BFF;
	s21 =	sshll.u32 s6, $0x1;
	s3 =	sadd.s32 s4, s19  }
0x9c: {  	s7 =	simm.s32 $0x0;
	s20 =	sshll.u32 s5, $0x1;
	s5 =	sadd.s32 s21, s3  }
0x9d: {  	[timem:s7], [sflag:s22] =	dma.local [hbm:s5], s20  }
0x9e: {  	_ =	swait.ge [sflag:s22], s20  }
0x9f: {  	s4 =	ssub.s32 $0x0, s20;
	[sflag:s22] =	ssyncset.done $0x0  }
0xa0: {  	[sflag:s22] =	ssyncadd.s32 s4;
	_ =	sdelay $0x1  }
0xa1: {  	s23 =	simm.s32 $0x1B8B  }
0xa2: {  	_ =	swait.ge [sflag:s23], $0x1  }
0xa3: {  	[sflag:s23] =	ssyncset.done $0x0  }
0xa4: {  	s25 =	simm.s32 $0x1B8E;
	s24 =	sld [smem:$0x3FFE];
	[sflag:s23] =	ssyncadd.s32 $0xFFFFFFFF  }
0xa5: {  	s26 =	simm.s32 $execute0_lowered;
	[smem:$0x3FD2] =	sst s25  }
0xa6: {  	s5 =	sshll.u32 s26, $0x1;
	_ =	strace $0x80000049;
	[dreg:$0x1] =	wrdreg $0xFFFFFFFF  }
0xa7: {  	s28 =	simm.s32 $_size_execute0_lowered;
	s3 =	sadd.s32 s3, s5;
	[dreg:$0x0] =	wrdreg $0x0  }
0xa8: {  	s5 =	sshll.u32 s28, $0x1;
	[dreg:$0x2] =	wrdreg s3  }
0xa9: {  	[dreg:$0x3] =	wrdreg s5  }
0xaa: {  	[dreg:$0x4] =	wrdreg $0xC0  }
0xab: {  	_ =	task [dreg:s7], $0x5FFFF  }
0xac: {  	[dreg:$0x1] =	wrdreg $0xFFFFFFFF  }
0xad: {  	[dreg:$0x0] =	wrdreg $0x60  }
0xae: {  	[dreg:$0x2] =	wrdreg s2  }
0xaf: {  	[dreg:$0x3] =	wrdreg s24  }
0xb0: {  	[dreg:$0x4] =	wrdreg $0x90000  }
0xb1: {  	[dreg:$0x5] =	wrdreg $0x9  }
0xb2: {  	_ =	task.clear_ibuf [dreg:s7], $0x6FFFF;
	_ =	strace $0x90000049  }
0xb3: {  	s29 =	simm.s32 $0x9;
	_ =	strace $0x8000004B  }
0xb4: {  	_ =	swait.ge [sflag:s29], $0x1  }
0xb5: {  	[sflag:s29] =	ssyncadd.s32 $0xFFFFFFFF  }
0xb6: {  	_ =	strace $0x9000004B  }
0xb7: {  	_ =	sfence  }
0xb8: {  	s30 =	sld [smem:$0x0];
	_ =	sdelay $0x2  }
0xb9: {  	s31 =	sshll.u32 s1, $0xD;
	s1 =	sshrl.u32 s1, $0x2  }
0xba: {  	s3 =	sand.u32 $0x4000, s31;
	s1 =	sadd.s32 s1, s30  }
0xbb: {  	s0 =	sor.u32 s3, s0;
	s1 =	sshll.u32 s1, $0x11  }
0xbc: {  	s0 =	sor.u32 s1, s0  }
0xbd: {  	s0 =	sadd.s32 $0x8F2B, s0  }
0xbe: {  	[sflag:s0] =	ssyncadd.remote.s32 $0x1  }
0xbf: {  	_ =	sfence.sel $0xFFFF  }
0xc0: {  	[dreg:$0x0] =	wrdreg $0xFFFFFFFF;
	(pc) =	sbr.abs _section_cstart, $3  }
0xc1: {  	[dreg:$0x1] =	wrdreg $0xFFFFFFFF  }
0xc2: {  	_ =	task.clear_ibuf [dreg:s7], $0x2FFFF;
	_ =	strace $0x9FFFFFFF  }
0xc3: {  	(tm) =	ssettm $0x7FFFFFFF  }
tec
execute0_lowered:
.L_overlay_start_1:
0x0: {  	(tag) =	ssettag $0x1  }
0x1: {  	s1 =	rddreg [dreg:$0x0]  }
0x2: {  	s0 =	rddreg [dreg:$0x1]  }
0x3: {  	s2 =	rddreg [dreg:$0x2]  }
0x4: {  	s3 =	srdreg.scid;
	s4 =	simm.s32 $0x0;
	s8 =	stileid.u32  }
0x5: {  	s13 =	simm.s32 $0x3;
	s14 =	simm.s32 $0x800;
	s15 =	simm.s32 $0x80  }
0x6: {  	s16 =	simm.s32 $0x1000;
	s17 =	simm.s32 $0x5000;
	s28 =	simm.s32 $0x100  }
0x7: {  	s31 =	simm.s32 $0xD00;
	s12 =	simm.s32 $0x780;
	s3 =	sand.u32 $0x1, s3  }
0x8: {  	[smem:$0x7FF] =	sst s4;
	s6 =	smul.u32 $0x14000, s8;
	s11 =	sadd.s32 $0x3000, s0  }
0x9: {  	s9 =	sadd.s32 $0xD000, s0;
	s7 =	smul.u32 $0x50000, s8;
	s10 =	sadd.s32 $0x17000, s0  }
0xa: {  	s21 =	sshll.u32 s8, $0x6;
	s22 =	sshll.u32 s8, $0xB;
	s23 =	sshll.u32 s8, $0x9  }
0xb: {  	s8 =	simm.s32 $0xE80;
	_ =	strace $0x8000004A;
	[dreg:$0x8] =	wrdreg s9  }
0xc: {  	s5 =	smul.u32 $0x140000, s3;
	s18 =	ssub.s32 $0x2, s3;
	[dreg:$0x9] =	wrdreg s10  }
0xd: {  	s29 =	sor.u32 $0x1C03, s21;
	p0 =	seq.s32 s3, $0x1;
	s24 =	sadd.s32 s22, s9  }
0xe: {  	s3 =	sor.u32 $0x8000, s23;
	[dreg:$0x7] =	wrdreg s11;
	s25 =	sadd.s32 s22, s11  }
0xf: {  	[dreg:$0x6] =	wrdreg s28;
	s9 =	simm.s32 $0xB00;
	s21 =	simm.s32 $0xB80  }
0x10: {  	s22 =	simm.s32 $0x480;
	s23 =	simm.s32 $0xC00;
	[dreg:$0xb] =	wrdreg s3  }
0x11: {  	s10 =	simm.s32 $0xE00;
	s11 =	simm.s32 $0x700;
	[dreg:$0x4] =	wrdreg s24  }
0x12: {  	s19 =	sshrl.u32 s18, $0x1;
	s20 =	sshrl.u32 s7, $0x2;
	[dreg:$0x5] =	wrdreg s25  }
0x13: {  	[dreg:$0xa] =	wrdreg s29;
	s24 =	simm.s32 $0x500;
	s25 =	simm.s32 $0xC80  }
0x14: {  	s3 =	simm.s32 $0xD80;
	s7 =	simm.s32 $0x680;
	s5 =	sadd.s32 s6, s5  }
0x15: {  	s6 =	sadd.s32 s20, s2;
	s20 =	simm.s32 $0x400;
	s5 =	sshrl.u32 s5, $0x3  }
.Ltmp0:
0x16: {  	s30 =	sshrl.u32 s6, $0x3;
	s6 =	simm.s32 $0xF80;
	(pc) =	sbr.rel .LBB2_1-.Ltmp0, $4  }
0x17: {  	s0 =	sadd.s32 s5, s0;
	s5 =	ssub.s32 s18, s19;
	s18 =	simm.s32 $0x1  }
0x18: {  	s19 =	simm.s32 $0x2;
	[dreg:$0xe] =	wrdreg s30;
	s0 =	sadd.s32 $0x67C00, s0  }
0x19: {  	s26 =	smax.u32 s5, $0x1;
	s5 =	simm.s32 $0xF00;
	[dreg:$0xc] =	wrdreg s0  }
0x1a: {  	[dreg:$0xd] =	wrdreg s26;
	s0 =	simm.s32 $0x0;
	s26 =	simm.s32 $0x580  }
.LBB2_4:
0x1b: {  	[sflag:s13] =	ssyncset.done $0x0  }
0x1c: {  	[sflag:s13] =	ssyncadd.s32 $0xFFFFC000  }
.LBB2_6:
0x1d: {  	[bflag:$0x0] =	sbarrier.arrive $0xFFFF  }
0x1e: {  	s29 =	rddreg [dreg:$0xa]  }
0x1f: {  	s28 =	rddreg [dreg:$0xc]  }
0x20: {  	s30 =	rddreg [dreg:$0xe]  }
0x21: {  	[hbm:s28], [sflag:s29] =	dma.local [spmem:s30], $0x2800  }
0x22: {  	_ =	swait.ge [sflag:s13], $0x2800  }
0x23: {  	s0 =	rddreg [dreg:$0xf]  }
0x24: {  	s28 =	rddreg [dreg:$0xd];
	s0 =	sadd.s32 $0x1, s0  }
0x25: {  	p1 =	sne.s32 s0, s28  }
.Ltmp1:
0x26: {  	_ = 	snop;
	(pc) =	sbr.rel @!p1 .LBB2_7-.Ltmp1, $3  }
0x27: {  	_ =	sdelay $0x1  }
0x28: {  	[sflag:s13] =	ssyncset.done $0x0  }
0x29: {  	[sflag:s13] =	ssyncadd.s32 $0xFFFFD800  }
.LBB2_1:
0x2a: {  	[dreg:$0xf] =	wrdreg s0  }
0x2b: {  	s28 =	rddreg [dreg:$0x9]  }
0x2c: {  	[spmem:s30], [sflag:s29] =	dma.local [hbm:s28], $0x2800  }
.Ltmp2:
0x2d: {  	_ =	swait.ge [sflag:s13], $0x2800;
	(pc) =	sbr.rel @!p0 .LBB2_2-.Ltmp2, $4  }
0x2e: {  	[sflag:s13] =	ssyncset.done $0x0  }
0x2f: {  	[sflag:s13] =	ssyncadd.s32 $0xFFFFD800  }
0x30: {  	p1 =	por $0x1, $0x1;
	[bflag:$0x0] =	sbarrier.arrive $0xFFFF  }
0x31: {  	s0 =	simm.s32 $0x600;
	s28 =	simm.s32 $0x0;
	s30 =	rddreg [dreg:$0x7]  }
.LBB2_5:
0x32: {  	s29 =	rddreg [dreg:$0xb]  }
0x33: {  	s28 =	sor.u32 s29, s28  }
0x34: {  	s29 =	sadd.s32 s30, s28  }
0x35: {  	[tilespmem:s4], [sflag:$0x3] =	stream.linear.gather [hbm4b:s29+s4], $0x800, $0x38;
	[tilespmem:$0x1D000] =	vst v63  }
0x36: {  	_ =	swait.ge [sflag:s13], $0x800  }
0x37: {  	[sflag:s13] =	ssyncset.done $0x0;
	s29 =	rddreg [dreg:$0x8]  }
0x38: {  	[sflag:s13] =	ssyncadd.s32 $0xFFFFF800;
	s28 =	sadd.s32 s29, s28  }
0x39: {  	[tilespmem:s14], [sflag:$0x3] =	stream.linear.gather [hbm4b:s28+s4], $0x800, $0x38;
	[tilespmem:$0x1D000] =	vst v63  }
0x3a: {  	_ =	swait.ge [sflag:s13], $0x800  }
0x3b: {  	[sflag:s13] =	ssyncset.done $0x0  }
0x3c: {  	[sflag:s13] =	ssyncadd.s32 $0xFFFFF800  }
0x3d: {  	[tilespmem:s16], [sflag:$0x1] =	stream.indirect.gather [hbm4b:s1+s15], $0x80, s4, s15, $0xb8;
	[tilespmem:$0x1D000] =	vst v63  }
0x3e: {  	_ = 	snop  }
0x3f: {  	[tilespmem:s17], [sflag:$0x2] =	stream.indirect.gather [hbm4b:s1+s15], $0x80, s15, s15, $0xb8;
	[tilespmem:$0x1D000] =	vst v63  }
0x40: {  	_ =	swait.ge [sflag:s18], $0x4000  }
0x41: {  	[sflag:s18] =	ssyncset.done $0x0  }
0x42: {  	[sflag:s18] =	ssyncadd.s32 $0xFFFFC000  }
0x43: {  	[spmem:s2] =	stream.indirect.scatter.add.f32 [tilespmem:s16], [sflag:$0x3], $0x80, s14, s15, $0xb8;
	[tilespmem:$0x1D000] =	vst v63  }
0x44: {  	_ =	swait.ge [sflag:s13], $0x4000  }
0x45: {  	[sflag:s13] =	ssyncset.done $0x0  }
0x46: {  	s28 =	simm.s32 $0x100;
	[sflag:s13] =	ssyncadd.s32 $0xFFFFC000  }
0x47: {  	[tilespmem:s16], [sflag:$0x1] =	stream.indirect.gather [hbm4b:s1+s15], $0x80, s28, s15, $0xb8;
	[tilespmem:$0x1D000] =	vst v63  }
0x48: {  	_ =	swait.ge [sflag:s19], $0x4000  }
0x49: {  	[sflag:s19] =	ssyncset.done $0x0  }
0x4a: {  	s29 =	simm.s32 $0x880;
	[sflag:s19] =	ssyncadd.s32 $0xFFFFC000  }
0x4b: {  	[spmem:s2] =	stream.indirect.scatter.add.f32 [tilespmem:s17], [sflag:$0x3], $0x80, s29, s15, $0xb8;
	[tilespmem:$0x1D000] =	vst v63  }
0x4c: {  	_ =	swait.ge [sflag:s13], $0x4000  }
0x4d: {  	[sflag:s13] =	ssyncset.done $0x0  }
0x4e: {  	s29 =	simm.s32 $0x180;
	[sflag:s13] =	ssyncadd.s32 $0xFFFFC000  }
0x4f: {  	[tilespmem:s17], [sflag:$0x2] =	stream.indirect.gather [hbm4b:s1+s15], $0x80, s29, s15, $0xb8;
	[tilespmem:$0x1D000] =	vst v63  }
0x50: {  	_ =	swait.ge [sflag:s18], $0x4000  }
0x51: {  	[sflag:s18] =	ssyncset.done $0x0  }
0x52: {  	s29 =	simm.s32 $0x900;
	[sflag:s18] =	ssyncadd.s32 $0xFFFFC000  }
0x53: {  	[spmem:s2] =	stream.indirect.scatter.add.f32 [tilespmem:s16], [sflag:$0x3], $0x80, s29, s15, $0xb8;
	[tilespmem:$0x1D000] =	vst v63  }
0x54: {  	_ =	swait.ge [sflag:s13], $0x4000  }
0x55: {  	[sflag:s13] =	ssyncset.done $0x0  }
0x56: {  	s29 =	simm.s32 $0x200;
	[sflag:s13] =	ssyncadd.s32 $0xFFFFC000  }
0x57: {  	[tilespmem:s16], [sflag:$0x1] =	stream.indirect.gather [hbm4b:s1+s15], $0x80, s29, s15, $0xb8;
	[tilespmem:$0x1D000] =	vst v63  }
0x58: {  	_ =	swait.ge [sflag:s19], $0x4000  }
0x59: {  	[sflag:s19] =	ssyncset.done $0x0  }
0x5a: {  	s29 =	simm.s32 $0x980;
	[sflag:s19] =	ssyncadd.s32 $0xFFFFC000  }
0x5b: {  	[spmem:s2] =	stream.indirect.scatter.add.f32 [tilespmem:s17], [sflag:$0x3], $0x80, s29, s15, $0xb8;
	[tilespmem:$0x1D000] =	vst v63  }
0x5c: {  	_ =	swait.ge [sflag:s13], $0x4000  }
0x5d: {  	[sflag:s13] =	ssyncset.done $0x0  }
0x5e: {  	s29 =	simm.s32 $0x280;
	[sflag:s13] =	ssyncadd.s32 $0xFFFFC000  }
0x5f: {  	[tilespmem:s17], [sflag:$0x2] =	stream.indirect.gather [hbm4b:s1+s15], $0x80, s29, s15, $0xb8;
	[tilespmem:$0x1D000] =	vst v63  }
0x60: {  	_ =	swait.ge [sflag:s18], $0x4000  }
0x61: {  	[sflag:s18] =	ssyncset.done $0x0  }
0x62: {  	s29 =	simm.s32 $0xA00;
	[sflag:s18] =	ssyncadd.s32 $0xFFFFC000  }
0x63: {  	[spmem:s2] =	stream.indirect.scatter.add.f32 [tilespmem:s16], [sflag:$0x3], $0x80, s29, s15, $0xb8;
	[tilespmem:$0x1D000] =	vst v63  }
0x64: {  	_ =	swait.ge [sflag:s13], $0x4000  }
0x65: {  	[sflag:s13] =	ssyncset.done $0x0  }
0x66: {  	s29 =	simm.s32 $0x300;
	[sflag:s13] =	ssyncadd.s32 $0xFFFFC000  }
0x67: {  	[tilespmem:s16], [sflag:$0x1] =	stream.indirect.gather [hbm4b:s1+s15], $0x80, s29, s15, $0xb8;
	[tilespmem:$0x1D000] =	vst v63  }
0x68: {  	_ =	swait.ge [sflag:s19], $0x4000  }
0x69: {  	[sflag:s19] =	ssyncset.done $0x0  }
0x6a: {  	s29 =	simm.s32 $0xA80;
	[sflag:s19] =	ssyncadd.s32 $0xFFFFC000  }
0x6b: {  	[spmem:s2] =	stream.indirect.scatter.add.f32 [tilespmem:s17], [sflag:$0x3], $0x80, s29, s15, $0xb8;
	[tilespmem:$0x1D000] =	vst v63  }
0x6c: {  	_ =	swait.ge [sflag:s13], $0x4000  }
0x6d: {  	[sflag:s13] =	ssyncset.done $0x0  }
0x6e: {  	s29 =	simm.s32 $0x380;
	[sflag:s13] =	ssyncadd.s32 $0xFFFFC000  }
0x6f: {  	[tilespmem:s17], [sflag:$0x2] =	stream.indirect.gather [hbm4b:s1+s15], $0x80, s29, s15, $0xb8;
	[tilespmem:$0x1D000] =	vst v63  }
0x70: {  	_ =	swait.ge [sflag:s18], $0x4000  }
0x71: {  	[sflag:s18] =	ssyncset.done $0x0  }
0x72: {  	[sflag:s18] =	ssyncadd.s32 $0xFFFFC000  }
0x73: {  	[spmem:s2] =	stream.indirect.scatter.add.f32 [tilespmem:s16], [sflag:$0x3], $0x80, s9, s15, $0xb8;
	[tilespmem:$0x1D000] =	vst v63  }
0x74: {  	_ =	swait.ge [sflag:s13], $0x4000  }
0x75: {  	[sflag:s13] =	ssyncset.done $0x0  }
0x76: {  	[sflag:s13] =	ssyncadd.s32 $0xFFFFC000  }
0x77: {  	[tilespmem:s16], [sflag:$0x1] =	stream.indirect.gather [hbm4b:s1+s15], $0x80, s20, s15, $0xb8;
	[tilespmem:$0x1D000] =	vst v63  }
0x78: {  	_ =	swait.ge [sflag:s19], $0x4000  }
0x79: {  	[sflag:s19] =	ssyncset.done $0x0  }
0x7a: {  	[sflag:s19] =	ssyncadd.s32 $0xFFFFC000  }
0x7b: {  	[spmem:s2] =	stream.indirect.scatter.add.f32 [tilespmem:s17], [sflag:$0x3], $0x80, s21, s15, $0xb8;
	[tilespmem:$0x1D000] =	vst v63  }
0x7c: {  	_ =	swait.ge [sflag:s13], $0x4000  }
0x7d: {  	[sflag:s13] =	ssyncset.done $0x0  }
0x7e: {  	[sflag:s13] =	ssyncadd.s32 $0xFFFFC000  }
0x7f: {  	[tilespmem:s17], [sflag:$0x2] =	stream.indirect.gather [hbm4b:s1+s15], $0x80, s22, s15, $0xb8;
	[tilespmem:$0x1D000] =	vst v63  }
0x80: {  	_ =	swait.ge [sflag:s18], $0x4000  }
0x81: {  	[sflag:s18] =	ssyncset.done $0x0  }
0x82: {  	[sflag:s18] =	ssyncadd.s32 $0xFFFFC000  }
0x83: {  	[spmem:s2] =	stream.indirect.scatter.add.f32 [tilespmem:s16], [sflag:$0x3], $0x80, s23, s15, $0xb8;
	[tilespmem:$0x1D000] =	vst v63  }
0x84: {  	_ =	swait.ge [sflag:s13], $0x4000  }
0x85: {  	[sflag:s13] =	ssyncset.done $0x0  }
0x86: {  	[sflag:s13] =	ssyncadd.s32 $0xFFFFC000  }
0x87: {  	[tilespmem:s16], [sflag:$0x1] =	stream.indirect.gather [hbm4b:s1+s15], $0x80, s24, s15, $0xb8;
	[tilespmem:$0x1D000] =	vst v63  }
0x88: {  	_ =	swait.ge [sflag:s19], $0x4000  }
0x89: {  	[sflag:s19] =	ssyncset.done $0x0  }
0x8a: {  	[sflag:s19] =	ssyncadd.s32 $0xFFFFC000  }
0x8b: {  	[spmem:s2] =	stream.indirect.scatter.add.f32 [tilespmem:s17], [sflag:$0x3], $0x80, s25, s15, $0xb8;
	[tilespmem:$0x1D000] =	vst v63  }
0x8c: {  	_ =	swait.ge [sflag:s13], $0x4000  }
0x8d: {  	[sflag:s13] =	ssyncset.done $0x0  }
0x8e: {  	[sflag:s13] =	ssyncadd.s32 $0xFFFFC000  }
0x8f: {  	[tilespmem:s17], [sflag:$0x2] =	stream.indirect.gather [hbm4b:s1+s15], $0x80, s26, s15, $0xb8;
	[tilespmem:$0x1D000] =	vst v63  }
0x90: {  	_ =	swait.ge [sflag:s18], $0x4000  }
0x91: {  	[sflag:s18] =	ssyncset.done $0x0  }
0x92: {  	[sflag:s18] =	ssyncadd.s32 $0xFFFFC000  }
0x93: {  	[spmem:s2] =	stream.indirect.scatter.add.f32 [tilespmem:s16], [sflag:$0x3], $0x80, s31, s15, $0xb8;
	[tilespmem:$0x1D000] =	vst v63  }
0x94: {  	_ =	swait.ge [sflag:s13], $0x4000  }
0x95: {  	[sflag:s13] =	ssyncset.done $0x0  }
0x96: {  	[sflag:s13] =	ssyncadd.s32 $0xFFFFC000  }
0x97: {  	[tilespmem:s16], [sflag:$0x1] =	stream.indirect.gather [hbm4b:s1+s15], $0x80, s0, s15, $0xb8;
	[tilespmem:$0x1D000] =	vst v63  }
0x98: {  	_ =	swait.ge [sflag:s19], $0x4000  }
0x99: {  	[sflag:s19] =	ssyncset.done $0x0  }
0x9a: {  	[sflag:s19] =	ssyncadd.s32 $0xFFFFC000  }
0x9b: {  	[spmem:s2] =	stream.indirect.scatter.add.f32 [tilespmem:s17], [sflag:$0x3], $0x80, s3, s15, $0xb8;
	[tilespmem:$0x1D000] =	vst v63  }
0x9c: {  	_ =	swait.ge [sflag:s13], $0x4000  }
0x9d: {  	[sflag:s13] =	ssyncset.done $0x0  }
0x9e: {  	[sflag:s13] =	ssyncadd.s32 $0xFFFFC000  }
0x9f: {  	[tilespmem:s17], [sflag:$0x2] =	stream.indirect.gather [hbm4b:s1+s15], $0x80, s7, s15, $0xb8;
	[tilespmem:$0x1D000] =	vst v63  }
0xa0: {  	_ =	swait.ge [sflag:s18], $0x4000  }
0xa1: {  	[sflag:s18] =	ssyncset.done $0x0  }
0xa2: {  	[sflag:s18] =	ssyncadd.s32 $0xFFFFC000  }
0xa3: {  	[spmem:s2] =	stream.indirect.scatter.add.f32 [tilespmem:s16], [sflag:$0x3], $0x80, s10, s15, $0xb8;
	[tilespmem:$0x1D000] =	vst v63  }
0xa4: {  	_ =	swait.ge [sflag:s13], $0x4000  }
0xa5: {  	[sflag:s13] =	ssyncset.done $0x0  }
0xa6: {  	[sflag:s13] =	ssyncadd.s32 $0xFFFFC000  }
0xa7: {  	[tilespmem:s16], [sflag:$0x1] =	stream.indirect.gather [hbm4b:s1+s15], $0x80, s11, s15, $0xb8;
	[tilespmem:$0x1D000] =	vst v63  }
0xa8: {  	_ =	swait.ge [sflag:s19], $0x4000  }
0xa9: {  	[sflag:s19] =	ssyncset.done $0x0  }
0xaa: {  	[sflag:s19] =	ssyncadd.s32 $0xFFFFC000  }
0xab: {  	[spmem:s2] =	stream.indirect.scatter.add.f32 [tilespmem:s17], [sflag:$0x3], $0x80, s8, s15, $0xb8;
	[tilespmem:$0x1D000] =	vst v63  }
0xac: {  	_ =	swait.ge [sflag:s13], $0x4000  }
0xad: {  	[sflag:s13] =	ssyncset.done $0x0  }
0xae: {  	[sflag:s13] =	ssyncadd.s32 $0xFFFFC000  }
0xaf: {  	[tilespmem:s17], [sflag:$0x2] =	stream.indirect.gather [hbm4b:s1+s15], $0x80, s12, s15, $0xb8;
	[tilespmem:$0x1D000] =	vst v63  }
0xb0: {  	_ =	swait.ge [sflag:s18], $0x4000  }
0xb1: {  	[sflag:s18] =	ssyncset.done $0x0  }
0xb2: {  	[sflag:s18] =	ssyncadd.s32 $0xFFFFC000  }
0xb3: {  	[spmem:s2] =	stream.indirect.scatter.add.f32 [tilespmem:s16], [sflag:$0x3], $0x80, s5, s15, $0xb8;
	[tilespmem:$0x1D000] =	vst v63  }
0xb4: {  	_ =	swait.ge [sflag:s13], $0x4000  }
0xb5: {  	[sflag:s13] =	ssyncset.done $0x0  }
0xb6: {  	[sflag:s13] =	ssyncadd.s32 $0xFFFFC000  }
0xb7: {  	_ =	swait.ge [sflag:s19], $0x4000  }
0xb8: {  	p2 =	por p1, p1;
	[sflag:s19] =	ssyncset.done $0x0  }
.Ltmp3:
0xb9: {  	[sflag:s19] =	ssyncadd.s32 $0xFFFFC000;
	(pc) =	sbr.rel @p2 .LBB2_5-.Ltmp3, $4  }
0xba: {  	[spmem:s2] =	stream.indirect.scatter.add.f32 [tilespmem:s17], [sflag:$0x3], $0x80, s6, s15, $0xb8;
	[tilespmem:$0x1D000] =	vst v63  }
0xbb: {  	_ =	swait.ge [sflag:s13], $0x4000  }
0xbc: {  	[sflag:s13] =	ssyncset.done $0x0  }
0xbd: {  	p1 =	por $0x0, $0x0;
	[sflag:s13] =	ssyncadd.s32 $0xFFFFC000  }
.Ltmp4:
0xbe: {  	_ = 	snop;
	(pc) =	sbr.rel .LBB2_6-.Ltmp4, $1  }
0xbf: {  	_ =	sdelay $0x3  }
.LBB2_2:
0xc0: {  	s28 =	rddreg [dreg:$0x5]  }
0xc1: {  	s28 =	sadd.s32 $0x0, s28  }
0xc2: {  	[tilespmem:s4], [sflag:$0x3] =	stream.linear.gather [hbm4b:s28+s4], $0x800, $0x38;
	[tilespmem:$0x1D000] =	vst v63  }
0xc3: {  	_ =	swait.ge [sflag:s13], $0x800  }
0xc4: {  	s28 =	rddreg [dreg:$0x4];
	[sflag:s13] =	ssyncset.done $0x0  }
0xc5: {  	[sflag:s13] =	ssyncadd.s32 $0xFFFFF800;
	s28 =	sadd.s32 $0x0, s28  }
0xc6: {  	[tilespmem:s14], [sflag:$0x3] =	stream.linear.gather [hbm4b:s28+s4], $0x800, $0x38;
	[tilespmem:$0x1D000] =	vst v63  }
0xc7: {  	_ =	swait.ge [sflag:s13], $0x800  }
0xc8: {  	[sflag:s13] =	ssyncset.done $0x0  }
0xc9: {  	[sflag:s13] =	ssyncadd.s32 $0xFFFFF800  }
0xca: {  	[tilespmem:s16], [sflag:$0x1] =	stream.indirect.gather [hbm4b:s1+s15], $0x80, s4, s15, $0xb8;
	[tilespmem:$0x1D000] =	vst v63  }
0xcb: {  	_ = 	snop  }
0xcc: {  	[tilespmem:s17], [sflag:$0x2] =	stream.indirect.gather [hbm4b:s1+s15], $0x80, s15, s15, $0xb8;
	[tilespmem:$0x1D000] =	vst v63  }
0xcd: {  	_ =	swait.ge [sflag:s18], $0x4000  }
0xce: {  	[sflag:s18] =	ssyncset.done $0x0  }
0xcf: {  	[sflag:s18] =	ssyncadd.s32 $0xFFFFC000  }
0xd0: {  	[spmem:s2] =	stream.indirect.scatter.add.f32 [tilespmem:s16], [sflag:$0x3], $0x80, s14, s15, $0xb8;
	[tilespmem:$0x1D000] =	vst v63  }
0xd1: {  	_ =	swait.ge [sflag:s13], $0x4000  }
0xd2: {  	[sflag:s13] =	ssyncset.done $0x0  }
0xd3: {  	s28 =	rddreg [dreg:$0x6];
	[sflag:s13] =	ssyncadd.s32 $0xFFFFC000  }
0xd4: {  	[tilespmem:s16], [sflag:$0x1] =	stream.indirect.gather [hbm4b:s1+s15], $0x80, s28, s15, $0xb8;
	[tilespmem:$0x1D000] =	vst v63  }
0xd5: {  	_ =	swait.ge [sflag:s19], $0x4000  }
0xd6: {  	[sflag:s19] =	ssyncset.done $0x0  }
0xd7: {  	s28 =	simm.s32 $0x880;
	[sflag:s19] =	ssyncadd.s32 $0xFFFFC000  }
0xd8: {  	[spmem:s2] =	stream.indirect.scatter.add.f32 [tilespmem:s17], [sflag:$0x3], $0x80, s28, s15, $0xb8;
	[tilespmem:$0x1D000] =	vst v63  }
0xd9: {  	_ =	swait.ge [sflag:s13], $0x4000  }
0xda: {  	[sflag:s13] =	ssyncset.done $0x0  }
0xdb: {  	s28 =	simm.s32 $0x180;
	[sflag:s13] =	ssyncadd.s32 $0xFFFFC000  }
0xdc: {  	[tilespmem:s17], [sflag:$0x2] =	stream.indirect.gather [hbm4b:s1+s15], $0x80, s28, s15, $0xb8;
	[tilespmem:$0x1D000] =	vst v63  }
0xdd: {  	_ =	swait.ge [sflag:s18], $0x4000  }
0xde: {  	[sflag:s18] =	ssyncset.done $0x0  }
0xdf: {  	s28 =	simm.s32 $0x900;
	[sflag:s18] =	ssyncadd.s32 $0xFFFFC000  }
0xe0: {  	[spmem:s2] =	stream.indirect.scatter.add.f32 [tilespmem:s16], [sflag:$0x3], $0x80, s28, s15, $0xb8;
	[tilespmem:$0x1D000] =	vst v63  }
0xe1: {  	_ =	swait.ge [sflag:s13], $0x4000  }
0xe2: {  	[sflag:s13] =	ssyncset.done $0x0  }
0xe3: {  	s28 =	simm.s32 $0x200;
	[sflag:s13] =	ssyncadd.s32 $0xFFFFC000  }
0xe4: {  	[tilespmem:s16], [sflag:$0x1] =	stream.indirect.gather [hbm4b:s1+s15], $0x80, s28, s15, $0xb8;
	[tilespmem:$0x1D000] =	vst v63  }
0xe5: {  	_ =	swait.ge [sflag:s19], $0x4000  }
0xe6: {  	[sflag:s19] =	ssyncset.done $0x0  }
0xe7: {  	s28 =	simm.s32 $0x980;
	[sflag:s19] =	ssyncadd.s32 $0xFFFFC000  }
0xe8: {  	[spmem:s2] =	stream.indirect.scatter.add.f32 [tilespmem:s17], [sflag:$0x3], $0x80, s28, s15, $0xb8;
	[tilespmem:$0x1D000] =	vst v63  }
0xe9: {  	_ =	swait.ge [sflag:s13], $0x4000  }
0xea: {  	[sflag:s13] =	ssyncset.done $0x0  }
0xeb: {  	s28 =	simm.s32 $0x280;
	[sflag:s13] =	ssyncadd.s32 $0xFFFFC000  }
0xec: {  	[tilespmem:s17], [sflag:$0x2] =	stream.indirect.gather [hbm4b:s1+s15], $0x80, s28, s15, $0xb8;
	[tilespmem:$0x1D000] =	vst v63  }
0xed: {  	_ =	swait.ge [sflag:s18], $0x4000  }
0xee: {  	[sflag:s18] =	ssyncset.done $0x0  }
0xef: {  	s28 =	simm.s32 $0xA00;
	[sflag:s18] =	ssyncadd.s32 $0xFFFFC000  }
0xf0: {  	[spmem:s2] =	stream.indirect.scatter.add.f32 [tilespmem:s16], [sflag:$0x3], $0x80, s28, s15, $0xb8;
	[tilespmem:$0x1D000] =	vst v63  }
0xf1: {  	_ =	swait.ge [sflag:s13], $0x4000  }
0xf2: {  	[sflag:s13] =	ssyncset.done $0x0  }
0xf3: {  	s28 =	simm.s32 $0x300;
	[sflag:s13] =	ssyncadd.s32 $0xFFFFC000  }
0xf4: {  	[tilespmem:s16], [sflag:$0x1] =	stream.indirect.gather [hbm4b:s1+s15], $0x80, s28, s15, $0xb8;
	[tilespmem:$0x1D000] =	vst v63  }
0xf5: {  	_ =	swait.ge [sflag:s19], $0x4000  }
0xf6: {  	[sflag:s19] =	ssyncset.done $0x0  }
0xf7: {  	s28 =	simm.s32 $0xA80;
	[sflag:s19] =	ssyncadd.s32 $0xFFFFC000  }
0xf8: {  	[spmem:s2] =	stream.indirect.scatter.add.f32 [tilespmem:s17], [sflag:$0x3], $0x80, s28, s15, $0xb8;
	[tilespmem:$0x1D000] =	vst v63  }
0xf9: {  	_ =	swait.ge [sflag:s13], $0x4000  }
0xfa: {  	[sflag:s13] =	ssyncset.done $0x0  }
0xfb: {  	s28 =	simm.s32 $0x380;
	[sflag:s13] =	ssyncadd.s32 $0xFFFFC000  }
0xfc: {  	[tilespmem:s17], [sflag:$0x2] =	stream.indirect.gather [hbm4b:s1+s15], $0x80, s28, s15, $0xb8;
	[tilespmem:$0x1D000] =	vst v63  }
0xfd: {  	_ =	swait.ge [sflag:s18], $0x4000  }
0xfe: {  	[sflag:s18] =	ssyncset.done $0x0  }
0xff: {  	[sflag:s18] =	ssyncadd.s32 $0xFFFFC000  }
0x100: {  	[spmem:s2] =	stream.indirect.scatter.add.f32 [tilespmem:s16], [sflag:$0x3], $0x80, s9, s15, $0xb8;
	[tilespmem:$0x1D000] =	vst v63  }
0x101: {  	_ =	swait.ge [sflag:s13], $0x4000  }
0x102: {  	[sflag:s13] =	ssyncset.done $0x0  }
0x103: {  	[sflag:s13] =	ssyncadd.s32 $0xFFFFC000  }
0x104: {  	[tilespmem:s16], [sflag:$0x1] =	stream.indirect.gather [hbm4b:s1+s15], $0x80, s20, s15, $0xb8;
	[tilespmem:$0x1D000] =	vst v63  }
0x105: {  	_ =	swait.ge [sflag:s19], $0x4000  }
0x106: {  	[sflag:s19] =	ssyncset.done $0x0  }
0x107: {  	[sflag:s19] =	ssyncadd.s32 $0xFFFFC000  }
0x108: {  	[spmem:s2] =	stream.indirect.scatter.add.f32 [tilespmem:s17], [sflag:$0x3], $0x80, s21, s15, $0xb8;
	[tilespmem:$0x1D000] =	vst v63  }
0x109: {  	_ =	swait.ge [sflag:s13], $0x4000  }
0x10a: {  	[sflag:s13] =	ssyncset.done $0x0  }
0x10b: {  	[sflag:s13] =	ssyncadd.s32 $0xFFFFC000  }
0x10c: {  	[tilespmem:s17], [sflag:$0x2] =	stream.indirect.gather [hbm4b:s1+s15], $0x80, s22, s15, $0xb8;
	[tilespmem:$0x1D000] =	vst v63  }
0x10d: {  	_ =	swait.ge [sflag:s18], $0x4000  }
0x10e: {  	[sflag:s18] =	ssyncset.done $0x0  }
0x10f: {  	[sflag:s18] =	ssyncadd.s32 $0xFFFFC000  }
0x110: {  	[spmem:s2] =	stream.indirect.scatter.add.f32 [tilespmem:s16], [sflag:$0x3], $0x80, s23, s15, $0xb8;
	[tilespmem:$0x1D000] =	vst v63  }
0x111: {  	_ =	swait.ge [sflag:s13], $0x4000  }
0x112: {  	[sflag:s13] =	ssyncset.done $0x0  }
0x113: {  	[sflag:s13] =	ssyncadd.s32 $0xFFFFC000  }
0x114: {  	[tilespmem:s16], [sflag:$0x1] =	stream.indirect.gather [hbm4b:s1+s15], $0x80, s24, s15, $0xb8;
	[tilespmem:$0x1D000] =	vst v63  }
0x115: {  	_ =	swait.ge [sflag:s19], $0x4000  }
0x116: {  	[sflag:s19] =	ssyncset.done $0x0  }
0x117: {  	[sflag:s19] =	ssyncadd.s32 $0xFFFFC000  }
0x118: {  	[spmem:s2] =	stream.indirect.scatter.add.f32 [tilespmem:s17], [sflag:$0x3], $0x80, s25, s15, $0xb8;
	[tilespmem:$0x1D000] =	vst v63  }
0x119: {  	_ =	swait.ge [sflag:s13], $0x4000  }
0x11a: {  	[sflag:s13] =	ssyncset.done $0x0  }
0x11b: {  	[sflag:s13] =	ssyncadd.s32 $0xFFFFC000  }
0x11c: {  	[tilespmem:s17], [sflag:$0x2] =	stream.indirect.gather [hbm4b:s1+s15], $0x80, s26, s15, $0xb8;
	[tilespmem:$0x1D000] =	vst v63  }
0x11d: {  	_ =	swait.ge [sflag:s18], $0x4000  }
0x11e: {  	[sflag:s18] =	ssyncset.done $0x0  }
0x11f: {  	[sflag:s18] =	ssyncadd.s32 $0xFFFFC000  }
0x120: {  	[spmem:s2] =	stream.indirect.scatter.add.f32 [tilespmem:s16], [sflag:$0x3], $0x80, s31, s15, $0xb8;
	[tilespmem:$0x1D000] =	vst v63  }
0x121: {  	_ =	swait.ge [sflag:s13], $0x4000  }
0x122: {  	[sflag:s13] =	ssyncset.done $0x0  }
0x123: {  	[sflag:s13] =	ssyncadd.s32 $0xFFFFC000  }
0x124: {  	[tilespmem:s16], [sflag:$0x1] =	stream.indirect.gather [hbm4b:s1+s15], $0x80, s0, s15, $0xb8;
	[tilespmem:$0x1D000] =	vst v63  }
0x125: {  	_ =	swait.ge [sflag:s19], $0x4000  }
0x126: {  	[sflag:s19] =	ssyncset.done $0x0  }
0x127: {  	[sflag:s19] =	ssyncadd.s32 $0xFFFFC000  }
0x128: {  	[spmem:s2] =	stream.indirect.scatter.add.f32 [tilespmem:s17], [sflag:$0x3], $0x80, s3, s15, $0xb8;
	[tilespmem:$0x1D000] =	vst v63  }
0x129: {  	_ =	swait.ge [sflag:s13], $0x4000  }
0x12a: {  	[sflag:s13] =	ssyncset.done $0x0  }
0x12b: {  	[sflag:s13] =	ssyncadd.s32 $0xFFFFC000  }
0x12c: {  	[tilespmem:s17], [sflag:$0x2] =	stream.indirect.gather [hbm4b:s1+s15], $0x80, s7, s15, $0xb8;
	[tilespmem:$0x1D000] =	vst v63  }
0x12d: {  	_ =	swait.ge [sflag:s18], $0x4000  }
0x12e: {  	[sflag:s18] =	ssyncset.done $0x0  }
0x12f: {  	[sflag:s18] =	ssyncadd.s32 $0xFFFFC000  }
0x130: {  	[spmem:s2] =	stream.indirect.scatter.add.f32 [tilespmem:s16], [sflag:$0x3], $0x80, s10, s15, $0xb8;
	[tilespmem:$0x1D000] =	vst v63  }
0x131: {  	_ =	swait.ge [sflag:s13], $0x4000  }
0x132: {  	[sflag:s13] =	ssyncset.done $0x0  }
0x133: {  	[sflag:s13] =	ssyncadd.s32 $0xFFFFC000  }
0x134: {  	[tilespmem:s16], [sflag:$0x1] =	stream.indirect.gather [hbm4b:s1+s15], $0x80, s11, s15, $0xb8;
	[tilespmem:$0x1D000] =	vst v63  }
0x135: {  	_ =	swait.ge [sflag:s19], $0x4000  }
0x136: {  	[sflag:s19] =	ssyncset.done $0x0  }
0x137: {  	[sflag:s19] =	ssyncadd.s32 $0xFFFFC000  }
0x138: {  	[spmem:s2] =	stream.indirect.scatter.add.f32 [tilespmem:s17], [sflag:$0x3], $0x80, s8, s15, $0xb8;
	[tilespmem:$0x1D000] =	vst v63  }
0x139: {  	_ =	swait.ge [sflag:s13], $0x4000  }
0x13a: {  	[sflag:s13] =	ssyncset.done $0x0  }
0x13b: {  	[sflag:s13] =	ssyncadd.s32 $0xFFFFC000  }
0x13c: {  	[tilespmem:s17], [sflag:$0x2] =	stream.indirect.gather [hbm4b:s1+s15], $0x80, s12, s15, $0xb8;
	[tilespmem:$0x1D000] =	vst v63  }
0x13d: {  	_ =	swait.ge [sflag:s18], $0x4000  }
0x13e: {  	[sflag:s18] =	ssyncset.done $0x0  }
0x13f: {  	[sflag:s18] =	ssyncadd.s32 $0xFFFFC000  }
0x140: {  	[spmem:s2] =	stream.indirect.scatter.add.f32 [tilespmem:s16], [sflag:$0x3], $0x80, s5, s15, $0xb8;
	[tilespmem:$0x1D000] =	vst v63  }
0x141: {  	_ =	swait.ge [sflag:s13], $0x4000  }
0x142: {  	[sflag:s13] =	ssyncset.done $0x0  }
0x143: {  	[sflag:s13] =	ssyncadd.s32 $0xFFFFC000  }
0x144: {  	_ =	swait.ge [sflag:s19], $0x4000  }
0x145: {  	[sflag:s19] =	ssyncset.done $0x0  }
0x146: {  	[sflag:s19] =	ssyncadd.s32 $0xFFFFC000  }
0x147: {  	[spmem:s2] =	stream.indirect.scatter.add.f32 [tilespmem:s17], [sflag:$0x3], $0x80, s6, s15, $0xb8;
	[tilespmem:$0x1D000] =	vst v63  }
0x148: {  	s28 =	simm.s32 $0x100;
	_ =	swait.ge [sflag:s13], $0x4000  }
.LBB2_3:
0x149: {  	s29 =	rddreg [dreg:$0x5];
	s30 =	smov.u32 s28;
	[sflag:s13] =	ssyncset.done $0x0  }
0x14a: {  	s29 =	sadd.s32 s30, s29;
	[sflag:s13] =	ssyncadd.s32 $0xFFFFC000  }
0x14b: {  	[tilespmem:s4], [sflag:$0x3] =	stream.linear.gather [hbm4b:s29+s4], $0x800, $0x38;
	[tilespmem:$0x1D000] =	vst v63  }
0x14c: {  	_ =	swait.ge [sflag:s13], $0x800  }
0x14d: {  	s29 =	rddreg [dreg:$0x4];
	[sflag:s13] =	ssyncset.done $0x0  }
0x14e: {  	[sflag:s13] =	ssyncadd.s32 $0xFFFFF800;
	s29 =	sadd.s32 s30, s29  }
0x14f: {  	[tilespmem:s14], [sflag:$0x3] =	stream.linear.gather [hbm4b:s29+s4], $0x800, $0x38;
	[tilespmem:$0x1D000] =	vst v63  }
0x150: {  	_ =	swait.ge [sflag:s13], $0x800  }
0x151: {  	[sflag:s13] =	ssyncset.done $0x0  }
0x152: {  	[sflag:s13] =	ssyncadd.s32 $0xFFFFF800  }
0x153: {  	[tilespmem:s16], [sflag:$0x1] =	stream.indirect.gather [hbm4b:s1+s15], $0x80, s4, s15, $0xb8;
	[tilespmem:$0x1D000] =	vst v63  }
0x154: {  	_ = 	snop  }
0x155: {  	[tilespmem:s17], [sflag:$0x2] =	stream.indirect.gather [hbm4b:s1+s15], $0x80, s15, s15, $0xb8;
	[tilespmem:$0x1D000] =	vst v63  }
0x156: {  	_ =	swait.ge [sflag:s18], $0x4000  }
0x157: {  	[sflag:s18] =	ssyncset.done $0x0  }
0x158: {  	[sflag:s18] =	ssyncadd.s32 $0xFFFFC000  }
0x159: {  	[spmem:s2] =	stream.indirect.scatter.add.f32 [tilespmem:s16], [sflag:$0x3], $0x80, s14, s15, $0xb8;
	[tilespmem:$0x1D000] =	vst v63  }
0x15a: {  	_ =	swait.ge [sflag:s13], $0x4000  }
0x15b: {  	[sflag:s13] =	ssyncset.done $0x0  }
0x15c: {  	s30 =	rddreg [dreg:$0x6];
	[sflag:s13] =	ssyncadd.s32 $0xFFFFC000  }
0x15d: {  	[tilespmem:s16], [sflag:$0x1] =	stream.indirect.gather [hbm4b:s1+s15], $0x80, s30, s15, $0xb8;
	[tilespmem:$0x1D000] =	vst v63  }
0x15e: {  	_ =	swait.ge [sflag:s19], $0x4000  }
0x15f: {  	[sflag:s19] =	ssyncset.done $0x0  }
0x160: {  	s30 =	simm.s32 $0x880;
	[sflag:s19] =	ssyncadd.s32 $0xFFFFC000  }
0x161: {  	[spmem:s2] =	stream.indirect.scatter.add.f32 [tilespmem:s17], [sflag:$0x3], $0x80, s30, s15, $0xb8;
	[tilespmem:$0x1D000] =	vst v63  }
0x162: {  	_ =	swait.ge [sflag:s13], $0x4000  }
0x163: {  	[sflag:s13] =	ssyncset.done $0x0  }
0x164: {  	s30 =	simm.s32 $0x180;
	[sflag:s13] =	ssyncadd.s32 $0xFFFFC000  }
0x165: {  	[tilespmem:s17], [sflag:$0x2] =	stream.indirect.gather [hbm4b:s1+s15], $0x80, s30, s15, $0xb8;
	[tilespmem:$0x1D000] =	vst v63  }
0x166: {  	_ =	swait.ge [sflag:s18], $0x4000  }
0x167: {  	[sflag:s18] =	ssyncset.done $0x0  }
0x168: {  	s30 =	simm.s32 $0x900;
	[sflag:s18] =	ssyncadd.s32 $0xFFFFC000  }
0x169: {  	[spmem:s2] =	stream.indirect.scatter.add.f32 [tilespmem:s16], [sflag:$0x3], $0x80, s30, s15, $0xb8;
	[tilespmem:$0x1D000] =	vst v63  }
0x16a: {  	_ =	swait.ge [sflag:s13], $0x4000  }
0x16b: {  	[sflag:s13] =	ssyncset.done $0x0  }
0x16c: {  	s30 =	simm.s32 $0x200;
	[sflag:s13] =	ssyncadd.s32 $0xFFFFC000  }
0x16d: {  	[tilespmem:s16], [sflag:$0x1] =	stream.indirect.gather [hbm4b:s1+s15], $0x80, s30, s15, $0xb8;
	[tilespmem:$0x1D000] =	vst v63  }
0x16e: {  	_ =	swait.ge [sflag:s19], $0x4000  }
0x16f: {  	[sflag:s19] =	ssyncset.done $0x0  }
0x170: {  	s30 =	simm.s32 $0x980;
	[sflag:s19] =	ssyncadd.s32 $0xFFFFC000  }
0x171: {  	[spmem:s2] =	stream.indirect.scatter.add.f32 [tilespmem:s17], [sflag:$0x3], $0x80, s30, s15, $0xb8;
	[tilespmem:$0x1D000] =	vst v63  }
0x172: {  	_ =	swait.ge [sflag:s13], $0x4000  }
0x173: {  	[sflag:s13] =	ssyncset.done $0x0  }
0x174: {  	s30 =	simm.s32 $0x280;
	[sflag:s13] =	ssyncadd.s32 $0xFFFFC000  }
0x175: {  	[tilespmem:s17], [sflag:$0x2] =	stream.indirect.gather [hbm4b:s1+s15], $0x80, s30, s15, $0xb8;
	[tilespmem:$0x1D000] =	vst v63  }
0x176: {  	_ =	swait.ge [sflag:s18], $0x4000  }
0x177: {  	[sflag:s18] =	ssyncset.done $0x0  }
0x178: {  	s30 =	simm.s32 $0xA00;
	[sflag:s18] =	ssyncadd.s32 $0xFFFFC000  }
0x179: {  	[spmem:s2] =	stream.indirect.scatter.add.f32 [tilespmem:s16], [sflag:$0x3], $0x80, s30, s15, $0xb8;
	[tilespmem:$0x1D000] =	vst v63  }
0x17a: {  	_ =	swait.ge [sflag:s13], $0x4000  }
0x17b: {  	[sflag:s13] =	ssyncset.done $0x0  }
0x17c: {  	s30 =	simm.s32 $0x300;
	[sflag:s13] =	ssyncadd.s32 $0xFFFFC000  }
0x17d: {  	[tilespmem:s16], [sflag:$0x1] =	stream.indirect.gather [hbm4b:s1+s15], $0x80, s30, s15, $0xb8;
	[tilespmem:$0x1D000] =	vst v63  }
0x17e: {  	_ =	swait.ge [sflag:s19], $0x4000  }
0x17f: {  	[sflag:s19] =	ssyncset.done $0x0  }
0x180: {  	s30 =	simm.s32 $0xA80;
	[sflag:s19] =	ssyncadd.s32 $0xFFFFC000  }
0x181: {  	[spmem:s2] =	stream.indirect.scatter.add.f32 [tilespmem:s17], [sflag:$0x3], $0x80, s30, s15, $0xb8;
	[tilespmem:$0x1D000] =	vst v63  }
0x182: {  	_ =	swait.ge [sflag:s13], $0x4000  }
0x183: {  	[sflag:s13] =	ssyncset.done $0x0  }
0x184: {  	s30 =	simm.s32 $0x380;
	[sflag:s13] =	ssyncadd.s32 $0xFFFFC000  }
0x185: {  	[tilespmem:s17], [sflag:$0x2] =	stream.indirect.gather [hbm4b:s1+s15], $0x80, s30, s15, $0xb8;
	[tilespmem:$0x1D000] =	vst v63  }
0x186: {  	_ =	swait.ge [sflag:s18], $0x4000  }
0x187: {  	[sflag:s18] =	ssyncset.done $0x0  }
0x188: {  	[sflag:s18] =	ssyncadd.s32 $0xFFFFC000  }
0x189: {  	[spmem:s2] =	stream.indirect.scatter.add.f32 [tilespmem:s16], [sflag:$0x3], $0x80, s9, s15, $0xb8;
	[tilespmem:$0x1D000] =	vst v63  }
0x18a: {  	_ =	swait.ge [sflag:s13], $0x4000  }
0x18b: {  	[sflag:s13] =	ssyncset.done $0x0  }
0x18c: {  	[sflag:s13] =	ssyncadd.s32 $0xFFFFC000  }
0x18d: {  	[tilespmem:s16], [sflag:$0x1] =	stream.indirect.gather [hbm4b:s1+s15], $0x80, s20, s15, $0xb8;
	[tilespmem:$0x1D000] =	vst v63  }
0x18e: {  	_ =	swait.ge [sflag:s19], $0x4000  }
0x18f: {  	[sflag:s19] =	ssyncset.done $0x0  }
0x190: {  	[sflag:s19] =	ssyncadd.s32 $0xFFFFC000  }
0x191: {  	[spmem:s2] =	stream.indirect.scatter.add.f32 [tilespmem:s17], [sflag:$0x3], $0x80, s21, s15, $0xb8;
	[tilespmem:$0x1D000] =	vst v63  }
0x192: {  	_ =	swait.ge [sflag:s13], $0x4000  }
0x193: {  	[sflag:s13] =	ssyncset.done $0x0  }
0x194: {  	[sflag:s13] =	ssyncadd.s32 $0xFFFFC000  }
0x195: {  	[tilespmem:s17], [sflag:$0x2] =	stream.indirect.gather [hbm4b:s1+s15], $0x80, s22, s15, $0xb8;
	[tilespmem:$0x1D000] =	vst v63  }
0x196: {  	_ =	swait.ge [sflag:s18], $0x4000  }
0x197: {  	[sflag:s18] =	ssyncset.done $0x0  }
0x198: {  	[sflag:s18] =	ssyncadd.s32 $0xFFFFC000  }
0x199: {  	[spmem:s2] =	stream.indirect.scatter.add.f32 [tilespmem:s16], [sflag:$0x3], $0x80, s23, s15, $0xb8;
	[tilespmem:$0x1D000] =	vst v63  }
0x19a: {  	_ =	swait.ge [sflag:s13], $0x4000  }
0x19b: {  	[sflag:s13] =	ssyncset.done $0x0  }
0x19c: {  	[sflag:s13] =	ssyncadd.s32 $0xFFFFC000  }
0x19d: {  	[tilespmem:s16], [sflag:$0x1] =	stream.indirect.gather [hbm4b:s1+s15], $0x80, s24, s15, $0xb8;
	[tilespmem:$0x1D000] =	vst v63  }
0x19e: {  	_ =	swait.ge [sflag:s19], $0x4000  }
0x19f: {  	[sflag:s19] =	ssyncset.done $0x0  }
0x1a0: {  	[sflag:s19] =	ssyncadd.s32 $0xFFFFC000  }
0x1a1: {  	[spmem:s2] =	stream.indirect.scatter.add.f32 [tilespmem:s17], [sflag:$0x3], $0x80, s25, s15, $0xb8;
	[tilespmem:$0x1D000] =	vst v63  }
0x1a2: {  	_ =	swait.ge [sflag:s13], $0x4000  }
0x1a3: {  	[sflag:s13] =	ssyncset.done $0x0  }
0x1a4: {  	[sflag:s13] =	ssyncadd.s32 $0xFFFFC000  }
0x1a5: {  	[tilespmem:s17], [sflag:$0x2] =	stream.indirect.gather [hbm4b:s1+s15], $0x80, s26, s15, $0xb8;
	[tilespmem:$0x1D000] =	vst v63  }
0x1a6: {  	_ =	swait.ge [sflag:s18], $0x4000  }
0x1a7: {  	[sflag:s18] =	ssyncset.done $0x0  }
0x1a8: {  	[sflag:s18] =	ssyncadd.s32 $0xFFFFC000  }
0x1a9: {  	[spmem:s2] =	stream.indirect.scatter.add.f32 [tilespmem:s16], [sflag:$0x3], $0x80, s31, s15, $0xb8;
	[tilespmem:$0x1D000] =	vst v63  }
0x1aa: {  	_ =	swait.ge [sflag:s13], $0x4000  }
0x1ab: {  	[sflag:s13] =	ssyncset.done $0x0  }
0x1ac: {  	[sflag:s13] =	ssyncadd.s32 $0xFFFFC000  }
0x1ad: {  	[tilespmem:s16], [sflag:$0x1] =	stream.indirect.gather [hbm4b:s1+s15], $0x80, s0, s15, $0xb8;
	[tilespmem:$0x1D000] =	vst v63  }
0x1ae: {  	_ =	swait.ge [sflag:s19], $0x4000  }
0x1af: {  	[sflag:s19] =	ssyncset.done $0x0  }
0x1b0: {  	[sflag:s19] =	ssyncadd.s32 $0xFFFFC000  }
0x1b1: {  	[spmem:s2] =	stream.indirect.scatter.add.f32 [tilespmem:s17], [sflag:$0x3], $0x80, s3, s15, $0xb8;
	[tilespmem:$0x1D000] =	vst v63  }
0x1b2: {  	_ =	swait.ge [sflag:s13], $0x4000  }
0x1b3: {  	[sflag:s13] =	ssyncset.done $0x0  }
0x1b4: {  	[sflag:s13] =	ssyncadd.s32 $0xFFFFC000  }
0x1b5: {  	[tilespmem:s17], [sflag:$0x2] =	stream.indirect.gather [hbm4b:s1+s15], $0x80, s7, s15, $0xb8;
	[tilespmem:$0x1D000] =	vst v63  }
0x1b6: {  	_ =	swait.ge [sflag:s18], $0x4000  }
0x1b7: {  	[sflag:s18] =	ssyncset.done $0x0  }
0x1b8: {  	[sflag:s18] =	ssyncadd.s32 $0xFFFFC000  }
0x1b9: {  	[spmem:s2] =	stream.indirect.scatter.add.f32 [tilespmem:s16], [sflag:$0x3], $0x80, s10, s15, $0xb8;
	[tilespmem:$0x1D000] =	vst v63  }
0x1ba: {  	_ =	swait.ge [sflag:s13], $0x4000  }
0x1bb: {  	[sflag:s13] =	ssyncset.done $0x0  }
0x1bc: {  	[sflag:s13] =	ssyncadd.s32 $0xFFFFC000  }
0x1bd: {  	[tilespmem:s16], [sflag:$0x1] =	stream.indirect.gather [hbm4b:s1+s15], $0x80, s11, s15, $0xb8;
	[tilespmem:$0x1D000] =	vst v63  }
0x1be: {  	_ =	swait.ge [sflag:s19], $0x4000  }
0x1bf: {  	[sflag:s19] =	ssyncset.done $0x0  }
0x1c0: {  	[sflag:s19] =	ssyncadd.s32 $0xFFFFC000  }
0x1c1: {  	[spmem:s2] =	stream.indirect.scatter.add.f32 [tilespmem:s17], [sflag:$0x3], $0x80, s8, s15, $0xb8;
	[tilespmem:$0x1D000] =	vst v63  }
0x1c2: {  	_ =	swait.ge [sflag:s13], $0x4000  }
0x1c3: {  	[sflag:s13] =	ssyncset.done $0x0  }
0x1c4: {  	[sflag:s13] =	ssyncadd.s32 $0xFFFFC000  }
0x1c5: {  	[tilespmem:s17], [sflag:$0x2] =	stream.indirect.gather [hbm4b:s1+s15], $0x80, s12, s15, $0xb8;
	[tilespmem:$0x1D000] =	vst v63  }
0x1c6: {  	_ =	swait.ge [sflag:s18], $0x4000  }
0x1c7: {  	[sflag:s18] =	ssyncset.done $0x0  }
0x1c8: {  	[sflag:s18] =	ssyncadd.s32 $0xFFFFC000  }
0x1c9: {  	[spmem:s2] =	stream.indirect.scatter.add.f32 [tilespmem:s16], [sflag:$0x3], $0x80, s5, s15, $0xb8;
	[tilespmem:$0x1D000] =	vst v63  }
0x1ca: {  	_ =	swait.ge [sflag:s13], $0x4000  }
0x1cb: {  	[sflag:s13] =	ssyncset.done $0x0  }
0x1cc: {  	p1 =	seq.s32 s28, $0x700;
	[sflag:s13] =	ssyncadd.s32 $0xFFFFC000  }
.Ltmp5:
0x1cd: {  	_ =	swait.ge [sflag:s19], $0x4000;
	(pc) =	sbr.rel @!p1 .LBB2_3-.Ltmp5, $4  }
0x1ce: {  	[sflag:s19] =	ssyncset.done $0x0  }
0x1cf: {  	[sflag:s19] =	ssyncadd.s32 $0xFFFFC000  }
0x1d0: {  	[spmem:s2] =	stream.indirect.scatter.add.f32 [tilespmem:s17], [sflag:$0x3], $0x80, s6, s15, $0xb8;
	[tilespmem:$0x1D000] =	vst v63  }
0x1d1: {  	s28 =	sadd.s32 $0x100, s28;
	_ =	swait.ge [sflag:s13], $0x4000  }
.Ltmp6:
0x1d2: {  	_ = 	snop;
	(pc) =	sbr.rel .LBB2_4-.Ltmp6, $1  }
0x1d3: {  	_ =	sdelay $0x3  }
.LBB2_7:
0x1d4: {  	_ =	sfence.sel $0x180000  }
0x1d5: {  	[bflag:$0x0] =	sbarrier.arrive $0xFFFF  }
0x1d6: {  	_ =	strace $0x9000004A  }
0x1d7: {  	s0 =	stileid.u32;
	[bflag:$0x2] =	sbarrier.arrive $0xFFFF  }
0x1d8: {  	p0 =	sne.s32 s0, $0x0;
	s0 =	rddreg [dreg:$0x3]  }
0x1d9: {  	s0 =	sadd.s32 @!p0 $0x100000, s0  }
0x1da: {  	[sflag:s0] =	ssyncadd.tile.s32 @!p0 $0x1;
	_ =	shalt  }
.Lfunc_end2:
_tile_overlayer_lowered:
.L_overlay_start_2:
0x1db: {  	(tag) =	ssettag $0x2  }
0x1dc: {  	s0 =	rddreg [dreg:$0x0];
	s2 =	stileid.u32  }
0x1dd: {  	s1 =	rddreg [dreg:$0x1];
	p0 =	sne.s32 s2, $0x0  }
0x1de: {  	s3 =	rddreg [dreg:$0x2];
	[bflag:$0x3] =	sbarrier.arrive $0xFFFF;
	s2 =	simm.s32 @!p0 $0x1C03  }
0x1df: {  	[timem:s3], [sflag:s2] =	dma.local @!p0 [hbm:s0], s1  }
0x1e0: {  	s0 =	simm.s32 @!p0 $0x3  }
0x1e1: {  	_ =	swait.ge @!p0 [sflag:s0], s1  }
0x1e2: {  	s1 =	ssub.s32 @!p0 $0x0, s1;
	[sflag:s0] =	ssyncset.done @!p0 $0x0  }
0x1e3: {  	[sflag:s0] =	ssyncadd.s32 @!p0 s1  }
0x1e4: {  	[bflag:$0x3] =	sbarrier.arrive $0xFFFF  }
0x1e5: {  	_ =	shalt  }

// kernel: kernel.14.cloned.1.call-start
scs
__scs_entry_jumppad:
0x0: {  	(pc) =	sbr.rel $0x88, $3  }
0x1: {  	(tag) =	ssettag $0x0;
	lr =	simm.s32 $0x1  }
0x2: {  	[smem:$0x3F9B] =	sst lr;
	_ =	strace $0xD0000000  }
0x3: {  	_ = 	snop  }
0x4: {  	_ = 	snop  }
0x5: {  	_ = 	snop  }
0x6: {  	_ = 	snop  }
0x7: {  	_ = 	snop  }
__scs_overlays_trampoline_lowered:
0x8: {  	[smem:$0x3FAA] =	sst s0  }
0x9: {  	[smem:$0x3FAB] =	sst s1  }
0xa: {  	[smem:$0x3FAC] =	sst s2  }
0xb: {  	[smem:$0x3FAD] =	sst s3  }
0xc: {  	[smem:$0x3FAE] =	sst s4  }
0xd: {  	[smem:$0x3FAF] =	sst s5  }
0xe: {  	[smem:$0x3FB0] =	sst s6  }
0xf: {  	[smem:$0x3FB1] =	sst s7  }
0x10: {  	[smem:$0x3FB2] =	sst s8  }
0x11: {  	[smem:$0x3FB3] =	sst s9;
	s0 =	simm.s32 @!p0 $0x0  }
0x12: {  	s1 =	sld [smem:$0x3F99];
	s0 =	simm.s32 @p0 $0x1  }
0x13: {  	[smem:$0x3FB4] =	sst s0;
	s0 =	simm.s32 @!p1 $0x0  }
0x14: {  	s2 =	sld [smem:$0x3F98];
	s0 =	simm.s32 @p1 $0x1  }
0x15: {  	[smem:$0x3FB5] =	sst s0;
	s0 =	simm.s32 @!p2 $0x0  }
0x16: {  	s3 =	sld [smem:$0x3FDB];
	s0 =	simm.s32 @p2 $0x1  }
0x17: {  	s4 =	simm.s32 $0x1BF5;
	[smem:$0x3FB7] =	sst s0  }
0x18: {  	s0 =	sld [smem:$0x3F9A];
	_ =	swait.ge [sflag:s4], $0x0  }
0x19: {  	s7 =	sld [smem:$0x3F9B]  }
0x1a: {  	s8 =	sadd.s32 $0xFFFFE003, lr  }
0x1b: {  	s9 =	sadd.s32 $0xFFFFFEF7, lr;
	s5 =	simm.s32 $0xFFFFFFFF;
	p2 =	slt.u32 s8, $0xFFFFF086  }
0x1c: {  	p1 =	slt.u32 s9, $0xF7A;
	s5 =	simm.s32 @!p2 $0x0  }
0x1d: {  	s5 =	simm.s32 @p1 $0x1;
	p0 =	seq.s32 s7, s2  }
0x1e: {  	s7 =	smul.u32 @!p0 $0xF7A, s2;
	p2 =	seq.s32 @!p0 s5, $0x0  }
0x1f: {  	s9 =	smul.u32 $0xF7A, s1;
	s8 =	simm.s32 @!p0 $0x1BF5;
	p2 =	por !p2, p0  }
0x20: {  	[sflag:s8] =	ssyncset.s32 @!p0 $0xFFFFF086;
	s6 =	sadd.s32 @!p0 s3, s7;
	s7 =	simm.s32 @!p0 $0x108  }
0x21: {  	s3 =	sadd.s32 s3, s9;
	s6 =	sadd.s32 @!p0 $0x88, s6;
	s7 =	simm.s32 @p2 $0x1082  }
0x22: {  	[simem:s7], [sflag:s8] =	dma.local @!p0 [hbm:s6], $0xF7A  }
0x23: {  	s9 =	sor.u32 $0xD0000000, s2;
	s6 =	simm.s32 $0x108;
	_ =	swait.ge @!p0 [sflag:s8], $0x0  }
0x24: {  	s3 =	sadd.s32 $0x88, s3;
	s6 =	simm.s32 @!p1 $0x1082;
	[sflag:s4] =	ssyncset.s32 $0xFFFFF086  }
0x25: {  	[simem:s6], [sflag:s4] =	dma.local [hbm:s3], $0xF7A  }
0x26: {  	[smem:$0x3F9B] =	sst s1;
	(tag) =	ssettag s2;
	_ =	strace s9  }
0x27: {  	s1 =	sld [smem:$0x3FAB]  }
0x28: {  	s2 =	sld [smem:$0x3FAC]  }
0x29: {  	s4 =	sld [smem:$0x3FAE]  }
0x2a: {  	p0 =	seq.s32 s5, $0x0;
	s5 =	sld [smem:$0x3FAF]  }
0x2b: {  	s6 =	sld [smem:$0x3FB0]  }
0x2c: {  	s7 =	sld [smem:$0x3FB1]  }
0x2d: {  	s3 =	simm.s32 $0x108;
	s8 =	sld [smem:$0x3FB2]  }
0x2e: {  	s3 =	simm.s32 @!p0 $0x1082;
	s9 =	sld [smem:$0x3FB3]  }
0x2f: {  	lr =	sadd.s32 s0, s3;
	s0 =	sld [smem:$0x3FAA]  }
0x30: {  	s3 =	sld [smem:$0x3FAD]  }
0x31: {  	[smem:$0x3FB6] =	sst s10  }
0x32: {  	s10 =	sld [smem:$0x3FB4];
	_ =	sdelay $0x3  }
0x33: {  	p0 =	seq.s32 s10, $0x1;
	s10 =	sld [smem:$0x3FB6];
	_ =	sdelay $0x3  }
0x34: {  	[smem:$0x3FB6] =	sst s10  }
0x35: {  	s10 =	sld [smem:$0x3FB5];
	_ =	sdelay $0x3  }
0x36: {  	p1 =	seq.s32 s10, $0x1;
	s10 =	sld [smem:$0x3FB6];
	_ =	sdelay $0x3  }
0x37: {  	[smem:$0x3FB6] =	sst s10  }
0x38: {  	s10 =	sld [smem:$0x3FB7]  }
0x39: {  	_ = 	snop;
	(pc) =	sbr.ind lr, $3  }
0x3a: {  	_ = 	snop  }
0x3b: {  	_ = 	snop  }
0x3c: {  	p2 =	seq.s32 s10, $0x1;
	s10 =	sld [smem:$0x3FB6]  }
0x3d: {  	_ =	shalt  }
0x3e: {  	_ =	shalt  }
0x3f: {  	_ =	shalt  }
0x40: {  	_ =	shalt  }
0x41: {  	_ =	shalt  }
0x42: {  	_ =	shalt  }
0x43: {  	_ =	shalt  }
0x44: {  	_ =	shalt  }
0x45: {  	_ =	shalt  }
0x46: {  	_ =	shalt  }
0x47: {  	_ =	shalt  }
0x48: {  	_ =	shalt  }
0x49: {  	_ =	shalt  }
0x4a: {  	_ =	shalt  }
0x4b: {  	_ =	shalt  }
0x4c: {  	_ =	shalt  }
0x4d: {  	_ =	shalt  }
0x4e: {  	_ =	shalt  }
0x4f: {  	_ =	shalt  }
0x50: {  	_ =	shalt  }
0x51: {  	_ =	shalt  }
0x52: {  	_ =	shalt  }
0x53: {  	_ =	shalt  }
0x54: {  	_ =	shalt  }
0x55: {  	_ =	shalt  }
0x56: {  	_ =	shalt  }
0x57: {  	_ =	shalt  }
0x58: {  	_ =	shalt  }
0x59: {  	_ =	shalt  }
0x5a: {  	_ =	shalt  }
0x5b: {  	_ =	shalt  }
0x5c: {  	_ =	shalt  }
0x5d: {  	_ =	shalt  }
0x5e: {  	_ =	shalt  }
0x5f: {  	_ =	shalt  }
0x60: {  	_ =	shalt  }
0x61: {  	_ =	shalt  }
0x62: {  	_ =	shalt  }
0x63: {  	_ =	shalt  }
0x64: {  	_ =	shalt  }
0x65: {  	_ =	shalt  }
0x66: {  	_ =	shalt  }
0x67: {  	_ =	shalt  }
0x68: {  	_ =	shalt  }
0x69: {  	_ =	shalt  }
0x6a: {  	_ =	shalt  }
0x6b: {  	_ =	shalt  }
0x6c: {  	_ =	shalt  }
0x6d: {  	_ =	shalt  }
0x6e: {  	_ =	shalt  }
0x6f: {  	_ =	shalt  }
0x70: {  	_ =	shalt  }
0x71: {  	_ =	shalt  }
0x72: {  	_ =	shalt  }
0x73: {  	_ =	shalt  }
0x74: {  	_ =	shalt  }
0x75: {  	_ =	shalt  }
0x76: {  	_ =	shalt  }
0x77: {  	_ =	shalt  }
0x78: {  	_ =	shalt  }
0x79: {  	_ =	shalt  }
0x7a: {  	_ =	shalt  }
0x7b: {  	_ =	shalt  }
0x7c: {  	_ =	shalt  }
0x7d: {  	_ =	shalt  }
0x7e: {  	_ =	shalt  }
0x7f: {  	_ =	shalt  }
0x80: {  	_ =	shalt  }
0x81: {  	_ =	shalt  }
0x82: {  	_ =	shalt  }
0x83: {  	_ =	shalt  }
0x84: {  	_ =	shalt  }
0x85: {  	_ =	shalt  }
0x86: {  	_ =	shalt  }
0x87: {  	_ =	shalt  }
.Lfunc_end0:
.L_simem_size_0:
called_computation.2_lowered:
.L_overlay_start_0:
0x88: {  	s2 =	sld [smem:$0x3FD9]  }
0x89: {  	s3 =	sld [smem:$0x3FFE];
	_ =	sdelay $0x1  }
0x8a: {  	s1 =	srdreg.scid  }
0x8b: {  	s0 =	sand.u32 $0x1, s1  }
0x8c: {  	s17 =	sshll.u32 s0, $0xA;
	s2 =	sadd.s32 s3, s2  }
0x8d: {  	s2 =	sadd.s32 s2, s17  }
0x8e: {  	[smem:$0x3FC2] =	sst s2  }
0x8f: {  	_ = 	snop  }
0x90: {  	s2 =	sld [smem:$0x3FD0];
	(tm) =	ssettm $0x1  }
0x91: {  	s18 =	sld [smem:$0x3FFB];
	_ =	sdelay $0x3  }
0x92: {  	_ =	strace s18  }
0x93: {  	s3 =	sld [smem:$0x3FFC];
	_ =	sdelay $0x3  }
0x94: {  	_ =	strace s3  }
0x95: {  	s3 =	sld [smem:$0x3FFD];
	_ =	sdelay $0x3  }
0x96: {  	_ =	strace s3  }
0x97: {  	_ =	strace $0x8FFFFFFF  }
0x98: {  	s19 =	sld [smem:$0x3FDB];
	_ =	sdelay $0x1  }
0x99: {  	s4 =	simm.s32 $_scs_section_size  }
0x9a: {  	s5 =	simm.s32 $_size__tile_overlayer_lowered;
	s6 =	simm.s32 $_tile_overlayer_lowered  }
0x9b: {  	s22 =	simm.s32 $0x1BFF;
	s21 =	sshll.u32 s6, $0x1;
	s3 =	sadd.s32 s4, s19  }
0x9c: {  	s7 =	simm.s32 $0x0;
	s20 =	sshll.u32 s5, $0x1;
	s5 =	sadd.s32 s21, s3  }
0x9d: {  	[timem:s7], [sflag:s22] =	dma.local [hbm:s5], s20  }
0x9e: {  	_ =	swait.ge [sflag:s22], s20  }
0x9f: {  	s4 =	ssub.s32 $0x0, s20;
	[sflag:s22] =	ssyncset.done $0x0  }
0xa0: {  	[sflag:s22] =	ssyncadd.s32 s4;
	_ =	sdelay $0x1  }
0xa1: {  	s23 =	simm.s32 $0x1B8B  }
0xa2: {  	_ =	swait.ge [sflag:s23], $0x1  }
0xa3: {  	[sflag:s23] =	ssyncset.done $0x0  }
0xa4: {  	s25 =	simm.s32 $0x1B8E;
	s24 =	sld [smem:$0x3FFE];
	[sflag:s23] =	ssyncadd.s32 $0xFFFFFFFF  }
0xa5: {  	s26 =	simm.s32 $execute0_lowered;
	[smem:$0x3FD2] =	sst s25  }
0xa6: {  	s5 =	sshll.u32 s26, $0x1;
	_ =	strace $0x8000004C;
	[dreg:$0x1] =	wrdreg $0xFFFFFFFF  }
0xa7: {  	s28 =	simm.s32 $_size_execute0_lowered;
	s3 =	sadd.s32 s3, s5;
	[dreg:$0x0] =	wrdreg $0x0  }
0xa8: {  	s5 =	sshll.u32 s28, $0x1;
	[dreg:$0x2] =	wrdreg s3  }
0xa9: {  	[dreg:$0x3] =	wrdreg s5  }
0xaa: {  	[dreg:$0x4] =	wrdreg $0xC0  }
0xab: {  	_ =	task [dreg:s7], $0x5FFFF  }
0xac: {  	[dreg:$0x1] =	wrdreg $0xFFFFFFFF  }
0xad: {  	[dreg:$0x0] =	wrdreg $0x60  }
0xae: {  	[dreg:$0x2] =	wrdreg s2  }
0xaf: {  	[dreg:$0x3] =	wrdreg s24  }
0xb0: {  	[dreg:$0x4] =	wrdreg $0x90000  }
0xb1: {  	[dreg:$0x5] =	wrdreg $0x9  }
0xb2: {  	_ =	task.clear_ibuf [dreg:s7], $0x6FFFF;
	_ =	strace $0x9000004C  }
0xb3: {  	s29 =	simm.s32 $0x9;
	_ =	strace $0x8000004E  }
0xb4: {  	_ =	swait.ge [sflag:s29], $0x1  }
0xb5: {  	[sflag:s29] =	ssyncadd.s32 $0xFFFFFFFF  }
0xb6: {  	_ =	strace $0x9000004E  }
0xb7: {  	_ =	sfence  }
0xb8: {  	s30 =	sld [smem:$0x0];
	_ =	sdelay $0x2  }
0xb9: {  	s31 =	sshll.u32 s1, $0xD;
	s1 =	sshrl.u32 s1, $0x2  }
0xba: {  	s3 =	sand.u32 $0x4000, s31;
	s1 =	sadd.s32 s1, s30  }
0xbb: {  	s0 =	sor.u32 s3, s0;
	s1 =	sshll.u32 s1, $0x11  }
0xbc: {  	s0 =	sor.u32 s1, s0  }
0xbd: {  	s0 =	sadd.s32 $0x8F2B, s0  }
0xbe: {  	[sflag:s0] =	ssyncadd.remote.s32 $0x1  }
0xbf: {  	_ =	sfence.sel $0xFFFF  }
0xc0: {  	[dreg:$0x0] =	wrdreg $0xFFFFFFFF;
	(pc) =	sbr.abs _section_cstart, $3  }
0xc1: {  	[dreg:$0x1] =	wrdreg $0xFFFFFFFF  }
0xc2: {  	_ =	task.clear_ibuf [dreg:s7], $0x2FFFF;
	_ =	strace $0x9FFFFFFF  }
0xc3: {  	(tm) =	ssettm $0x7FFFFFFF  }
tec
execute0_lowered:
.L_overlay_start_1:
0x0: {  	(tag) =	ssettag $0x1  }
0x1: {  	s1 =	rddreg [dreg:$0x0]  }
0x2: {  	s0 =	rddreg [dreg:$0x1]  }
0x3: {  	s2 =	rddreg [dreg:$0x2]  }
0x4: {  	s3 =	srdreg.scid;
	s4 =	simm.s32 $0x0;
	s8 =	stileid.u32  }
0x5: {  	s13 =	simm.s32 $0x3;
	s14 =	simm.s32 $0x800;
	s15 =	simm.s32 $0x80  }
0x6: {  	s16 =	simm.s32 $0x1000;
	s17 =	simm.s32 $0x5000;
	s28 =	simm.s32 $0x100  }
0x7: {  	s31 =	simm.s32 $0xD00;
	s12 =	simm.s32 $0x780;
	s3 =	sand.u32 $0x1, s3  }
0x8: {  	[smem:$0x7FF] =	sst s4;
	s6 =	smul.u32 $0x14000, s8;
	s11 =	sadd.s32 $0x3000, s0  }
0x9: {  	s9 =	sadd.s32 $0xD000, s0;
	s7 =	smul.u32 $0x50000, s8;
	s10 =	sadd.s32 $0x17000, s0  }
0xa: {  	s21 =	sshll.u32 s8, $0x6;
	s22 =	sshll.u32 s8, $0xB;
	s23 =	sshll.u32 s8, $0x9  }
0xb: {  	s8 =	simm.s32 $0xE80;
	_ =	strace $0x8000004D;
	[dreg:$0x8] =	wrdreg s9  }
0xc: {  	s5 =	smul.u32 $0x140000, s3;
	s18 =	ssub.s32 $0x2, s3;
	[dreg:$0x9] =	wrdreg s10  }
0xd: {  	s29 =	sor.u32 $0x1C03, s21;
	p0 =	seq.s32 s3, $0x1;
	s24 =	sadd.s32 s22, s9  }
0xe: {  	s3 =	sor.u32 $0x8000, s23;
	[dreg:$0x7] =	wrdreg s11;
	s25 =	sadd.s32 s22, s11  }
0xf: {  	[dreg:$0x6] =	wrdreg s28;
	s9 =	simm.s32 $0xB00;
	s21 =	simm.s32 $0xB80  }
0x10: {  	s22 =	simm.s32 $0x480;
	s23 =	simm.s32 $0xC00;
	[dreg:$0xb] =	wrdreg s3  }
0x11: {  	s10 =	simm.s32 $0xE00;
	s11 =	simm.s32 $0x700;
	[dreg:$0x4] =	wrdreg s24  }
0x12: {  	s19 =	sshrl.u32 s18, $0x1;
	s20 =	sshrl.u32 s7, $0x2;
	[dreg:$0x5] =	wrdreg s25  }
0x13: {  	[dreg:$0xa] =	wrdreg s29;
	s24 =	simm.s32 $0x500;
	s25 =	simm.s32 $0xC80  }
0x14: {  	s3 =	simm.s32 $0xD80;
	s7 =	simm.s32 $0x680;
	s5 =	sadd.s32 s6, s5  }
0x15: {  	s6 =	sadd.s32 s20, s2;
	s20 =	simm.s32 $0x400;
	s5 =	sshrl.u32 s5, $0x3  }
.Ltmp0:
0x16: {  	s30 =	sshrl.u32 s6, $0x3;
	s6 =	simm.s32 $0xF80;
	(pc) =	sbr.rel .LBB2_1-.Ltmp0, $4  }
0x17: {  	s0 =	sadd.s32 s5, s0;
	s5 =	ssub.s32 s18, s19;
	s18 =	simm.s32 $0x1  }
0x18: {  	s19 =	simm.s32 $0x2;
	[dreg:$0xe] =	wrdreg s30;
	s0 =	sadd.s32 $0x67C00, s0  }
0x19: {  	s26 =	smax.u32 s5, $0x1;
	s5 =	simm.s32 $0xF00;
	[dreg:$0xc] =	wrdreg s0  }
0x1a: {  	[dreg:$0xd] =	wrdreg s26;
	s0 =	simm.s32 $0x0;
	s26 =	simm.s32 $0x580  }
.LBB2_4:
0x1b: {  	[sflag:s13] =	ssyncset.done $0x0  }
0x1c: {  	[sflag:s13] =	ssyncadd.s32 $0xFFFFC000  }
.LBB2_6:
0x1d: {  	[bflag:$0x0] =	sbarrier.arrive $0xFFFF  }
0x1e: {  	s29 =	rddreg [dreg:$0xa]  }
0x1f: {  	s28 =	rddreg [dreg:$0xc]  }
0x20: {  	s30 =	rddreg [dreg:$0xe]  }
0x21: {  	[hbm:s28], [sflag:s29] =	dma.local [spmem:s30], $0x2800  }
0x22: {  	_ =	swait.ge [sflag:s13], $0x2800  }
0x23: {  	s0 =	rddreg [dreg:$0xf]  }
0x24: {  	s28 =	rddreg [dreg:$0xd];
	s0 =	sadd.s32 $0x1, s0  }
0x25: {  	p1 =	sne.s32 s0, s28  }
.Ltmp1:
0x26: {  	_ = 	snop;
	(pc) =	sbr.rel @!p1 .LBB2_7-.Ltmp1, $3  }
0x27: {  	_ =	sdelay $0x1  }
0x28: {  	[sflag:s13] =	ssyncset.done $0x0  }
0x29: {  	[sflag:s13] =	ssyncadd.s32 $0xFFFFD800  }
.LBB2_1:
0x2a: {  	[dreg:$0xf] =	wrdreg s0  }
0x2b: {  	s28 =	rddreg [dreg:$0x9]  }
0x2c: {  	[spmem:s30], [sflag:s29] =	dma.local [hbm:s28], $0x2800  }
.Ltmp2:
0x2d: {  	_ =	swait.ge [sflag:s13], $0x2800;
	(pc) =	sbr.rel @!p0 .LBB2_2-.Ltmp2, $4  }
0x2e: {  	[sflag:s13] =	ssyncset.done $0x0  }
0x2f: {  	[sflag:s13] =	ssyncadd.s32 $0xFFFFD800  }
0x30: {  	p1 =	por $0x1, $0x1;
	[bflag:$0x0] =	sbarrier.arrive $0xFFFF  }
0x31: {  	s0 =	simm.s32 $0x600;
	s28 =	simm.s32 $0x0;
	s30 =	rddreg [dreg:$0x7]  }
.LBB2_5:
0x32: {  	s29 =	rddreg [dreg:$0xb]  }
0x33: {  	s28 =	sor.u32 s29, s28  }
0x34: {  	s29 =	sadd.s32 s30, s28  }
0x35: {  	[tilespmem:s4], [sflag:$0x3] =	stream.linear.gather [hbm4b:s29+s4], $0x800, $0x38;
	[tilespmem:$0x1D000] =	vst v63  }
0x36: {  	_ =	swait.ge [sflag:s13], $0x800  }
0x37: {  	[sflag:s13] =	ssyncset.done $0x0;
	s29 =	rddreg [dreg:$0x8]  }
0x38: {  	[sflag:s13] =	ssyncadd.s32 $0xFFFFF800;
	s28 =	sadd.s32 s29, s28  }
0x39: {  	[tilespmem:s14], [sflag:$0x3] =	stream.linear.gather [hbm4b:s28+s4], $0x800, $0x38;
	[tilespmem:$0x1D000] =	vst v63  }
0x3a: {  	_ =	swait.ge [sflag:s13], $0x800  }
0x3b: {  	[sflag:s13] =	ssyncset.done $0x0  }
0x3c: {  	[sflag:s13] =	ssyncadd.s32 $0xFFFFF800  }
0x3d: {  	[tilespmem:s16], [sflag:$0x1] =	stream.indirect.gather [hbm4b:s1+s15], $0x80, s4, s15, $0xb8;
	[tilespmem:$0x1D000] =	vst v63  }
0x3e: {  	_ = 	snop  }
0x3f: {  	[tilespmem:s17], [sflag:$0x2] =	stream.indirect.gather [hbm4b:s1+s15], $0x80, s15, s15, $0xb8;
	[tilespmem:$0x1D000] =	vst v63  }
0x40: {  	_ =	swait.ge [sflag:s18], $0x4000  }
0x41: {  	[sflag:s18] =	ssyncset.done $0x0  }
0x42: {  	[sflag:s18] =	ssyncadd.s32 $0xFFFFC000  }
0x43: {  	[spmem:s2] =	stream.indirect.scatter.add.f32 [tilespmem:s16], [sflag:$0x3], $0x80, s14, s15, $0xb8;
	[tilespmem:$0x1D000] =	vst v63  }
0x44: {  	_ =	swait.ge [sflag:s13], $0x4000  }
0x45: {  	[sflag:s13] =	ssyncset.done $0x0  }
0x46: {  	s28 =	simm.s32 $0x100;
	[sflag:s13] =	ssyncadd.s32 $0xFFFFC000  }
0x47: {  	[tilespmem:s16], [sflag:$0x1] =	stream.indirect.gather [hbm4b:s1+s15], $0x80, s28, s15, $0xb8;
	[tilespmem:$0x1D000] =	vst v63  }
0x48: {  	_ =	swait.ge [sflag:s19], $0x4000  }
0x49: {  	[sflag:s19] =	ssyncset.done $0x0  }
0x4a: {  	s29 =	simm.s32 $0x880;
	[sflag:s19] =	ssyncadd.s32 $0xFFFFC000  }
0x4b: {  	[spmem:s2] =	stream.indirect.scatter.add.f32 [tilespmem:s17], [sflag:$0x3], $0x80, s29, s15, $0xb8;
	[tilespmem:$0x1D000] =	vst v63  }
0x4c: {  	_ =	swait.ge [sflag:s13], $0x4000  }
0x4d: {  	[sflag:s13] =	ssyncset.done $0x0  }
0x4e: {  	s29 =	simm.s32 $0x180;
	[sflag:s13] =	ssyncadd.s32 $0xFFFFC000  }
0x4f: {  	[tilespmem:s17], [sflag:$0x2] =	stream.indirect.gather [hbm4b:s1+s15], $0x80, s29, s15, $0xb8;
	[tilespmem:$0x1D000] =	vst v63  }
0x50: {  	_ =	swait.ge [sflag:s18], $0x4000  }
0x51: {  	[sflag:s18] =	ssyncset.done $0x0  }
0x52: {  	s29 =	simm.s32 $0x900;
	[sflag:s18] =	ssyncadd.s32 $0xFFFFC000  }
0x53: {  	[spmem:s2] =	stream.indirect.scatter.add.f32 [tilespmem:s16], [sflag:$0x3], $0x80, s29, s15, $0xb8;
	[tilespmem:$0x1D000] =	vst v63  }
0x54: {  	_ =	swait.ge [sflag:s13], $0x4000  }
0x55: {  	[sflag:s13] =	ssyncset.done $0x0  }
0x56: {  	s29 =	simm.s32 $0x200;
	[sflag:s13] =	ssyncadd.s32 $0xFFFFC000  }
0x57: {  	[tilespmem:s16], [sflag:$0x1] =	stream.indirect.gather [hbm4b:s1+s15], $0x80, s29, s15, $0xb8;
	[tilespmem:$0x1D000] =	vst v63  }
0x58: {  	_ =	swait.ge [sflag:s19], $0x4000  }
0x59: {  	[sflag:s19] =	ssyncset.done $0x0  }
0x5a: {  	s29 =	simm.s32 $0x980;
	[sflag:s19] =	ssyncadd.s32 $0xFFFFC000  }
0x5b: {  	[spmem:s2] =	stream.indirect.scatter.add.f32 [tilespmem:s17], [sflag:$0x3], $0x80, s29, s15, $0xb8;
	[tilespmem:$0x1D000] =	vst v63  }
0x5c: {  	_ =	swait.ge [sflag:s13], $0x4000  }
0x5d: {  	[sflag:s13] =	ssyncset.done $0x0  }
0x5e: {  	s29 =	simm.s32 $0x280;
	[sflag:s13] =	ssyncadd.s32 $0xFFFFC000  }
0x5f: {  	[tilespmem:s17], [sflag:$0x2] =	stream.indirect.gather [hbm4b:s1+s15], $0x80, s29, s15, $0xb8;
	[tilespmem:$0x1D000] =	vst v63  }
0x60: {  	_ =	swait.ge [sflag:s18], $0x4000  }
0x61: {  	[sflag:s18] =	ssyncset.done $0x0  }
0x62: {  	s29 =	simm.s32 $0xA00;
	[sflag:s18] =	ssyncadd.s32 $0xFFFFC000  }
0x63: {  	[spmem:s2] =	stream.indirect.scatter.add.f32 [tilespmem:s16], [sflag:$0x3], $0x80, s29, s15, $0xb8;
	[tilespmem:$0x1D000] =	vst v63  }
0x64: {  	_ =	swait.ge [sflag:s13], $0x4000  }
0x65: {  	[sflag:s13] =	ssyncset.done $0x0  }
0x66: {  	s29 =	simm.s32 $0x300;
	[sflag:s13] =	ssyncadd.s32 $0xFFFFC000  }
0x67: {  	[tilespmem:s16], [sflag:$0x1] =	stream.indirect.gather [hbm4b:s1+s15], $0x80, s29, s15, $0xb8;
	[tilespmem:$0x1D000] =	vst v63  }
0x68: {  	_ =	swait.ge [sflag:s19], $0x4000  }
0x69: {  	[sflag:s19] =	ssyncset.done $0x0  }
0x6a: {  	s29 =	simm.s32 $0xA80;
	[sflag:s19] =	ssyncadd.s32 $0xFFFFC000  }
0x6b: {  	[spmem:s2] =	stream.indirect.scatter.add.f32 [tilespmem:s17], [sflag:$0x3], $0x80, s29, s15, $0xb8;
	[tilespmem:$0x1D000] =	vst v63  }
0x6c: {  	_ =	swait.ge [sflag:s13], $0x4000  }
0x6d: {  	[sflag:s13] =	ssyncset.done $0x0  }
0x6e: {  	s29 =	simm.s32 $0x380;
	[sflag:s13] =	ssyncadd.s32 $0xFFFFC000  }
0x6f: {  	[tilespmem:s17], [sflag:$0x2] =	stream.indirect.gather [hbm4b:s1+s15], $0x80, s29, s15, $0xb8;
	[tilespmem:$0x1D000] =	vst v63  }
0x70: {  	_ =	swait.ge [sflag:s18], $0x4000  }
0x71: {  	[sflag:s18] =	ssyncset.done $0x0  }
0x72: {  	[sflag:s18] =	ssyncadd.s32 $0xFFFFC000  }
0x73: {  	[spmem:s2] =	stream.indirect.scatter.add.f32 [tilespmem:s16], [sflag:$0x3], $0x80, s9, s15, $0xb8;
	[tilespmem:$0x1D000] =	vst v63  }
0x74: {  	_ =	swait.ge [sflag:s13], $0x4000  }
0x75: {  	[sflag:s13] =	ssyncset.done $0x0  }
0x76: {  	[sflag:s13] =	ssyncadd.s32 $0xFFFFC000  }
0x77: {  	[tilespmem:s16], [sflag:$0x1] =	stream.indirect.gather [hbm4b:s1+s15], $0x80, s20, s15, $0xb8;
	[tilespmem:$0x1D000] =	vst v63  }
0x78: {  	_ =	swait.ge [sflag:s19], $0x4000  }
0x79: {  	[sflag:s19] =	ssyncset.done $0x0  }
0x7a: {  	[sflag:s19] =	ssyncadd.s32 $0xFFFFC000  }
0x7b: {  	[spmem:s2] =	stream.indirect.scatter.add.f32 [tilespmem:s17], [sflag:$0x3], $0x80, s21, s15, $0xb8;
	[tilespmem:$0x1D000] =	vst v63  }
0x7c: {  	_ =	swait.ge [sflag:s13], $0x4000  }
0x7d: {  	[sflag:s13] =	ssyncset.done $0x0  }
0x7e: {  	[sflag:s13] =	ssyncadd.s32 $0xFFFFC000  }
0x7f: {  	[tilespmem:s17], [sflag:$0x2] =	stream.indirect.gather [hbm4b:s1+s15], $0x80, s22, s15, $0xb8;
	[tilespmem:$0x1D000] =	vst v63  }
0x80: {  	_ =	swait.ge [sflag:s18], $0x4000  }
0x81: {  	[sflag:s18] =	ssyncset.done $0x0  }
0x82: {  	[sflag:s18] =	ssyncadd.s32 $0xFFFFC000  }
0x83: {  	[spmem:s2] =	stream.indirect.scatter.add.f32 [tilespmem:s16], [sflag:$0x3], $0x80, s23, s15, $0xb8;
	[tilespmem:$0x1D000] =	vst v63  }
0x84: {  	_ =	swait.ge [sflag:s13], $0x4000  }
0x85: {  	[sflag:s13] =	ssyncset.done $0x0  }
0x86: {  	[sflag:s13] =	ssyncadd.s32 $0xFFFFC000  }
0x87: {  	[tilespmem:s16], [sflag:$0x1] =	stream.indirect.gather [hbm4b:s1+s15], $0x80, s24, s15, $0xb8;
	[tilespmem:$0x1D000] =	vst v63  }
0x88: {  	_ =	swait.ge [sflag:s19], $0x4000  }
0x89: {  	[sflag:s19] =	ssyncset.done $0x0  }
0x8a: {  	[sflag:s19] =	ssyncadd.s32 $0xFFFFC000  }
0x8b: {  	[spmem:s2] =	stream.indirect.scatter.add.f32 [tilespmem:s17], [sflag:$0x3], $0x80, s25, s15, $0xb8;
	[tilespmem:$0x1D000] =	vst v63  }
0x8c: {  	_ =	swait.ge [sflag:s13], $0x4000  }
0x8d: {  	[sflag:s13] =	ssyncset.done $0x0  }
0x8e: {  	[sflag:s13] =	ssyncadd.s32 $0xFFFFC000  }
0x8f: {  	[tilespmem:s17], [sflag:$0x2] =	stream.indirect.gather [hbm4b:s1+s15], $0x80, s26, s15, $0xb8;
	[tilespmem:$0x1D000] =	vst v63  }
0x90: {  	_ =	swait.ge [sflag:s18], $0x4000  }
0x91: {  	[sflag:s18] =	ssyncset.done $0x0  }
0x92: {  	[sflag:s18] =	ssyncadd.s32 $0xFFFFC000  }
0x93: {  	[spmem:s2] =	stream.indirect.scatter.add.f32 [tilespmem:s16], [sflag:$0x3], $0x80, s31, s15, $0xb8;
	[tilespmem:$0x1D000] =	vst v63  }
0x94: {  	_ =	swait.ge [sflag:s13], $0x4000  }
0x95: {  	[sflag:s13] =	ssyncset.done $0x0  }
0x96: {  	[sflag:s13] =	ssyncadd.s32 $0xFFFFC000  }
0x97: {  	[tilespmem:s16], [sflag:$0x1] =	stream.indirect.gather [hbm4b:s1+s15], $0x80, s0, s15, $0xb8;
	[tilespmem:$0x1D000] =	vst v63  }
0x98: {  	_ =	swait.ge [sflag:s19], $0x4000  }
0x99: {  	[sflag:s19] =	ssyncset.done $0x0  }
0x9a: {  	[sflag:s19] =	ssyncadd.s32 $0xFFFFC000  }
0x9b: {  	[spmem:s2] =	stream.indirect.scatter.add.f32 [tilespmem:s17], [sflag:$0x3], $0x80, s3, s15, $0xb8;
	[tilespmem:$0x1D000] =	vst v63  }
0x9c: {  	_ =	swait.ge [sflag:s13], $0x4000  }
0x9d: {  	[sflag:s13] =	ssyncset.done $0x0  }
0x9e: {  	[sflag:s13] =	ssyncadd.s32 $0xFFFFC000  }
0x9f: {  	[tilespmem:s17], [sflag:$0x2] =	stream.indirect.gather [hbm4b:s1+s15], $0x80, s7, s15, $0xb8;
	[tilespmem:$0x1D000] =	vst v63  }
0xa0: {  	_ =	swait.ge [sflag:s18], $0x4000  }
0xa1: {  	[sflag:s18] =	ssyncset.done $0x0  }
0xa2: {  	[sflag:s18] =	ssyncadd.s32 $0xFFFFC000  }
0xa3: {  	[spmem:s2] =	stream.indirect.scatter.add.f32 [tilespmem:s16], [sflag:$0x3], $0x80, s10, s15, $0xb8;
	[tilespmem:$0x1D000] =	vst v63  }
0xa4: {  	_ =	swait.ge [sflag:s13], $0x4000  }
0xa5: {  	[sflag:s13] =	ssyncset.done $0x0  }
0xa6: {  	[sflag:s13] =	ssyncadd.s32 $0xFFFFC000  }
0xa7: {  	[tilespmem:s16], [sflag:$0x1] =	stream.indirect.gather [hbm4b:s1+s15], $0x80, s11, s15, $0xb8;
	[tilespmem:$0x1D000] =	vst v63  }
0xa8: {  	_ =	swait.ge [sflag:s19], $0x4000  }
0xa9: {  	[sflag:s19] =	ssyncset.done $0x0  }
0xaa: {  	[sflag:s19] =	ssyncadd.s32 $0xFFFFC000  }
0xab: {  	[spmem:s2] =	stream.indirect.scatter.add.f32 [tilespmem:s17], [sflag:$0x3], $0x80, s8, s15, $0xb8;
	[tilespmem:$0x1D000] =	vst v63  }
0xac: {  	_ =	swait.ge [sflag:s13], $0x4000  }
0xad: {  	[sflag:s13] =	ssyncset.done $0x0  }
0xae: {  	[sflag:s13] =	ssyncadd.s32 $0xFFFFC000  }
0xaf: {  	[tilespmem:s17], [sflag:$0x2] =	stream.indirect.gather [hbm4b:s1+s15], $0x80, s12, s15, $0xb8;
	[tilespmem:$0x1D000] =	vst v63  }
0xb0: {  	_ =	swait.ge [sflag:s18], $0x4000  }
0xb1: {  	[sflag:s18] =	ssyncset.done $0x0  }
0xb2: {  	[sflag:s18] =	ssyncadd.s32 $0xFFFFC000  }
0xb3: {  	[spmem:s2] =	stream.indirect.scatter.add.f32 [tilespmem:s16], [sflag:$0x3], $0x80, s5, s15, $0xb8;
	[tilespmem:$0x1D000] =	vst v63  }
0xb4: {  	_ =	swait.ge [sflag:s13], $0x4000  }
0xb5: {  	[sflag:s13] =	ssyncset.done $0x0  }
0xb6: {  	[sflag:s13] =	ssyncadd.s32 $0xFFFFC000  }
0xb7: {  	_ =	swait.ge [sflag:s19], $0x4000  }
0xb8: {  	p2 =	por p1, p1;
	[sflag:s19] =	ssyncset.done $0x0  }
.Ltmp3:
0xb9: {  	[sflag:s19] =	ssyncadd.s32 $0xFFFFC000;
	(pc) =	sbr.rel @p2 .LBB2_5-.Ltmp3, $4  }
0xba: {  	[spmem:s2] =	stream.indirect.scatter.add.f32 [tilespmem:s17], [sflag:$0x3], $0x80, s6, s15, $0xb8;
	[tilespmem:$0x1D000] =	vst v63  }
0xbb: {  	_ =	swait.ge [sflag:s13], $0x4000  }
0xbc: {  	[sflag:s13] =	ssyncset.done $0x0  }
0xbd: {  	p1 =	por $0x0, $0x0;
	[sflag:s13] =	ssyncadd.s32 $0xFFFFC000  }
.Ltmp4:
0xbe: {  	_ = 	snop;
	(pc) =	sbr.rel .LBB2_6-.Ltmp4, $1  }
0xbf: {  	_ =	sdelay $0x3  }
.LBB2_2:
0xc0: {  	s28 =	rddreg [dreg:$0x5]  }
0xc1: {  	s28 =	sadd.s32 $0x0, s28  }
0xc2: {  	[tilespmem:s4], [sflag:$0x3] =	stream.linear.gather [hbm4b:s28+s4], $0x800, $0x38;
	[tilespmem:$0x1D000] =	vst v63  }
0xc3: {  	_ =	swait.ge [sflag:s13], $0x800  }
0xc4: {  	s28 =	rddreg [dreg:$0x4];
	[sflag:s13] =	ssyncset.done $0x0  }
0xc5: {  	[sflag:s13] =	ssyncadd.s32 $0xFFFFF800;
	s28 =	sadd.s32 $0x0, s28  }
0xc6: {  	[tilespmem:s14], [sflag:$0x3] =	stream.linear.gather [hbm4b:s28+s4], $0x800, $0x38;
	[tilespmem:$0x1D000] =	vst v63  }
0xc7: {  	_ =	swait.ge [sflag:s13], $0x800  }
0xc8: {  	[sflag:s13] =	ssyncset.done $0x0  }
0xc9: {  	[sflag:s13] =	ssyncadd.s32 $0xFFFFF800  }
0xca: {  	[tilespmem:s16], [sflag:$0x1] =	stream.indirect.gather [hbm4b:s1+s15], $0x80, s4, s15, $0xb8;
	[tilespmem:$0x1D000] =	vst v63  }
0xcb: {  	_ = 	snop  }
0xcc: {  	[tilespmem:s17], [sflag:$0x2] =	stream.indirect.gather [hbm4b:s1+s15], $0x80, s15, s15, $0xb8;
	[tilespmem:$0x1D000] =	vst v63  }
0xcd: {  	_ =	swait.ge [sflag:s18], $0x4000  }
0xce: {  	[sflag:s18] =	ssyncset.done $0x0  }
0xcf: {  	[sflag:s18] =	ssyncadd.s32 $0xFFFFC000  }
0xd0: {  	[spmem:s2] =	stream.indirect.scatter.add.f32 [tilespmem:s16], [sflag:$0x3], $0x80, s14, s15, $0xb8;
	[tilespmem:$0x1D000] =	vst v63  }
0xd1: {  	_ =	swait.ge [sflag:s13], $0x4000  }
0xd2: {  	[sflag:s13] =	ssyncset.done $0x0  }
0xd3: {  	s28 =	rddreg [dreg:$0x6];
	[sflag:s13] =	ssyncadd.s32 $0xFFFFC000  }
0xd4: {  	[tilespmem:s16], [sflag:$0x1] =	stream.indirect.gather [hbm4b:s1+s15], $0x80, s28, s15, $0xb8;
	[tilespmem:$0x1D000] =	vst v63  }
0xd5: {  	_ =	swait.ge [sflag:s19], $0x4000  }
0xd6: {  	[sflag:s19] =	ssyncset.done $0x0  }
0xd7: {  	s28 =	simm.s32 $0x880;
	[sflag:s19] =	ssyncadd.s32 $0xFFFFC000  }
0xd8: {  	[spmem:s2] =	stream.indirect.scatter.add.f32 [tilespmem:s17], [sflag:$0x3], $0x80, s28, s15, $0xb8;
	[tilespmem:$0x1D000] =	vst v63  }
0xd9: {  	_ =	swait.ge [sflag:s13], $0x4000  }
0xda: {  	[sflag:s13] =	ssyncset.done $0x0  }
0xdb: {  	s28 =	simm.s32 $0x180;
	[sflag:s13] =	ssyncadd.s32 $0xFFFFC000  }
0xdc: {  	[tilespmem:s17], [sflag:$0x2] =	stream.indirect.gather [hbm4b:s1+s15], $0x80, s28, s15, $0xb8;
	[tilespmem:$0x1D000] =	vst v63  }
0xdd: {  	_ =	swait.ge [sflag:s18], $0x4000  }
0xde: {  	[sflag:s18] =	ssyncset.done $0x0  }
0xdf: {  	s28 =	simm.s32 $0x900;
	[sflag:s18] =	ssyncadd.s32 $0xFFFFC000  }
0xe0: {  	[spmem:s2] =	stream.indirect.scatter.add.f32 [tilespmem:s16], [sflag:$0x3], $0x80, s28, s15, $0xb8;
	[tilespmem:$0x1D000] =	vst v63  }
0xe1: {  	_ =	swait.ge [sflag:s13], $0x4000  }
0xe2: {  	[sflag:s13] =	ssyncset.done $0x0  }
0xe3: {  	s28 =	simm.s32 $0x200;
	[sflag:s13] =	ssyncadd.s32 $0xFFFFC000  }
0xe4: {  	[tilespmem:s16], [sflag:$0x1] =	stream.indirect.gather [hbm4b:s1+s15], $0x80, s28, s15, $0xb8;
	[tilespmem:$0x1D000] =	vst v63  }
0xe5: {  	_ =	swait.ge [sflag:s19], $0x4000  }
0xe6: {  	[sflag:s19] =	ssyncset.done $0x0  }
0xe7: {  	s28 =	simm.s32 $0x980;
	[sflag:s19] =	ssyncadd.s32 $0xFFFFC000  }
0xe8: {  	[spmem:s2] =	stream.indirect.scatter.add.f32 [tilespmem:s17], [sflag:$0x3], $0x80, s28, s15, $0xb8;
	[tilespmem:$0x1D000] =	vst v63  }
0xe9: {  	_ =	swait.ge [sflag:s13], $0x4000  }
0xea: {  	[sflag:s13] =	ssyncset.done $0x0  }
0xeb: {  	s28 =	simm.s32 $0x280;
	[sflag:s13] =	ssyncadd.s32 $0xFFFFC000  }
0xec: {  	[tilespmem:s17], [sflag:$0x2] =	stream.indirect.gather [hbm4b:s1+s15], $0x80, s28, s15, $0xb8;
	[tilespmem:$0x1D000] =	vst v63  }
0xed: {  	_ =	swait.ge [sflag:s18], $0x4000  }
0xee: {  	[sflag:s18] =	ssyncset.done $0x0  }
0xef: {  	s28 =	simm.s32 $0xA00;
	[sflag:s18] =	ssyncadd.s32 $0xFFFFC000  }
0xf0: {  	[spmem:s2] =	stream.indirect.scatter.add.f32 [tilespmem:s16], [sflag:$0x3], $0x80, s28, s15, $0xb8;
	[tilespmem:$0x1D000] =	vst v63  }
0xf1: {  	_ =	swait.ge [sflag:s13], $0x4000  }
0xf2: {  	[sflag:s13] =	ssyncset.done $0x0  }
0xf3: {  	s28 =	simm.s32 $0x300;
	[sflag:s13] =	ssyncadd.s32 $0xFFFFC000  }
0xf4: {  	[tilespmem:s16], [sflag:$0x1] =	stream.indirect.gather [hbm4b:s1+s15], $0x80, s28, s15, $0xb8;
	[tilespmem:$0x1D000] =	vst v63  }
0xf5: {  	_ =	swait.ge [sflag:s19], $0x4000  }
0xf6: {  	[sflag:s19] =	ssyncset.done $0x0  }
0xf7: {  	s28 =	simm.s32 $0xA80;
	[sflag:s19] =	ssyncadd.s32 $0xFFFFC000  }
0xf8: {  	[spmem:s2] =	stream.indirect.scatter.add.f32 [tilespmem:s17], [sflag:$0x3], $0x80, s28, s15, $0xb8;
	[tilespmem:$0x1D000] =	vst v63  }
0xf9: {  	_ =	swait.ge [sflag:s13], $0x4000  }
0xfa: {  	[sflag:s13] =	ssyncset.done $0x0  }
0xfb: {  	s28 =	simm.s32 $0x380;
	[sflag:s13] =	ssyncadd.s32 $0xFFFFC000  }
0xfc: {  	[tilespmem:s17], [sflag:$0x2] =	stream.indirect.gather [hbm4b:s1+s15], $0x80, s28, s15, $0xb8;
	[tilespmem:$0x1D000] =	vst v63  }
0xfd: {  	_ =	swait.ge [sflag:s18], $0x4000  }
0xfe: {  	[sflag:s18] =	ssyncset.done $0x0  }
0xff: {  	[sflag:s18] =	ssyncadd.s32 $0xFFFFC000  }
0x100: {  	[spmem:s2] =	stream.indirect.scatter.add.f32 [tilespmem:s16], [sflag:$0x3], $0x80, s9, s15, $0xb8;
	[tilespmem:$0x1D000] =	vst v63  }
0x101: {  	_ =	swait.ge [sflag:s13], $0x4000  }
0x102: {  	[sflag:s13] =	ssyncset.done $0x0  }
0x103: {  	[sflag:s13] =	ssyncadd.s32 $0xFFFFC000  }
0x104: {  	[tilespmem:s16], [sflag:$0x1] =	stream.indirect.gather [hbm4b:s1+s15], $0x80, s20, s15, $0xb8;
	[tilespmem:$0x1D000] =	vst v63  }
0x105: {  	_ =	swait.ge [sflag:s19], $0x4000  }
0x106: {  	[sflag:s19] =	ssyncset.done $0x0  }
0x107: {  	[sflag:s19] =	ssyncadd.s32 $0xFFFFC000  }
0x108: {  	[spmem:s2] =	stream.indirect.scatter.add.f32 [tilespmem:s17], [sflag:$0x3], $0x80, s21, s15, $0xb8;
	[tilespmem:$0x1D000] =	vst v63  }
0x109: {  	_ =	swait.ge [sflag:s13], $0x4000  }
0x10a: {  	[sflag:s13] =	ssyncset.done $0x0  }
0x10b: {  	[sflag:s13] =	ssyncadd.s32 $0xFFFFC000  }
0x10c: {  	[tilespmem:s17], [sflag:$0x2] =	stream.indirect.gather [hbm4b:s1+s15], $0x80, s22, s15, $0xb8;
	[tilespmem:$0x1D000] =	vst v63  }
0x10d: {  	_ =	swait.ge [sflag:s18], $0x4000  }
0x10e: {  	[sflag:s18] =	ssyncset.done $0x0  }
0x10f: {  	[sflag:s18] =	ssyncadd.s32 $0xFFFFC000  }
0x110: {  	[spmem:s2] =	stream.indirect.scatter.add.f32 [tilespmem:s16], [sflag:$0x3], $0x80, s23, s15, $0xb8;
	[tilespmem:$0x1D000] =	vst v63  }
0x111: {  	_ =	swait.ge [sflag:s13], $0x4000  }
0x112: {  	[sflag:s13] =	ssyncset.done $0x0  }
0x113: {  	[sflag:s13] =	ssyncadd.s32 $0xFFFFC000  }
0x114: {  	[tilespmem:s16], [sflag:$0x1] =	stream.indirect.gather [hbm4b:s1+s15], $0x80, s24, s15, $0xb8;
	[tilespmem:$0x1D000] =	vst v63  }
0x115: {  	_ =	swait.ge [sflag:s19], $0x4000  }
0x116: {  	[sflag:s19] =	ssyncset.done $0x0  }
0x117: {  	[sflag:s19] =	ssyncadd.s32 $0xFFFFC000  }
0x118: {  	[spmem:s2] =	stream.indirect.scatter.add.f32 [tilespmem:s17], [sflag:$0x3], $0x80, s25, s15, $0xb8;
	[tilespmem:$0x1D000] =	vst v63  }
0x119: {  	_ =	swait.ge [sflag:s13], $0x4000  }
0x11a: {  	[sflag:s13] =	ssyncset.done $0x0  }
0x11b: {  	[sflag:s13] =	ssyncadd.s32 $0xFFFFC000  }
0x11c: {  	[tilespmem:s17], [sflag:$0x2] =	stream.indirect.gather [hbm4b:s1+s15], $0x80, s26, s15, $0xb8;
	[tilespmem:$0x1D000] =	vst v63  }
0x11d: {  	_ =	swait.ge [sflag:s18], $0x4000  }
0x11e: {  	[sflag:s18] =	ssyncset.done $0x0  }
0x11f: {  	[sflag:s18] =	ssyncadd.s32 $0xFFFFC000  }
0x120: {  	[spmem:s2] =	stream.indirect.scatter.add.f32 [tilespmem:s16], [sflag:$0x3], $0x80, s31, s15, $0xb8;
	[tilespmem:$0x1D000] =	vst v63  }
0x121: {  	_ =	swait.ge [sflag:s13], $0x4000  }
0x122: {  	[sflag:s13] =	ssyncset.done $0x0  }
0x123: {  	[sflag:s13] =	ssyncadd.s32 $0xFFFFC000  }
0x124: {  	[tilespmem:s16], [sflag:$0x1] =	stream.indirect.gather [hbm4b:s1+s15], $0x80, s0, s15, $0xb8;
	[tilespmem:$0x1D000] =	vst v63  }
0x125: {  	_ =	swait.ge [sflag:s19], $0x4000  }
0x126: {  	[sflag:s19] =	ssyncset.done $0x0  }
0x127: {  	[sflag:s19] =	ssyncadd.s32 $0xFFFFC000  }
0x128: {  	[spmem:s2] =	stream.indirect.scatter.add.f32 [tilespmem:s17], [sflag:$0x3], $0x80, s3, s15, $0xb8;
	[tilespmem:$0x1D000] =	vst v63  }
0x129: {  	_ =	swait.ge [sflag:s13], $0x4000  }
0x12a: {  	[sflag:s13] =	ssyncset.done $0x0  }
0x12b: {  	[sflag:s13] =	ssyncadd.s32 $0xFFFFC000  }
0x12c: {  	[tilespmem:s17], [sflag:$0x2] =	stream.indirect.gather [hbm4b:s1+s15], $0x80, s7, s15, $0xb8;
	[tilespmem:$0x1D000] =	vst v63  }
0x12d: {  	_ =	swait.ge [sflag:s18], $0x4000  }
0x12e: {  	[sflag:s18] =	ssyncset.done $0x0  }
0x12f: {  	[sflag:s18] =	ssyncadd.s32 $0xFFFFC000  }
0x130: {  	[spmem:s2] =	stream.indirect.scatter.add.f32 [tilespmem:s16], [sflag:$0x3], $0x80, s10, s15, $0xb8;
	[tilespmem:$0x1D000] =	vst v63  }
0x131: {  	_ =	swait.ge [sflag:s13], $0x4000  }
0x132: {  	[sflag:s13] =	ssyncset.done $0x0  }
0x133: {  	[sflag:s13] =	ssyncadd.s32 $0xFFFFC000  }
0x134: {  	[tilespmem:s16], [sflag:$0x1] =	stream.indirect.gather [hbm4b:s1+s15], $0x80, s11, s15, $0xb8;
	[tilespmem:$0x1D000] =	vst v63  }
0x135: {  	_ =	swait.ge [sflag:s19], $0x4000  }
0x136: {  	[sflag:s19] =	ssyncset.done $0x0  }
0x137: {  	[sflag:s19] =	ssyncadd.s32 $0xFFFFC000  }
0x138: {  	[spmem:s2] =	stream.indirect.scatter.add.f32 [tilespmem:s17], [sflag:$0x3], $0x80, s8, s15, $0xb8;
	[tilespmem:$0x1D000] =	vst v63  }
0x139: {  	_ =	swait.ge [sflag:s13], $0x4000  }
0x13a: {  	[sflag:s13] =	ssyncset.done $0x0  }
0x13b: {  	[sflag:s13] =	ssyncadd.s32 $0xFFFFC000  }
0x13c: {  	[tilespmem:s17], [sflag:$0x2] =	stream.indirect.gather [hbm4b:s1+s15], $0x80, s12, s15, $0xb8;
	[tilespmem:$0x1D000] =	vst v63  }
0x13d: {  	_ =	swait.ge [sflag:s18], $0x4000  }
0x13e: {  	[sflag:s18] =	ssyncset.done $0x0  }
0x13f: {  	[sflag:s18] =	ssyncadd.s32 $0xFFFFC000  }
0x140: {  	[spmem:s2] =	stream.indirect.scatter.add.f32 [tilespmem:s16], [sflag:$0x3], $0x80, s5, s15, $0xb8;
	[tilespmem:$0x1D000] =	vst v63  }
0x141: {  	_ =	swait.ge [sflag:s13], $0x4000  }
0x142: {  	[sflag:s13] =	ssyncset.done $0x0  }
0x143: {  	[sflag:s13] =	ssyncadd.s32 $0xFFFFC000  }
0x144: {  	_ =	swait.ge [sflag:s19], $0x4000  }
0x145: {  	[sflag:s19] =	ssyncset.done $0x0  }
0x146: {  	[sflag:s19] =	ssyncadd.s32 $0xFFFFC000  }
0x147: {  	[spmem:s2] =	stream.indirect.scatter.add.f32 [tilespmem:s17], [sflag:$0x3], $0x80, s6, s15, $0xb8;
	[tilespmem:$0x1D000] =	vst v63  }
0x148: {  	s28 =	simm.s32 $0x100;
	_ =	swait.ge [sflag:s13], $0x4000  }
.LBB2_3:
0x149: {  	s29 =	rddreg [dreg:$0x5];
	s30 =	smov.u32 s28;
	[sflag:s13] =	ssyncset.done $0x0  }
0x14a: {  	s29 =	sadd.s32 s30, s29;
	[sflag:s13] =	ssyncadd.s32 $0xFFFFC000  }
0x14b: {  	[tilespmem:s4], [sflag:$0x3] =	stream.linear.gather [hbm4b:s29+s4], $0x800, $0x38;
	[tilespmem:$0x1D000] =	vst v63  }
0x14c: {  	_ =	swait.ge [sflag:s13], $0x800  }
0x14d: {  	s29 =	rddreg [dreg:$0x4];
	[sflag:s13] =	ssyncset.done $0x0  }
0x14e: {  	[sflag:s13] =	ssyncadd.s32 $0xFFFFF800;
	s29 =	sadd.s32 s30, s29  }
0x14f: {  	[tilespmem:s14], [sflag:$0x3] =	stream.linear.gather [hbm4b:s29+s4], $0x800, $0x38;
	[tilespmem:$0x1D000] =	vst v63  }
0x150: {  	_ =	swait.ge [sflag:s13], $0x800  }
0x151: {  	[sflag:s13] =	ssyncset.done $0x0  }
0x152: {  	[sflag:s13] =	ssyncadd.s32 $0xFFFFF800  }
0x153: {  	[tilespmem:s16], [sflag:$0x1] =	stream.indirect.gather [hbm4b:s1+s15], $0x80, s4, s15, $0xb8;
	[tilespmem:$0x1D000] =	vst v63  }
0x154: {  	_ = 	snop  }
0x155: {  	[tilespmem:s17], [sflag:$0x2] =	stream.indirect.gather [hbm4b:s1+s15], $0x80, s15, s15, $0xb8;
	[tilespmem:$0x1D000] =	vst v63  }
0x156: {  	_ =	swait.ge [sflag:s18], $0x4000  }
0x157: {  	[sflag:s18] =	ssyncset.done $0x0  }
0x158: {  	[sflag:s18] =	ssyncadd.s32 $0xFFFFC000  }
0x159: {  	[spmem:s2] =	stream.indirect.scatter.add.f32 [tilespmem:s16], [sflag:$0x3], $0x80, s14, s15, $0xb8;
	[tilespmem:$0x1D000] =	vst v63  }
0x15a: {  	_ =	swait.ge [sflag:s13], $0x4000  }
0x15b: {  	[sflag:s13] =	ssyncset.done $0x0  }
0x15c: {  	s30 =	rddreg [dreg:$0x6];
	[sflag:s13] =	ssyncadd.s32 $0xFFFFC000  }
0x15d: {  	[tilespmem:s16], [sflag:$0x1] =	stream.indirect.gather [hbm4b:s1+s15], $0x80, s30, s15, $0xb8;
	[tilespmem:$0x1D000] =	vst v63  }
0x15e: {  	_ =	swait.ge [sflag:s19], $0x4000  }
0x15f: {  	[sflag:s19] =	ssyncset.done $0x0  }
0x160: {  	s30 =	simm.s32 $0x880;
	[sflag:s19] =	ssyncadd.s32 $0xFFFFC000  }
0x161: {  	[spmem:s2] =	stream.indirect.scatter.add.f32 [tilespmem:s17], [sflag:$0x3], $0x80, s30, s15, $0xb8;
	[tilespmem:$0x1D000] =	vst v63  }
0x162: {  	_ =	swait.ge [sflag:s13], $0x4000  }
0x163: {  	[sflag:s13] =	ssyncset.done $0x0  }
0x164: {  	s30 =	simm.s32 $0x180;
	[sflag:s13] =	ssyncadd.s32 $0xFFFFC000  }
0x165: {  	[tilespmem:s17], [sflag:$0x2] =	stream.indirect.gather [hbm4b:s1+s15], $0x80, s30, s15, $0xb8;
	[tilespmem:$0x1D000] =	vst v63  }
0x166: {  	_ =	swait.ge [sflag:s18], $0x4000  }
0x167: {  	[sflag:s18] =	ssyncset.done $0x0  }
0x168: {  	s30 =	simm.s32 $0x900;
	[sflag:s18] =	ssyncadd.s32 $0xFFFFC000  }
0x169: {  	[spmem:s2] =	stream.indirect.scatter.add.f32 [tilespmem:s16], [sflag:$0x3], $0x80, s30, s15, $0xb8;
	[tilespmem:$0x1D000] =	vst v63  }
0x16a: {  	_ =	swait.ge [sflag:s13], $0x4000  }
0x16b: {  	[sflag:s13] =	ssyncset.done $0x0  }
0x16c: {  	s30 =	simm.s32 $0x200;
	[sflag:s13] =	ssyncadd.s32 $0xFFFFC000  }
0x16d: {  	[tilespmem:s16], [sflag:$0x1] =	stream.indirect.gather [hbm4b:s1+s15], $0x80, s30, s15, $0xb8;
	[tilespmem:$0x1D000] =	vst v63  }
0x16e: {  	_ =	swait.ge [sflag:s19], $0x4000  }
0x16f: {  	[sflag:s19] =	ssyncset.done $0x0  }
0x170: {  	s30 =	simm.s32 $0x980;
	[sflag:s19] =	ssyncadd.s32 $0xFFFFC000  }
0x171: {  	[spmem:s2] =	stream.indirect.scatter.add.f32 [tilespmem:s17], [sflag:$0x3], $0x80, s30, s15, $0xb8;
	[tilespmem:$0x1D000] =	vst v63  }
0x172: {  	_ =	swait.ge [sflag:s13], $0x4000  }
0x173: {  	[sflag:s13] =	ssyncset.done $0x0  }
0x174: {  	s30 =	simm.s32 $0x280;
	[sflag:s13] =	ssyncadd.s32 $0xFFFFC000  }
0x175: {  	[tilespmem:s17], [sflag:$0x2] =	stream.indirect.gather [hbm4b:s1+s15], $0x80, s30, s15, $0xb8;
	[tilespmem:$0x1D000] =	vst v63  }
0x176: {  	_ =	swait.ge [sflag:s18], $0x4000  }
0x177: {  	[sflag:s18] =	ssyncset.done $0x0  }
0x178: {  	s30 =	simm.s32 $0xA00;
	[sflag:s18] =	ssyncadd.s32 $0xFFFFC000  }
0x179: {  	[spmem:s2] =	stream.indirect.scatter.add.f32 [tilespmem:s16], [sflag:$0x3], $0x80, s30, s15, $0xb8;
	[tilespmem:$0x1D000] =	vst v63  }
0x17a: {  	_ =	swait.ge [sflag:s13], $0x4000  }
0x17b: {  	[sflag:s13] =	ssyncset.done $0x0  }
0x17c: {  	s30 =	simm.s32 $0x300;
	[sflag:s13] =	ssyncadd.s32 $0xFFFFC000  }
0x17d: {  	[tilespmem:s16], [sflag:$0x1] =	stream.indirect.gather [hbm4b:s1+s15], $0x80, s30, s15, $0xb8;
	[tilespmem:$0x1D000] =	vst v63  }
0x17e: {  	_ =	swait.ge [sflag:s19], $0x4000  }
0x17f: {  	[sflag:s19] =	ssyncset.done $0x0  }
0x180: {  	s30 =	simm.s32 $0xA80;
	[sflag:s19] =	ssyncadd.s32 $0xFFFFC000  }
0x181: {  	[spmem:s2] =	stream.indirect.scatter.add.f32 [tilespmem:s17], [sflag:$0x3], $0x80, s30, s15, $0xb8;
	[tilespmem:$0x1D000] =	vst v63  }
0x182: {  	_ =	swait.ge [sflag:s13], $0x4000  }
0x183: {  	[sflag:s13] =	ssyncset.done $0x0  }
0x184: {  	s30 =	simm.s32 $0x380;
	[sflag:s13] =	ssyncadd.s32 $0xFFFFC000  }
0x185: {  	[tilespmem:s17], [sflag:$0x2] =	stream.indirect.gather [hbm4b:s1+s15], $0x80, s30, s15, $0xb8;
	[tilespmem:$0x1D000] =	vst v63  }
0x186: {  	_ =	swait.ge [sflag:s18], $0x4000  }
0x187: {  	[sflag:s18] =	ssyncset.done $0x0  }
0x188: {  	[sflag:s18] =	ssyncadd.s32 $0xFFFFC000  }
0x189: {  	[spmem:s2] =	stream.indirect.scatter.add.f32 [tilespmem:s16], [sflag:$0x3], $0x80, s9, s15, $0xb8;
	[tilespmem:$0x1D000] =	vst v63  }
0x18a: {  	_ =	swait.ge [sflag:s13], $0x4000  }
0x18b: {  	[sflag:s13] =	ssyncset.done $0x0  }
0x18c: {  	[sflag:s13] =	ssyncadd.s32 $0xFFFFC000  }
0x18d: {  	[tilespmem:s16], [sflag:$0x1] =	stream.indirect.gather [hbm4b:s1+s15], $0x80, s20, s15, $0xb8;
	[tilespmem:$0x1D000] =	vst v63  }
0x18e: {  	_ =	swait.ge [sflag:s19], $0x4000  }
0x18f: {  	[sflag:s19] =	ssyncset.done $0x0  }
0x190: {  	[sflag:s19] =	ssyncadd.s32 $0xFFFFC000  }
0x191: {  	[spmem:s2] =	stream.indirect.scatter.add.f32 [tilespmem:s17], [sflag:$0x3], $0x80, s21, s15, $0xb8;
	[tilespmem:$0x1D000] =	vst v63  }
0x192: {  	_ =	swait.ge [sflag:s13], $0x4000  }
0x193: {  	[sflag:s13] =	ssyncset.done $0x0  }
0x194: {  	[sflag:s13] =	ssyncadd.s32 $0xFFFFC000  }
0x195: {  	[tilespmem:s17], [sflag:$0x2] =	stream.indirect.gather [hbm4b:s1+s15], $0x80, s22, s15, $0xb8;
	[tilespmem:$0x1D000] =	vst v63  }
0x196: {  	_ =	swait.ge [sflag:s18], $0x4000  }
0x197: {  	[sflag:s18] =	ssyncset.done $0x0  }
0x198: {  	[sflag:s18] =	ssyncadd.s32 $0xFFFFC000  }
0x199: {  	[spmem:s2] =	stream.indirect.scatter.add.f32 [tilespmem:s16], [sflag:$0x3], $0x80, s23, s15, $0xb8;
	[tilespmem:$0x1D000] =	vst v63  }
0x19a: {  	_ =	swait.ge [sflag:s13], $0x4000  }
0x19b: {  	[sflag:s13] =	ssyncset.done $0x0  }
0x19c: {  	[sflag:s13] =	ssyncadd.s32 $0xFFFFC000  }
0x19d: {  	[tilespmem:s16], [sflag:$0x1] =	stream.indirect.gather [hbm4b:s1+s15], $0x80, s24, s15, $0xb8;
	[tilespmem:$0x1D000] =	vst v63  }
0x19e: {  	_ =	swait.ge [sflag:s19], $0x4000  }
0x19f: {  	[sflag:s19] =	ssyncset.done $0x0  }
0x1a0: {  	[sflag:s19] =	ssyncadd.s32 $0xFFFFC000  }
0x1a1: {  	[spmem:s2] =	stream.indirect.scatter.add.f32 [tilespmem:s17], [sflag:$0x3], $0x80, s25, s15, $0xb8;
	[tilespmem:$0x1D000] =	vst v63  }
0x1a2: {  	_ =	swait.ge [sflag:s13], $0x4000  }
0x1a3: {  	[sflag:s13] =	ssyncset.done $0x0  }
0x1a4: {  	[sflag:s13] =	ssyncadd.s32 $0xFFFFC000  }
0x1a5: {  	[tilespmem:s17], [sflag:$0x2] =	stream.indirect.gather [hbm4b:s1+s15], $0x80, s26, s15, $0xb8;
	[tilespmem:$0x1D000] =	vst v63  }
0x1a6: {  	_ =	swait.ge [sflag:s18], $0x4000  }
0x1a7: {  	[sflag:s18] =	ssyncset.done $0x0  }
0x1a8: {  	[sflag:s18] =	ssyncadd.s32 $0xFFFFC000  }
0x1a9: {  	[spmem:s2] =	stream.indirect.scatter.add.f32 [tilespmem:s16], [sflag:$0x3], $0x80, s31, s15, $0xb8;
	[tilespmem:$0x1D000] =	vst v63  }
0x1aa: {  	_ =	swait.ge [sflag:s13], $0x4000  }
0x1ab: {  	[sflag:s13] =	ssyncset.done $0x0  }
0x1ac: {  	[sflag:s13] =	ssyncadd.s32 $0xFFFFC000  }
0x1ad: {  	[tilespmem:s16], [sflag:$0x1] =	stream.indirect.gather [hbm4b:s1+s15], $0x80, s0, s15, $0xb8;
	[tilespmem:$0x1D000] =	vst v63  }
0x1ae: {  	_ =	swait.ge [sflag:s19], $0x4000  }
0x1af: {  	[sflag:s19] =	ssyncset.done $0x0  }
0x1b0: {  	[sflag:s19] =	ssyncadd.s32 $0xFFFFC000  }
0x1b1: {  	[spmem:s2] =	stream.indirect.scatter.add.f32 [tilespmem:s17], [sflag:$0x3], $0x80, s3, s15, $0xb8;
	[tilespmem:$0x1D000] =	vst v63  }
0x1b2: {  	_ =	swait.ge [sflag:s13], $0x4000  }
0x1b3: {  	[sflag:s13] =	ssyncset.done $0x0  }
0x1b4: {  	[sflag:s13] =	ssyncadd.s32 $0xFFFFC000  }
0x1b5: {  	[tilespmem:s17], [sflag:$0x2] =	stream.indirect.gather [hbm4b:s1+s15], $0x80, s7, s15, $0xb8;
	[tilespmem:$0x1D000] =	vst v63  }
0x1b6: {  	_ =	swait.ge [sflag:s18], $0x4000  }
0x1b7: {  	[sflag:s18] =	ssyncset.done $0x0  }
0x1b8: {  	[sflag:s18] =	ssyncadd.s32 $0xFFFFC000  }
0x1b9: {  	[spmem:s2] =	stream.indirect.scatter.add.f32 [tilespmem:s16], [sflag:$0x3], $0x80, s10, s15, $0xb8;
	[tilespmem:$0x1D000] =	vst v63  }
0x1ba: {  	_ =	swait.ge [sflag:s13], $0x4000  }
0x1bb: {  	[sflag:s13] =	ssyncset.done $0x0  }
0x1bc: {  	[sflag:s13] =	ssyncadd.s32 $0xFFFFC000  }
0x1bd: {  	[tilespmem:s16], [sflag:$0x1] =	stream.indirect.gather [hbm4b:s1+s15], $0x80, s11, s15, $0xb8;
	[tilespmem:$0x1D000] =	vst v63  }
0x1be: {  	_ =	swait.ge [sflag:s19], $0x4000  }
0x1bf: {  	[sflag:s19] =	ssyncset.done $0x0  }
0x1c0: {  	[sflag:s19] =	ssyncadd.s32 $0xFFFFC000  }
0x1c1: {  	[spmem:s2] =	stream.indirect.scatter.add.f32 [tilespmem:s17], [sflag:$0x3], $0x80, s8, s15, $0xb8;
	[tilespmem:$0x1D000] =	vst v63  }
0x1c2: {  	_ =	swait.ge [sflag:s13], $0x4000  }
0x1c3: {  	[sflag:s13] =	ssyncset.done $0x0  }
0x1c4: {  	[sflag:s13] =	ssyncadd.s32 $0xFFFFC000  }
0x1c5: {  	[tilespmem:s17], [sflag:$0x2] =	stream.indirect.gather [hbm4b:s1+s15], $0x80, s12, s15, $0xb8;
	[tilespmem:$0x1D000] =	vst v63  }
0x1c6: {  	_ =	swait.ge [sflag:s18], $0x4000  }
0x1c7: {  	[sflag:s18] =	ssyncset.done $0x0  }
0x1c8: {  	[sflag:s18] =	ssyncadd.s32 $0xFFFFC000  }
0x1c9: {  	[spmem:s2] =	stream.indirect.scatter.add.f32 [tilespmem:s16], [sflag:$0x3], $0x80, s5, s15, $0xb8;
	[tilespmem:$0x1D000] =	vst v63  }
0x1ca: {  	_ =	swait.ge [sflag:s13], $0x4000  }
0x1cb: {  	[sflag:s13] =	ssyncset.done $0x0  }
0x1cc: {  	p1 =	seq.s32 s28, $0x700;
	[sflag:s13] =	ssyncadd.s32 $0xFFFFC000  }
.Ltmp5:
0x1cd: {  	_ =	swait.ge [sflag:s19], $0x4000;
	(pc) =	sbr.rel @!p1 .LBB2_3-.Ltmp5, $4  }
0x1ce: {  	[sflag:s19] =	ssyncset.done $0x0  }
0x1cf: {  	[sflag:s19] =	ssyncadd.s32 $0xFFFFC000  }
0x1d0: {  	[spmem:s2] =	stream.indirect.scatter.add.f32 [tilespmem:s17], [sflag:$0x3], $0x80, s6, s15, $0xb8;
	[tilespmem:$0x1D000] =	vst v63  }
0x1d1: {  	s28 =	sadd.s32 $0x100, s28;
	_ =	swait.ge [sflag:s13], $0x4000  }
.Ltmp6:
0x1d2: {  	_ = 	snop;
	(pc) =	sbr.rel .LBB2_4-.Ltmp6, $1  }
0x1d3: {  	_ =	sdelay $0x3  }
.LBB2_7:
0x1d4: {  	_ =	sfence.sel $0x180000  }
0x1d5: {  	[bflag:$0x0] =	sbarrier.arrive $0xFFFF  }
0x1d6: {  	_ =	strace $0x9000004D  }
0x1d7: {  	s0 =	stileid.u32;
	[bflag:$0x2] =	sbarrier.arrive $0xFFFF  }
0x1d8: {  	p0 =	sne.s32 s0, $0x0;
	s0 =	rddreg [dreg:$0x3]  }
0x1d9: {  	s0 =	sadd.s32 @!p0 $0x100000, s0  }
0x1da: {  	[sflag:s0] =	ssyncadd.tile.s32 @!p0 $0x1;
	_ =	shalt  }
.Lfunc_end2:
_tile_overlayer_lowered:
.L_overlay_start_2:
0x1db: {  	(tag) =	ssettag $0x2  }
0x1dc: {  	s0 =	rddreg [dreg:$0x0];
	s2 =	stileid.u32  }
0x1dd: {  	s1 =	rddreg [dreg:$0x1];
	p0 =	sne.s32 s2, $0x0  }
0x1de: {  	s3 =	rddreg [dreg:$0x2];
	[bflag:$0x3] =	sbarrier.arrive $0xFFFF;
	s2 =	simm.s32 @!p0 $0x1C03  }
0x1df: {  	[timem:s3], [sflag:s2] =	dma.local @!p0 [hbm:s0], s1  }
0x1e0: {  	s0 =	simm.s32 @!p0 $0x3  }
0x1e1: {  	_ =	swait.ge @!p0 [sflag:s0], s1  }
0x1e2: {  	s1 =	ssub.s32 @!p0 $0x0, s1;
	[sflag:s0] =	ssyncset.done @!p0 $0x0  }
0x1e3: {  	[sflag:s0] =	ssyncadd.s32 @!p0 s1  }
0x1e4: {  	[bflag:$0x3] =	sbarrier.arrive $0xFFFF  }
0x1e5: {  	_ =	shalt  }

// kernel: kernel.8.cloned.1.call-start
scs
__scs_entry_jumppad:
0x0: {  	(pc) =	sbr.rel $0x88, $3  }
0x1: {  	(tag) =	ssettag $0x0;
	lr =	simm.s32 $0x1  }
0x2: {  	[smem:$0x3F9B] =	sst lr;
	_ =	strace $0xD0000000  }
0x3: {  	_ = 	snop  }
0x4: {  	_ = 	snop  }
0x5: {  	_ = 	snop  }
0x6: {  	_ = 	snop  }
0x7: {  	_ = 	snop  }
__scs_overlays_trampoline_lowered:
0x8: {  	[smem:$0x3FAA] =	sst s0  }
0x9: {  	[smem:$0x3FAB] =	sst s1  }
0xa: {  	[smem:$0x3FAC] =	sst s2  }
0xb: {  	[smem:$0x3FAD] =	sst s3  }
0xc: {  	[smem:$0x3FAE] =	sst s4  }
0xd: {  	[smem:$0x3FAF] =	sst s5  }
0xe: {  	[smem:$0x3FB0] =	sst s6  }
0xf: {  	[smem:$0x3FB1] =	sst s7  }
0x10: {  	[smem:$0x3FB2] =	sst s8  }
0x11: {  	[smem:$0x3FB3] =	sst s9;
	s0 =	simm.s32 @!p0 $0x0  }
0x12: {  	s1 =	sld [smem:$0x3F99];
	s0 =	simm.s32 @p0 $0x1  }
0x13: {  	[smem:$0x3FB4] =	sst s0;
	s0 =	simm.s32 @!p1 $0x0  }
0x14: {  	s2 =	sld [smem:$0x3F98];
	s0 =	simm.s32 @p1 $0x1  }
0x15: {  	[smem:$0x3FB5] =	sst s0;
	s0 =	simm.s32 @!p2 $0x0  }
0x16: {  	s3 =	sld [smem:$0x3FDB];
	s0 =	simm.s32 @p2 $0x1  }
0x17: {  	s4 =	simm.s32 $0x1BF5;
	[smem:$0x3FB7] =	sst s0  }
0x18: {  	s0 =	sld [smem:$0x3F9A];
	_ =	swait.ge [sflag:s4], $0x0  }
0x19: {  	s7 =	sld [smem:$0x3F9B]  }
0x1a: {  	s8 =	sadd.s32 $0xFFFFE003, lr  }
0x1b: {  	s9 =	sadd.s32 $0xFFFFFEF7, lr;
	s5 =	simm.s32 $0xFFFFFFFF;
	p2 =	slt.u32 s8, $0xFFFFF086  }
0x1c: {  	p1 =	slt.u32 s9, $0xF7A;
	s5 =	simm.s32 @!p2 $0x0  }
0x1d: {  	s5 =	simm.s32 @p1 $0x1;
	p0 =	seq.s32 s7, s2  }
0x1e: {  	s7 =	smul.u32 @!p0 $0xF7A, s2;
	p2 =	seq.s32 @!p0 s5, $0x0  }
0x1f: {  	s9 =	smul.u32 $0xF7A, s1;
	s8 =	simm.s32 @!p0 $0x1BF5;
	p2 =	por !p2, p0  }
0x20: {  	[sflag:s8] =	ssyncset.s32 @!p0 $0xFFFFF086;
	s6 =	sadd.s32 @!p0 s3, s7;
	s7 =	simm.s32 @!p0 $0x108  }
0x21: {  	s3 =	sadd.s32 s3, s9;
	s6 =	sadd.s32 @!p0 $0x88, s6;
	s7 =	simm.s32 @p2 $0x1082  }
0x22: {  	[simem:s7], [sflag:s8] =	dma.local @!p0 [hbm:s6], $0xF7A  }
0x23: {  	s9 =	sor.u32 $0xD0000000, s2;
	s6 =	simm.s32 $0x108;
	_ =	swait.ge @!p0 [sflag:s8], $0x0  }
0x24: {  	s3 =	sadd.s32 $0x88, s3;
	s6 =	simm.s32 @!p1 $0x1082;
	[sflag:s4] =	ssyncset.s32 $0xFFFFF086  }
0x25: {  	[simem:s6], [sflag:s4] =	dma.local [hbm:s3], $0xF7A  }
0x26: {  	[smem:$0x3F9B] =	sst s1;
	(tag) =	ssettag s2;
	_ =	strace s9  }
0x27: {  	s1 =	sld [smem:$0x3FAB]  }
0x28: {  	s2 =	sld [smem:$0x3FAC]  }
0x29: {  	s4 =	sld [smem:$0x3FAE]  }
0x2a: {  	p0 =	seq.s32 s5, $0x0;
	s5 =	sld [smem:$0x3FAF]  }
0x2b: {  	s6 =	sld [smem:$0x3FB0]  }
0x2c: {  	s7 =	sld [smem:$0x3FB1]  }
0x2d: {  	s3 =	simm.s32 $0x108;
	s8 =	sld [smem:$0x3FB2]  }
0x2e: {  	s3 =	simm.s32 @!p0 $0x1082;
	s9 =	sld [smem:$0x3FB3]  }
0x2f: {  	lr =	sadd.s32 s0, s3;
	s0 =	sld [smem:$0x3FAA]  }
0x30: {  	s3 =	sld [smem:$0x3FAD]  }
0x31: {  	[smem:$0x3FB6] =	sst s10  }
0x32: {  	s10 =	sld [smem:$0x3FB4];
	_ =	sdelay $0x3  }
0x33: {  	p0 =	seq.s32 s10, $0x1;
	s10 =	sld [smem:$0x3FB6];
	_ =	sdelay $0x3  }
0x34: {  	[smem:$0x3FB6] =	sst s10  }
0x35: {  	s10 =	sld [smem:$0x3FB5];
	_ =	sdelay $0x3  }
0x36: {  	p1 =	seq.s32 s10, $0x1;
	s10 =	sld [smem:$0x3FB6];
	_ =	sdelay $0x3  }
0x37: {  	[smem:$0x3FB6] =	sst s10  }
0x38: {  	s10 =	sld [smem:$0x3FB7]  }
0x39: {  	_ = 	snop;
	(pc) =	sbr.ind lr, $3  }
0x3a: {  	_ = 	snop  }
0x3b: {  	_ = 	snop  }
0x3c: {  	p2 =	seq.s32 s10, $0x1;
	s10 =	sld [smem:$0x3FB6]  }
0x3d: {  	_ =	shalt  }
0x3e: {  	_ =	shalt  }
0x3f: {  	_ =	shalt  }
0x40: {  	_ =	shalt  }
0x41: {  	_ =	shalt  }
0x42: {  	_ =	shalt  }
0x43: {  	_ =	shalt  }
0x44: {  	_ =	shalt  }
0x45: {  	_ =	shalt  }
0x46: {  	_ =	shalt  }
0x47: {  	_ =	shalt  }
0x48: {  	_ =	shalt  }
0x49: {  	_ =	shalt  }
0x4a: {  	_ =	shalt  }
0x4b: {  	_ =	shalt  }
0x4c: {  	_ =	shalt  }
0x4d: {  	_ =	shalt  }
0x4e: {  	_ =	shalt  }
0x4f: {  	_ =	shalt  }
0x50: {  	_ =	shalt  }
0x51: {  	_ =	shalt  }
0x52: {  	_ =	shalt  }
0x53: {  	_ =	shalt  }
0x54: {  	_ =	shalt  }
0x55: {  	_ =	shalt  }
0x56: {  	_ =	shalt  }
0x57: {  	_ =	shalt  }
0x58: {  	_ =	shalt  }
0x59: {  	_ =	shalt  }
0x5a: {  	_ =	shalt  }
0x5b: {  	_ =	shalt  }
0x5c: {  	_ =	shalt  }
0x5d: {  	_ =	shalt  }
0x5e: {  	_ =	shalt  }
0x5f: {  	_ =	shalt  }
0x60: {  	_ =	shalt  }
0x61: {  	_ =	shalt  }
0x62: {  	_ =	shalt  }
0x63: {  	_ =	shalt  }
0x64: {  	_ =	shalt  }
0x65: {  	_ =	shalt  }
0x66: {  	_ =	shalt  }
0x67: {  	_ =	shalt  }
0x68: {  	_ =	shalt  }
0x69: {  	_ =	shalt  }
0x6a: {  	_ =	shalt  }
0x6b: {  	_ =	shalt  }
0x6c: {  	_ =	shalt  }
0x6d: {  	_ =	shalt  }
0x6e: {  	_ =	shalt  }
0x6f: {  	_ =	shalt  }
0x70: {  	_ =	shalt  }
0x71: {  	_ =	shalt  }
0x72: {  	_ =	shalt  }
0x73: {  	_ =	shalt  }
0x74: {  	_ =	shalt  }
0x75: {  	_ =	shalt  }
0x76: {  	_ =	shalt  }
0x77: {  	_ =	shalt  }
0x78: {  	_ =	shalt  }
0x79: {  	_ =	shalt  }
0x7a: {  	_ =	shalt  }
0x7b: {  	_ =	shalt  }
0x7c: {  	_ =	shalt  }
0x7d: {  	_ =	shalt  }
0x7e: {  	_ =	shalt  }
0x7f: {  	_ =	shalt  }
0x80: {  	_ =	shalt  }
0x81: {  	_ =	shalt  }
0x82: {  	_ =	shalt  }
0x83: {  	_ =	shalt  }
0x84: {  	_ =	shalt  }
0x85: {  	_ =	shalt  }
0x86: {  	_ =	shalt  }
0x87: {  	_ =	shalt  }
.Lfunc_end0:
.L_simem_size_0:
called_computation_lowered:
.L_overlay_start_0:
0x88: {  	s2 =	sld [smem:$0x3FD9]  }
0x89: {  	s3 =	sld [smem:$0x3FFE];
	_ =	sdelay $0x1  }
0x8a: {  	s1 =	srdreg.scid  }
0x8b: {  	s0 =	sand.u32 $0x1, s1  }
0x8c: {  	s17 =	sshll.u32 s0, $0xA;
	s2 =	sadd.s32 s3, s2  }
0x8d: {  	s2 =	sadd.s32 s2, s17  }
0x8e: {  	[smem:$0x3FC2] =	sst s2  }
0x8f: {  	_ = 	snop  }
0x90: {  	s2 =	sld [smem:$0x3FD0];
	(tm) =	ssettm $0x1  }
0x91: {  	s18 =	sld [smem:$0x3FFB];
	_ =	sdelay $0x3  }
0x92: {  	_ =	strace s18  }
0x93: {  	s3 =	sld [smem:$0x3FFC];
	_ =	sdelay $0x3  }
0x94: {  	_ =	strace s3  }
0x95: {  	s3 =	sld [smem:$0x3FFD];
	_ =	sdelay $0x3  }
0x96: {  	_ =	strace s3  }
0x97: {  	_ =	strace $0x8FFFFFFF  }
0x98: {  	s19 =	sld [smem:$0x3FDB];
	_ =	sdelay $0x1  }
0x99: {  	s4 =	simm.s32 $_scs_section_size  }
0x9a: {  	s5 =	simm.s32 $_size__tile_overlayer_lowered;
	s6 =	simm.s32 $_tile_overlayer_lowered  }
0x9b: {  	s22 =	simm.s32 $0x1BFF;
	s21 =	sshll.u32 s6, $0x1;
	s3 =	sadd.s32 s4, s19  }
0x9c: {  	s7 =	simm.s32 $0x0;
	s20 =	sshll.u32 s5, $0x1;
	s5 =	sadd.s32 s21, s3  }
0x9d: {  	[timem:s7], [sflag:s22] =	dma.local [hbm:s5], s20  }
0x9e: {  	_ =	swait.ge [sflag:s22], s20  }
0x9f: {  	s4 =	ssub.s32 $0x0, s20;
	[sflag:s22] =	ssyncset.done $0x0  }
0xa0: {  	[sflag:s22] =	ssyncadd.s32 s4;
	_ =	sdelay $0x1  }
0xa1: {  	s23 =	simm.s32 $0x1B8B  }
0xa2: {  	_ =	swait.ge [sflag:s23], $0x1  }
0xa3: {  	[sflag:s23] =	ssyncset.done $0x0  }
0xa4: {  	s25 =	simm.s32 $0x1B8E;
	s24 =	sld [smem:$0x3FFE];
	[sflag:s23] =	ssyncadd.s32 $0xFFFFFFFF  }
0xa5: {  	s26 =	simm.s32 $execute0_lowered;
	[smem:$0x3FD2] =	sst s25  }
0xa6: {  	s5 =	sshll.u32 s26, $0x1;
	_ =	strace $0x80000046;
	[dreg:$0x1] =	wrdreg $0xFFFFFFFF  }
0xa7: {  	s28 =	simm.s32 $_size_execute0_lowered;
	s3 =	sadd.s32 s3, s5;
	[dreg:$0x0] =	wrdreg $0x0  }
0xa8: {  	s5 =	sshll.u32 s28, $0x1;
	[dreg:$0x2] =	wrdreg s3  }
0xa9: {  	[dreg:$0x3] =	wrdreg s5  }
0xaa: {  	[dreg:$0x4] =	wrdreg $0xC0  }
0xab: {  	_ =	task [dreg:s7], $0x5FFFF  }
0xac: {  	[dreg:$0x1] =	wrdreg $0xFFFFFFFF  }
0xad: {  	[dreg:$0x0] =	wrdreg $0x60  }
0xae: {  	[dreg:$0x2] =	wrdreg s24  }
0xaf: {  	[dreg:$0x3] =	wrdreg s2  }
0xb0: {  	[dreg:$0x4] =	wrdreg $0x68000  }
0xb1: {  	[dreg:$0x5] =	wrdreg $0x9  }
0xb2: {  	_ =	task.clear_ibuf [dreg:s7], $0x6FFFF;
	_ =	strace $0x90000046  }
0xb3: {  	s29 =	simm.s32 $0x9;
	_ =	strace $0x80000048  }
0xb4: {  	_ =	swait.ge [sflag:s29], $0x1  }
0xb5: {  	[sflag:s29] =	ssyncadd.s32 $0xFFFFFFFF  }
0xb6: {  	_ =	strace $0x90000048  }
0xb7: {  	_ =	sfence  }
0xb8: {  	s30 =	sld [smem:$0x0];
	_ =	sdelay $0x2  }
0xb9: {  	s31 =	sshll.u32 s1, $0xD;
	s1 =	sshrl.u32 s1, $0x2  }
0xba: {  	s3 =	sand.u32 $0x4000, s31;
	s1 =	sadd.s32 s1, s30  }
0xbb: {  	s0 =	sor.u32 s3, s0;
	s1 =	sshll.u32 s1, $0x11  }
0xbc: {  	s0 =	sor.u32 s1, s0  }
0xbd: {  	s0 =	sadd.s32 $0x8F2B, s0  }
0xbe: {  	[sflag:s0] =	ssyncadd.remote.s32 $0x1  }
0xbf: {  	_ =	sfence.sel $0xFFFF  }
0xc0: {  	[dreg:$0x0] =	wrdreg $0xFFFFFFFF;
	(pc) =	sbr.abs _section_cstart, $3  }
0xc1: {  	[dreg:$0x1] =	wrdreg $0xFFFFFFFF  }
0xc2: {  	_ =	task.clear_ibuf [dreg:s7], $0x2FFFF;
	_ =	strace $0x9FFFFFFF  }
0xc3: {  	(tm) =	ssettm $0x7FFFFFFF  }
tec
execute0_lowered:
.L_overlay_start_1:
0x0: {  	(tag) =	ssettag $0x1  }
0x1: {  	s6 =	rddreg [dreg:$0x0]  }
0x2: {  	s1 =	srdreg.scid;
	s2 =	rddreg [dreg:$0x1]  }
0x3: {  	s0 =	stileid.u32;
	s3 =	rddreg [dreg:$0x2];
	s4 =	simm.s32 $0x0  }
0x4: {  	s13 =	simm.s32 $0x80;
	s14 =	simm.s32 $0x0;
	s9 =	smul.u32 $0x14000, s0  }
0x5: {  	s7 =	sand.u32 $0x1, s1;
	s28 =	sshll.u32 s0, $0x1;
	s29 =	smul.u32 $0x50000, s0  }
0x6: {  	[smem:$0x7FF] =	sst s4;
	s1 =	sor.u32 s7, s28;
	s8 =	smul.u32 $0x140000, s7  }
0x7: {  	s31 =	sshll.u32 s0, $0x6;
	s7 =	ssub.s32 $0x2, s7;
	s5 =	smul.u32 $0x500, s1  }
0x8: {  	s1 =	rddreg [dreg:$0x3];
	_ =	strace $0x80000047;
	s30 =	sshrl.u32 s7, $0x1  }
0x9: {  	s8 =	sadd.s32 s9, s8;
	s9 =	sshrl.u32 s29, $0x2;
	s11 =	ssub.s32 s7, s30  }
0xa: {  	s10 =	sadd.s32 s5, s6;
	s5 =	sadd.s32 $0x17000, s6;
	s8 =	sshrl.u32 s8, $0x3  }
0xb: {  	s12 =	sadd.s32 s9, s3;
	s9 =	simm.s32 $0x2800;
	s8 =	sadd.s32 s8, s6  }
0xc: {  	s6 =	sadd.s32 $0xD000, s10;
	s10 =	simm.s32 $0x1;
	s12 =	sshrl.u32 s12, $0x3  }
0xd: {  	s7 =	sadd.s32 $0x19800, s8;
	s8 =	smax.u32 s11, $0x1;
	s11 =	sor.u32 $0x1C01, s31  }
.LBB2_1:
0xe: {  	[tilespmem:s9], [sflag:$0x1] =	stream.linear.gather [hbm4b:s2+s4], $0x4000, $0x38;
	[tilespmem:$0x1A800] =	vst v63  }
0xf: {  	_ =	swait.ge [sflag:s10], $0x4000  }
0x10: {  	[sflag:s10] =	ssyncset.done $0x0  }
0x11: {  	[sflag:s10] =	ssyncadd.s32 $0xFFFFC000  }
0x12: {  	[spmem:s12], [sflag:s11] =	dma.local [hbm:s5], $0x2800  }
0x13: {  	_ =	swait.ge [sflag:s10], $0x2800  }
0x14: {  	[sflag:s10] =	ssyncset.done $0x0  }
0x15: {  	[sflag:s10] =	ssyncadd.s32 $0xFFFFD800  }
0x16: {  	[bflag:$0x0] =	sbarrier.arrive $0xFFFF  }
0x17: {  	[tilespmem:s4], [sflag:$0x1] =	stream.linear.gather [hbm4b:s6+s4], $0x2800, $0x38;
	[tilespmem:$0x1A800] =	vst v63  }
0x18: {  	_ =	swait.ge [sflag:s10], $0x2800  }
0x19: {  	[sflag:s10] =	ssyncset.done $0x0  }
0x1a: {  	s15 =	simm.s32 $0x0;
	[sflag:s10] =	ssyncadd.s32 $0xFFFFD800  }
0x1b: {  	[spmem:s3] =	stream.indirect.scatter.add.f32 [tilespmem:s9], [sflag:$0x1], $0x80, s15, s13, $0xb8;
	[tilespmem:$0x1A800] =	vst v63  }
0x1c: {  	_ =	swait.ge [sflag:s10], $0x4000  }
0x1d: {  	s15 =	simm.s32 $0x200;
	[sflag:s10] =	ssyncset.done $0x0  }
.LBB2_2:
0x1e: {  	s16 =	sshra.s32 s15, $0x2;
	[sflag:s10] =	ssyncadd.s32 $0xFFFFC000;
	p0 =	sne.s32 s15, $0x9E00  }
0x1f: {  	[spmem:s3] =	stream.indirect.scatter.add.f32 [tilespmem:s9], [sflag:$0x1], $0x80, s16, s13, $0xb8;
	[tilespmem:$0x1A800] =	vst v63  }
.Ltmp0:
0x20: {  	_ = 	snop;
	(pc) =	sbr.rel @p0 .LBB2_2-.Ltmp0, $4  }
0x21: {  	_ = 	snop  }
0x22: {  	s15 =	sadd.s32 $0x200, s15  }
0x23: {  	_ =	swait.ge [sflag:s10], $0x4000  }
0x24: {  	[sflag:s10] =	ssyncset.done $0x0  }
0x25: {  	s14 =	sadd.s32 $0x1, s14  }
0x26: {  	[sflag:s10] =	ssyncadd.s32 $0xFFFFC000;
	p0 =	sne.s32 s14, s8  }
.Ltmp1:
0x27: {  	[bflag:$0x0] =	sbarrier.arrive $0xFFFF;
	(pc) =	sbr.rel @p0 .LBB2_1-.Ltmp1, $4  }
0x28: {  	[hbm:s7], [sflag:s11] =	dma.local [spmem:s12], $0x2800  }
0x29: {  	_ =	swait.ge [sflag:s10], $0x2800  }
0x2a: {  	[sflag:s10] =	ssyncset.done $0x0  }
0x2b: {  	[sflag:s10] =	ssyncadd.s32 $0xFFFFD800  }
0x2c: {  	_ =	sfence.sel $0x180000  }
0x2d: {  	[bflag:$0x0] =	sbarrier.arrive $0xFFFF  }
0x2e: {  	p0 =	sne.s32 s0, $0x0;
	_ =	strace $0x90000047  }
0x2f: {  	s0 =	sadd.s32 @!p0 $0x100000, s1;
	[bflag:$0x2] =	sbarrier.arrive $0xFFFF  }
0x30: {  	[sflag:s0] =	ssyncadd.tile.s32 @!p0 $0x1;
	_ =	shalt  }
.Lfunc_end2:
_tile_overlayer_lowered:
.L_overlay_start_2:
0x31: {  	(tag) =	ssettag $0x2  }
0x32: {  	s0 =	rddreg [dreg:$0x0];
	s2 =	stileid.u32  }
0x33: {  	s1 =	rddreg [dreg:$0x1];
	p0 =	sne.s32 s2, $0x0  }
0x34: {  	s3 =	rddreg [dreg:$0x2];
	[bflag:$0x3] =	sbarrier.arrive $0xFFFF;
	s2 =	simm.s32 @!p0 $0x1C01  }
0x35: {  	[timem:s3], [sflag:s2] =	dma.local @!p0 [hbm:s0], s1  }
0x36: {  	s0 =	simm.s32 @!p0 $0x1  }
0x37: {  	_ =	swait.ge @!p0 [sflag:s0], s1  }
0x38: {  	s1 =	ssub.s32 @!p0 $0x0, s1;
	[sflag:s0] =	ssyncset.done @!p0 $0x0  }
0x39: {  	[sflag:s0] =	ssyncadd.s32 @!p0 s1  }
0x3a: {  	[bflag:$0x3] =	sbarrier.arrive $0xFFFF  }
0x3b: {  	_ =	shalt  }

</sc_bundles>
